<compile_context>
chip_gen: v7x
topology: tpu7x:2x2x1
jax: 0.10.2.dev20260603
libtpu: 0.0.44.dev20260713+nightly
codegen_flags: <defaults>
</compile_context>

<pallas_src>
import functools

import jax
import jax.numpy as jnp
from jax import lax
from jax.experimental import pallas as pl
from jax.experimental.pallas import tpu as pltpu
from jax.experimental.pallas import tpu_sc as plsc

N = 10000
E = 320000
D = 128
H = 64
HP = 64
C = 40
CP = 48

NC = 2
NS = 16
NW = NC * NS
L = 16

CHUNK = 128
NCH = 79
EPT = NCH * CHUNK
EPAD = EPT * NW

BR = 2000


def _sc_mesh():
    return plsc.VectorSubcoreMesh(core_axis_name="c", subcore_axis_name="s")


def _deg_call(dstw, eww):
    @functools.partial(
        pl.kernel,
        out_type=jax.ShapeDtypeStruct((NC * N,), jnp.float32),
        mesh=_sc_mesh(),
        scratch_types=[
            pltpu.VMEM((NCH, CHUNK), jnp.int32),
            pltpu.VMEM((NCH, CHUNK), jnp.float32),
            pltpu.VMEM((640,), jnp.float32),
            pltpu.VMEM_SHARED((N,), jnp.float32),
        ],
    )
    def deg_kernel(dst_hbm, ew_hbm, out_hbm, dstv, ewv, zbuf, deg_sh):
        c = lax.axis_index("c")
        s = lax.axis_index("s")
        w = c * NS + s

        def zb(i, _):
            zbuf[pl.ds(i * L, L)] = jnp.zeros((L,), jnp.float32)
            return 0

        lax.fori_loop(0, 640 // L, zb, 0)

        @pl.when(s < 15)
        def _():
            pltpu.sync_copy(zbuf, deg_sh.at[pl.ds(s * 640, 640)])

        @pl.when(s == 15)
        def _():
            pltpu.sync_copy(zbuf.at[pl.ds(0, 400)], deg_sh.at[pl.ds(s * 640, 400)])

        pltpu.sync_copy(dst_hbm.at[w], dstv)
        pltpu.sync_copy(ew_hbm.at[w], ewv)
        plsc.subcore_barrier()

        def body(j, _):
            pltpu.sync_copy(ewv.at[j], deg_sh.at[dstv.at[j]], add=True)
            return 0

        lax.fori_loop(0, NCH, body, 0)
        plsc.subcore_barrier()

        @pl.when(s < 15)
        def _():
            pltpu.sync_copy(deg_sh.at[pl.ds(s * 640, 640)], zbuf)
            pltpu.sync_copy(zbuf, out_hbm.at[pl.ds(c * N + s * 640, 640)])

        @pl.when(s == 15)
        def _():
            pltpu.sync_copy(deg_sh.at[pl.ds(s * 640, 400)], zbuf.at[pl.ds(0, 400)])
            pltpu.sync_copy(zbuf.at[pl.ds(0, 400)],
                            out_hbm.at[pl.ds(c * N + s * 640, 400)])

    return deg_kernel(dstw, eww)


def _agg_call(g, srcw, dstw, eww, F, SF, R):
    K = R - 2

    @functools.partial(
        pl.kernel,
        out_type=jax.ShapeDtypeStruct((NC, N, F), jnp.float32),
        mesh=_sc_mesh(),
        scratch_types=[
            pltpu.VMEM((NCH, CHUNK), jnp.int32),
            pltpu.VMEM((NCH, CHUNK), jnp.int32),
            pltpu.VMEM((NCH, CHUNK), jnp.float32),
            pltpu.VMEM((R * CHUNK, F), jnp.float32),
            pltpu.VMEM((CHUNK, F), jnp.float32),
            pltpu.VMEM_SHARED((N, F), jnp.float32),
            pltpu.SemaphoreType.DMA((R,)),
            pltpu.SemaphoreType.DMA((R,)),
        ],
        compiler_params=pltpu.CompilerParams(use_tc_tiling_on_sc=False),
    )
    def agg_kernel(g_hbm, src_hbm, dst_hbm, ew_hbm, out_hbm,
                   srcv, dstv, ewv, rows, zbuf, acc, sg, ss):
        c = lax.axis_index("c")
        s = lax.axis_index("s")
        w = c * NS + s

        def slot(m):
            return rows.at[pl.ds(m * CHUNK, CHUNK), :]

        def zb(r, _):
            for f in range(F // L):
                zbuf[r, pl.ds(f * L, L)] = jnp.zeros((L,), jnp.float32)
            return 0

        lax.fori_loop(0, CHUNK, zb, 0)

        @pl.when(s < 15)
        def _():
            for k in range(5):
                pltpu.sync_copy(zbuf, acc.at[pl.ds(s * 640 + k * CHUNK, CHUNK), :])

        @pl.when(s == 15)
        def _():
            for k in range(3):
                pltpu.sync_copy(zbuf, acc.at[pl.ds(9600 + k * CHUNK, CHUNK), :])
            pltpu.sync_copy(zbuf.at[pl.ds(0, 16), :], acc.at[pl.ds(9984, 16), :])

        pltpu.sync_copy(src_hbm.at[w], srcv)
        pltpu.sync_copy(dst_hbm.at[w], dstv)
        pltpu.sync_copy(ew_hbm.at[w], ewv)
        plsc.subcore_barrier()

        dn = lax.GatherDimensionNumbers(
            offset_dims=(), collapsed_slice_dims=(0,), start_index_map=(0,))

        def gissue(j, m):
            pltpu.async_copy(g_hbm.at[srcv.at[j]], slot(m), sg.at[m])

        def gwait(j, m):
            pltpu.make_async_copy(g_hbm.at[srcv.at[j]], slot(m), sg.at[m]).wait()

        def sissue(j, m):
            pltpu.async_copy(slot(m), acc.at[dstv.at[j]], ss.at[m], add=True)

        def swait(j, m):
            pltpu.make_async_copy(slot(m), acc.at[dstv.at[j]], ss.at[m]).wait()

        def scale(j, m):
            base = m * CHUNK

            def grp(e16, _):
                ew16 = ewv[j, pl.ds(e16 * L, L)]
                for t in range(L):
                    e = base + e16 * L + t
                    spl = lax.gather(
                        ew16, jnp.full((L, 1), t, jnp.int32), dn, (1,),
                        mode=lax.GatherScatterMode.PROMISE_IN_BOUNDS)
                    for f in range(SF // L):
                        rows[e, pl.ds(f * L, L)] = rows[e, pl.ds(f * L, L)] * spl
                return 0

            lax.fori_loop(0, CHUNK // L, grp, 0)

        for j0 in range(K):
            gissue(j0, j0)

        def chunk(j, carry):
            m, md = carry

            @pl.when(j >= 2)
            def _():
                swait(j - 2, md)

            @pl.when(j + K < NCH)
            def _():
                gissue(j + K, md)

            gwait(j, m)
            scale(j, m)
            sissue(j, m)
            m = jnp.where(m == R - 1, 0, m + 1)
            md = jnp.where(md == R - 1, 0, md + 1)
            return (m, md)

        lax.fori_loop(0, NCH, chunk, (jnp.int32(0), jnp.int32(K % R)))
        swait(NCH - 2, (NCH - 2) % R)
        swait(NCH - 1, (NCH - 1) % R)
        plsc.subcore_barrier()

        @pl.when(s < 15)
        def _():
            for k in range(5):
                r0 = s * 640 + k * CHUNK
                pltpu.sync_copy(acc.at[pl.ds(r0, CHUNK), :], zbuf)
                pltpu.sync_copy(zbuf, out_hbm.at[c, pl.ds(r0, CHUNK), :])

        @pl.when(s == 15)
        def _():
            for k in range(3):
                r0 = 9600 + k * CHUNK
                pltpu.sync_copy(acc.at[pl.ds(r0, CHUNK), :], zbuf)
                pltpu.sync_copy(zbuf, out_hbm.at[c, pl.ds(r0, CHUNK), :])
            pltpu.sync_copy(acc.at[pl.ds(9984, 16), :], zbuf.at[pl.ds(0, 16), :])
            pltpu.sync_copy(zbuf.at[pl.ds(0, 16), :],
                            out_hbm.at[c, pl.ds(9984, 16), :])

    return agg_kernel(g, srcw, dstw, eww)


def _m1_call(degT, x, W1p):
    def body(degT_ref, x_ref, W1_ref, g1_ref, dinv_ref):
        d = degT_ref[...]
        tot = d[:, 0:1] + d[:, 1:2] + 1.0
        dinv = lax.rsqrt(tot)
        h = jnp.dot(x_ref[...], W1_ref[...], preferred_element_type=jnp.float32)
        g1_ref[...] = dinv * h
        dinv_ref[...] = dinv

    return pl.pallas_call(
        body,
        grid=(N // BR,),
        in_specs=[
            pl.BlockSpec((BR, 2), lambda i: (i, 0)),
            pl.BlockSpec((BR, D), lambda i: (i, 0)),
            pl.BlockSpec((D, HP), lambda i: (0, 0)),
        ],
        out_specs=[
            pl.BlockSpec((BR, HP), lambda i: (i, 0)),
            pl.BlockSpec((BR, 1), lambda i: (i, 0)),
        ],
        out_shape=[
            jax.ShapeDtypeStruct((N, HP), jnp.float32),
            jax.ShapeDtypeStruct((N, 1), jnp.float32),
        ],
    )(degT, x, W1p)


def _m2_call(P, g1, dinv, b1r, W2p):
    def body(P_ref, g1_ref, dinv_ref, b1_ref, W2_ref, g2_ref):
        p = P_ref[0, :, :H] + P_ref[1, :, :H]
        dv = dinv_ref[...]
        o1 = jnp.maximum(dv * (p + g1_ref[:, :H]) + b1_ref[...], 0.0)
        h2 = jnp.dot(o1, W2_ref[...], preferred_element_type=jnp.float32)
        g2_ref[...] = dv * h2

    return pl.pallas_call(
        body,
        grid=(N // BR,),
        in_specs=[
            pl.BlockSpec((NC, BR, HP), lambda i: (0, i, 0)),
            pl.BlockSpec((BR, HP), lambda i: (i, 0)),
            pl.BlockSpec((BR, 1), lambda i: (i, 0)),
            pl.BlockSpec((1, H), lambda i: (0, 0)),
            pl.BlockSpec((H, CP), lambda i: (0, 0)),
        ],
        out_specs=pl.BlockSpec((BR, CP), lambda i: (i, 0)),
        out_shape=jax.ShapeDtypeStruct((N, CP), jnp.float32),
    )(P, g1, dinv, b1r, W2p)


def _m3_call(Q, g2, dinv, b2r):
    def body(Q_ref, g2_ref, dinv_ref, b2_ref, out_ref):
        q = Q_ref[0] + Q_ref[1]
        out_ref[...] = dinv_ref[...] * (q + g2_ref[...]) + b2_ref[...]

    return pl.pallas_call(
        body,
        grid=(N // BR,),
        in_specs=[
            pl.BlockSpec((NC, BR, CP), lambda i: (0, i, 0)),
            pl.BlockSpec((BR, CP), lambda i: (i, 0)),
            pl.BlockSpec((BR, 1), lambda i: (i, 0)),
            pl.BlockSpec((1, CP), lambda i: (0, 0)),
        ],
        out_specs=pl.BlockSpec((BR, CP), lambda i: (i, 0)),
        out_shape=jax.ShapeDtypeStruct((N, CP), jnp.float32),
    )(Q, g2, dinv, b2r)


def kernel(x, edge_index, edge_weight, W1, b1, W2, b2):
    src = edge_index[0]
    dst = edge_index[1]
    pad = EPAD - E
    srcw = jnp.concatenate([src, jnp.zeros((pad,), src.dtype)]).reshape(NW, NCH, CHUNK)
    dstw = jnp.concatenate([dst, jnp.zeros((pad,), dst.dtype)]).reshape(NW, NCH, CHUNK)
    eww = jnp.concatenate(
        [edge_weight, jnp.zeros((pad,), edge_weight.dtype)]).reshape(NW, NCH, CHUNK)

    degp = _deg_call(dstw, eww)
    W1p = jnp.pad(W1, ((0, 0), (0, HP - H)))
    g1, dinv = _m1_call(degp.reshape(NC, N).T, x, W1p)
    P = _agg_call(g1, srcw, dstw, eww, HP, H, 5)
    W2p = jnp.pad(W2, ((0, 0), (0, CP - C)))
    g2 = _m2_call(P, g1, dinv, b1.reshape(1, H), W2p)
    Q = _agg_call(g2, srcw, dstw, eww, CP, CP, 5)
    b2r = jnp.pad(b2, (0, CP - C)).reshape(1, CP)
    outp = _m3_call(Q, g2, dinv, b2r)
    return outp[:, :C]

# --- scband reference (transcript-rebuilt; emitter-appended) ---
"""Pipeline reference for scband-gcn-60284160966674 (READ-ONLY COPY).

The authoritative reference and input builder live on the scoring server;
editing this copy changes nothing except your own understanding.
"""

import jax, jax.numpy as jnp
import numpy as np

N = 10000
E = 320000
D = 128
H = 64  # 2 ** init_hidden_size (6)
C = 40

def setup_inputs(seed: int = 0) -> dict:
    key = jax.random.key(seed)
    k1, k2, k3, k4, k5, k6, k7 = jax.random.split(key, 7)
    x = jax.random.normal(k1, (N, D), dtype=jnp.float32)
    edge_index = jax.random.randint(k2, (2, E), 0, N, dtype=jnp.int32)
    edge_weight = jax.random.uniform(k3, (E,), dtype=jnp.float32)
    # GCNConv layer 1: feature_num -> hidden (glorot init)
    W1 = jax.random.normal(k4, (D, H), dtype=jnp.float32) * (1.0 / np.sqrt(D))
    b1 = jnp.zeros((H,), dtype=jnp.float32)
    # GCNConv layer 2: hidden -> n_class
    W2 = jax.random.normal(k5, (H, C), dtype=jnp.float32) * (1.0 / np.sqrt(H))
    b2 = jnp.zeros((C,), dtype=jnp.float32)
    return {"x": x, "edge_index": edge_index, "edge_weight": edge_weight,
            "W1": W1, "b1": b1, "W2": W2, "b2": b2}

def _gcn_conv(x, src, dst, ew, W, b):
    n = x.shape[0]
    deg = jnp.zeros((n,), dtype=x.dtype).at[dst].add(ew)
    dinv = jnp.where(deg > 0, 1.0 / jnp.sqrt(deg), 0.0)
    norm = dinv[src] * ew * dinv[dst]
    h = x @ W
    out = jnp.zeros((n, W.shape[1]), dtype=x.dtype).at[dst].add(norm[:, None] * h[src])
    return out + b

def reference(x, edge_index, edge_weight, W1, b1, W2, b2):
    # eval-mode forward: dropedge and dropout are identity (training=False)
    n = x.shape[0]
    loop = jnp.arange(n, dtype=edge_index.dtype)
    src = jnp.concatenate([edge_index[0], loop])
    dst = jnp.concatenate([edge_index[1], loop])
    ew = jnp.concatenate([edge_weight, jnp.ones((n,), dtype=edge_weight.dtype)])
    h = jax.nn.relu(_gcn_conv(x, src, dst, ew, W1, b1))
    out = _gcn_conv(h, src, dst, ew, W2, b2)
    return out

if __name__ == "__main__":
    import jax
    _d = setup_inputs()
    print(jax.jit(kernel)(*tuple(_d.values())))

</pallas_src>

<mosaic_0001>
#map = affine_map<(d0, d1) -> (0, 0, 0)>
#map1 = affine_map<(d0, d1) -> (0)>
module attributes {stable_mosaic.version = 14 : i64} {
  func.func @deg_kernel(%arg0: i32, %arg1: i32, %arg2: memref<32x79x128xi32, #tpu.memory_space<hbm>>, %arg3: memref<32x79x128xf32, #tpu.memory_space<hbm>>, %arg4: memref<20000xf32, #tpu.memory_space<hbm>>, %arg5: memref<79x128xi32, #tpu.memory_space<vmem>>, %arg6: memref<79x128xf32, #tpu.memory_space<vmem>>, %arg7: memref<640xf32, #tpu.memory_space<vmem>>, %arg8: memref<10000xf32, #tpu.memory_space<vmem_shared>>) attributes {dimension_semantics = [#tpu.dimension_semantics<core_parallel>, #tpu.dimension_semantics<subcore_parallel>], iteration_bounds = array<i64: 2, 16>, scalar_prefetch = 0 : i64, scratch_operands = 4 : i64, tpu.core_type = #tpu.core_type<sc_vector_subcore>, window_params = [{transform_indices = #map}, {transform_indices = #map}, {transform_indices = #map1}]} {
    %mul3A = arith.constant 16 : i32
    %mul3A_0 = arith.muli %arg0, %mul3A : i32
    %add3A = arith.addi %mul3A_0, %arg1 : i32
    %scan3A = arith.constant 0 : i32
    %scan3A_1 = arith.constant 0 : i32
    %scan3A_2 = arith.constant 40 : i32
    %scan3A_3 = arith.addi %scan3A_1, %scan3A_2 : i32
    %scan3A_4 = arith.constant 1 : i32
    %scan3A_5 = scf.for %scan3A_31 = %scan3A_1 to %scan3A_3 step %scan3A_4 iter_args(%scan3A_32 = %scan3A) -> (i32)  : i32 {
      %broadcast_in_dim3A = arith.constant 0.000000e+00 : f32
      %broadcast_in_dim3A_33 = vector.broadcast %broadcast_in_dim3A : f32 to vector<16xf32>
      %mul3A_34 = arith.constant 16 : i32
      %mul3A_35 = arith.muli %scan3A_31, %mul3A_34 : i32
      %swap3A = arith.index_cast %mul3A_35 : i32 to index
      %swap3A_36 = tpu.vector_load %arg7[%swap3A] {strides = array<i32>} : memref<640xf32, #tpu.memory_space<vmem>>, vector<16xf32>,
      %swap3A_37 = vector.shape_cast %swap3A_36 : vector<16xf32> to vector<16xf32>
      %swap3A_38 = vector.shape_cast %broadcast_in_dim3A_33 : vector<16xf32> to vector<16xf32>
      tpu.vector_store %arg7[%swap3A], %swap3A_38 {strides = array<i32>} : memref<640xf32, #tpu.memory_space<vmem>>, vector<16xf32>,
      %scan3A_39 = arith.constant 0 : i32
      scf.yield %scan3A_39 : i32
    }
    %scan3A_6 = arith.constant 40 : i32
    %lt3A = arith.constant 15 : i32
    %lt3A_7 = arith.cmpi slt, %arg1, %lt3A : i32
    %convert_element_type3A = arith.extui %lt3A_7 : i1 to i32
    %cond3A = arith.constant 0 : i32
    %cond3A_8 = arith.cmpi ne, %convert_element_type3A, %cond3A : i32
    scf.if %cond3A_8 {
      %mul3A_31 = arith.constant 640 : i32
      %mul3A_32 = arith.muli %arg1, %mul3A_31 : i32
      "tpu.region"() ({
        %run_scoped3A = tpu.sem_alloc : memref<!tpu.dma_semaphore, #tpu.memory_space<semaphore_mem>>
        %dma_start3A = tpu.memref_slice %arg8[%mul3A_32] : memref<10000xf32, #tpu.memory_space<vmem_shared>> -> memref<640xf32, #tpu.memory_space<vmem_shared>>
        %dma_start3A_33 = tpu.memref_slice %arg8[%mul3A_32] : memref<10000xf32, #tpu.memory_space<vmem_shared>> -> memref<640xf32, #tpu.memory_space<vmem_shared>>
        tpu.enqueue_dma source(%arg7 : memref<640xf32, #tpu.memory_space<vmem>>) target(%dma_start3A_33 : memref<640xf32, #tpu.memory_space<vmem_shared>>) target_semaphore(%run_scoped3A : memref<!tpu.dma_semaphore, #tpu.memory_space<semaphore_mem>>)
        %dma_wait3A = tpu.memref_slice %arg8[%mul3A_32] : memref<10000xf32, #tpu.memory_space<vmem_shared>> -> memref<640xf32, #tpu.memory_space<vmem_shared>>
        %dma_wait3A_34 = tpu.memref_slice %arg8[%mul3A_32] : memref<10000xf32, #tpu.memory_space<vmem_shared>> -> memref<640xf32, #tpu.memory_space<vmem_shared>>
        tpu.wait_dma2 semaphore(%run_scoped3A : memref<!tpu.dma_semaphore, #tpu.memory_space<semaphore_mem>>) src(%arg7 : memref<640xf32, #tpu.memory_space<vmem>>) dst(%dma_wait3A_34 : memref<640xf32, #tpu.memory_space<vmem_shared>>)
        tpu.yield
      }) : () -> ()
    } else {
    }
    %eq3A = arith.constant 15 : i32
    %eq3A_9 = arith.cmpi eq, %arg1, %eq3A : i32
    %convert_element_type3A_10 = arith.extui %eq3A_9 : i1 to i32
    %cond3A_11 = arith.constant 0 : i32
    %cond3A_12 = arith.cmpi ne, %convert_element_type3A_10, %cond3A_11 : i32
    scf.if %cond3A_12 {
      %mul3A_31 = arith.constant 640 : i32
      %mul3A_32 = arith.muli %arg1, %mul3A_31 : i32
      "tpu.region"() ({
        %run_scoped3A = tpu.sem_alloc : memref<!tpu.dma_semaphore, #tpu.memory_space<semaphore_mem>>
        %dma_start3A = arith.constant 0 : i32
        %dma_start3A_33 = tpu.memref_slice %arg7[%dma_start3A] : memref<640xf32, #tpu.memory_space<vmem>> -> memref<400xf32, #tpu.memory_space<vmem>>
        %dma_start3A_34 = tpu.memref_slice %arg8[%mul3A_32] : memref<10000xf32, #tpu.memory_space<vmem_shared>> -> memref<400xf32, #tpu.memory_space<vmem_shared>>
        %dma_start3A_35 = tpu.memref_slice %arg8[%mul3A_32] : memref<10000xf32, #tpu.memory_space<vmem_shared>> -> memref<400xf32, #tpu.memory_space<vmem_shared>>
        %dma_start3A_36 = arith.constant 0 : i32
        %dma_start3A_37 = tpu.memref_slice %arg7[%dma_start3A_36] : memref<640xf32, #tpu.memory_space<vmem>> -> memref<400xf32, #tpu.memory_space<vmem>>
        tpu.enqueue_dma source(%dma_start3A_37 : memref<400xf32, #tpu.memory_space<vmem>>) target(%dma_start3A_35 : memref<400xf32, #tpu.memory_space<vmem_shared>>) target_semaphore(%run_scoped3A : memref<!tpu.dma_semaphore, #tpu.memory_space<semaphore_mem>>)
        %dma_wait3A = arith.constant 0 : i32
        %dma_wait3A_38 = tpu.memref_slice %arg7[%dma_wait3A] : memref<640xf32, #tpu.memory_space<vmem>> -> memref<400xf32, #tpu.memory_space<vmem>>
        %dma_wait3A_39 = tpu.memref_slice %arg8[%mul3A_32] : memref<10000xf32, #tpu.memory_space<vmem_shared>> -> memref<400xf32, #tpu.memory_space<vmem_shared>>
        %dma_wait3A_40 = tpu.memref_slice %arg8[%mul3A_32] : memref<10000xf32, #tpu.memory_space<vmem_shared>> -> memref<400xf32, #tpu.memory_space<vmem_shared>>
        %dma_wait3A_41 = arith.constant 0 : i32
        %dma_wait3A_42 = tpu.memref_slice %arg7[%dma_wait3A_41] : memref<640xf32, #tpu.memory_space<vmem>> -> memref<400xf32, #tpu.memory_space<vmem>>
        tpu.wait_dma2 semaphore(%run_scoped3A : memref<!tpu.dma_semaphore, #tpu.memory_space<semaphore_mem>>) src(%dma_wait3A_42 : memref<400xf32, #tpu.memory_space<vmem>>) dst(%dma_wait3A_40 : memref<400xf32, #tpu.memory_space<vmem_shared>>)
        tpu.yield
      }) : () -> ()
    } else {
    }
    "tpu.region"() ({
      %run_scoped3A = tpu.sem_alloc : memref<!tpu.dma_semaphore, #tpu.memory_space<semaphore_mem>>
      %dma_start3A = arith.constant 0 : i32
      %dma_start3A_31 = arith.constant 0 : i32
      %dma_start3A_32 = tpu.memref_slice %arg2[%add3A, %dma_start3A, %dma_start3A_31] : memref<32x79x128xi32, #tpu.memory_space<hbm>> -> memref<1x79x128xi32, #tpu.memory_space<hbm>>
      %dma_start3A_33 = tpu.memref_squeeze %dma_start3A_32 : memref<1x79x128xi32, #tpu.memory_space<hbm>> -> memref<79x128xi32, #tpu.memory_space<hbm>>
      %dma_start3A_34 = arith.constant 0 : i32
      %dma_start3A_35 = arith.constant 0 : i32
      %dma_start3A_36 = tpu.memref_slice %arg2[%add3A, %dma_start3A_34, %dma_start3A_35] : memref<32x79x128xi32, #tpu.memory_space<hbm>> -> memref<1x79x128xi32, #tpu.memory_space<hbm>>
      %dma_start3A_37 = tpu.memref_squeeze %dma_start3A_36 : memref<1x79x128xi32, #tpu.memory_space<hbm>> -> memref<79x128xi32, #tpu.memory_space<hbm>>
      tpu.enqueue_dma source(%dma_start3A_37 : memref<79x128xi32, #tpu.memory_space<hbm>>) target(%arg5 : memref<79x128xi32, #tpu.memory_space<vmem>>) target_semaphore(%run_scoped3A : memref<!tpu.dma_semaphore, #tpu.memory_space<semaphore_mem>>)
      %dma_wait3A = arith.constant 0 : i32
      %dma_wait3A_38 = arith.constant 0 : i32
      %dma_wait3A_39 = tpu.memref_slice %arg2[%add3A, %dma_wait3A, %dma_wait3A_38] : memref<32x79x128xi32, #tpu.memory_space<hbm>> -> memref<1x79x128xi32, #tpu.memory_space<hbm>>
      %dma_wait3A_40 = tpu.memref_squeeze %dma_wait3A_39 : memref<1x79x128xi32, #tpu.memory_space<hbm>> -> memref<79x128xi32, #tpu.memory_space<hbm>>
      %dma_wait3A_41 = arith.constant 0 : i32
      %dma_wait3A_42 = arith.constant 0 : i32
      %dma_wait3A_43 = tpu.memref_slice %arg2[%add3A, %dma_wait3A_41, %dma_wait3A_42] : memref<32x79x128xi32, #tpu.memory_space<hbm>> -> memref<1x79x128xi32, #tpu.memory_space<hbm>>
      %dma_wait3A_44 = tpu.memref_squeeze %dma_wait3A_43 : memref<1x79x128xi32, #tpu.memory_space<hbm>> -> memref<79x128xi32, #tpu.memory_space<hbm>>
      tpu.wait_dma2 semaphore(%run_scoped3A : memref<!tpu.dma_semaphore, #tpu.memory_space<semaphore_mem>>) src(%dma_wait3A_44 : memref<79x128xi32, #tpu.memory_space<hbm>>) dst(%arg5 : memref<79x128xi32, #tpu.memory_space<vmem>>)
      tpu.yield
    }) : () -> ()
    "tpu.region"() ({
      %run_scoped3A = tpu.sem_alloc : memref<!tpu.dma_semaphore, #tpu.memory_space<semaphore_mem>>
      %dma_start3A = arith.constant 0 : i32
      %dma_start3A_31 = arith.constant 0 : i32
      %dma_start3A_32 = tpu.memref_slice %arg3[%add3A, %dma_start3A, %dma_start3A_31] : memref<32x79x128xf32, #tpu.memory_space<hbm>> -> memref<1x79x128xf32, #tpu.memory_space<hbm>>
      %dma_start3A_33 = tpu.memref_squeeze %dma_start3A_32 : memref<1x79x128xf32, #tpu.memory_space<hbm>> -> memref<79x128xf32, #tpu.memory_space<hbm>>
      %dma_start3A_34 = arith.constant 0 : i32
      %dma_start3A_35 = arith.constant 0 : i32
      %dma_start3A_36 = tpu.memref_slice %arg3[%add3A, %dma_start3A_34, %dma_start3A_35] : memref<32x79x128xf32, #tpu.memory_space<hbm>> -> memref<1x79x128xf32, #tpu.memory_space<hbm>>
      %dma_start3A_37 = tpu.memref_squeeze %dma_start3A_36 : memref<1x79x128xf32, #tpu.memory_space<hbm>> -> memref<79x128xf32, #tpu.memory_space<hbm>>
      tpu.enqueue_dma source(%dma_start3A_37 : memref<79x128xf32, #tpu.memory_space<hbm>>) target(%arg6 : memref<79x128xf32, #tpu.memory_space<vmem>>) target_semaphore(%run_scoped3A : memref<!tpu.dma_semaphore, #tpu.memory_space<semaphore_mem>>)
      %dma_wait3A = arith.constant 0 : i32
      %dma_wait3A_38 = arith.constant 0 : i32
      %dma_wait3A_39 = tpu.memref_slice %arg3[%add3A, %dma_wait3A, %dma_wait3A_38] : memref<32x79x128xf32, #tpu.memory_space<hbm>> -> memref<1x79x128xf32, #tpu.memory_space<hbm>>
      %dma_wait3A_40 = tpu.memref_squeeze %dma_wait3A_39 : memref<1x79x128xf32, #tpu.memory_space<hbm>> -> memref<79x128xf32, #tpu.memory_space<hbm>>
      %dma_wait3A_41 = arith.constant 0 : i32
      %dma_wait3A_42 = arith.constant 0 : i32
      %dma_wait3A_43 = tpu.memref_slice %arg3[%add3A, %dma_wait3A_41, %dma_wait3A_42] : memref<32x79x128xf32, #tpu.memory_space<hbm>> -> memref<1x79x128xf32, #tpu.memory_space<hbm>>
      %dma_wait3A_44 = tpu.memref_squeeze %dma_wait3A_43 : memref<1x79x128xf32, #tpu.memory_space<hbm>> -> memref<79x128xf32, #tpu.memory_space<hbm>>
      tpu.wait_dma2 semaphore(%run_scoped3A : memref<!tpu.dma_semaphore, #tpu.memory_space<semaphore_mem>>) src(%dma_wait3A_44 : memref<79x128xf32, #tpu.memory_space<hbm>>) dst(%arg6 : memref<79x128xf32, #tpu.memory_space<vmem>>)
      tpu.yield
    }) : () -> ()
    %barrier3A = arith.constant 0 : index
    tpu.barrier barrier_id(%barrier3A)
    %scan3A_13 = arith.constant 0 : i32
    %scan3A_14 = arith.constant 0 : i32
    %scan3A_15 = arith.constant 79 : i32
    %scan3A_16 = arith.addi %scan3A_14, %scan3A_15 : i32
    %scan3A_17 = arith.constant 1 : i32
    %scan3A_18 = scf.for %scan3A_31 = %scan3A_14 to %scan3A_16 step %scan3A_17 iter_args(%scan3A_32 = %scan3A_13) -> (i32)  : i32 {
      "tpu.region"() ({
        %run_scoped3A = tpu.sem_alloc : memref<!tpu.dma_semaphore, #tpu.memory_space<semaphore_mem>>
        %dma_start3A = arith.constant 0 : i32
        %dma_start3A_34 = tpu.memref_slice %arg6[%scan3A_31, %dma_start3A] : memref<79x128xf32, #tpu.memory_space<vmem>> -> memref<1x128xf32, #tpu.memory_space<vmem>>
        %dma_start3A_35 = tpu.memref_squeeze %dma_start3A_34 : memref<1x128xf32, #tpu.memory_space<vmem>> -> memref<128xf32, #tpu.memory_space<vmem>>
        %dma_start3A_36 = arith.constant 0 : i32
        %dma_start3A_37 = tpu.memref_slice %arg5[%scan3A_31, %dma_start3A_36] : memref<79x128xi32, #tpu.memory_space<vmem>> -> memref<1x128xi32, #tpu.memory_space<vmem>>
        %dma_start3A_38 = tpu.memref_squeeze %dma_start3A_37 : memref<1x128xi32, #tpu.memory_space<vmem>> -> memref<128xi32, #tpu.memory_space<vmem>>
        %dma_start3A_39 = arith.constant 0 : i32
        %dma_start3A_40 = tpu.memref_slice %arg8[%dma_start3A_39] : memref<10000xf32, #tpu.memory_space<vmem_shared>> -> memref<10000xf32, #tpu.memory_space<vmem_shared>>
        tpu.enqueue_indirect_dma source(%dma_start3A_35 : memref<128xf32, #tpu.memory_space<vmem>>) target(%dma_start3A_40 : memref<10000xf32, #tpu.memory_space<vmem_shared>>) offsets(%dma_start3A_38 : memref<128xi32, #tpu.memory_space<vmem>>) semaphore(%run_scoped3A : memref<!tpu.dma_semaphore, #tpu.memory_space<semaphore_mem>>) {add = true}
        %dma_wait3A = arith.constant 0 : i32
        %dma_wait3A_41 = tpu.memref_slice %arg6[%scan3A_31, %dma_wait3A] : memref<79x128xf32, #tpu.memory_space<vmem>> -> memref<1x128xf32, #tpu.memory_space<vmem>>
        %dma_wait3A_42 = tpu.memref_squeeze %dma_wait3A_41 : memref<1x128xf32, #tpu.memory_space<vmem>> -> memref<128xf32, #tpu.memory_space<vmem>>
        %dma_wait3A_43 = arith.constant 0 : i32
        %dma_wait3A_44 = tpu.memref_slice %arg5[%scan3A_31, %dma_wait3A_43] : memref<79x128xi32, #tpu.memory_space<vmem>> -> memref<1x128xi32, #tpu.memory_space<vmem>>
        %dma_wait3A_45 = tpu.memref_squeeze %dma_wait3A_44 : memref<1x128xi32, #tpu.memory_space<vmem>> -> memref<128xi32, #tpu.memory_space<vmem>>
        %dma_wait3A_46 = arith.constant 0 : i32
        %dma_wait3A_47 = tpu.memref_slice %arg8[%dma_wait3A_46] : memref<10000xf32, #tpu.memory_space<vmem_shared>> -> memref<10000xf32, #tpu.memory_space<vmem_shared>>
        tpu.wait_indirect_dma semaphore(%run_scoped3A : memref<!tpu.dma_semaphore, #tpu.memory_space<semaphore_mem>>) src(%dma_wait3A_42 : memref<128xf32, #tpu.memory_space<vmem>>) dst(%dma_wait3A_47 : memref<10000xf32, #tpu.memory_space<vmem_shared>>)
        tpu.yield
      }) : () -> ()
      %scan3A_33 = arith.constant 0 : i32
      scf.yield %scan3A_33 : i32
    }
    %scan3A_19 = arith.constant 79 : i32
    %barrier3A_20 = arith.constant 0 : index
    tpu.barrier barrier_id(%barrier3A_20)
    %lt3A_21 = arith.constant 15 : i32
    %lt3A_22 = arith.cmpi slt, %arg1, %lt3A_21 : i32
    %convert_element_type3A_23 = arith.extui %lt3A_22 : i1 to i32
    %cond3A_24 = arith.constant 0 : i32
    %cond3A_25 = arith.cmpi ne, %convert_element_type3A_23, %cond3A_24 : i32
    scf.if %cond3A_25 {
      %mul3A_31 = arith.constant 640 : i32
      %mul3A_32 = arith.muli %arg1, %mul3A_31 : i32
      "tpu.region"() ({
        %run_scoped3A = tpu.sem_alloc : memref<!tpu.dma_semaphore, #tpu.memory_space<semaphore_mem>>
        %dma_start3A = tpu.memref_slice %arg8[%mul3A_32] : memref<10000xf32, #tpu.memory_space<vmem_shared>> -> memref<640xf32, #tpu.memory_space<vmem_shared>>
        %dma_start3A_38 = tpu.memref_slice %arg8[%mul3A_32] : memref<10000xf32, #tpu.memory_space<vmem_shared>> -> memref<640xf32, #tpu.memory_space<vmem_shared>>
        tpu.enqueue_dma source(%dma_start3A_38 : memref<640xf32, #tpu.memory_space<vmem_shared>>) target(%arg7 : memref<640xf32, #tpu.memory_space<vmem>>) target_semaphore(%run_scoped3A : memref<!tpu.dma_semaphore, #tpu.memory_space<semaphore_mem>>)
        %dma_wait3A = tpu.memref_slice %arg8[%mul3A_32] : memref<10000xf32, #tpu.memory_space<vmem_shared>> -> memref<640xf32, #tpu.memory_space<vmem_shared>>
        %dma_wait3A_39 = tpu.memref_slice %arg8[%mul3A_32] : memref<10000xf32, #tpu.memory_space<vmem_shared>> -> memref<640xf32, #tpu.memory_space<vmem_shared>>
        tpu.wait_dma2 semaphore(%run_scoped3A : memref<!tpu.dma_semaphore, #tpu.memory_space<semaphore_mem>>) src(%dma_wait3A_39 : memref<640xf32, #tpu.memory_space<vmem_shared>>) dst(%arg7 : memref<640xf32, #tpu.memory_space<vmem>>)
        tpu.yield
      }) : () -> ()
      %mul3A_33 = arith.constant 10000 : i32
      %mul3A_34 = arith.muli %arg0, %mul3A_33 : i32
      %mul3A_35 = arith.constant 640 : i32
      %mul3A_36 = arith.muli %arg1, %mul3A_35 : i32
      %add3A_37 = arith.addi %mul3A_34, %mul3A_36 : i32
      "tpu.region"() ({
        %run_scoped3A = tpu.sem_alloc : memref<!tpu.dma_semaphore, #tpu.memory_space<semaphore_mem>>
        %dma_start3A = tpu.memref_slice %arg4[%add3A_37] : memref<20000xf32, #tpu.memory_space<hbm>> -> memref<640xf32, #tpu.memory_space<hbm>>
        %dma_start3A_38 = tpu.memref_slice %arg4[%add3A_37] : memref<20000xf32, #tpu.memory_space<hbm>> -> memref<640xf32, #tpu.memory_space<hbm>>
        tpu.enqueue_dma source(%arg7 : memref<640xf32, #tpu.memory_space<vmem>>) target(%dma_start3A_38 : memref<640xf32, #tpu.memory_space<hbm>>) target_semaphore(%run_scoped3A : memref<!tpu.dma_semaphore, #tpu.memory_space<semaphore_mem>>)
        %dma_wait3A = tpu.memref_slice %arg4[%add3A_37] : memref<20000xf32, #tpu.memory_space<hbm>> -> memref<640xf32, #tpu.memory_space<hbm>>
        %dma_wait3A_39 = tpu.memref_slice %arg4[%add3A_37] : memref<20000xf32, #tpu.memory_space<hbm>> -> memref<640xf32, #tpu.memory_space<hbm>>
        tpu.wait_dma2 semaphore(%run_scoped3A : memref<!tpu.dma_semaphore, #tpu.memory_space<semaphore_mem>>) src(%arg7 : memref<640xf32, #tpu.memory_space<vmem>>) dst(%dma_wait3A_39 : memref<640xf32, #tpu.memory_space<hbm>>)
        tpu.yield
      }) : () -> ()
    } else {
    }
    %eq3A_26 = arith.constant 15 : i32
    %eq3A_27 = arith.cmpi eq, %arg1, %eq3A_26 : i32
    %convert_element_type3A_28 = arith.extui %eq3A_27 : i1 to i32
    %cond3A_29 = arith.constant 0 : i32
    %cond3A_30 = arith.cmpi ne, %convert_element_type3A_28, %cond3A_29 : i32
    scf.if %cond3A_30 {
      %mul3A_31 = arith.constant 640 : i32
      %mul3A_32 = arith.muli %arg1, %mul3A_31 : i32
      "tpu.region"() ({
        %run_scoped3A = tpu.sem_alloc : memref<!tpu.dma_semaphore, #tpu.memory_space<semaphore_mem>>
        %dma_start3A = arith.constant 0 : i32
        %dma_start3A_38 = tpu.memref_slice %arg7[%dma_start3A] : memref<640xf32, #tpu.memory_space<vmem>> -> memref<400xf32, #tpu.memory_space<vmem>>
        %dma_start3A_39 = tpu.memref_slice %arg8[%mul3A_32] : memref<10000xf32, #tpu.memory_space<vmem_shared>> -> memref<400xf32, #tpu.memory_space<vmem_shared>>
        %dma_start3A_40 = arith.constant 0 : i32
        %dma_start3A_41 = tpu.memref_slice %arg7[%dma_start3A_40] : memref<640xf32, #tpu.memory_space<vmem>> -> memref<400xf32, #tpu.memory_space<vmem>>
        %dma_start3A_42 = tpu.memref_slice %arg8[%mul3A_32] : memref<10000xf32, #tpu.memory_space<vmem_shared>> -> memref<400xf32, #tpu.memory_space<vmem_shared>>
        tpu.enqueue_dma source(%dma_start3A_42 : memref<400xf32, #tpu.memory_space<vmem_shared>>) target(%dma_start3A_41 : memref<400xf32, #tpu.memory_space<vmem>>) target_semaphore(%run_scoped3A : memref<!tpu.dma_semaphore, #tpu.memory_space<semaphore_mem>>)
        %dma_wait3A = arith.constant 0 : i32
        %dma_wait3A_43 = tpu.memref_slice %arg7[%dma_wait3A] : memref<640xf32, #tpu.memory_space<vmem>> -> memref<400xf32, #tpu.memory_space<vmem>>
        %dma_wait3A_44 = tpu.memref_slice %arg8[%mul3A_32] : memref<10000xf32, #tpu.memory_space<vmem_shared>> -> memref<400xf32, #tpu.memory_space<vmem_shared>>
        %dma_wait3A_45 = arith.constant 0 : i32
        %dma_wait3A_46 = tpu.memref_slice %arg7[%dma_wait3A_45] : memref<640xf32, #tpu.memory_space<vmem>> -> memref<400xf32, #tpu.memory_space<vmem>>
        %dma_wait3A_47 = tpu.memref_slice %arg8[%mul3A_32] : memref<10000xf32, #tpu.memory_space<vmem_shared>> -> memref<400xf32, #tpu.memory_space<vmem_shared>>
        tpu.wait_dma2 semaphore(%run_scoped3A : memref<!tpu.dma_semaphore, #tpu.memory_space<semaphore_mem>>) src(%dma_wait3A_47 : memref<400xf32, #tpu.memory_space<vmem_shared>>) dst(%dma_wait3A_46 : memref<400xf32, #tpu.memory_space<vmem>>)
        tpu.yield
      }) : () -> ()
      %mul3A_33 = arith.constant 10000 : i32
      %mul3A_34 = arith.muli %arg0, %mul3A_33 : i32
      %mul3A_35 = arith.constant 640 : i32
      %mul3A_36 = arith.muli %arg1, %mul3A_35 : i32
      %add3A_37 = arith.addi %mul3A_34, %mul3A_36 : i32
      "tpu.region"() ({
        %run_scoped3A = tpu.sem_alloc : memref<!tpu.dma_semaphore, #tpu.memory_space<semaphore_mem>>
        %dma_start3A = arith.constant 0 : i32
        %dma_start3A_38 = tpu.memref_slice %arg7[%dma_start3A] : memref<640xf32, #tpu.memory_space<vmem>> -> memref<400xf32, #tpu.memory_space<vmem>>
        %dma_start3A_39 = tpu.memref_slice %arg4[%add3A_37] : memref<20000xf32, #tpu.memory_space<hbm>> -> memref<400xf32, #tpu.memory_space<hbm>>
        %dma_start3A_40 = tpu.memref_slice %arg4[%add3A_37] : memref<20000xf32, #tpu.memory_space<hbm>> -> memref<400xf32, #tpu.memory_space<hbm>>
        %dma_start3A_41 = arith.constant 0 : i32
        %dma_start3A_42 = tpu.memref_slice %arg7[%dma_start3A_41] : memref<640xf32, #tpu.memory_space<vmem>> -> memref<400xf32, #tpu.memory_space<vmem>>
        tpu.enqueue_dma source(%dma_start3A_42 : memref<400xf32, #tpu.memory_space<vmem>>) target(%dma_start3A_40 : memref<400xf32, #tpu.memory_space<hbm>>) target_semaphore(%run_scoped3A : memref<!tpu.dma_semaphore, #tpu.memory_space<semaphore_mem>>)
        %dma_wait3A = arith.constant 0 : i32
        %dma_wait3A_43 = tpu.memref_slice %arg7[%dma_wait3A] : memref<640xf32, #tpu.memory_space<vmem>> -> memref<400xf32, #tpu.memory_space<vmem>>
        %dma_wait3A_44 = tpu.memref_slice %arg4[%add3A_37] : memref<20000xf32, #tpu.memory_space<hbm>> -> memref<400xf32, #tpu.memory_space<hbm>>
        %dma_wait3A_45 = tpu.memref_slice %arg4[%add3A_37] : memref<20000xf32, #tpu.memory_space<hbm>> -> memref<400xf32, #tpu.memory_space<hbm>>
        %dma_wait3A_46 = arith.constant 0 : i32
        %dma_wait3A_47 = tpu.memref_slice %arg7[%dma_wait3A_46] : memref<640xf32, #tpu.memory_space<vmem>> -> memref<400xf32, #tpu.memory_space<vmem>>
        tpu.wait_dma2 semaphore(%run_scoped3A : memref<!tpu.dma_semaphore, #tpu.memory_space<semaphore_mem>>) src(%dma_wait3A_47 : memref<400xf32, #tpu.memory_space<vmem>>) dst(%dma_wait3A_45 : memref<400xf32, #tpu.memory_space<hbm>>)
        tpu.yield
      }) : () -> ()
    } else {
    }
    return
  }
}

#map = affine_map<(d0, d1) -> (0, 0)>
#map1 = affine_map<(d0, d1) -> (0, 0, 0)>
module attributes {stable_mosaic.version = 14 : i64} {
  func.func @agg_kernel(%arg0: i32, %arg1: i32, %arg2: memref<10000x64xf32, #tpu.memory_space<hbm>>, %arg3: memref<32x79x128xi32, #tpu.memory_space<hbm>>, %arg4: memref<32x79x128xi32, #tpu.memory_space<hbm>>, %arg5: memref<32x79x128xf32, #tpu.memory_space<hbm>>, %arg6: memref<2x10000x64xf32, #tpu.memory_space<hbm>>, %arg7: memref<79x128xi32, #tpu.memory_space<vmem>>, %arg8: memref<79x128xi32, #tpu.memory_space<vmem>>, %arg9: memref<79x128xf32, #tpu.memory_space<vmem>>, %arg10: memref<640x64xf32, #tpu.memory_space<vmem>>, %arg11: memref<128x64xf32, #tpu.memory_space<vmem>>, %arg12: memref<10000x64xf32, #tpu.memory_space<vmem_shared>>, %arg13: memref<5x!tpu.dma_semaphore, #tpu.memory_space<semaphore_mem>>, %arg14: memref<5x!tpu.dma_semaphore, #tpu.memory_space<semaphore_mem>>) attributes {dimension_semantics = [#tpu.dimension_semantics<core_parallel>, #tpu.dimension_semantics<subcore_parallel>], iteration_bounds = array<i64: 2, 16>, scalar_prefetch = 0 : i64, scratch_operands = 8 : i64, tpu.core_type = #tpu.core_type<sc_vector_subcore>, window_params = [{transform_indices = #map}, {transform_indices = #map1}, {transform_indices = #map1}, {transform_indices = #map1}, {transform_indices = #map1}]} {
    %mul3A = arith.constant 16 : i32
    %mul3A_0 = arith.muli %arg0, %mul3A : i32
    %add3A = arith.addi %mul3A_0, %arg1 : i32
    %scan3A = arith.constant 0 : i32
    %scan3A_1 = arith.constant 0 : i32
    %scan3A_2 = arith.constant 128 : i32
    %scan3A_3 = arith.addi %scan3A_1, %scan3A_2 : i32
    %scan3A_4 = arith.constant 1 : i32
    %scan3A_5 = scf.for %scan3A_95 = %scan3A_1 to %scan3A_3 step %scan3A_4 iter_args(%scan3A_96 = %scan3A) -> (i32)  : i32 {
      %broadcast_in_dim3A = arith.constant 0.000000e+00 : f32
      %broadcast_in_dim3A_97 = vector.broadcast %broadcast_in_dim3A : f32 to vector<16xf32>
      %swap3A = arith.index_cast %scan3A_95 : i32 to index
      %swap3A_98 = arith.constant 0 : index
      %swap3A_99 = tpu.vector_load %arg11[%swap3A, %swap3A_98] {strides = array<i32>} : memref<128x64xf32, #tpu.memory_space<vmem>>, vector<1x16xf32>,
      %swap3A_100 = vector.shape_cast %swap3A_99 : vector<1x16xf32> to vector<16xf32>
      %swap3A_101 = vector.shape_cast %broadcast_in_dim3A_97 : vector<16xf32> to vector<1x16xf32>
      tpu.vector_store %arg11[%swap3A, %swap3A_98], %swap3A_101 {strides = array<i32>} : memref<128x64xf32, #tpu.memory_space<vmem>>, vector<1x16xf32>,
      %broadcast_in_dim3A_102 = arith.constant 0.000000e+00 : f32
      %broadcast_in_dim3A_103 = vector.broadcast %broadcast_in_dim3A_102 : f32 to vector<16xf32>
      %swap3A_104 = arith.index_cast %scan3A_95 : i32 to index
      %swap3A_105 = arith.constant 16 : index
      %swap3A_106 = tpu.vector_load %arg11[%swap3A_104, %swap3A_105] {strides = array<i32>} : memref<128x64xf32, #tpu.memory_space<vmem>>, vector<1x16xf32>,
      %swap3A_107 = vector.shape_cast %swap3A_106 : vector<1x16xf32> to vector<16xf32>
      %swap3A_108 = vector.shape_cast %broadcast_in_dim3A_103 : vector<16xf32> to vector<1x16xf32>
      tpu.vector_store %arg11[%swap3A_104, %swap3A_105], %swap3A_108 {strides = array<i32>} : memref<128x64xf32, #tpu.memory_space<vmem>>, vector<1x16xf32>,
      %broadcast_in_dim3A_109 = arith.constant 0.000000e+00 : f32
      %broadcast_in_dim3A_110 = vector.broadcast %broadcast_in_dim3A_109 : f32 to vector<16xf32>
      %swap3A_111 = arith.index_cast %scan3A_95 : i32 to index
      %swap3A_112 = arith.constant 32 : index
      %swap3A_113 = tpu.vector_load %arg11[%swap3A_111, %swap3A_112] {strides = array<i32>} : memref<128x64xf32, #tpu.memory_space<vmem>>, vector<1x16xf32>,
      %swap3A_114 = vector.shape_cast %swap3A_113 : vector<1x16xf32> to vector<16xf32>
      %swap3A_115 = vector.shape_cast %broadcast_in_dim3A_110 : vector<16xf32> to vector<1x16xf32>
      tpu.vector_store %arg11[%swap3A_111, %swap3A_112], %swap3A_115 {strides = array<i32>} : memref<128x64xf32, #tpu.memory_space<vmem>>, vector<1x16xf32>,
      %broadcast_in_dim3A_116 = arith.constant 0.000000e+00 : f32
      %broadcast_in_dim3A_117 = vector.broadcast %broadcast_in_dim3A_116 : f32 to vector<16xf32>
      %swap3A_118 = arith.index_cast %scan3A_95 : i32 to index
      %swap3A_119 = arith.constant 48 : index
      %swap3A_120 = tpu.vector_load %arg11[%swap3A_118, %swap3A_119] {strides = array<i32>} : memref<128x64xf32, #tpu.memory_space<vmem>>, vector<1x16xf32>,
      %swap3A_121 = vector.shape_cast %swap3A_120 : vector<1x16xf32> to vector<16xf32>
      %swap3A_122 = vector.shape_cast %broadcast_in_dim3A_117 : vector<16xf32> to vector<1x16xf32>
      tpu.vector_store %arg11[%swap3A_118, %swap3A_119], %swap3A_122 {strides = array<i32>} : memref<128x64xf32, #tpu.memory_space<vmem>>, vector<1x16xf32>,
      %scan3A_123 = arith.constant 0 : i32
      scf.yield %scan3A_123 : i32
    }
    %scan3A_6 = arith.constant 128 : i32
    %lt3A = arith.constant 15 : i32
    %lt3A_7 = arith.cmpi slt, %arg1, %lt3A : i32
    %convert_element_type3A = arith.extui %lt3A_7 : i1 to i32
    %cond3A = arith.constant 0 : i32
    %cond3A_8 = arith.cmpi ne, %convert_element_type3A, %cond3A : i32
    scf.if %cond3A_8 {
      %mul3A_95 = arith.constant 640 : i32
      %mul3A_96 = arith.muli %arg1, %mul3A_95 : i32
      %add3A_97 = arith.constant 0 : i32
      %add3A_98 = arith.addi %mul3A_96, %add3A_97 : i32
      "tpu.region"() ({
        %run_scoped3A = tpu.sem_alloc : memref<!tpu.dma_semaphore, #tpu.memory_space<semaphore_mem>>
        %dma_start3A_115 = arith.constant 0 : i32
        %dma_start3A_116 = tpu.memref_slice %arg12[%add3A_98, %dma_start3A_115] : memref<10000x64xf32, #tpu.memory_space<vmem_shared>> -> memref<128x64xf32, #tpu.memory_space<vmem_shared>>
        %dma_start3A_117 = arith.constant 0 : i32
        %dma_start3A_118 = tpu.memref_slice %arg12[%add3A_98, %dma_start3A_117] : memref<10000x64xf32, #tpu.memory_space<vmem_shared>> -> memref<128x64xf32, #tpu.memory_space<vmem_shared>>
        tpu.enqueue_dma source(%arg11 : memref<128x64xf32, #tpu.memory_space<vmem>>) target(%dma_start3A_118 : memref<128x64xf32, #tpu.memory_space<vmem_shared>>) target_semaphore(%run_scoped3A : memref<!tpu.dma_semaphore, #tpu.memory_space<semaphore_mem>>)
        %dma_wait3A_119 = arith.constant 0 : i32
        %dma_wait3A_120 = tpu.memref_slice %arg12[%add3A_98, %dma_wait3A_119] : memref<10000x64xf32, #tpu.memory_space<vmem_shared>> -> memref<128x64xf32, #tpu.memory_space<vmem_shared>>
        %dma_wait3A_121 = arith.constant 0 : i32
        %dma_wait3A_122 = tpu.memref_slice %arg12[%add3A_98, %dma_wait3A_121] : memref<10000x64xf32, #tpu.memory_space<vmem_shared>> -> memref<128x64xf32, #tpu.memory_space<vmem_shared>>
        tpu.wait_dma2 semaphore(%run_scoped3A : memref<!tpu.dma_semaphore, #tpu.memory_space<semaphore_mem>>) src(%arg11 : memref<128x64xf32, #tpu.memory_space<vmem>>) dst(%dma_wait3A_122 : memref<128x64xf32, #tpu.memory_space<vmem_shared>>)
        tpu.yield
      }) : () -> ()
      %mul3A_99 = arith.constant 640 : i32
      %mul3A_100 = arith.muli %arg1, %mul3A_99 : i32
      %add3A_101 = arith.constant 128 : i32
      %add3A_102 = arith.addi %mul3A_100, %add3A_101 : i32
      "tpu.region"() ({
        %run_scoped3A = tpu.sem_alloc : memref<!tpu.dma_semaphore, #tpu.memory_space<semaphore_mem>>
        %dma_start3A_115 = arith.constant 0 : i32
        %dma_start3A_116 = tpu.memref_slice %arg12[%add3A_102, %dma_start3A_115] : memref<10000x64xf32, #tpu.memory_space<vmem_shared>> -> memref<128x64xf32, #tpu.memory_space<vmem_shared>>
        %dma_start3A_117 = arith.constant 0 : i32
        %dma_start3A_118 = tpu.memref_slice %arg12[%add3A_102, %dma_start3A_117] : memref<10000x64xf32, #tpu.memory_space<vmem_shared>> -> memref<128x64xf32, #tpu.memory_space<vmem_shared>>
        tpu.enqueue_dma source(%arg11 : memref<128x64xf32, #tpu.memory_space<vmem>>) target(%dma_start3A_118 : memref<128x64xf32, #tpu.memory_space<vmem_shared>>) target_semaphore(%run_scoped3A : memref<!tpu.dma_semaphore, #tpu.memory_space<semaphore_mem>>)
        %dma_wait3A_119 = arith.constant 0 : i32
        %dma_wait3A_120 = tpu.memref_slice %arg12[%add3A_102, %dma_wait3A_119] : memref<10000x64xf32, #tpu.memory_space<vmem_shared>> -> memref<128x64xf32, #tpu.memory_space<vmem_shared>>
        %dma_wait3A_121 = arith.constant 0 : i32
        %dma_wait3A_122 = tpu.memref_slice %arg12[%add3A_102, %dma_wait3A_121] : memref<10000x64xf32, #tpu.memory_space<vmem_shared>> -> memref<128x64xf32, #tpu.memory_space<vmem_shared>>
        tpu.wait_dma2 semaphore(%run_scoped3A : memref<!tpu.dma_semaphore, #tpu.memory_space<semaphore_mem>>) src(%arg11 : memref<128x64xf32, #tpu.memory_space<vmem>>) dst(%dma_wait3A_122 : memref<128x64xf32, #tpu.memory_space<vmem_shared>>)
        tpu.yield
      }) : () -> ()
      %mul3A_103 = arith.constant 640 : i32
      %mul3A_104 = arith.muli %arg1, %mul3A_103 : i32
      %add3A_105 = arith.constant 256 : i32
      %add3A_106 = arith.addi %mul3A_104, %add3A_105 : i32
      "tpu.region"() ({
        %run_scoped3A = tpu.sem_alloc : memref<!tpu.dma_semaphore, #tpu.memory_space<semaphore_mem>>
        %dma_start3A_115 = arith.constant 0 : i32
        %dma_start3A_116 = tpu.memref_slice %arg12[%add3A_106, %dma_start3A_115] : memref<10000x64xf32, #tpu.memory_space<vmem_shared>> -> memref<128x64xf32, #tpu.memory_space<vmem_shared>>
        %dma_start3A_117 = arith.constant 0 : i32
        %dma_start3A_118 = tpu.memref_slice %arg12[%add3A_106, %dma_start3A_117] : memref<10000x64xf32, #tpu.memory_space<vmem_shared>> -> memref<128x64xf32, #tpu.memory_space<vmem_shared>>
        tpu.enqueue_dma source(%arg11 : memref<128x64xf32, #tpu.memory_space<vmem>>) target(%dma_start3A_118 : memref<128x64xf32, #tpu.memory_space<vmem_shared>>) target_semaphore(%run_scoped3A : memref<!tpu.dma_semaphore, #tpu.memory_space<semaphore_mem>>)
        %dma_wait3A_119 = arith.constant 0 : i32
        %dma_wait3A_120 = tpu.memref_slice %arg12[%add3A_106, %dma_wait3A_119] : memref<10000x64xf32, #tpu.memory_space<vmem_shared>> -> memref<128x64xf32, #tpu.memory_space<vmem_shared>>
        %dma_wait3A_121 = arith.constant 0 : i32
        %dma_wait3A_122 = tpu.memref_slice %arg12[%add3A_106, %dma_wait3A_121] : memref<10000x64xf32, #tpu.memory_space<vmem_shared>> -> memref<128x64xf32, #tpu.memory_space<vmem_shared>>
        tpu.wait_dma2 semaphore(%run_scoped3A : memref<!tpu.dma_semaphore, #tpu.memory_space<semaphore_mem>>) src(%arg11 : memref<128x64xf32, #tpu.memory_space<vmem>>) dst(%dma_wait3A_122 : memref<128x64xf32, #tpu.memory_space<vmem_shared>>)
        tpu.yield
      }) : () -> ()
      %mul3A_107 = arith.constant 640 : i32
      %mul3A_108 = arith.muli %arg1, %mul3A_107 : i32
      %add3A_109 = arith.constant 384 : i32
      %add3A_110 = arith.addi %mul3A_108, %add3A_109 : i32
      "tpu.region"() ({
        %run_scoped3A = tpu.sem_alloc : memref<!tpu.dma_semaphore, #tpu.memory_space<semaphore_mem>>
        %dma_start3A_115 = arith.constant 0 : i32
        %dma_start3A_116 = tpu.memref_slice %arg12[%add3A_110, %dma_start3A_115] : memref<10000x64xf32, #tpu.memory_space<vmem_shared>> -> memref<128x64xf32, #tpu.memory_space<vmem_shared>>
        %dma_start3A_117 = arith.constant 0 : i32
        %dma_start3A_118 = tpu.memref_slice %arg12[%add3A_110, %dma_start3A_117] : memref<10000x64xf32, #tpu.memory_space<vmem_shared>> -> memref<128x64xf32, #tpu.memory_space<vmem_shared>>
        tpu.enqueue_dma source(%arg11 : memref<128x64xf32, #tpu.memory_space<vmem>>) target(%dma_start3A_118 : memref<128x64xf32, #tpu.memory_space<vmem_shared>>) target_semaphore(%run_scoped3A : memref<!tpu.dma_semaphore, #tpu.memory_space<semaphore_mem>>)
        %dma_wait3A_119 = arith.constant 0 : i32
        %dma_wait3A_120 = tpu.memref_slice %arg12[%add3A_110, %dma_wait3A_119] : memref<10000x64xf32, #tpu.memory_space<vmem_shared>> -> memref<128x64xf32, #tpu.memory_space<vmem_shared>>
        %dma_wait3A_121 = arith.constant 0 : i32
        %dma_wait3A_122 = tpu.memref_slice %arg12[%add3A_110, %dma_wait3A_121] : memref<10000x64xf32, #tpu.memory_space<vmem_shared>> -> memref<128x64xf32, #tpu.memory_space<vmem_shared>>
        tpu.wait_dma2 semaphore(%run_scoped3A : memref<!tpu.dma_semaphore, #tpu.memory_space<semaphore_mem>>) src(%arg11 : memref<128x64xf32, #tpu.memory_space<vmem>>) dst(%dma_wait3A_122 : memref<128x64xf32, #tpu.memory_space<vmem_shared>>)
        tpu.yield
      }) : () -> ()
      %mul3A_111 = arith.constant 640 : i32
      %mul3A_112 = arith.muli %arg1, %mul3A_111 : i32
      %add3A_113 = arith.constant 512 : i32
      %add3A_114 = arith.addi %mul3A_112, %add3A_113 : i32
      "tpu.region"() ({
        %run_scoped3A = tpu.sem_alloc : memref<!tpu.dma_semaphore, #tpu.memory_space<semaphore_mem>>
        %dma_start3A_115 = arith.constant 0 : i32
        %dma_start3A_116 = tpu.memref_slice %arg12[%add3A_114, %dma_start3A_115] : memref<10000x64xf32, #tpu.memory_space<vmem_shared>> -> memref<128x64xf32, #tpu.memory_space<vmem_shared>>
        %dma_start3A_117 = arith.constant 0 : i32
        %dma_start3A_118 = tpu.memref_slice %arg12[%add3A_114, %dma_start3A_117] : memref<10000x64xf32, #tpu.memory_space<vmem_shared>> -> memref<128x64xf32, #tpu.memory_space<vmem_shared>>
        tpu.enqueue_dma source(%arg11 : memref<128x64xf32, #tpu.memory_space<vmem>>) target(%dma_start3A_118 : memref<128x64xf32, #tpu.memory_space<vmem_shared>>) target_semaphore(%run_scoped3A : memref<!tpu.dma_semaphore, #tpu.memory_space<semaphore_mem>>)
        %dma_wait3A_119 = arith.constant 0 : i32
        %dma_wait3A_120 = tpu.memref_slice %arg12[%add3A_114, %dma_wait3A_119] : memref<10000x64xf32, #tpu.memory_space<vmem_shared>> -> memref<128x64xf32, #tpu.memory_space<vmem_shared>>
        %dma_wait3A_121 = arith.constant 0 : i32
        %dma_wait3A_122 = tpu.memref_slice %arg12[%add3A_114, %dma_wait3A_121] : memref<10000x64xf32, #tpu.memory_space<vmem_shared>> -> memref<128x64xf32, #tpu.memory_space<vmem_shared>>
        tpu.wait_dma2 semaphore(%run_scoped3A : memref<!tpu.dma_semaphore, #tpu.memory_space<semaphore_mem>>) src(%arg11 : memref<128x64xf32, #tpu.memory_space<vmem>>) dst(%dma_wait3A_122 : memref<128x64xf32, #tpu.memory_space<vmem_shared>>)
        tpu.yield
      }) : () -> ()
    } else {
    }
    %eq3A = arith.constant 15 : i32
    %eq3A_9 = arith.cmpi eq, %arg1, %eq3A : i32
    %convert_element_type3A_10 = arith.extui %eq3A_9 : i1 to i32
    %cond3A_11 = arith.constant 0 : i32
    %cond3A_12 = arith.cmpi ne, %convert_element_type3A_10, %cond3A_11 : i32
    scf.if %cond3A_12 {
      "tpu.region"() ({
        %run_scoped3A = tpu.sem_alloc : memref<!tpu.dma_semaphore, #tpu.memory_space<semaphore_mem>>
        %dma_start3A_95 = arith.constant 9600 : i32
        %dma_start3A_96 = arith.constant 0 : i32
        %dma_start3A_97 = tpu.memref_slice %arg12[%dma_start3A_95, %dma_start3A_96] : memref<10000x64xf32, #tpu.memory_space<vmem_shared>> -> memref<128x64xf32, #tpu.memory_space<vmem_shared>>
        %dma_start3A_98 = arith.constant 9600 : i32
        %dma_start3A_99 = arith.constant 0 : i32
        %dma_start3A_100 = tpu.memref_slice %arg12[%dma_start3A_98, %dma_start3A_99] : memref<10000x64xf32, #tpu.memory_space<vmem_shared>> -> memref<128x64xf32, #tpu.memory_space<vmem_shared>>
        tpu.enqueue_dma source(%arg11 : memref<128x64xf32, #tpu.memory_space<vmem>>) target(%dma_start3A_100 : memref<128x64xf32, #tpu.memory_space<vmem_shared>>) target_semaphore(%run_scoped3A : memref<!tpu.dma_semaphore, #tpu.memory_space<semaphore_mem>>)
        %dma_wait3A_101 = arith.constant 9600 : i32
        %dma_wait3A_102 = arith.constant 0 : i32
        %dma_wait3A_103 = tpu.memref_slice %arg12[%dma_wait3A_101, %dma_wait3A_102] : memref<10000x64xf32, #tpu.memory_space<vmem_shared>> -> memref<128x64xf32, #tpu.memory_space<vmem_shared>>
        %dma_wait3A_104 = arith.constant 9600 : i32
        %dma_wait3A_105 = arith.constant 0 : i32
        %dma_wait3A_106 = tpu.memref_slice %arg12[%dma_wait3A_104, %dma_wait3A_105] : memref<10000x64xf32, #tpu.memory_space<vmem_shared>> -> memref<128x64xf32, #tpu.memory_space<vmem_shared>>
        tpu.wait_dma2 semaphore(%run_scoped3A : memref<!tpu.dma_semaphore, #tpu.memory_space<semaphore_mem>>) src(%arg11 : memref<128x64xf32, #tpu.memory_space<vmem>>) dst(%dma_wait3A_106 : memref<128x64xf32, #tpu.memory_space<vmem_shared>>)
        tpu.yield
      }) : () -> ()
      "tpu.region"() ({
        %run_scoped3A = tpu.sem_alloc : memref<!tpu.dma_semaphore, #tpu.memory_space<semaphore_mem>>
        %dma_start3A_95 = arith.constant 9728 : i32
        %dma_start3A_96 = arith.constant 0 : i32
        %dma_start3A_97 = tpu.memref_slice %arg12[%dma_start3A_95, %dma_start3A_96] : memref<10000x64xf32, #tpu.memory_space<vmem_shared>> -> memref<128x64xf32, #tpu.memory_space<vmem_shared>>
        %dma_start3A_98 = arith.constant 9728 : i32
        %dma_start3A_99 = arith.constant 0 : i32
        %dma_start3A_100 = tpu.memref_slice %arg12[%dma_start3A_98, %dma_start3A_99] : memref<10000x64xf32, #tpu.memory_space<vmem_shared>> -> memref<128x64xf32, #tpu.memory_space<vmem_shared>>
        tpu.enqueue_dma source(%arg11 : memref<128x64xf32, #tpu.memory_space<vmem>>) target(%dma_start3A_100 : memref<128x64xf32, #tpu.memory_space<vmem_shared>>) target_semaphore(%run_scoped3A : memref<!tpu.dma_semaphore, #tpu.memory_space<semaphore_mem>>)
        %dma_wait3A_101 = arith.constant 9728 : i32
        %dma_wait3A_102 = arith.constant 0 : i32
        %dma_wait3A_103 = tpu.memref_slice %arg12[%dma_wait3A_101, %dma_wait3A_102] : memref<10000x64xf32, #tpu.memory_space<vmem_shared>> -> memref<128x64xf32, #tpu.memory_space<vmem_shared>>
        %dma_wait3A_104 = arith.constant 9728 : i32
        %dma_wait3A_105 = arith.constant 0 : i32
        %dma_wait3A_106 = tpu.memref_slice %arg12[%dma_wait3A_104, %dma_wait3A_105] : memref<10000x64xf32, #tpu.memory_space<vmem_shared>> -> memref<128x64xf32, #tpu.memory_space<vmem_shared>>
        tpu.wait_dma2 semaphore(%run_scoped3A : memref<!tpu.dma_semaphore, #tpu.memory_space<semaphore_mem>>) src(%arg11 : memref<128x64xf32, #tpu.memory_space<vmem>>) dst(%dma_wait3A_106 : memref<128x64xf32, #tpu.memory_space<vmem_shared>>)
        tpu.yield
      }) : () -> ()
      "tpu.region"() ({
        %run_scoped3A = tpu.sem_alloc : memref<!tpu.dma_semaphore, #tpu.memory_space<semaphore_mem>>
        %dma_start3A_95 = arith.constant 9856 : i32
        %dma_start3A_96 = arith.constant 0 : i32
        %dma_start3A_97 = tpu.memref_slice %arg12[%dma_start3A_95, %dma_start3A_96] : memref<10000x64xf32, #tpu.memory_space<vmem_shared>> -> memref<128x64xf32, #tpu.memory_space<vmem_shared>>
        %dma_start3A_98 = arith.constant 9856 : i32
        %dma_start3A_99 = arith.constant 0 : i32
        %dma_start3A_100 = tpu.memref_slice %arg12[%dma_start3A_98, %dma_start3A_99] : memref<10000x64xf32, #tpu.memory_space<vmem_shared>> -> memref<128x64xf32, #tpu.memory_space<vmem_shared>>
        tpu.enqueue_dma source(%arg11 : memref<128x64xf32, #tpu.memory_space<vmem>>) target(%dma_start3A_100 : memref<128x64xf32, #tpu.memory_space<vmem_shared>>) target_semaphore(%run_scoped3A : memref<!tpu.dma_semaphore, #tpu.memory_space<semaphore_mem>>)
        %dma_wait3A_101 = arith.constant 9856 : i32
        %dma_wait3A_102 = arith.constant 0 : i32
        %dma_wait3A_103 = tpu.memref_slice %arg12[%dma_wait3A_101, %dma_wait3A_102] : memref<10000x64xf32, #tpu.memory_space<vmem_shared>> -> memref<128x64xf32, #tpu.memory_space<vmem_shared>>
        %dma_wait3A_104 = arith.constant 9856 : i32
        %dma_wait3A_105 = arith.constant 0 : i32
        %dma_wait3A_106 = tpu.memref_slice %arg12[%dma_wait3A_104, %dma_wait3A_105] : memref<10000x64xf32, #tpu.memory_space<vmem_shared>> -> memref<128x64xf32, #tpu.memory_space<vmem_shared>>
        tpu.wait_dma2 semaphore(%run_scoped3A : memref<!tpu.dma_semaphore, #tpu.memory_space<semaphore_mem>>) src(%arg11 : memref<128x64xf32, #tpu.memory_space<vmem>>) dst(%dma_wait3A_106 : memref<128x64xf32, #tpu.memory_space<vmem_shared>>)
        tpu.yield
      }) : () -> ()
      "tpu.region"() ({
        %run_scoped3A = tpu.sem_alloc : memref<!tpu.dma_semaphore, #tpu.memory_space<semaphore_mem>>
        %dma_start3A_95 = arith.constant 0 : i32
        %dma_start3A_96 = arith.constant 0 : i32
        %dma_start3A_97 = tpu.memref_slice %arg11[%dma_start3A_95, %dma_start3A_96] : memref<128x64xf32, #tpu.memory_space<vmem>> -> memref<16x64xf32, #tpu.memory_space<vmem>>
        %dma_start3A_98 = arith.constant 9984 : i32
        %dma_start3A_99 = arith.constant 0 : i32
        %dma_start3A_100 = tpu.memref_slice %arg12[%dma_start3A_98, %dma_start3A_99] : memref<10000x64xf32, #tpu.memory_space<vmem_shared>> -> memref<16x64xf32, #tpu.memory_space<vmem_shared>>
        %dma_start3A_101 = arith.constant 9984 : i32
        %dma_start3A_102 = arith.constant 0 : i32
        %dma_start3A_103 = tpu.memref_slice %arg12[%dma_start3A_101, %dma_start3A_102] : memref<10000x64xf32, #tpu.memory_space<vmem_shared>> -> memref<16x64xf32, #tpu.memory_space<vmem_shared>>
        %dma_start3A_104 = arith.constant 0 : i32
        %dma_start3A_105 = arith.constant 0 : i32
        %dma_start3A_106 = tpu.memref_slice %arg11[%dma_start3A_104, %dma_start3A_105] : memref<128x64xf32, #tpu.memory_space<vmem>> -> memref<16x64xf32, #tpu.memory_space<vmem>>
        tpu.enqueue_dma source(%dma_start3A_106 : memref<16x64xf32, #tpu.memory_space<vmem>>) target(%dma_start3A_103 : memref<16x64xf32, #tpu.memory_space<vmem_shared>>) target_semaphore(%run_scoped3A : memref<!tpu.dma_semaphore, #tpu.memory_space<semaphore_mem>>)
        %dma_wait3A_107 = arith.constant 0 : i32
        %dma_wait3A_108 = arith.constant 0 : i32
        %dma_wait3A_109 = tpu.memref_slice %arg11[%dma_wait3A_107, %dma_wait3A_108] : memref<128x64xf32, #tpu.memory_space<vmem>> -> memref<16x64xf32, #tpu.memory_space<vmem>>
        %dma_wait3A_110 = arith.constant 9984 : i32
        %dma_wait3A_111 = arith.constant 0 : i32
        %dma_wait3A_112 = tpu.memref_slice %arg12[%dma_wait3A_110, %dma_wait3A_111] : memref<10000x64xf32, #tpu.memory_space<vmem_shared>> -> memref<16x64xf32, #tpu.memory_space<vmem_shared>>
        %dma_wait3A_113 = arith.constant 9984 : i32
        %dma_wait3A_114 = arith.constant 0 : i32
        %dma_wait3A_115 = tpu.memref_slice %arg12[%dma_wait3A_113, %dma_wait3A_114] : memref<10000x64xf32, #tpu.memory_space<vmem_shared>> -> memref<16x64xf32, #tpu.memory_space<vmem_shared>>
        %dma_wait3A_116 = arith.constant 0 : i32
        %dma_wait3A_117 = arith.constant 0 : i32
        %dma_wait3A_118 = tpu.memref_slice %arg11[%dma_wait3A_116, %dma_wait3A_117] : memref<128x64xf32, #tpu.memory_space<vmem>> -> memref<16x64xf32, #tpu.memory_space<vmem>>
        tpu.wait_dma2 semaphore(%run_scoped3A : memref<!tpu.dma_semaphore, #tpu.memory_space<semaphore_mem>>) src(%dma_wait3A_118 : memref<16x64xf32, #tpu.memory_space<vmem>>) dst(%dma_wait3A_115 : memref<16x64xf32, #tpu.memory_space<vmem_shared>>)
        tpu.yield
      }) : () -> ()
    } else {
    }
    "tpu.region"() ({
      %run_scoped3A = tpu.sem_alloc : memref<!tpu.dma_semaphore, #tpu.memory_space<semaphore_mem>>
      %dma_start3A_95 = arith.constant 0 : i32
      %dma_start3A_96 = arith.constant 0 : i32
      %dma_start3A_97 = tpu.memref_slice %arg3[%add3A, %dma_start3A_95, %dma_start3A_96] : memref<32x79x128xi32, #tpu.memory_space<hbm>> -> memref<1x79x128xi32, #tpu.memory_space<hbm>>
      %dma_start3A_98 = tpu.memref_squeeze %dma_start3A_97 : memref<1x79x128xi32, #tpu.memory_space<hbm>> -> memref<79x128xi32, #tpu.memory_space<hbm>>
      %dma_start3A_99 = arith.constant 0 : i32
      %dma_start3A_100 = arith.constant 0 : i32
      %dma_start3A_101 = tpu.memref_slice %arg3[%add3A, %dma_start3A_99, %dma_start3A_100] : memref<32x79x128xi32, #tpu.memory_space<hbm>> -> memref<1x79x128xi32, #tpu.memory_space<hbm>>
      %dma_start3A_102 = tpu.memref_squeeze %dma_start3A_101 : memref<1x79x128xi32, #tpu.memory_space<hbm>> -> memref<79x128xi32, #tpu.memory_space<hbm>>
      tpu.enqueue_dma source(%dma_start3A_102 : memref<79x128xi32, #tpu.memory_space<hbm>>) target(%arg7 : memref<79x128xi32, #tpu.memory_space<vmem>>) target_semaphore(%run_scoped3A : memref<!tpu.dma_semaphore, #tpu.memory_space<semaphore_mem>>)
      %dma_wait3A_103 = arith.constant 0 : i32
      %dma_wait3A_104 = arith.constant 0 : i32
      %dma_wait3A_105 = tpu.memref_slice %arg3[%add3A, %dma_wait3A_103, %dma_wait3A_104] : memref<32x79x128xi32, #tpu.memory_space<hbm>> -> memref<1x79x128xi32, #tpu.memory_space<hbm>>
      %dma_wait3A_106 = tpu.memref_squeeze %dma_wait3A_105 : memref<1x79x128xi32, #tpu.memory_space<hbm>> -> memref<79x128xi32, #tpu.memory_space<hbm>>
      %dma_wait3A_107 = arith.constant 0 : i32
      %dma_wait3A_108 = arith.constant 0 : i32
      %dma_wait3A_109 = tpu.memref_slice %arg3[%add3A, %dma_wait3A_107, %dma_wait3A_108] : memref<32x79x128xi32, #tpu.memory_space<hbm>> -> memref<1x79x128xi32, #tpu.memory_space<hbm>>
      %dma_wait3A_110 = tpu.memref_squeeze %dma_wait3A_109 : memref<1x79x128xi32, #tpu.memory_space<hbm>> -> memref<79x128xi32, #tpu.memory_space<hbm>>
      tpu.wait_dma2 semaphore(%run_scoped3A : memref<!tpu.dma_semaphore, #tpu.memory_space<semaphore_mem>>) src(%dma_wait3A_110 : memref<79x128xi32, #tpu.memory_space<hbm>>) dst(%arg7 : memref<79x128xi32, #tpu.memory_space<vmem>>)
      tpu.yield
    }) : () -> ()
    "tpu.region"() ({
      %run_scoped3A = tpu.sem_alloc : memref<!tpu.dma_semaphore, #tpu.memory_space<semaphore_mem>>
      %dma_start3A_95 = arith.constant 0 : i32
      %dma_start3A_96 = arith.constant 0 : i32
      %dma_start3A_97 = tpu.memref_slice %arg4[%add3A, %dma_start3A_95, %dma_start3A_96] : memref<32x79x128xi32, #tpu.memory_space<hbm>> -> memref<1x79x128xi32, #tpu.memory_space<hbm>>
      %dma_start3A_98 = tpu.memref_squeeze %dma_start3A_97 : memref<1x79x128xi32, #tpu.memory_space<hbm>> -> memref<79x128xi32, #tpu.memory_space<hbm>>
      %dma_start3A_99 = arith.constant 0 : i32
      %dma_start3A_100 = arith.constant 0 : i32
      %dma_start3A_101 = tpu.memref_slice %arg4[%add3A, %dma_start3A_99, %dma_start3A_100] : memref<32x79x128xi32, #tpu.memory_space<hbm>> -> memref<1x79x128xi32, #tpu.memory_space<hbm>>
      %dma_start3A_102 = tpu.memref_squeeze %dma_start3A_101 : memref<1x79x128xi32, #tpu.memory_space<hbm>> -> memref<79x128xi32, #tpu.memory_space<hbm>>
      tpu.enqueue_dma source(%dma_start3A_102 : memref<79x128xi32, #tpu.memory_space<hbm>>) target(%arg8 : memref<79x128xi32, #tpu.memory_space<vmem>>) target_semaphore(%run_scoped3A : memref<!tpu.dma_semaphore, #tpu.memory_space<semaphore_mem>>)
      %dma_wait3A_103 = arith.constant 0 : i32
      %dma_wait3A_104 = arith.constant 0 : i32
      %dma_wait3A_105 = tpu.memref_slice %arg4[%add3A, %dma_wait3A_103, %dma_wait3A_104] : memref<32x79x128xi32, #tpu.memory_space<hbm>> -> memref<1x79x128xi32, #tpu.memory_space<hbm>>
      %dma_wait3A_106 = tpu.memref_squeeze %dma_wait3A_105 : memref<1x79x128xi32, #tpu.memory_space<hbm>> -> memref<79x128xi32, #tpu.memory_space<hbm>>
      %dma_wait3A_107 = arith.constant 0 : i32
      %dma_wait3A_108 = arith.constant 0 : i32
      %dma_wait3A_109 = tpu.memref_slice %arg4[%add3A, %dma_wait3A_107, %dma_wait3A_108] : memref<32x79x128xi32, #tpu.memory_space<hbm>> -> memref<1x79x128xi32, #tpu.memory_space<hbm>>
      %dma_wait3A_110 = tpu.memref_squeeze %dma_wait3A_109 : memref<1x79x128xi32, #tpu.memory_space<hbm>> -> memref<79x128xi32, #tpu.memory_space<hbm>>
      tpu.wait_dma2 semaphore(%run_scoped3A : memref<!tpu.dma_semaphore, #tpu.memory_space<semaphore_mem>>) src(%dma_wait3A_110 : memref<79x128xi32, #tpu.memory_space<hbm>>) dst(%arg8 : memref<79x128xi32, #tpu.memory_space<vmem>>)
      tpu.yield
    }) : () -> ()
    "tpu.region"() ({
      %run_scoped3A = tpu.sem_alloc : memref<!tpu.dma_semaphore, #tpu.memory_space<semaphore_mem>>
      %dma_start3A_95 = arith.constant 0 : i32
      %dma_start3A_96 = arith.constant 0 : i32
      %dma_start3A_97 = tpu.memref_slice %arg5[%add3A, %dma_start3A_95, %dma_start3A_96] : memref<32x79x128xf32, #tpu.memory_space<hbm>> -> memref<1x79x128xf32, #tpu.memory_space<hbm>>
      %dma_start3A_98 = tpu.memref_squeeze %dma_start3A_97 : memref<1x79x128xf32, #tpu.memory_space<hbm>> -> memref<79x128xf32, #tpu.memory_space<hbm>>
      %dma_start3A_99 = arith.constant 0 : i32
      %dma_start3A_100 = arith.constant 0 : i32
      %dma_start3A_101 = tpu.memref_slice %arg5[%add3A, %dma_start3A_99, %dma_start3A_100] : memref<32x79x128xf32, #tpu.memory_space<hbm>> -> memref<1x79x128xf32, #tpu.memory_space<hbm>>
      %dma_start3A_102 = tpu.memref_squeeze %dma_start3A_101 : memref<1x79x128xf32, #tpu.memory_space<hbm>> -> memref<79x128xf32, #tpu.memory_space<hbm>>
      tpu.enqueue_dma source(%dma_start3A_102 : memref<79x128xf32, #tpu.memory_space<hbm>>) target(%arg9 : memref<79x128xf32, #tpu.memory_space<vmem>>) target_semaphore(%run_scoped3A : memref<!tpu.dma_semaphore, #tpu.memory_space<semaphore_mem>>)
      %dma_wait3A_103 = arith.constant 0 : i32
      %dma_wait3A_104 = arith.constant 0 : i32
      %dma_wait3A_105 = tpu.memref_slice %arg5[%add3A, %dma_wait3A_103, %dma_wait3A_104] : memref<32x79x128xf32, #tpu.memory_space<hbm>> -> memref<1x79x128xf32, #tpu.memory_space<hbm>>
      %dma_wait3A_106 = tpu.memref_squeeze %dma_wait3A_105 : memref<1x79x128xf32, #tpu.memory_space<hbm>> -> memref<79x128xf32, #tpu.memory_space<hbm>>
      %dma_wait3A_107 = arith.constant 0 : i32
      %dma_wait3A_108 = arith.constant 0 : i32
      %dma_wait3A_109 = tpu.memref_slice %arg5[%add3A, %dma_wait3A_107, %dma_wait3A_108] : memref<32x79x128xf32, #tpu.memory_space<hbm>> -> memref<1x79x128xf32, #tpu.memory_space<hbm>>
      %dma_wait3A_110 = tpu.memref_squeeze %dma_wait3A_109 : memref<1x79x128xf32, #tpu.memory_space<hbm>> -> memref<79x128xf32, #tpu.memory_space<hbm>>
      tpu.wait_dma2 semaphore(%run_scoped3A : memref<!tpu.dma_semaphore, #tpu.memory_space<semaphore_mem>>) src(%dma_wait3A_110 : memref<79x128xf32, #tpu.memory_space<hbm>>) dst(%arg9 : memref<79x128xf32, #tpu.memory_space<vmem>>)
      tpu.yield
    }) : () -> ()
    %barrier3A = arith.constant 0 : index
    tpu.barrier barrier_id(%barrier3A)
    %dma_start3A = arith.constant 0 : i32
    %dma_start3A_13 = arith.constant 0 : i32
    %dma_start3A_14 = arith.constant 0 : i32
    %dma_start3A_15 = arith.constant 0 : i32
    %dma_start3A_16 = tpu.memref_slice %arg10[%dma_start3A_14, %dma_start3A_15] : memref<640x64xf32, #tpu.memory_space<vmem>> -> memref<128x64xf32, #tpu.memory_space<vmem>>
    %dma_start3A_17 = arith.constant 0 : i32
    %dma_start3A_18 = tpu.memref_slice %arg7[%dma_start3A, %dma_start3A_17] : memref<79x128xi32, #tpu.memory_space<vmem>> -> memref<1x128xi32, #tpu.memory_space<vmem>>
    %dma_start3A_19 = tpu.memref_squeeze %dma_start3A_18 : memref<1x128xi32, #tpu.memory_space<vmem>> -> memref<128xi32, #tpu.memory_space<vmem>>
    %dma_start3A_20 = arith.constant 0 : i32
    %dma_start3A_21 = arith.constant 0 : i32
    %dma_start3A_22 = tpu.memref_slice %arg2[%dma_start3A_20, %dma_start3A_21] : memref<10000x64xf32, #tpu.memory_space<hbm>> -> memref<10000x64xf32, #tpu.memory_space<hbm>>
    %dma_start3A_23 = tpu.memref_slice %arg13[%dma_start3A_13] : memref<5x!tpu.dma_semaphore, #tpu.memory_space<semaphore_mem>> -> memref<1x!tpu.dma_semaphore, #tpu.memory_space<semaphore_mem>>
    %dma_start3A_24 = tpu.memref_squeeze %dma_start3A_23 : memref<1x!tpu.dma_semaphore, #tpu.memory_space<semaphore_mem>> -> memref<!tpu.dma_semaphore, #tpu.memory_space<semaphore_mem>>
    tpu.enqueue_indirect_dma source(%dma_start3A_22 : memref<10000x64xf32, #tpu.memory_space<hbm>>) target(%dma_start3A_16 : memref<128x64xf32, #tpu.memory_space<vmem>>) offsets(%dma_start3A_19 : memref<128xi32, #tpu.memory_space<vmem>>) semaphore(%dma_start3A_24 : memref<!tpu.dma_semaphore, #tpu.memory_space<semaphore_mem>>)
    %dma_start3A_25 = arith.constant 1 : i32
    %dma_start3A_26 = arith.constant 1 : i32
    %dma_start3A_27 = arith.constant 128 : i32
    %dma_start3A_28 = arith.constant 0 : i32
    %dma_start3A_29 = tpu.memref_slice %arg10[%dma_start3A_27, %dma_start3A_28] : memref<640x64xf32, #tpu.memory_space<vmem>> -> memref<128x64xf32, #tpu.memory_space<vmem>>
    %dma_start3A_30 = arith.constant 0 : i32
    %dma_start3A_31 = tpu.memref_slice %arg7[%dma_start3A_25, %dma_start3A_30] : memref<79x128xi32, #tpu.memory_space<vmem>> -> memref<1x128xi32, #tpu.memory_space<vmem>>
    %dma_start3A_32 = tpu.memref_squeeze %dma_start3A_31 : memref<1x128xi32, #tpu.memory_space<vmem>> -> memref<128xi32, #tpu.memory_space<vmem>>
    %dma_start3A_33 = arith.constant 0 : i32
    %dma_start3A_34 = arith.constant 0 : i32
    %dma_start3A_35 = tpu.memref_slice %arg2[%dma_start3A_33, %dma_start3A_34] : memref<10000x64xf32, #tpu.memory_space<hbm>> -> memref<10000x64xf32, #tpu.memory_space<hbm>>
    %dma_start3A_36 = tpu.memref_slice %arg13[%dma_start3A_26] : memref<5x!tpu.dma_semaphore, #tpu.memory_space<semaphore_mem>> -> memref<1x!tpu.dma_semaphore, #tpu.memory_space<semaphore_mem>>
    %dma_start3A_37 = tpu.memref_squeeze %dma_start3A_36 : memref<1x!tpu.dma_semaphore, #tpu.memory_space<semaphore_mem>> -> memref<!tpu.dma_semaphore, #tpu.memory_space<semaphore_mem>>
    tpu.enqueue_indirect_dma source(%dma_start3A_35 : memref<10000x64xf32, #tpu.memory_space<hbm>>) target(%dma_start3A_29 : memref<128x64xf32, #tpu.memory_space<vmem>>) offsets(%dma_start3A_32 : memref<128xi32, #tpu.memory_space<vmem>>) semaphore(%dma_start3A_37 : memref<!tpu.dma_semaphore, #tpu.memory_space<semaphore_mem>>)
    %dma_start3A_38 = arith.constant 2 : i32
    %dma_start3A_39 = arith.constant 2 : i32
    %dma_start3A_40 = arith.constant 256 : i32
    %dma_start3A_41 = arith.constant 0 : i32
    %dma_start3A_42 = tpu.memref_slice %arg10[%dma_start3A_40, %dma_start3A_41] : memref<640x64xf32, #tpu.memory_space<vmem>> -> memref<128x64xf32, #tpu.memory_space<vmem>>
    %dma_start3A_43 = arith.constant 0 : i32
    %dma_start3A_44 = tpu.memref_slice %arg7[%dma_start3A_38, %dma_start3A_43] : memref<79x128xi32, #tpu.memory_space<vmem>> -> memref<1x128xi32, #tpu.memory_space<vmem>>
    %dma_start3A_45 = tpu.memref_squeeze %dma_start3A_44 : memref<1x128xi32, #tpu.memory_space<vmem>> -> memref<128xi32, #tpu.memory_space<vmem>>
    %dma_start3A_46 = arith.constant 0 : i32
    %dma_start3A_47 = arith.constant 0 : i32
    %dma_start3A_48 = tpu.memref_slice %arg2[%dma_start3A_46, %dma_start3A_47] : memref<10000x64xf32, #tpu.memory_space<hbm>> -> memref<10000x64xf32, #tpu.memory_space<hbm>>
    %dma_start3A_49 = tpu.memref_slice %arg13[%dma_start3A_39] : memref<5x!tpu.dma_semaphore, #tpu.memory_space<semaphore_mem>> -> memref<1x!tpu.dma_semaphore, #tpu.memory_space<semaphore_mem>>
    %dma_start3A_50 = tpu.memref_squeeze %dma_start3A_49 : memref<1x!tpu.dma_semaphore, #tpu.memory_space<semaphore_mem>> -> memref<!tpu.dma_semaphore, #tpu.memory_space<semaphore_mem>>
    tpu.enqueue_indirect_dma source(%dma_start3A_48 : memref<10000x64xf32, #tpu.memory_space<hbm>>) target(%dma_start3A_42 : memref<128x64xf32, #tpu.memory_space<vmem>>) offsets(%dma_start3A_45 : memref<128xi32, #tpu.memory_space<vmem>>) semaphore(%dma_start3A_50 : memref<!tpu.dma_semaphore, #tpu.memory_space<semaphore_mem>>)
    %scan3A_51 = arith.constant 0 : i32
    %scan3A_52 = arith.constant 3 : i32
    %scan3A_53 = arith.constant 0 : i32
    %scan3A_54 = arith.constant 79 : i32
    %scan3A_55 = arith.addi %scan3A_53, %scan3A_54 : i32
    %scan3A_56 = arith.constant 1 : i32
    %scan3A_57:2 = scf.for %scan3A_95 = %scan3A_53 to %scan3A_55 step %scan3A_56 iter_args(%scan3A_96 = %scan3A_51, %scan3A_97 = %scan3A_52) -> (i32, i32)  : i32 {
      %ge3A = arith.constant 2 : i32
      %ge3A_98 = arith.cmpi sge, %scan3A_95, %ge3A : i32
      %convert_element_type3A_99 = arith.extui %ge3A_98 : i1 to i32
      %cond3A_100 = arith.constant 0 : i32
      %cond3A_101 = arith.cmpi ne, %convert_element_type3A_99, %cond3A_100 : i32
      scf.if %cond3A_101 {
        %sub3A = arith.constant 2 : i32
        %sub3A_152 = arith.subi %scan3A_95, %sub3A : i32
        %mul3A_153 = arith.constant 128 : i32
        %mul3A_154 = arith.muli %scan3A_97, %mul3A_153 : i32
        %dma_wait3A_155 = arith.constant 0 : i32
        %dma_wait3A_156 = tpu.memref_slice %arg10[%mul3A_154, %dma_wait3A_155] : memref<640x64xf32, #tpu.memory_space<vmem>> -> memref<128x64xf32, #tpu.memory_space<vmem>>
        %dma_wait3A_157 = arith.constant 0 : i32
        %dma_wait3A_158 = tpu.memref_slice %arg8[%sub3A_152, %dma_wait3A_157] : memref<79x128xi32, #tpu.memory_space<vmem>> -> memref<1x128xi32, #tpu.memory_space<vmem>>
        %dma_wait3A_159 = tpu.memref_squeeze %dma_wait3A_158 : memref<1x128xi32, #tpu.memory_space<vmem>> -> memref<128xi32, #tpu.memory_space<vmem>>
        %dma_wait3A_160 = arith.constant 0 : i32
        %dma_wait3A_161 = arith.constant 0 : i32
        %dma_wait3A_162 = tpu.memref_slice %arg12[%dma_wait3A_160, %dma_wait3A_161] : memref<10000x64xf32, #tpu.memory_space<vmem_shared>> -> memref<10000x64xf32, #tpu.memory_space<vmem_shared>>
        %dma_wait3A_163 = tpu.memref_slice %arg14[%scan3A_97] : memref<5x!tpu.dma_semaphore, #tpu.memory_space<semaphore_mem>> -> memref<1x!tpu.dma_semaphore, #tpu.memory_space<semaphore_mem>>
        %dma_wait3A_164 = tpu.memref_squeeze %dma_wait3A_163 : memref<1x!tpu.dma_semaphore, #tpu.memory_space<semaphore_mem>> -> memref<!tpu.dma_semaphore, #tpu.memory_space<semaphore_mem>>
        tpu.wait_indirect_dma semaphore(%dma_wait3A_164 : memref<!tpu.dma_semaphore, #tpu.memory_space<semaphore_mem>>) src(%dma_wait3A_156 : memref<128x64xf32, #tpu.memory_space<vmem>>) dst(%dma_wait3A_162 : memref<10000x64xf32, #tpu.memory_space<vmem_shared>>)
      } else {
      }
      %add3A_102 = arith.constant 3 : i32
      %add3A_103 = arith.addi %scan3A_95, %add3A_102 : i32
      %lt3A_104 = arith.constant 79 : i32
      %lt3A_105 = arith.cmpi slt, %add3A_103, %lt3A_104 : i32
      %convert_element_type3A_106 = arith.extui %lt3A_105 : i1 to i32
      %cond3A_107 = arith.constant 0 : i32
      %cond3A_108 = arith.cmpi ne, %convert_element_type3A_106, %cond3A_107 : i32
      scf.if %cond3A_108 {
        %add3A_152 = arith.constant 3 : i32
        %add3A_153 = arith.addi %scan3A_95, %add3A_152 : i32
        %mul3A_154 = arith.constant 128 : i32
        %mul3A_155 = arith.muli %scan3A_97, %mul3A_154 : i32
        %dma_start3A_156 = arith.constant 0 : i32
        %dma_start3A_157 = tpu.memref_slice %arg10[%mul3A_155, %dma_start3A_156] : memref<640x64xf32, #tpu.memory_space<vmem>> -> memref<128x64xf32, #tpu.memory_space<vmem>>
        %dma_start3A_158 = arith.constant 0 : i32
        %dma_start3A_159 = tpu.memref_slice %arg7[%add3A_153, %dma_start3A_158] : memref<79x128xi32, #tpu.memory_space<vmem>> -> memref<1x128xi32, #tpu.memory_space<vmem>>
        %dma_start3A_160 = tpu.memref_squeeze %dma_start3A_159 : memref<1x128xi32, #tpu.memory_space<vmem>> -> memref<128xi32, #tpu.memory_space<vmem>>
        %dma_start3A_161 = arith.constant 0 : i32
        %dma_start3A_162 = arith.constant 0 : i32
        %dma_start3A_163 = tpu.memref_slice %arg2[%dma_start3A_161, %dma_start3A_162] : memref<10000x64xf32, #tpu.memory_space<hbm>> -> memref<10000x64xf32, #tpu.memory_space<hbm>>
        %dma_start3A_164 = tpu.memref_slice %arg13[%scan3A_97] : memref<5x!tpu.dma_semaphore, #tpu.memory_space<semaphore_mem>> -> memref<1x!tpu.dma_semaphore, #tpu.memory_space<semaphore_mem>>
        %dma_start3A_165 = tpu.memref_squeeze %dma_start3A_164 : memref<1x!tpu.dma_semaphore, #tpu.memory_space<semaphore_mem>> -> memref<!tpu.dma_semaphore, #tpu.memory_space<semaphore_mem>>
        tpu.enqueue_indirect_dma source(%dma_start3A_163 : memref<10000x64xf32, #tpu.memory_space<hbm>>) target(%dma_start3A_157 : memref<128x64xf32, #tpu.memory_space<vmem>>) offsets(%dma_start3A_160 : memref<128xi32, #tpu.memory_space<vmem>>) semaphore(%dma_start3A_165 : memref<!tpu.dma_semaphore, #tpu.memory_space<semaphore_mem>>)
      } else {
      }
      %mul3A_109 = arith.constant 128 : i32
      %mul3A_110 = arith.muli %scan3A_96, %mul3A_109 : i32
      %dma_wait3A_111 = arith.constant 0 : i32
      %dma_wait3A_112 = tpu.memref_slice %arg10[%mul3A_110, %dma_wait3A_111] : memref<640x64xf32, #tpu.memory_space<vmem>> -> memref<128x64xf32, #tpu.memory_space<vmem>>
      %dma_wait3A_113 = arith.constant 0 : i32
      %dma_wait3A_114 = tpu.memref_slice %arg7[%scan3A_95, %dma_wait3A_113] : memref<79x128xi32, #tpu.memory_space<vmem>> -> memref<1x128xi32, #tpu.memory_space<vmem>>
      %dma_wait3A_115 = tpu.memref_squeeze %dma_wait3A_114 : memref<1x128xi32, #tpu.memory_space<vmem>> -> memref<128xi32, #tpu.memory_space<vmem>>
      %dma_wait3A_116 = arith.constant 0 : i32
      %dma_wait3A_117 = arith.constant 0 : i32
      %dma_wait3A_118 = tpu.memref_slice %arg2[%dma_wait3A_116, %dma_wait3A_117] : memref<10000x64xf32, #tpu.memory_space<hbm>> -> memref<10000x64xf32, #tpu.memory_space<hbm>>
      %dma_wait3A_119 = tpu.memref_slice %arg13[%scan3A_96] : memref<5x!tpu.dma_semaphore, #tpu.memory_space<semaphore_mem>> -> memref<1x!tpu.dma_semaphore, #tpu.memory_space<semaphore_mem>>
      %dma_wait3A_120 = tpu.memref_squeeze %dma_wait3A_119 : memref<1x!tpu.dma_semaphore, #tpu.memory_space<semaphore_mem>> -> memref<!tpu.dma_semaphore, #tpu.memory_space<semaphore_mem>>
      tpu.wait_indirect_dma semaphore(%dma_wait3A_120 : memref<!tpu.dma_semaphore, #tpu.memory_space<semaphore_mem>>) src(%dma_wait3A_118 : memref<10000x64xf32, #tpu.memory_space<hbm>>) dst(%dma_wait3A_112 : memref<128x64xf32, #tpu.memory_space<vmem>>)
      %mul3A_121 = arith.constant 128 : i32
      %mul3A_122 = arith.muli %scan3A_96, %mul3A_121 : i32
      %scan3A_123 = arith.constant 0 : i32
      %scan3A_124 = arith.constant 0 : i32
      %scan3A_125 = arith.constant 8 : i32
      %scan3A_126 = arith.addi %scan3A_124, %scan3A_125 : i32
      %scan3A_127 = arith.constant 1 : i32
      %scan3A_128 = scf.for %scan3A_152 = %scan3A_124 to %scan3A_126 step %scan3A_127 iter_args(%scan3A_153 = %scan3A_123) -> (i32)  : i32 {
        %mul3A_154 = arith.constant 16 : i32
        %mul3A_155 = arith.muli %scan3A_152, %mul3A_154 : i32
        %get3A = arith.index_cast %scan3A_95 : i32 to index
        %get3A_156 = arith.index_cast %mul3A_155 : i32 to index
        %get3A_157 = tpu.vector_load %arg9[%get3A, %get3A_156] {strides = array<i32>} : memref<79x128xf32, #tpu.memory_space<vmem>>, vector<1x16xf32>,
        %get3A_158 = vector.shape_cast %get3A_157 : vector<1x16xf32> to vector<16xf32>
        %mul3A_159 = arith.constant 16 : i32
        %mul3A_160 = arith.muli %scan3A_152, %mul3A_159 : i32
        %add3A_161 = arith.addi %mul3A_122, %mul3A_160 : i32
        %add3A_162 = arith.constant 0 : i32
        %add3A_163 = arith.addi %add3A_161, %add3A_162 : i32
        %broadcast_in_dim3A = arith.constant 0 : i32
        %broadcast_in_dim3A_164 = vector.broadcast %broadcast_in_dim3A : i32 to vector<16x1xi32>
        %gather3A = vector.shape_cast %broadcast_in_dim3A_164 : vector<16x1xi32> to vector<16xi32>
        %gather3A_165 = tpu.dynamic_gather %get3A_158[%gather3A] in [0] : vector<16xf32>, vector<16xi32> -> vector<16xf32>
        %get3A_166 = arith.index_cast %add3A_163 : i32 to index
        %get3A_167 = arith.constant 0 : index
        %get3A_168 = tpu.vector_load %arg10[%get3A_166, %get3A_167] {strides = array<i32>} : memref<640x64xf32, #tpu.memory_space<vmem>>, vector<1x16xf32>,
        %get3A_169 = vector.shape_cast %get3A_168 : vector<1x16xf32> to vector<16xf32>
        %mul3A_170 = arith.mulf %get3A_169, %gather3A_165 : vector<16xf32>
        %swap3A = arith.index_cast %add3A_163 : i32 to index
        %swap3A_171 = arith.constant 0 : index
        %swap3A_172 = tpu.vector_load %arg10[%swap3A, %swap3A_171] {strides = array<i32>} : memref<640x64xf32, #tpu.memory_space<vmem>>, vector<1x16xf32>,
        %swap3A_173 = vector.shape_cast %swap3A_172 : vector<1x16xf32> to vector<16xf32>
        %swap3A_174 = vector.shape_cast %mul3A_170 : vector<16xf32> to vector<1x16xf32>
        tpu.vector_store %arg10[%swap3A, %swap3A_171], %swap3A_174 {strides = array<i32>} : memref<640x64xf32, #tpu.memory_space<vmem>>, vector<1x16xf32>,
        %get3A_175 = arith.index_cast %add3A_163 : i32 to index
        %get3A_176 = arith.constant 16 : index
        %get3A_177 = tpu.vector_load %arg10[%get3A_175, %get3A_176] {strides = array<i32>} : memref<640x64xf32, #tpu.memory_space<vmem>>, vector<1x16xf32>,
        %get3A_178 = vector.shape_cast %get3A_177 : vector<1x16xf32> to vector<16xf32>
        %mul3A_179 = arith.mulf %get3A_178, %gather3A_165 : vector<16xf32>
        %swap3A_180 = arith.index_cast %add3A_163 : i32 to index
        %swap3A_181 = arith.constant 16 : index
        %swap3A_182 = tpu.vector_load %arg10[%swap3A_180, %swap3A_181] {strides = array<i32>} : memref<640x64xf32, #tpu.memory_space<vmem>>, vector<1x16xf32>,
        %swap3A_183 = vector.shape_cast %swap3A_182 : vector<1x16xf32> to vector<16xf32>
        %swap3A_184 = vector.shape_cast %mul3A_179 : vector<16xf32> to vector<1x16xf32>
        tpu.vector_store %arg10[%swap3A_180, %swap3A_181], %swap3A_184 {strides = array<i32>} : memref<640x64xf32, #tpu.memory_space<vmem>>, vector<1x16xf32>,
        %get3A_185 = arith.index_cast %add3A_163 : i32 to index
        %get3A_186 = arith.constant 32 : index
        %get3A_187 = tpu.vector_load %arg10[%get3A_185, %get3A_186] {strides = array<i32>} : memref<640x64xf32, #tpu.memory_space<vmem>>, vector<1x16xf32>,
        %get3A_188 = vector.shape_cast %get3A_187 : vector<1x16xf32> to vector<16xf32>
        %mul3A_189 = arith.mulf %get3A_188, %gather3A_165 : vector<16xf32>
        %swap3A_190 = arith.index_cast %add3A_163 : i32 to index
        %swap3A_191 = arith.constant 32 : index
        %swap3A_192 = tpu.vector_load %arg10[%swap3A_190, %swap3A_191] {strides = array<i32>} : memref<640x64xf32, #tpu.memory_space<vmem>>, vector<1x16xf32>,
        %swap3A_193 = vector.shape_cast %swap3A_192 : vector<1x16xf32> to vector<16xf32>
        %swap3A_194 = vector.shape_cast %mul3A_189 : vector<16xf32> to vector<1x16xf32>
        tpu.vector_store %arg10[%swap3A_190, %swap3A_191], %swap3A_194 {strides = array<i32>} : memref<640x64xf32, #tpu.memory_space<vmem>>, vector<1x16xf32>,
        %get3A_195 = arith.index_cast %add3A_163 : i32 to index
        %get3A_196 = arith.constant 48 : index
        %get3A_197 = tpu.vector_load %arg10[%get3A_195, %get3A_196] {strides = array<i32>} : memref<640x64xf32, #tpu.memory_space<vmem>>, vector<1x16xf32>,
        %get3A_198 = vector.shape_cast %get3A_197 : vector<1x16xf32> to vector<16xf32>
        %mul3A_199 = arith.mulf %get3A_198, %gather3A_165 : vector<16xf32>
        %swap3A_200 = arith.index_cast %add3A_163 : i32 to index
        %swap3A_201 = arith.constant 48 : index
        %swap3A_202 = tpu.vector_load %arg10[%swap3A_200, %swap3A_201] {strides = array<i32>} : memref<640x64xf32, #tpu.memory_space<vmem>>, vector<1x16xf32>,
        %swap3A_203 = vector.shape_cast %swap3A_202 : vector<1x16xf32> to vector<16xf32>
        %swap3A_204 = vector.shape_cast %mul3A_199 : vector<16xf32> to vector<1x16xf32>
        tpu.vector_store %arg10[%swap3A_200, %swap3A_201], %swap3A_204 {strides = array<i32>} : memref<640x64xf32, #tpu.memory_space<vmem>>, vector<1x16xf32>,
        %mul3A_205 = arith.constant 16 : i32
        %mul3A_206 = arith.muli %scan3A_152, %mul3A_205 : i32
        %add3A_207 = arith.addi %mul3A_122, %mul3A_206 : i32
        %add3A_208 = arith.constant 1 : i32
        %add3A_209 = arith.addi %add3A_207, %add3A_208 : i32
        %broadcast_in_dim3A_210 = arith.constant 1 : i32
        %broadcast_in_dim3A_211 = vector.broadcast %broadcast_in_dim3A_210 : i32 to vector<16x1xi32>
        %gather3A_212 = vector.shape_cast %broadcast_in_dim3A_211 : vector<16x1xi32> to vector<16xi32>
        %gather3A_213 = tpu.dynamic_gather %get3A_158[%gather3A_212] in [0] : vector<16xf32>, vector<16xi32> -> vector<16xf32>
        %get3A_214 = arith.index_cast %add3A_209 : i32 to index
        %get3A_215 = arith.constant 0 : index
        %get3A_216 = tpu.vector_load %arg10[%get3A_214, %get3A_215] {strides = array<i32>} : memref<640x64xf32, #tpu.memory_space<vmem>>, vector<1x16xf32>,
        %get3A_217 = vector.shape_cast %get3A_216 : vector<1x16xf32> to vector<16xf32>
        %mul3A_218 = arith.mulf %get3A_217, %gather3A_213 : vector<16xf32>
        %swap3A_219 = arith.index_cast %add3A_209 : i32 to index
        %swap3A_220 = arith.constant 0 : index
        %swap3A_221 = tpu.vector_load %arg10[%swap3A_219, %swap3A_220] {strides = array<i32>} : memref<640x64xf32, #tpu.memory_space<vmem>>, vector<1x16xf32>,
        %swap3A_222 = vector.shape_cast %swap3A_221 : vector<1x16xf32> to vector<16xf32>
        %swap3A_223 = vector.shape_cast %mul3A_218 : vector<16xf32> to vector<1x16xf32>
        tpu.vector_store %arg10[%swap3A_219, %swap3A_220], %swap3A_223 {strides = array<i32>} : memref<640x64xf32, #tpu.memory_space<vmem>>, vector<1x16xf32>,
        %get3A_224 = arith.index_cast %add3A_209 : i32 to index
        %get3A_225 = arith.constant 16 : index
        %get3A_226 = tpu.vector_load %arg10[%get3A_224, %get3A_225] {strides = array<i32>} : memref<640x64xf32, #tpu.memory_space<vmem>>, vector<1x16xf32>,
        %get3A_227 = vector.shape_cast %get3A_226 : vector<1x16xf32> to vector<16xf32>
        %mul3A_228 = arith.mulf %get3A_227, %gather3A_213 : vector<16xf32>
        %swap3A_229 = arith.index_cast %add3A_209 : i32 to index
        %swap3A_230 = arith.constant 16 : index
        %swap3A_231 = tpu.vector_load %arg10[%swap3A_229, %swap3A_230] {strides = array<i32>} : memref<640x64xf32, #tpu.memory_space<vmem>>, vector<1x16xf32>,
        %swap3A_232 = vector.shape_cast %swap3A_231 : vector<1x16xf32> to vector<16xf32>
        %swap3A_233 = vector.shape_cast %mul3A_228 : vector<16xf32> to vector<1x16xf32>
        tpu.vector_store %arg10[%swap3A_229, %swap3A_230], %swap3A_233 {strides = array<i32>} : memref<640x64xf32, #tpu.memory_space<vmem>>, vector<1x16xf32>,
        %get3A_234 = arith.index_cast %add3A_209 : i32 to index
        %get3A_235 = arith.constant 32 : index
        %get3A_236 = tpu.vector_load %arg10[%get3A_234, %get3A_235] {strides = array<i32>} : memref<640x64xf32, #tpu.memory_space<vmem>>, vector<1x16xf32>,
        %get3A_237 = vector.shape_cast %get3A_236 : vector<1x16xf32> to vector<16xf32>
        %mul3A_238 = arith.mulf %get3A_237, %gather3A_213 : vector<16xf32>
        %swap3A_239 = arith.index_cast %add3A_209 : i32 to index
        %swap3A_240 = arith.constant 32 : index
        %swap3A_241 = tpu.vector_load %arg10[%swap3A_239, %swap3A_240] {strides = array<i32>} : memref<640x64xf32, #tpu.memory_space<vmem>>, vector<1x16xf32>,
        %swap3A_242 = vector.shape_cast %swap3A_241 : vector<1x16xf32> to vector<16xf32>
        %swap3A_243 = vector.shape_cast %mul3A_238 : vector<16xf32> to vector<1x16xf32>
        tpu.vector_store %arg10[%swap3A_239, %swap3A_240], %swap3A_243 {strides = array<i32>} : memref<640x64xf32, #tpu.memory_space<vmem>>, vector<1x16xf32>,
        %get3A_244 = arith.index_cast %add3A_209 : i32 to index
        %get3A_245 = arith.constant 48 : index
        %get3A_246 = tpu.vector_load %arg10[%get3A_244, %get3A_245] {strides = array<i32>} : memref<640x64xf32, #tpu.memory_space<vmem>>, vector<1x16xf32>,
        %get3A_247 = vector.shape_cast %get3A_246 : vector<1x16xf32> to vector<16xf32>
        %mul3A_248 = arith.mulf %get3A_247, %gather3A_213 : vector<16xf32>
        %swap3A_249 = arith.index_cast %add3A_209 : i32 to index
        %swap3A_250 = arith.constant 48 : index
        %swap3A_251 = tpu.vector_load %arg10[%swap3A_249, %swap3A_250] {strides = array<i32>} : memref<640x64xf32, #tpu.memory_space<vmem>>, vector<1x16xf32>,
        %swap3A_252 = vector.shape_cast %swap3A_251 : vector<1x16xf32> to vector<16xf32>
        %swap3A_253 = vector.shape_cast %mul3A_248 : vector<16xf32> to vector<1x16xf32>
        tpu.vector_store %arg10[%swap3A_249, %swap3A_250], %swap3A_253 {strides = array<i32>} : memref<640x64xf32, #tpu.memory_space<vmem>>, vector<1x16xf32>,
        %mul3A_254 = arith.constant 16 : i32
        %mul3A_255 = arith.muli %scan3A_152, %mul3A_254 : i32
        %add3A_256 = arith.addi %mul3A_122, %mul3A_255 : i32
        %add3A_257 = arith.constant 2 : i32
        %add3A_258 = arith.addi %add3A_256, %add3A_257 : i32
        %broadcast_in_dim3A_259 = arith.constant 2 : i32
        %broadcast_in_dim3A_260 = vector.broadcast %broadcast_in_dim3A_259 : i32 to vector<16x1xi32>
        %gather3A_261 = vector.shape_cast %broadcast_in_dim3A_260 : vector<16x1xi32> to vector<16xi32>
        %gather3A_262 = tpu.dynamic_gather %get3A_158[%gather3A_261] in [0] : vector<16xf32>, vector<16xi32> -> vector<16xf32>
        %get3A_263 = arith.index_cast %add3A_258 : i32 to index
        %get3A_264 = arith.constant 0 : index
        %get3A_265 = tpu.vector_load %arg10[%get3A_263, %get3A_264] {strides = array<i32>} : memref<640x64xf32, #tpu.memory_space<vmem>>, vector<1x16xf32>,
        %get3A_266 = vector.shape_cast %get3A_265 : vector<1x16xf32> to vector<16xf32>
        %mul3A_267 = arith.mulf %get3A_266, %gather3A_262 : vector<16xf32>
        %swap3A_268 = arith.index_cast %add3A_258 : i32 to index
        %swap3A_269 = arith.constant 0 : index
        %swap3A_270 = tpu.vector_load %arg10[%swap3A_268, %swap3A_269] {strides = array<i32>} : memref<640x64xf32, #tpu.memory_space<vmem>>, vector<1x16xf32>,
        %swap3A_271 = vector.shape_cast %swap3A_270 : vector<1x16xf32> to vector<16xf32>
        %swap3A_272 = vector.shape_cast %mul3A_267 : vector<16xf32> to vector<1x16xf32>
        tpu.vector_store %arg10[%swap3A_268, %swap3A_269], %swap3A_272 {strides = array<i32>} : memref<640x64xf32, #tpu.memory_space<vmem>>, vector<1x16xf32>,
        %get3A_273 = arith.index_cast %add3A_258 : i32 to index
        %get3A_274 = arith.constant 16 : index
        %get3A_275 = tpu.vector_load %arg10[%get3A_273, %get3A_274] {strides = array<i32>} : memref<640x64xf32, #tpu.memory_space<vmem>>, vector<1x16xf32>,
        %get3A_276 = vector.shape_cast %get3A_275 : vector<1x16xf32> to vector<16xf32>
        %mul3A_277 = arith.mulf %get3A_276, %gather3A_262 : vector<16xf32>
        %swap3A_278 = arith.index_cast %add3A_258 : i32 to index
        %swap3A_279 = arith.constant 16 : index
        %swap3A_280 = tpu.vector_load %arg10[%swap3A_278, %swap3A_279] {strides = array<i32>} : memref<640x64xf32, #tpu.memory_space<vmem>>, vector<1x16xf32>,
        %swap3A_281 = vector.shape_cast %swap3A_280 : vector<1x16xf32> to vector<16xf32>
        %swap3A_282 = vector.shape_cast %mul3A_277 : vector<16xf32> to vector<1x16xf32>
        tpu.vector_store %arg10[%swap3A_278, %swap3A_279], %swap3A_282 {strides = array<i32>} : memref<640x64xf32, #tpu.memory_space<vmem>>, vector<1x16xf32>,
        %get3A_283 = arith.index_cast %add3A_258 : i32 to index
        %get3A_284 = arith.constant 32 : index
        %get3A_285 = tpu.vector_load %arg10[%get3A_283, %get3A_284] {strides = array<i32>} : memref<640x64xf32, #tpu.memory_space<vmem>>, vector<1x16xf32>,
        %get3A_286 = vector.shape_cast %get3A_285 : vector<1x16xf32> to vector<16xf32>
        %mul3A_287 = arith.mulf %get3A_286, %gather3A_262 : vector<16xf32>
        %swap3A_288 = arith.index_cast %add3A_258 : i32 to index
        %swap3A_289 = arith.constant 32 : index
        %swap3A_290 = tpu.vector_load %arg10[%swap3A_288, %swap3A_289] {strides = array<i32>} : memref<640x64xf32, #tpu.memory_space<vmem>>, vector<1x16xf32>,
        %swap3A_291 = vector.shape_cast %swap3A_290 : vector<1x16xf32> to vector<16xf32>
        %swap3A_292 = vector.shape_cast %mul3A_287 : vector<16xf32> to vector<1x16xf32>
        tpu.vector_store %arg10[%swap3A_288, %swap3A_289], %swap3A_292 {strides = array<i32>} : memref<640x64xf32, #tpu.memory_space<vmem>>, vector<1x16xf32>,
        %get3A_293 = arith.index_cast %add3A_258 : i32 to index
        %get3A_294 = arith.constant 48 : index
        %get3A_295 = tpu.vector_load %arg10[%get3A_293, %get3A_294] {strides = array<i32>} : memref<640x64xf32, #tpu.memory_space<vmem>>, vector<1x16xf32>,
        %get3A_296 = vector.shape_cast %get3A_295 : vector<1x16xf32> to vector<16xf32>
        %mul3A_297 = arith.mulf %get3A_296, %gather3A_262 : vector<16xf32>
        %swap3A_298 = arith.index_cast %add3A_258 : i32 to index
        %swap3A_299 = arith.constant 48 : index
        %swap3A_300 = tpu.vector_load %arg10[%swap3A_298, %swap3A_299] {strides = array<i32>} : memref<640x64xf32, #tpu.memory_space<vmem>>, vector<1x16xf32>,
        %swap3A_301 = vector.shape_cast %swap3A_300 : vector<1x16xf32> to vector<16xf32>
        %swap3A_302 = vector.shape_cast %mul3A_297 : vector<16xf32> to vector<1x16xf32>
        tpu.vector_store %arg10[%swap3A_298, %swap3A_299], %swap3A_302 {strides = array<i32>} : memref<640x64xf32, #tpu.memory_space<vmem>>, vector<1x16xf32>,
        %mul3A_303 = arith.constant 16 : i32
        %mul3A_304 = arith.muli %scan3A_152, %mul3A_303 : i32
        %add3A_305 = arith.addi %mul3A_122, %mul3A_304 : i32
        %add3A_306 = arith.constant 3 : i32
        %add3A_307 = arith.addi %add3A_305, %add3A_306 : i32
        %broadcast_in_dim3A_308 = arith.constant 3 : i32
        %broadcast_in_dim3A_309 = vector.broadcast %broadcast_in_dim3A_308 : i32 to vector<16x1xi32>
        %gather3A_310 = vector.shape_cast %broadcast_in_dim3A_309 : vector<16x1xi32> to vector<16xi32>
        %gather3A_311 = tpu.dynamic_gather %get3A_158[%gather3A_310] in [0] : vector<16xf32>, vector<16xi32> -> vector<16xf32>
        %get3A_312 = arith.index_cast %add3A_307 : i32 to index
        %get3A_313 = arith.constant 0 : index
        %get3A_314 = tpu.vector_load %arg10[%get3A_312, %get3A_313] {strides = array<i32>} : memref<640x64xf32, #tpu.memory_space<vmem>>, vector<1x16xf32>,
        %get3A_315 = vector.shape_cast %get3A_314 : vector<1x16xf32> to vector<16xf32>
        %mul3A_316 = arith.mulf %get3A_315, %gather3A_311 : vector<16xf32>
        %swap3A_317 = arith.index_cast %add3A_307 : i32 to index
        %swap3A_318 = arith.constant 0 : index
        %swap3A_319 = tpu.vector_load %arg10[%swap3A_317, %swap3A_318] {strides = array<i32>} : memref<640x64xf32, #tpu.memory_space<vmem>>, vector<1x16xf32>,
        %swap3A_320 = vector.shape_cast %swap3A_319 : vector<1x16xf32> to vector<16xf32>
        %swap3A_321 = vector.shape_cast %mul3A_316 : vector<16xf32> to vector<1x16xf32>
        tpu.vector_store %arg10[%swap3A_317, %swap3A_318], %swap3A_321 {strides = array<i32>} : memref<640x64xf32, #tpu.memory_space<vmem>>, vector<1x16xf32>,
        %get3A_322 = arith.index_cast %add3A_307 : i32 to index
        %get3A_323 = arith.constant 16 : index
        %get3A_324 = tpu.vector_load %arg10[%get3A_322, %get3A_323] {strides = array<i32>} : memref<640x64xf32, #tpu.memory_space<vmem>>, vector<1x16xf32>,
        %get3A_325 = vector.shape_cast %get3A_324 : vector<1x16xf32> to vector<16xf32>
        %mul3A_326 = arith.mulf %get3A_325, %gather3A_311 : vector<16xf32>
        %swap3A_327 = arith.index_cast %add3A_307 : i32 to index
        %swap3A_328 = arith.constant 16 : index
        %swap3A_329 = tpu.vector_load %arg10[%swap3A_327, %swap3A_328] {strides = array<i32>} : memref<640x64xf32, #tpu.memory_space<vmem>>, vector<1x16xf32>,
        %swap3A_330 = vector.shape_cast %swap3A_329 : vector<1x16xf32> to vector<16xf32>
        %swap3A_331 = vector.shape_cast %mul3A_326 : vector<16xf32> to vector<1x16xf32>
        tpu.vector_store %arg10[%swap3A_327, %swap3A_328], %swap3A_331 {strides = array<i32>} : memref<640x64xf32, #tpu.memory_space<vmem>>, vector<1x16xf32>,
        %get3A_332 = arith.index_cast %add3A_307 : i32 to index
        %get3A_333 = arith.constant 32 : index
        %get3A_334 = tpu.vector_load %arg10[%get3A_332, %get3A_333] {strides = array<i32>} : memref<640x64xf32, #tpu.memory_space<vmem>>, vector<1x16xf32>,
        %get3A_335 = vector.shape_cast %get3A_334 : vector<1x16xf32> to vector<16xf32>
        %mul3A_336 = arith.mulf %get3A_335, %gather3A_311 : vector<16xf32>
        %swap3A_337 = arith.index_cast %add3A_307 : i32 to index
        %swap3A_338 = arith.constant 32 : index
        %swap3A_339 = tpu.vector_load %arg10[%swap3A_337, %swap3A_338] {strides = array<i32>} : memref<640x64xf32, #tpu.memory_space<vmem>>, vector<1x16xf32>,
        %swap3A_340 = vector.shape_cast %swap3A_339 : vector<1x16xf32> to vector<16xf32>
        %swap3A_341 = vector.shape_cast %mul3A_336 : vector<16xf32> to vector<1x16xf32>
        tpu.vector_store %arg10[%swap3A_337, %swap3A_338], %swap3A_341 {strides = array<i32>} : memref<640x64xf32, #tpu.memory_space<vmem>>, vector<1x16xf32>,
        %get3A_342 = arith.index_cast %add3A_307 : i32 to index
        %get3A_343 = arith.constant 48 : index
        %get3A_344 = tpu.vector_load %arg10[%get3A_342, %get3A_343] {strides = array<i32>} : memref<640x64xf32, #tpu.memory_space<vmem>>, vector<1x16xf32>,
        %get3A_345 = vector.shape_cast %get3A_344 : vector<1x16xf32> to vector<16xf32>
        %mul3A_346 = arith.mulf %get3A_345, %gather3A_311 : vector<16xf32>
        %swap3A_347 = arith.index_cast %add3A_307 : i32 to index
        %swap3A_348 = arith.constant 48 : index
        %swap3A_349 = tpu.vector_load %arg10[%swap3A_347, %swap3A_348] {strides = array<i32>} : memref<640x64xf32, #tpu.memory_space<vmem>>, vector<1x16xf32>,
        %swap3A_350 = vector.shape_cast %swap3A_349 : vector<1x16xf32> to vector<16xf32>
        %swap3A_351 = vector.shape_cast %mul3A_346 : vector<16xf32> to vector<1x16xf32>
        tpu.vector_store %arg10[%swap3A_347, %swap3A_348], %swap3A_351 {strides = array<i32>} : memref<640x64xf32, #tpu.memory_space<vmem>>, vector<1x16xf32>,
        %mul3A_352 = arith.constant 16 : i32
        %mul3A_353 = arith.muli %scan3A_152, %mul3A_352 : i32
        %add3A_354 = arith.addi %mul3A_122, %mul3A_353 : i32
        %add3A_355 = arith.constant 4 : i32
        %add3A_356 = arith.addi %add3A_354, %add3A_355 : i32
        %broadcast_in_dim3A_357 = arith.constant 4 : i32
        %broadcast_in_dim3A_358 = vector.broadcast %broadcast_in_dim3A_357 : i32 to vector<16x1xi32>
        %gather3A_359 = vector.shape_cast %broadcast_in_dim3A_358 : vector<16x1xi32> to vector<16xi32>
        %gather3A_360 = tpu.dynamic_gather %get3A_158[%gather3A_359] in [0] : vector<16xf32>, vector<16xi32> -> vector<16xf32>
        %get3A_361 = arith.index_cast %add3A_356 : i32 to index
        %get3A_362 = arith.constant 0 : index
        %get3A_363 = tpu.vector_load %arg10[%get3A_361, %get3A_362] {strides = array<i32>} : memref<640x64xf32, #tpu.memory_space<vmem>>, vector<1x16xf32>,
        %get3A_364 = vector.shape_cast %get3A_363 : vector<1x16xf32> to vector<16xf32>
        %mul3A_365 = arith.mulf %get3A_364, %gather3A_360 : vector<16xf32>
        %swap3A_366 = arith.index_cast %add3A_356 : i32 to index
        %swap3A_367 = arith.constant 0 : index
        %swap3A_368 = tpu.vector_load %arg10[%swap3A_366, %swap3A_367] {strides = array<i32>} : memref<640x64xf32, #tpu.memory_space<vmem>>, vector<1x16xf32>,
        %swap3A_369 = vector.shape_cast %swap3A_368 : vector<1x16xf32> to vector<16xf32>
        %swap3A_370 = vector.shape_cast %mul3A_365 : vector<16xf32> to vector<1x16xf32>
        tpu.vector_store %arg10[%swap3A_366, %swap3A_367], %swap3A_370 {strides = array<i32>} : memref<640x64xf32, #tpu.memory_space<vmem>>, vector<1x16xf32>,
        %get3A_371 = arith.index_cast %add3A_356 : i32 to index
        %get3A_372 = arith.constant 16 : index
        %get3A_373 = tpu.vector_load %arg10[%get3A_371, %get3A_372] {strides = array<i32>} : memref<640x64xf32, #tpu.memory_space<vmem>>, vector<1x16xf32>,
        %get3A_374 = vector.shape_cast %get3A_373 : vector<1x16xf32> to vector<16xf32>
        %mul3A_375 = arith.mulf %get3A_374, %gather3A_360 : vector<16xf32>
        %swap3A_376 = arith.index_cast %add3A_356 : i32 to index
        %swap3A_377 = arith.constant 16 : index
        %swap3A_378 = tpu.vector_load %arg10[%swap3A_376, %swap3A_377] {strides = array<i32>} : memref<640x64xf32, #tpu.memory_space<vmem>>, vector<1x16xf32>,
        %swap3A_379 = vector.shape_cast %swap3A_378 : vector<1x16xf32> to vector<16xf32>
        %swap3A_380 = vector.shape_cast %mul3A_375 : vector<16xf32> to vector<1x16xf32>
        tpu.vector_store %arg10[%swap3A_376, %swap3A_377], %swap3A_380 {strides = array<i32>} : memref<640x64xf32, #tpu.memory_space<vmem>>, vector<1x16xf32>,
        %get3A_381 = arith.index_cast %add3A_356 : i32 to index
        %get3A_382 = arith.constant 32 : index
        %get3A_383 = tpu.vector_load %arg10[%get3A_381, %get3A_382] {strides = array<i32>} : memref<640x64xf32, #tpu.memory_space<vmem>>, vector<1x16xf32>,
        %get3A_384 = vector.shape_cast %get3A_383 : vector<1x16xf32> to vector<16xf32>
        %mul3A_385 = arith.mulf %get3A_384, %gather3A_360 : vector<16xf32>
        %swap3A_386 = arith.index_cast %add3A_356 : i32 to index
        %swap3A_387 = arith.constant 32 : index
        %swap3A_388 = tpu.vector_load %arg10[%swap3A_386, %swap3A_387] {strides = array<i32>} : memref<640x64xf32, #tpu.memory_space<vmem>>, vector<1x16xf32>,
        %swap3A_389 = vector.shape_cast %swap3A_388 : vector<1x16xf32> to vector<16xf32>
        %swap3A_390 = vector.shape_cast %mul3A_385 : vector<16xf32> to vector<1x16xf32>
        tpu.vector_store %arg10[%swap3A_386, %swap3A_387], %swap3A_390 {strides = array<i32>} : memref<640x64xf32, #tpu.memory_space<vmem>>, vector<1x16xf32>,
        %get3A_391 = arith.index_cast %add3A_356 : i32 to index
        %get3A_392 = arith.constant 48 : index
        %get3A_393 = tpu.vector_load %arg10[%get3A_391, %get3A_392] {strides = array<i32>} : memref<640x64xf32, #tpu.memory_space<vmem>>, vector<1x16xf32>,
        %get3A_394 = vector.shape_cast %get3A_393 : vector<1x16xf32> to vector<16xf32>
        %mul3A_395 = arith.mulf %get3A_394, %gather3A_360 : vector<16xf32>
        %swap3A_396 = arith.index_cast %add3A_356 : i32 to index
        %swap3A_397 = arith.constant 48 : index
        %swap3A_398 = tpu.vector_load %arg10[%swap3A_396, %swap3A_397] {strides = array<i32>} : memref<640x64xf32, #tpu.memory_space<vmem>>, vector<1x16xf32>,
        %swap3A_399 = vector.shape_cast %swap3A_398 : vector<1x16xf32> to vector<16xf32>
        %swap3A_400 = vector.shape_cast %mul3A_395 : vector<16xf32> to vector<1x16xf32>
        tpu.vector_store %arg10[%swap3A_396, %swap3A_397], %swap3A_400 {strides = array<i32>} : memref<640x64xf32, #tpu.memory_space<vmem>>, vector<1x16xf32>,
        %mul3A_401 = arith.constant 16 : i32
        %mul3A_402 = arith.muli %scan3A_152, %mul3A_401 : i32
        %add3A_403 = arith.addi %mul3A_122, %mul3A_402 : i32
        %add3A_404 = arith.constant 5 : i32
        %add3A_405 = arith.addi %add3A_403, %add3A_404 : i32
        %broadcast_in_dim3A_406 = arith.constant 5 : i32
        %broadcast_in_dim3A_407 = vector.broadcast %broadcast_in_dim3A_406 : i32 to vector<16x1xi32>
        %gather3A_408 = vector.shape_cast %broadcast_in_dim3A_407 : vector<16x1xi32> to vector<16xi32>
        %gather3A_409 = tpu.dynamic_gather %get3A_158[%gather3A_408] in [0] : vector<16xf32>, vector<16xi32> -> vector<16xf32>
        %get3A_410 = arith.index_cast %add3A_405 : i32 to index
        %get3A_411 = arith.constant 0 : index
        %get3A_412 = tpu.vector_load %arg10[%get3A_410, %get3A_411] {strides = array<i32>} : memref<640x64xf32, #tpu.memory_space<vmem>>, vector<1x16xf32>,
        %get3A_413 = vector.shape_cast %get3A_412 : vector<1x16xf32> to vector<16xf32>
        %mul3A_414 = arith.mulf %get3A_413, %gather3A_409 : vector<16xf32>
        %swap3A_415 = arith.index_cast %add3A_405 : i32 to index
        %swap3A_416 = arith.constant 0 : index
        %swap3A_417 = tpu.vector_load %arg10[%swap3A_415, %swap3A_416] {strides = array<i32>} : memref<640x64xf32, #tpu.memory_space<vmem>>, vector<1x16xf32>,
        %swap3A_418 = vector.shape_cast %swap3A_417 : vector<1x16xf32> to vector<16xf32>
        %swap3A_419 = vector.shape_cast %mul3A_414 : vector<16xf32> to vector<1x16xf32>
        tpu.vector_store %arg10[%swap3A_415, %swap3A_416], %swap3A_419 {strides = array<i32>} : memref<640x64xf32, #tpu.memory_space<vmem>>, vector<1x16xf32>,
        %get3A_420 = arith.index_cast %add3A_405 : i32 to index
        %get3A_421 = arith.constant 16 : index
        %get3A_422 = tpu.vector_load %arg10[%get3A_420, %get3A_421] {strides = array<i32>} : memref<640x64xf32, #tpu.memory_space<vmem>>, vector<1x16xf32>,
        %get3A_423 = vector.shape_cast %get3A_422 : vector<1x16xf32> to vector<16xf32>
        %mul3A_424 = arith.mulf %get3A_423, %gather3A_409 : vector<16xf32>
        %swap3A_425 = arith.index_cast %add3A_405 : i32 to index
        %swap3A_426 = arith.constant 16 : index
        %swap3A_427 = tpu.vector_load %arg10[%swap3A_425, %swap3A_426] {strides = array<i32>} : memref<640x64xf32, #tpu.memory_space<vmem>>, vector<1x16xf32>,
        %swap3A_428 = vector.shape_cast %swap3A_427 : vector<1x16xf32> to vector<16xf32>
        %swap3A_429 = vector.shape_cast %mul3A_424 : vector<16xf32> to vector<1x16xf32>
        tpu.vector_store %arg10[%swap3A_425, %swap3A_426], %swap3A_429 {strides = array<i32>} : memref<640x64xf32, #tpu.memory_space<vmem>>, vector<1x16xf32>,
        %get3A_430 = arith.index_cast %add3A_405 : i32 to index
        %get3A_431 = arith.constant 32 : index
        %get3A_432 = tpu.vector_load %arg10[%get3A_430, %get3A_431] {strides = array<i32>} : memref<640x64xf32, #tpu.memory_space<vmem>>, vector<1x16xf32>,
        %get3A_433 = vector.shape_cast %get3A_432 : vector<1x16xf32> to vector<16xf32>
        %mul3A_434 = arith.mulf %get3A_433, %gather3A_409 : vector<16xf32>
        %swap3A_435 = arith.index_cast %add3A_405 : i32 to index
        %swap3A_436 = arith.constant 32 : index
        %swap3A_437 = tpu.vector_load %arg10[%swap3A_435, %swap3A_436] {strides = array<i32>} : memref<640x64xf32, #tpu.memory_space<vmem>>, vector<1x16xf32>,
        %swap3A_438 = vector.shape_cast %swap3A_437 : vector<1x16xf32> to vector<16xf32>
        %swap3A_439 = vector.shape_cast %mul3A_434 : vector<16xf32> to vector<1x16xf32>
        tpu.vector_store %arg10[%swap3A_435, %swap3A_436], %swap3A_439 {strides = array<i32>} : memref<640x64xf32, #tpu.memory_space<vmem>>, vector<1x16xf32>,
        %get3A_440 = arith.index_cast %add3A_405 : i32 to index
        %get3A_441 = arith.constant 48 : index
        %get3A_442 = tpu.vector_load %arg10[%get3A_440, %get3A_441] {strides = array<i32>} : memref<640x64xf32, #tpu.memory_space<vmem>>, vector<1x16xf32>,
        %get3A_443 = vector.shape_cast %get3A_442 : vector<1x16xf32> to vector<16xf32>
        %mul3A_444 = arith.mulf %get3A_443, %gather3A_409 : vector<16xf32>
        %swap3A_445 = arith.index_cast %add3A_405 : i32 to index
        %swap3A_446 = arith.constant 48 : index
        %swap3A_447 = tpu.vector_load %arg10[%swap3A_445, %swap3A_446] {strides = array<i32>} : memref<640x64xf32, #tpu.memory_space<vmem>>, vector<1x16xf32>,
        %swap3A_448 = vector.shape_cast %swap3A_447 : vector<1x16xf32> to vector<16xf32>
        %swap3A_449 = vector.shape_cast %mul3A_444 : vector<16xf32> to vector<1x16xf32>
        tpu.vector_store %arg10[%swap3A_445, %swap3A_446], %swap3A_449 {strides = array<i32>} : memref<640x64xf32, #tpu.memory_space<vmem>>, vector<1x16xf32>,
        %mul3A_450 = arith.constant 16 : i32
        %mul3A_451 = arith.muli %scan3A_152, %mul3A_450 : i32
        %add3A_452 = arith.addi %mul3A_122, %mul3A_451 : i32
        %add3A_453 = arith.constant 6 : i32
        %add3A_454 = arith.addi %add3A_452, %add3A_453 : i32
        %broadcast_in_dim3A_455 = arith.constant 6 : i32
        %broadcast_in_dim3A_456 = vector.broadcast %broadcast_in_dim3A_455 : i32 to vector<16x1xi32>
        %gather3A_457 = vector.shape_cast %broadcast_in_dim3A_456 : vector<16x1xi32> to vector<16xi32>
        %gather3A_458 = tpu.dynamic_gather %get3A_158[%gather3A_457] in [0] : vector<16xf32>, vector<16xi32> -> vector<16xf32>
        %get3A_459 = arith.index_cast %add3A_454 : i32 to index
        %get3A_460 = arith.constant 0 : index
        %get3A_461 = tpu.vector_load %arg10[%get3A_459, %get3A_460] {strides = array<i32>} : memref<640x64xf32, #tpu.memory_space<vmem>>, vector<1x16xf32>,
        %get3A_462 = vector.shape_cast %get3A_461 : vector<1x16xf32> to vector<16xf32>
        %mul3A_463 = arith.mulf %get3A_462, %gather3A_458 : vector<16xf32>
        %swap3A_464 = arith.index_cast %add3A_454 : i32 to index
        %swap3A_465 = arith.constant 0 : index
        %swap3A_466 = tpu.vector_load %arg10[%swap3A_464, %swap3A_465] {strides = array<i32>} : memref<640x64xf32, #tpu.memory_space<vmem>>, vector<1x16xf32>,
        %swap3A_467 = vector.shape_cast %swap3A_466 : vector<1x16xf32> to vector<16xf32>
        %swap3A_468 = vector.shape_cast %mul3A_463 : vector<16xf32> to vector<1x16xf32>
        tpu.vector_store %arg10[%swap3A_464, %swap3A_465], %swap3A_468 {strides = array<i32>} : memref<640x64xf32, #tpu.memory_space<vmem>>, vector<1x16xf32>,
        %get3A_469 = arith.index_cast %add3A_454 : i32 to index
        %get3A_470 = arith.constant 16 : index
        %get3A_471 = tpu.vector_load %arg10[%get3A_469, %get3A_470] {strides = array<i32>} : memref<640x64xf32, #tpu.memory_space<vmem>>, vector<1x16xf32>,
        %get3A_472 = vector.shape_cast %get3A_471 : vector<1x16xf32> to vector<16xf32>
        %mul3A_473 = arith.mulf %get3A_472, %gather3A_458 : vector<16xf32>
        %swap3A_474 = arith.index_cast %add3A_454 : i32 to index
        %swap3A_475 = arith.constant 16 : index
        %swap3A_476 = tpu.vector_load %arg10[%swap3A_474, %swap3A_475] {strides = array<i32>} : memref<640x64xf32, #tpu.memory_space<vmem>>, vector<1x16xf32>,
        %swap3A_477 = vector.shape_cast %swap3A_476 : vector<1x16xf32> to vector<16xf32>
        %swap3A_478 = vector.shape_cast %mul3A_473 : vector<16xf32> to vector<1x16xf32>
        tpu.vector_store %arg10[%swap3A_474, %swap3A_475], %swap3A_478 {strides = array<i32>} : memref<640x64xf32, #tpu.memory_space<vmem>>, vector<1x16xf32>,
        %get3A_479 = arith.index_cast %add3A_454 : i32 to index
        %get3A_480 = arith.constant 32 : index
        %get3A_481 = tpu.vector_load %arg10[%get3A_479, %get3A_480] {strides = array<i32>} : memref<640x64xf32, #tpu.memory_space<vmem>>, vector<1x16xf32>,
        %get3A_482 = vector.shape_cast %get3A_481 : vector<1x16xf32> to vector<16xf32>
        %mul3A_483 = arith.mulf %get3A_482, %gather3A_458 : vector<16xf32>
        %swap3A_484 = arith.index_cast %add3A_454 : i32 to index
        %swap3A_485 = arith.constant 32 : index
        %swap3A_486 = tpu.vector_load %arg10[%swap3A_484, %swap3A_485] {strides = array<i32>} : memref<640x64xf32, #tpu.memory_space<vmem>>, vector<1x16xf32>,
        %swap3A_487 = vector.shape_cast %swap3A_486 : vector<1x16xf32> to vector<16xf32>
        %swap3A_488 = vector.shape_cast %mul3A_483 : vector<16xf32> to vector<1x16xf32>
        tpu.vector_store %arg10[%swap3A_484, %swap3A_485], %swap3A_488 {strides = array<i32>} : memref<640x64xf32, #tpu.memory_space<vmem>>, vector<1x16xf32>,
        %get3A_489 = arith.index_cast %add3A_454 : i32 to index
        %get3A_490 = arith.constant 48 : index
        %get3A_491 = tpu.vector_load %arg10[%get3A_489, %get3A_490] {strides = array<i32>} : memref<640x64xf32, #tpu.memory_space<vmem>>, vector<1x16xf32>,
        %get3A_492 = vector.shape_cast %get3A_491 : vector<1x16xf32> to vector<16xf32>
        %mul3A_493 = arith.mulf %get3A_492, %gather3A_458 : vector<16xf32>
        %swap3A_494 = arith.index_cast %add3A_454 : i32 to index
        %swap3A_495 = arith.constant 48 : index
        %swap3A_496 = tpu.vector_load %arg10[%swap3A_494, %swap3A_495] {strides = array<i32>} : memref<640x64xf32, #tpu.memory_space<vmem>>, vector<1x16xf32>,
        %swap3A_497 = vector.shape_cast %swap3A_496 : vector<1x16xf32> to vector<16xf32>
        %swap3A_498 = vector.shape_cast %mul3A_493 : vector<16xf32> to vector<1x16xf32>
        tpu.vector_store %arg10[%swap3A_494, %swap3A_495], %swap3A_498 {strides = array<i32>} : memref<640x64xf32, #tpu.memory_space<vmem>>, vector<1x16xf32>,
        %mul3A_499 = arith.constant 16 : i32
        %mul3A_500 = arith.muli %scan3A_152, %mul3A_499 : i32
        %add3A_501 = arith.addi %mul3A_122, %mul3A_500 : i32
        %add3A_502 = arith.constant 7 : i32
        %add3A_503 = arith.addi %add3A_501, %add3A_502 : i32
        %broadcast_in_dim3A_504 = arith.constant 7 : i32
        %broadcast_in_dim3A_505 = vector.broadcast %broadcast_in_dim3A_504 : i32 to vector<16x1xi32>
        %gather3A_506 = vector.shape_cast %broadcast_in_dim3A_505 : vector<16x1xi32> to vector<16xi32>
        %gather3A_507 = tpu.dynamic_gather %get3A_158[%gather3A_506] in [0] : vector<16xf32>, vector<16xi32> -> vector<16xf32>
        %get3A_508 = arith.index_cast %add3A_503 : i32 to index
        %get3A_509 = arith.constant 0 : index
        %get3A_510 = tpu.vector_load %arg10[%get3A_508, %get3A_509] {strides = array<i32>} : memref<640x64xf32, #tpu.memory_space<vmem>>, vector<1x16xf32>,
        %get3A_511 = vector.shape_cast %get3A_510 : vector<1x16xf32> to vector<16xf32>
        %mul3A_512 = arith.mulf %get3A_511, %gather3A_507 : vector<16xf32>
        %swap3A_513 = arith.index_cast %add3A_503 : i32 to index
        %swap3A_514 = arith.constant 0 : index
        %swap3A_515 = tpu.vector_load %arg10[%swap3A_513, %swap3A_514] {strides = array<i32>} : memref<640x64xf32, #tpu.memory_space<vmem>>, vector<1x16xf32>,
        %swap3A_516 = vector.shape_cast %swap3A_515 : vector<1x16xf32> to vector<16xf32>
        %swap3A_517 = vector.shape_cast %mul3A_512 : vector<16xf32> to vector<1x16xf32>
        tpu.vector_store %arg10[%swap3A_513, %swap3A_514], %swap3A_517 {strides = array<i32>} : memref<640x64xf32, #tpu.memory_space<vmem>>, vector<1x16xf32>,
        %get3A_518 = arith.index_cast %add3A_503 : i32 to index
        %get3A_519 = arith.constant 16 : index
        %get3A_520 = tpu.vector_load %arg10[%get3A_518, %get3A_519] {strides = array<i32>} : memref<640x64xf32, #tpu.memory_space<vmem>>, vector<1x16xf32>,
        %get3A_521 = vector.shape_cast %get3A_520 : vector<1x16xf32> to vector<16xf32>
        %mul3A_522 = arith.mulf %get3A_521, %gather3A_507 : vector<16xf32>
        %swap3A_523 = arith.index_cast %add3A_503 : i32 to index
        %swap3A_524 = arith.constant 16 : index
        %swap3A_525 = tpu.vector_load %arg10[%swap3A_523, %swap3A_524] {strides = array<i32>} : memref<640x64xf32, #tpu.memory_space<vmem>>, vector<1x16xf32>,
        %swap3A_526 = vector.shape_cast %swap3A_525 : vector<1x16xf32> to vector<16xf32>
        %swap3A_527 = vector.shape_cast %mul3A_522 : vector<16xf32> to vector<1x16xf32>
        tpu.vector_store %arg10[%swap3A_523, %swap3A_524], %swap3A_527 {strides = array<i32>} : memref<640x64xf32, #tpu.memory_space<vmem>>, vector<1x16xf32>,
        %get3A_528 = arith.index_cast %add3A_503 : i32 to index
        %get3A_529 = arith.constant 32 : index
        %get3A_530 = tpu.vector_load %arg10[%get3A_528, %get3A_529] {strides = array<i32>} : memref<640x64xf32, #tpu.memory_space<vmem>>, vector<1x16xf32>,
        %get3A_531 = vector.shape_cast %get3A_530 : vector<1x16xf32> to vector<16xf32>
        %mul3A_532 = arith.mulf %get3A_531, %gather3A_507 : vector<16xf32>
        %swap3A_533 = arith.index_cast %add3A_503 : i32 to index
        %swap3A_534 = arith.constant 32 : index
        %swap3A_535 = tpu.vector_load %arg10[%swap3A_533, %swap3A_534] {strides = array<i32>} : memref<640x64xf32, #tpu.memory_space<vmem>>, vector<1x16xf32>,
        %swap3A_536 = vector.shape_cast %swap3A_535 : vector<1x16xf32> to vector<16xf32>
        %swap3A_537 = vector.shape_cast %mul3A_532 : vector<16xf32> to vector<1x16xf32>
        tpu.vector_store %arg10[%swap3A_533, %swap3A_534], %swap3A_537 {strides = array<i32>} : memref<640x64xf32, #tpu.memory_space<vmem>>, vector<1x16xf32>,
        %get3A_538 = arith.index_cast %add3A_503 : i32 to index
        %get3A_539 = arith.constant 48 : index
        %get3A_540 = tpu.vector_load %arg10[%get3A_538, %get3A_539] {strides = array<i32>} : memref<640x64xf32, #tpu.memory_space<vmem>>, vector<1x16xf32>,
        %get3A_541 = vector.shape_cast %get3A_540 : vector<1x16xf32> to vector<16xf32>
        %mul3A_542 = arith.mulf %get3A_541, %gather3A_507 : vector<16xf32>
        %swap3A_543 = arith.index_cast %add3A_503 : i32 to index
        %swap3A_544 = arith.constant 48 : index
        %swap3A_545 = tpu.vector_load %arg10[%swap3A_543, %swap3A_544] {strides = array<i32>} : memref<640x64xf32, #tpu.memory_space<vmem>>, vector<1x16xf32>,
        %swap3A_546 = vector.shape_cast %swap3A_545 : vector<1x16xf32> to vector<16xf32>
        %swap3A_547 = vector.shape_cast %mul3A_542 : vector<16xf32> to vector<1x16xf32>
        tpu.vector_store %arg10[%swap3A_543, %swap3A_544], %swap3A_547 {strides = array<i32>} : memref<640x64xf32, #tpu.memory_space<vmem>>, vector<1x16xf32>,
        %mul3A_548 = arith.constant 16 : i32
        %mul3A_549 = arith.muli %scan3A_152, %mul3A_548 : i32
        %add3A_550 = arith.addi %mul3A_122, %mul3A_549 : i32
        %add3A_551 = arith.constant 8 : i32
        %add3A_552 = arith.addi %add3A_550, %add3A_551 : i32
        %broadcast_in_dim3A_553 = arith.constant 8 : i32
        %broadcast_in_dim3A_554 = vector.broadcast %broadcast_in_dim3A_553 : i32 to vector<16x1xi32>
        %gather3A_555 = vector.shape_cast %broadcast_in_dim3A_554 : vector<16x1xi32> to vector<16xi32>
        %gather3A_556 = tpu.dynamic_gather %get3A_158[%gather3A_555] in [0] : vector<16xf32>, vector<16xi32> -> vector<16xf32>
        %get3A_557 = arith.index_cast %add3A_552 : i32 to index
        %get3A_558 = arith.constant 0 : index
        %get3A_559 = tpu.vector_load %arg10[%get3A_557, %get3A_558] {strides = array<i32>} : memref<640x64xf32, #tpu.memory_space<vmem>>, vector<1x16xf32>,
        %get3A_560 = vector.shape_cast %get3A_559 : vector<1x16xf32> to vector<16xf32>
        %mul3A_561 = arith.mulf %get3A_560, %gather3A_556 : vector<16xf32>
        %swap3A_562 = arith.index_cast %add3A_552 : i32 to index
        %swap3A_563 = arith.constant 0 : index
        %swap3A_564 = tpu.vector_load %arg10[%swap3A_562, %swap3A_563] {strides = array<i32>} : memref<640x64xf32, #tpu.memory_space<vmem>>, vector<1x16xf32>,
        %swap3A_565 = vector.shape_cast %swap3A_564 : vector<1x16xf32> to vector<16xf32>
        %swap3A_566 = vector.shape_cast %mul3A_561 : vector<16xf32> to vector<1x16xf32>
        tpu.vector_store %arg10[%swap3A_562, %swap3A_563], %swap3A_566 {strides = array<i32>} : memref<640x64xf32, #tpu.memory_space<vmem>>, vector<1x16xf32>,
        %get3A_567 = arith.index_cast %add3A_552 : i32 to index
        %get3A_568 = arith.constant 16 : index
        %get3A_569 = tpu.vector_load %arg10[%get3A_567, %get3A_568] {strides = array<i32>} : memref<640x64xf32, #tpu.memory_space<vmem>>, vector<1x16xf32>,
        %get3A_570 = vector.shape_cast %get3A_569 : vector<1x16xf32> to vector<16xf32>
        %mul3A_571 = arith.mulf %get3A_570, %gather3A_556 : vector<16xf32>
        %swap3A_572 = arith.index_cast %add3A_552 : i32 to index
        %swap3A_573 = arith.constant 16 : index
        %swap3A_574 = tpu.vector_load %arg10[%swap3A_572, %swap3A_573] {strides = array<i32>} : memref<640x64xf32, #tpu.memory_space<vmem>>, vector<1x16xf32>,
        %swap3A_575 = vector.shape_cast %swap3A_574 : vector<1x16xf32> to vector<16xf32>
        %swap3A_576 = vector.shape_cast %mul3A_571 : vector<16xf32> to vector<1x16xf32>
        tpu.vector_store %arg10[%swap3A_572, %swap3A_573], %swap3A_576 {strides = array<i32>} : memref<640x64xf32, #tpu.memory_space<vmem>>, vector<1x16xf32>,
        %get3A_577 = arith.index_cast %add3A_552 : i32 to index
        %get3A_578 = arith.constant 32 : index
        %get3A_579 = tpu.vector_load %arg10[%get3A_577, %get3A_578] {strides = array<i32>} : memref<640x64xf32, #tpu.memory_space<vmem>>, vector<1x16xf32>,
        %get3A_580 = vector.shape_cast %get3A_579 : vector<1x16xf32> to vector<16xf32>
        %mul3A_581 = arith.mulf %get3A_580, %gather3A_556 : vector<16xf32>
        %swap3A_582 = arith.index_cast %add3A_552 : i32 to index
        %swap3A_583 = arith.constant 32 : index
        %swap3A_584 = tpu.vector_load %arg10[%swap3A_582, %swap3A_583] {strides = array<i32>} : memref<640x64xf32, #tpu.memory_space<vmem>>, vector<1x16xf32>,
        %swap3A_585 = vector.shape_cast %swap3A_584 : vector<1x16xf32> to vector<16xf32>
        %swap3A_586 = vector.shape_cast %mul3A_581 : vector<16xf32> to vector<1x16xf32>
        tpu.vector_store %arg10[%swap3A_582, %swap3A_583], %swap3A_586 {strides = array<i32>} : memref<640x64xf32, #tpu.memory_space<vmem>>, vector<1x16xf32>,
        %get3A_587 = arith.index_cast %add3A_552 : i32 to index
        %get3A_588 = arith.constant 48 : index
        %get3A_589 = tpu.vector_load %arg10[%get3A_587, %get3A_588] {strides = array<i32>} : memref<640x64xf32, #tpu.memory_space<vmem>>, vector<1x16xf32>,
        %get3A_590 = vector.shape_cast %get3A_589 : vector<1x16xf32> to vector<16xf32>
        %mul3A_591 = arith.mulf %get3A_590, %gather3A_556 : vector<16xf32>
        %swap3A_592 = arith.index_cast %add3A_552 : i32 to index
        %swap3A_593 = arith.constant 48 : index
        %swap3A_594 = tpu.vector_load %arg10[%swap3A_592, %swap3A_593] {strides = array<i32>} : memref<640x64xf32, #tpu.memory_space<vmem>>, vector<1x16xf32>,
        %swap3A_595 = vector.shape_cast %swap3A_594 : vector<1x16xf32> to vector<16xf32>
        %swap3A_596 = vector.shape_cast %mul3A_591 : vector<16xf32> to vector<1x16xf32>
        tpu.vector_store %arg10[%swap3A_592, %swap3A_593], %swap3A_596 {strides = array<i32>} : memref<640x64xf32, #tpu.memory_space<vmem>>, vector<1x16xf32>,
        %mul3A_597 = arith.constant 16 : i32
        %mul3A_598 = arith.muli %scan3A_152, %mul3A_597 : i32
        %add3A_599 = arith.addi %mul3A_122, %mul3A_598 : i32
        %add3A_600 = arith.constant 9 : i32
        %add3A_601 = arith.addi %add3A_599, %add3A_600 : i32
        %broadcast_in_dim3A_602 = arith.constant 9 : i32
        %broadcast_in_dim3A_603 = vector.broadcast %broadcast_in_dim3A_602 : i32 to vector<16x1xi32>
        %gather3A_604 = vector.shape_cast %broadcast_in_dim3A_603 : vector<16x1xi32> to vector<16xi32>
        %gather3A_605 = tpu.dynamic_gather %get3A_158[%gather3A_604] in [0] : vector<16xf32>, vector<16xi32> -> vector<16xf32>
        %get3A_606 = arith.index_cast %add3A_601 : i32 to index
        %get3A_607 = arith.constant 0 : index
        %get3A_608 = tpu.vector_load %arg10[%get3A_606, %get3A_607] {strides = array<i32>} : memref<640x64xf32, #tpu.memory_space<vmem>>, vector<1x16xf32>,
        %get3A_609 = vector.shape_cast %get3A_608 : vector<1x16xf32> to vector<16xf32>
        %mul3A_610 = arith.mulf %get3A_609, %gather3A_605 : vector<16xf32>
        %swap3A_611 = arith.index_cast %add3A_601 : i32 to index
        %swap3A_612 = arith.constant 0 : index
        %swap3A_613 = tpu.vector_load %arg10[%swap3A_611, %swap3A_612] {strides = array<i32>} : memref<640x64xf32, #tpu.memory_space<vmem>>, vector<1x16xf32>,
        %swap3A_614 = vector.shape_cast %swap3A_613 : vector<1x16xf32> to vector<16xf32>
        %swap3A_615 = vector.shape_cast %mul3A_610 : vector<16xf32> to vector<1x16xf32>
        tpu.vector_store %arg10[%swap3A_611, %swap3A_612], %swap3A_615 {strides = array<i32>} : memref<640x64xf32, #tpu.memory_space<vmem>>, vector<1x16xf32>,
        %get3A_616 = arith.index_cast %add3A_601 : i32 to index
        %get3A_617 = arith.constant 16 : index
        %get3A_618 = tpu.vector_load %arg10[%get3A_616, %get3A_617] {strides = array<i32>} : memref<640x64xf32, #tpu.memory_space<vmem>>, vector<1x16xf32>,
        %get3A_619 = vector.shape_cast %get3A_618 : vector<1x16xf32> to vector<16xf32>
        %mul3A_620 = arith.mulf %get3A_619, %gather3A_605 : vector<16xf32>
        %swap3A_621 = arith.index_cast %add3A_601 : i32 to index
        %swap3A_622 = arith.constant 16 : index
        %swap3A_623 = tpu.vector_load %arg10[%swap3A_621, %swap3A_622] {strides = array<i32>} : memref<640x64xf32, #tpu.memory_space<vmem>>, vector<1x16xf32>,
        %swap3A_624 = vector.shape_cast %swap3A_623 : vector<1x16xf32> to vector<16xf32>
        %swap3A_625 = vector.shape_cast %mul3A_620 : vector<16xf32> to vector<1x16xf32>
        tpu.vector_store %arg10[%swap3A_621, %swap3A_622], %swap3A_625 {strides = array<i32>} : memref<640x64xf32, #tpu.memory_space<vmem>>, vector<1x16xf32>,
        %get3A_626 = arith.index_cast %add3A_601 : i32 to index
        %get3A_627 = arith.constant 32 : index
        %get3A_628 = tpu.vector_load %arg10[%get3A_626, %get3A_627] {strides = array<i32>} : memref<640x64xf32, #tpu.memory_space<vmem>>, vector<1x16xf32>,
        %get3A_629 = vector.shape_cast %get3A_628 : vector<1x16xf32> to vector<16xf32>
        %mul3A_630 = arith.mulf %get3A_629, %gather3A_605 : vector<16xf32>
        %swap3A_631 = arith.index_cast %add3A_601 : i32 to index
        %swap3A_632 = arith.constant 32 : index
        %swap3A_633 = tpu.vector_load %arg10[%swap3A_631, %swap3A_632] {strides = array<i32>} : memref<640x64xf32, #tpu.memory_space<vmem>>, vector<1x16xf32>,
        %swap3A_634 = vector.shape_cast %swap3A_633 : vector<1x16xf32> to vector<16xf32>
        %swap3A_635 = vector.shape_cast %mul3A_630 : vector<16xf32> to vector<1x16xf32>
        tpu.vector_store %arg10[%swap3A_631, %swap3A_632], %swap3A_635 {strides = array<i32>} : memref<640x64xf32, #tpu.memory_space<vmem>>, vector<1x16xf32>,
        %get3A_636 = arith.index_cast %add3A_601 : i32 to index
        %get3A_637 = arith.constant 48 : index
        %get3A_638 = tpu.vector_load %arg10[%get3A_636, %get3A_637] {strides = array<i32>} : memref<640x64xf32, #tpu.memory_space<vmem>>, vector<1x16xf32>,
        %get3A_639 = vector.shape_cast %get3A_638 : vector<1x16xf32> to vector<16xf32>
        %mul3A_640 = arith.mulf %get3A_639, %gather3A_605 : vector<16xf32>
        %swap3A_641 = arith.index_cast %add3A_601 : i32 to index
        %swap3A_642 = arith.constant 48 : index
        %swap3A_643 = tpu.vector_load %arg10[%swap3A_641, %swap3A_642] {strides = array<i32>} : memref<640x64xf32, #tpu.memory_space<vmem>>, vector<1x16xf32>,
        %swap3A_644 = vector.shape_cast %swap3A_643 : vector<1x16xf32> to vector<16xf32>
        %swap3A_645 = vector.shape_cast %mul3A_640 : vector<16xf32> to vector<1x16xf32>
        tpu.vector_store %arg10[%swap3A_641, %swap3A_642], %swap3A_645 {strides = array<i32>} : memref<640x64xf32, #tpu.memory_space<vmem>>, vector<1x16xf32>,
        %mul3A_646 = arith.constant 16 : i32
        %mul3A_647 = arith.muli %scan3A_152, %mul3A_646 : i32
        %add3A_648 = arith.addi %mul3A_122, %mul3A_647 : i32
        %add3A_649 = arith.constant 10 : i32
        %add3A_650 = arith.addi %add3A_648, %add3A_649 : i32
        %broadcast_in_dim3A_651 = arith.constant 10 : i32
        %broadcast_in_dim3A_652 = vector.broadcast %broadcast_in_dim3A_651 : i32 to vector<16x1xi32>
        %gather3A_653 = vector.shape_cast %broadcast_in_dim3A_652 : vector<16x1xi32> to vector<16xi32>
        %gather3A_654 = tpu.dynamic_gather %get3A_158[%gather3A_653] in [0] : vector<16xf32>, vector<16xi32> -> vector<16xf32>
        %get3A_655 = arith.index_cast %add3A_650 : i32 to index
        %get3A_656 = arith.constant 0 : index
        %get3A_657 = tpu.vector_load %arg10[%get3A_655, %get3A_656] {strides = array<i32>} : memref<640x64xf32, #tpu.memory_space<vmem>>, vector<1x16xf32>,
        %get3A_658 = vector.shape_cast %get3A_657 : vector<1x16xf32> to vector<16xf32>
        %mul3A_659 = arith.mulf %get3A_658, %gather3A_654 : vector<16xf32>
        %swap3A_660 = arith.index_cast %add3A_650 : i32 to index
        %swap3A_661 = arith.constant 0 : index
        %swap3A_662 = tpu.vector_load %arg10[%swap3A_660, %swap3A_661] {strides = array<i32>} : memref<640x64xf32, #tpu.memory_space<vmem>>, vector<1x16xf32>,
        %swap3A_663 = vector.shape_cast %swap3A_662 : vector<1x16xf32> to vector<16xf32>
        %swap3A_664 = vector.shape_cast %mul3A_659 : vector<16xf32> to vector<1x16xf32>
        tpu.vector_store %arg10[%swap3A_660, %swap3A_661], %swap3A_664 {strides = array<i32>} : memref<640x64xf32, #tpu.memory_space<vmem>>, vector<1x16xf32>,
        %get3A_665 = arith.index_cast %add3A_650 : i32 to index
        %get3A_666 = arith.constant 16 : index
        %get3A_667 = tpu.vector_load %arg10[%get3A_665, %get3A_666] {strides = array<i32>} : memref<640x64xf32, #tpu.memory_space<vmem>>, vector<1x16xf32>,
        %get3A_668 = vector.shape_cast %get3A_667 : vector<1x16xf32> to vector<16xf32>
        %mul3A_669 = arith.mulf %get3A_668, %gather3A_654 : vector<16xf32>
        %swap3A_670 = arith.index_cast %add3A_650 : i32 to index
        %swap3A_671 = arith.constant 16 : index
        %swap3A_672 = tpu.vector_load %arg10[%swap3A_670, %swap3A_671] {strides = array<i32>} : memref<640x64xf32, #tpu.memory_space<vmem>>, vector<1x16xf32>,
        %swap3A_673 = vector.shape_cast %swap3A_672 : vector<1x16xf32> to vector<16xf32>
        %swap3A_674 = vector.shape_cast %mul3A_669 : vector<16xf32> to vector<1x16xf32>
        tpu.vector_store %arg10[%swap3A_670, %swap3A_671], %swap3A_674 {strides = array<i32>} : memref<640x64xf32, #tpu.memory_space<vmem>>, vector<1x16xf32>,
        %get3A_675 = arith.index_cast %add3A_650 : i32 to index
        %get3A_676 = arith.constant 32 : index
        %get3A_677 = tpu.vector_load %arg10[%get3A_675, %get3A_676] {strides = array<i32>} : memref<640x64xf32, #tpu.memory_space<vmem>>, vector<1x16xf32>,
        %get3A_678 = vector.shape_cast %get3A_677 : vector<1x16xf32> to vector<16xf32>
        %mul3A_679 = arith.mulf %get3A_678, %gather3A_654 : vector<16xf32>
        %swap3A_680 = arith.index_cast %add3A_650 : i32 to index
        %swap3A_681 = arith.constant 32 : index
        %swap3A_682 = tpu.vector_load %arg10[%swap3A_680, %swap3A_681] {strides = array<i32>} : memref<640x64xf32, #tpu.memory_space<vmem>>, vector<1x16xf32>,
        %swap3A_683 = vector.shape_cast %swap3A_682 : vector<1x16xf32> to vector<16xf32>
        %swap3A_684 = vector.shape_cast %mul3A_679 : vector<16xf32> to vector<1x16xf32>
        tpu.vector_store %arg10[%swap3A_680, %swap3A_681], %swap3A_684 {strides = array<i32>} : memref<640x64xf32, #tpu.memory_space<vmem>>, vector<1x16xf32>,
        %get3A_685 = arith.index_cast %add3A_650 : i32 to index
        %get3A_686 = arith.constant 48 : index
        %get3A_687 = tpu.vector_load %arg10[%get3A_685, %get3A_686] {strides = array<i32>} : memref<640x64xf32, #tpu.memory_space<vmem>>, vector<1x16xf32>,
        %get3A_688 = vector.shape_cast %get3A_687 : vector<1x16xf32> to vector<16xf32>
        %mul3A_689 = arith.mulf %get3A_688, %gather3A_654 : vector<16xf32>
        %swap3A_690 = arith.index_cast %add3A_650 : i32 to index
        %swap3A_691 = arith.constant 48 : index
        %swap3A_692 = tpu.vector_load %arg10[%swap3A_690, %swap3A_691] {strides = array<i32>} : memref<640x64xf32, #tpu.memory_space<vmem>>, vector<1x16xf32>,
        %swap3A_693 = vector.shape_cast %swap3A_692 : vector<1x16xf32> to vector<16xf32>
        %swap3A_694 = vector.shape_cast %mul3A_689 : vector<16xf32> to vector<1x16xf32>
        tpu.vector_store %arg10[%swap3A_690, %swap3A_691], %swap3A_694 {strides = array<i32>} : memref<640x64xf32, #tpu.memory_space<vmem>>, vector<1x16xf32>,
        %mul3A_695 = arith.constant 16 : i32
        %mul3A_696 = arith.muli %scan3A_152, %mul3A_695 : i32
        %add3A_697 = arith.addi %mul3A_122, %mul3A_696 : i32
        %add3A_698 = arith.constant 11 : i32
        %add3A_699 = arith.addi %add3A_697, %add3A_698 : i32
        %broadcast_in_dim3A_700 = arith.constant 11 : i32
        %broadcast_in_dim3A_701 = vector.broadcast %broadcast_in_dim3A_700 : i32 to vector<16x1xi32>
        %gather3A_702 = vector.shape_cast %broadcast_in_dim3A_701 : vector<16x1xi32> to vector<16xi32>
        %gather3A_703 = tpu.dynamic_gather %get3A_158[%gather3A_702] in [0] : vector<16xf32>, vector<16xi32> -> vector<16xf32>
        %get3A_704 = arith.index_cast %add3A_699 : i32 to index
        %get3A_705 = arith.constant 0 : index
        %get3A_706 = tpu.vector_load %arg10[%get3A_704, %get3A_705] {strides = array<i32>} : memref<640x64xf32, #tpu.memory_space<vmem>>, vector<1x16xf32>,
        %get3A_707 = vector.shape_cast %get3A_706 : vector<1x16xf32> to vector<16xf32>
        %mul3A_708 = arith.mulf %get3A_707, %gather3A_703 : vector<16xf32>
        %swap3A_709 = arith.index_cast %add3A_699 : i32 to index
        %swap3A_710 = arith.constant 0 : index
        %swap3A_711 = tpu.vector_load %arg10[%swap3A_709, %swap3A_710] {strides = array<i32>} : memref<640x64xf32, #tpu.memory_space<vmem>>, vector<1x16xf32>,
        %swap3A_712 = vector.shape_cast %swap3A_711 : vector<1x16xf32> to vector<16xf32>
        %swap3A_713 = vector.shape_cast %mul3A_708 : vector<16xf32> to vector<1x16xf32>
        tpu.vector_store %arg10[%swap3A_709, %swap3A_710], %swap3A_713 {strides = array<i32>} : memref<640x64xf32, #tpu.memory_space<vmem>>, vector<1x16xf32>,
        %get3A_714 = arith.index_cast %add3A_699 : i32 to index
        %get3A_715 = arith.constant 16 : index
        %get3A_716 = tpu.vector_load %arg10[%get3A_714, %get3A_715] {strides = array<i32>} : memref<640x64xf32, #tpu.memory_space<vmem>>, vector<1x16xf32>,
        %get3A_717 = vector.shape_cast %get3A_716 : vector<1x16xf32> to vector<16xf32>
        %mul3A_718 = arith.mulf %get3A_717, %gather3A_703 : vector<16xf32>
        %swap3A_719 = arith.index_cast %add3A_699 : i32 to index
        %swap3A_720 = arith.constant 16 : index
        %swap3A_721 = tpu.vector_load %arg10[%swap3A_719, %swap3A_720] {strides = array<i32>} : memref<640x64xf32, #tpu.memory_space<vmem>>, vector<1x16xf32>,
        %swap3A_722 = vector.shape_cast %swap3A_721 : vector<1x16xf32> to vector<16xf32>
        %swap3A_723 = vector.shape_cast %mul3A_718 : vector<16xf32> to vector<1x16xf32>
        tpu.vector_store %arg10[%swap3A_719, %swap3A_720], %swap3A_723 {strides = array<i32>} : memref<640x64xf32, #tpu.memory_space<vmem>>, vector<1x16xf32>,
        %get3A_724 = arith.index_cast %add3A_699 : i32 to index
        %get3A_725 = arith.constant 32 : index
        %get3A_726 = tpu.vector_load %arg10[%get3A_724, %get3A_725] {strides = array<i32>} : memref<640x64xf32, #tpu.memory_space<vmem>>, vector<1x16xf32>,
        %get3A_727 = vector.shape_cast %get3A_726 : vector<1x16xf32> to vector<16xf32>
        %mul3A_728 = arith.mulf %get3A_727, %gather3A_703 : vector<16xf32>
        %swap3A_729 = arith.index_cast %add3A_699 : i32 to index
        %swap3A_730 = arith.constant 32 : index
        %swap3A_731 = tpu.vector_load %arg10[%swap3A_729, %swap3A_730] {strides = array<i32>} : memref<640x64xf32, #tpu.memory_space<vmem>>, vector<1x16xf32>,
        %swap3A_732 = vector.shape_cast %swap3A_731 : vector<1x16xf32> to vector<16xf32>
        %swap3A_733 = vector.shape_cast %mul3A_728 : vector<16xf32> to vector<1x16xf32>
        tpu.vector_store %arg10[%swap3A_729, %swap3A_730], %swap3A_733 {strides = array<i32>} : memref<640x64xf32, #tpu.memory_space<vmem>>, vector<1x16xf32>,
        %get3A_734 = arith.index_cast %add3A_699 : i32 to index
        %get3A_735 = arith.constant 48 : index
        %get3A_736 = tpu.vector_load %arg10[%get3A_734, %get3A_735] {strides = array<i32>} : memref<640x64xf32, #tpu.memory_space<vmem>>, vector<1x16xf32>,
        %get3A_737 = vector.shape_cast %get3A_736 : vector<1x16xf32> to vector<16xf32>
        %mul3A_738 = arith.mulf %get3A_737, %gather3A_703 : vector<16xf32>
        %swap3A_739 = arith.index_cast %add3A_699 : i32 to index
        %swap3A_740 = arith.constant 48 : index
        %swap3A_741 = tpu.vector_load %arg10[%swap3A_739, %swap3A_740] {strides = array<i32>} : memref<640x64xf32, #tpu.memory_space<vmem>>, vector<1x16xf32>,
        %swap3A_742 = vector.shape_cast %swap3A_741 : vector<1x16xf32> to vector<16xf32>
        %swap3A_743 = vector.shape_cast %mul3A_738 : vector<16xf32> to vector<1x16xf32>
        tpu.vector_store %arg10[%swap3A_739, %swap3A_740], %swap3A_743 {strides = array<i32>} : memref<640x64xf32, #tpu.memory_space<vmem>>, vector<1x16xf32>,
        %mul3A_744 = arith.constant 16 : i32
        %mul3A_745 = arith.muli %scan3A_152, %mul3A_744 : i32
        %add3A_746 = arith.addi %mul3A_122, %mul3A_745 : i32
        %add3A_747 = arith.constant 12 : i32
        %add3A_748 = arith.addi %add3A_746, %add3A_747 : i32
        %broadcast_in_dim3A_749 = arith.constant 12 : i32
        %broadcast_in_dim3A_750 = vector.broadcast %broadcast_in_dim3A_749 : i32 to vector<16x1xi32>
        %gather3A_751 = vector.shape_cast %broadcast_in_dim3A_750 : vector<16x1xi32> to vector<16xi32>
        %gather3A_752 = tpu.dynamic_gather %get3A_158[%gather3A_751] in [0] : vector<16xf32>, vector<16xi32> -> vector<16xf32>
        %get3A_753 = arith.index_cast %add3A_748 : i32 to index
        %get3A_754 = arith.constant 0 : index
        %get3A_755 = tpu.vector_load %arg10[%get3A_753, %get3A_754] {strides = array<i32>} : memref<640x64xf32, #tpu.memory_space<vmem>>, vector<1x16xf32>,
        %get3A_756 = vector.shape_cast %get3A_755 : vector<1x16xf32> to vector<16xf32>
        %mul3A_757 = arith.mulf %get3A_756, %gather3A_752 : vector<16xf32>
        %swap3A_758 = arith.index_cast %add3A_748 : i32 to index
        %swap3A_759 = arith.constant 0 : index
        %swap3A_760 = tpu.vector_load %arg10[%swap3A_758, %swap3A_759] {strides = array<i32>} : memref<640x64xf32, #tpu.memory_space<vmem>>, vector<1x16xf32>,
        %swap3A_761 = vector.shape_cast %swap3A_760 : vector<1x16xf32> to vector<16xf32>
        %swap3A_762 = vector.shape_cast %mul3A_757 : vector<16xf32> to vector<1x16xf32>
        tpu.vector_store %arg10[%swap3A_758, %swap3A_759], %swap3A_762 {strides = array<i32>} : memref<640x64xf32, #tpu.memory_space<vmem>>, vector<1x16xf32>,
        %get3A_763 = arith.index_cast %add3A_748 : i32 to index
        %get3A_764 = arith.constant 16 : index
        %get3A_765 = tpu.vector_load %arg10[%get3A_763, %get3A_764] {strides = array<i32>} : memref<640x64xf32, #tpu.memory_space<vmem>>, vector<1x16xf32>,
        %get3A_766 = vector.shape_cast %get3A_765 : vector<1x16xf32> to vector<16xf32>
        %mul3A_767 = arith.mulf %get3A_766, %gather3A_752 : vector<16xf32>
        %swap3A_768 = arith.index_cast %add3A_748 : i32 to index
        %swap3A_769 = arith.constant 16 : index
        %swap3A_770 = tpu.vector_load %arg10[%swap3A_768, %swap3A_769] {strides = array<i32>} : memref<640x64xf32, #tpu.memory_space<vmem>>, vector<1x16xf32>,
        %swap3A_771 = vector.shape_cast %swap3A_770 : vector<1x16xf32> to vector<16xf32>
        %swap3A_772 = vector.shape_cast %mul3A_767 : vector<16xf32> to vector<1x16xf32>
        tpu.vector_store %arg10[%swap3A_768, %swap3A_769], %swap3A_772 {strides = array<i32>} : memref<640x64xf32, #tpu.memory_space<vmem>>, vector<1x16xf32>,
        %get3A_773 = arith.index_cast %add3A_748 : i32 to index
        %get3A_774 = arith.constant 32 : index
        %get3A_775 = tpu.vector_load %arg10[%get3A_773, %get3A_774] {strides = array<i32>} : memref<640x64xf32, #tpu.memory_space<vmem>>, vector<1x16xf32>,
        %get3A_776 = vector.shape_cast %get3A_775 : vector<1x16xf32> to vector<16xf32>
        %mul3A_777 = arith.mulf %get3A_776, %gather3A_752 : vector<16xf32>
        %swap3A_778 = arith.index_cast %add3A_748 : i32 to index
        %swap3A_779 = arith.constant 32 : index
        %swap3A_780 = tpu.vector_load %arg10[%swap3A_778, %swap3A_779] {strides = array<i32>} : memref<640x64xf32, #tpu.memory_space<vmem>>, vector<1x16xf32>,
        %swap3A_781 = vector.shape_cast %swap3A_780 : vector<1x16xf32> to vector<16xf32>
        %swap3A_782 = vector.shape_cast %mul3A_777 : vector<16xf32> to vector<1x16xf32>
        tpu.vector_store %arg10[%swap3A_778, %swap3A_779], %swap3A_782 {strides = array<i32>} : memref<640x64xf32, #tpu.memory_space<vmem>>, vector<1x16xf32>,
        %get3A_783 = arith.index_cast %add3A_748 : i32 to index
        %get3A_784 = arith.constant 48 : index
        %get3A_785 = tpu.vector_load %arg10[%get3A_783, %get3A_784] {strides = array<i32>} : memref<640x64xf32, #tpu.memory_space<vmem>>, vector<1x16xf32>,
        %get3A_786 = vector.shape_cast %get3A_785 : vector<1x16xf32> to vector<16xf32>
        %mul3A_787 = arith.mulf %get3A_786, %gather3A_752 : vector<16xf32>
        %swap3A_788 = arith.index_cast %add3A_748 : i32 to index
        %swap3A_789 = arith.constant 48 : index
        %swap3A_790 = tpu.vector_load %arg10[%swap3A_788, %swap3A_789] {strides = array<i32>} : memref<640x64xf32, #tpu.memory_space<vmem>>, vector<1x16xf32>,
        %swap3A_791 = vector.shape_cast %swap3A_790 : vector<1x16xf32> to vector<16xf32>
        %swap3A_792 = vector.shape_cast %mul3A_787 : vector<16xf32> to vector<1x16xf32>
        tpu.vector_store %arg10[%swap3A_788, %swap3A_789], %swap3A_792 {strides = array<i32>} : memref<640x64xf32, #tpu.memory_space<vmem>>, vector<1x16xf32>,
        %mul3A_793 = arith.constant 16 : i32
        %mul3A_794 = arith.muli %scan3A_152, %mul3A_793 : i32
        %add3A_795 = arith.addi %mul3A_122, %mul3A_794 : i32
        %add3A_796 = arith.constant 13 : i32
        %add3A_797 = arith.addi %add3A_795, %add3A_796 : i32
        %broadcast_in_dim3A_798 = arith.constant 13 : i32
        %broadcast_in_dim3A_799 = vector.broadcast %broadcast_in_dim3A_798 : i32 to vector<16x1xi32>
        %gather3A_800 = vector.shape_cast %broadcast_in_dim3A_799 : vector<16x1xi32> to vector<16xi32>
        %gather3A_801 = tpu.dynamic_gather %get3A_158[%gather3A_800] in [0] : vector<16xf32>, vector<16xi32> -> vector<16xf32>
        %get3A_802 = arith.index_cast %add3A_797 : i32 to index
        %get3A_803 = arith.constant 0 : index
        %get3A_804 = tpu.vector_load %arg10[%get3A_802, %get3A_803] {strides = array<i32>} : memref<640x64xf32, #tpu.memory_space<vmem>>, vector<1x16xf32>,
        %get3A_805 = vector.shape_cast %get3A_804 : vector<1x16xf32> to vector<16xf32>
        %mul3A_806 = arith.mulf %get3A_805, %gather3A_801 : vector<16xf32>
        %swap3A_807 = arith.index_cast %add3A_797 : i32 to index
        %swap3A_808 = arith.constant 0 : index
        %swap3A_809 = tpu.vector_load %arg10[%swap3A_807, %swap3A_808] {strides = array<i32>} : memref<640x64xf32, #tpu.memory_space<vmem>>, vector<1x16xf32>,
        %swap3A_810 = vector.shape_cast %swap3A_809 : vector<1x16xf32> to vector<16xf32>
        %swap3A_811 = vector.shape_cast %mul3A_806 : vector<16xf32> to vector<1x16xf32>
        tpu.vector_store %arg10[%swap3A_807, %swap3A_808], %swap3A_811 {strides = array<i32>} : memref<640x64xf32, #tpu.memory_space<vmem>>, vector<1x16xf32>,
        %get3A_812 = arith.index_cast %add3A_797 : i32 to index
        %get3A_813 = arith.constant 16 : index
        %get3A_814 = tpu.vector_load %arg10[%get3A_812, %get3A_813] {strides = array<i32>} : memref<640x64xf32, #tpu.memory_space<vmem>>, vector<1x16xf32>,
        %get3A_815 = vector.shape_cast %get3A_814 : vector<1x16xf32> to vector<16xf32>
        %mul3A_816 = arith.mulf %get3A_815, %gather3A_801 : vector<16xf32>
        %swap3A_817 = arith.index_cast %add3A_797 : i32 to index
        %swap3A_818 = arith.constant 16 : index
        %swap3A_819 = tpu.vector_load %arg10[%swap3A_817, %swap3A_818] {strides = array<i32>} : memref<640x64xf32, #tpu.memory_space<vmem>>, vector<1x16xf32>,
        %swap3A_820 = vector.shape_cast %swap3A_819 : vector<1x16xf32> to vector<16xf32>
        %swap3A_821 = vector.shape_cast %mul3A_816 : vector<16xf32> to vector<1x16xf32>
        tpu.vector_store %arg10[%swap3A_817, %swap3A_818], %swap3A_821 {strides = array<i32>} : memref<640x64xf32, #tpu.memory_space<vmem>>, vector<1x16xf32>,
        %get3A_822 = arith.index_cast %add3A_797 : i32 to index
        %get3A_823 = arith.constant 32 : index
        %get3A_824 = tpu.vector_load %arg10[%get3A_822, %get3A_823] {strides = array<i32>} : memref<640x64xf32, #tpu.memory_space<vmem>>, vector<1x16xf32>,
        %get3A_825 = vector.shape_cast %get3A_824 : vector<1x16xf32> to vector<16xf32>
        %mul3A_826 = arith.mulf %get3A_825, %gather3A_801 : vector<16xf32>
        %swap3A_827 = arith.index_cast %add3A_797 : i32 to index
        %swap3A_828 = arith.constant 32 : index
        %swap3A_829 = tpu.vector_load %arg10[%swap3A_827, %swap3A_828] {strides = array<i32>} : memref<640x64xf32, #tpu.memory_space<vmem>>, vector<1x16xf32>,
        %swap3A_830 = vector.shape_cast %swap3A_829 : vector<1x16xf32> to vector<16xf32>
        %swap3A_831 = vector.shape_cast %mul3A_826 : vector<16xf32> to vector<1x16xf32>
        tpu.vector_store %arg10[%swap3A_827, %swap3A_828], %swap3A_831 {strides = array<i32>} : memref<640x64xf32, #tpu.memory_space<vmem>>, vector<1x16xf32>,
        %get3A_832 = arith.index_cast %add3A_797 : i32 to index
        %get3A_833 = arith.constant 48 : index
        %get3A_834 = tpu.vector_load %arg10[%get3A_832, %get3A_833] {strides = array<i32>} : memref<640x64xf32, #tpu.memory_space<vmem>>, vector<1x16xf32>,
        %get3A_835 = vector.shape_cast %get3A_834 : vector<1x16xf32> to vector<16xf32>
        %mul3A_836 = arith.mulf %get3A_835, %gather3A_801 : vector<16xf32>
        %swap3A_837 = arith.index_cast %add3A_797 : i32 to index
        %swap3A_838 = arith.constant 48 : index
        %swap3A_839 = tpu.vector_load %arg10[%swap3A_837, %swap3A_838] {strides = array<i32>} : memref<640x64xf32, #tpu.memory_space<vmem>>, vector<1x16xf32>,
        %swap3A_840 = vector.shape_cast %swap3A_839 : vector<1x16xf32> to vector<16xf32>
        %swap3A_841 = vector.shape_cast %mul3A_836 : vector<16xf32> to vector<1x16xf32>
        tpu.vector_store %arg10[%swap3A_837, %swap3A_838], %swap3A_841 {strides = array<i32>} : memref<640x64xf32, #tpu.memory_space<vmem>>, vector<1x16xf32>,
        %mul3A_842 = arith.constant 16 : i32
        %mul3A_843 = arith.muli %scan3A_152, %mul3A_842 : i32
        %add3A_844 = arith.addi %mul3A_122, %mul3A_843 : i32
        %add3A_845 = arith.constant 14 : i32
        %add3A_846 = arith.addi %add3A_844, %add3A_845 : i32
        %broadcast_in_dim3A_847 = arith.constant 14 : i32
        %broadcast_in_dim3A_848 = vector.broadcast %broadcast_in_dim3A_847 : i32 to vector<16x1xi32>
        %gather3A_849 = vector.shape_cast %broadcast_in_dim3A_848 : vector<16x1xi32> to vector<16xi32>
        %gather3A_850 = tpu.dynamic_gather %get3A_158[%gather3A_849] in [0] : vector<16xf32>, vector<16xi32> -> vector<16xf32>
        %get3A_851 = arith.index_cast %add3A_846 : i32 to index
        %get3A_852 = arith.constant 0 : index
        %get3A_853 = tpu.vector_load %arg10[%get3A_851, %get3A_852] {strides = array<i32>} : memref<640x64xf32, #tpu.memory_space<vmem>>, vector<1x16xf32>,
        %get3A_854 = vector.shape_cast %get3A_853 : vector<1x16xf32> to vector<16xf32>
        %mul3A_855 = arith.mulf %get3A_854, %gather3A_850 : vector<16xf32>
        %swap3A_856 = arith.index_cast %add3A_846 : i32 to index
        %swap3A_857 = arith.constant 0 : index
        %swap3A_858 = tpu.vector_load %arg10[%swap3A_856, %swap3A_857] {strides = array<i32>} : memref<640x64xf32, #tpu.memory_space<vmem>>, vector<1x16xf32>,
        %swap3A_859 = vector.shape_cast %swap3A_858 : vector<1x16xf32> to vector<16xf32>
        %swap3A_860 = vector.shape_cast %mul3A_855 : vector<16xf32> to vector<1x16xf32>
        tpu.vector_store %arg10[%swap3A_856, %swap3A_857], %swap3A_860 {strides = array<i32>} : memref<640x64xf32, #tpu.memory_space<vmem>>, vector<1x16xf32>,
        %get3A_861 = arith.index_cast %add3A_846 : i32 to index
        %get3A_862 = arith.constant 16 : index
        %get3A_863 = tpu.vector_load %arg10[%get3A_861, %get3A_862] {strides = array<i32>} : memref<640x64xf32, #tpu.memory_space<vmem>>, vector<1x16xf32>,
        %get3A_864 = vector.shape_cast %get3A_863 : vector<1x16xf32> to vector<16xf32>
        %mul3A_865 = arith.mulf %get3A_864, %gather3A_850 : vector<16xf32>
        %swap3A_866 = arith.index_cast %add3A_846 : i32 to index
        %swap3A_867 = arith.constant 16 : index
        %swap3A_868 = tpu.vector_load %arg10[%swap3A_866, %swap3A_867] {strides = array<i32>} : memref<640x64xf32, #tpu.memory_space<vmem>>, vector<1x16xf32>,
        %swap3A_869 = vector.shape_cast %swap3A_868 : vector<1x16xf32> to vector<16xf32>
        %swap3A_870 = vector.shape_cast %mul3A_865 : vector<16xf32> to vector<1x16xf32>
        tpu.vector_store %arg10[%swap3A_866, %swap3A_867], %swap3A_870 {strides = array<i32>} : memref<640x64xf32, #tpu.memory_space<vmem>>, vector<1x16xf32>,
        %get3A_871 = arith.index_cast %add3A_846 : i32 to index
        %get3A_872 = arith.constant 32 : index
        %get3A_873 = tpu.vector_load %arg10[%get3A_871, %get3A_872] {strides = array<i32>} : memref<640x64xf32, #tpu.memory_space<vmem>>, vector<1x16xf32>,
        %get3A_874 = vector.shape_cast %get3A_873 : vector<1x16xf32> to vector<16xf32>
        %mul3A_875 = arith.mulf %get3A_874, %gather3A_850 : vector<16xf32>
        %swap3A_876 = arith.index_cast %add3A_846 : i32 to index
        %swap3A_877 = arith.constant 32 : index
        %swap3A_878 = tpu.vector_load %arg10[%swap3A_876, %swap3A_877] {strides = array<i32>} : memref<640x64xf32, #tpu.memory_space<vmem>>, vector<1x16xf32>,
        %swap3A_879 = vector.shape_cast %swap3A_878 : vector<1x16xf32> to vector<16xf32>
        %swap3A_880 = vector.shape_cast %mul3A_875 : vector<16xf32> to vector<1x16xf32>
        tpu.vector_store %arg10[%swap3A_876, %swap3A_877], %swap3A_880 {strides = array<i32>} : memref<640x64xf32, #tpu.memory_space<vmem>>, vector<1x16xf32>,
        %get3A_881 = arith.index_cast %add3A_846 : i32 to index
        %get3A_882 = arith.constant 48 : index
        %get3A_883 = tpu.vector_load %arg10[%get3A_881, %get3A_882] {strides = array<i32>} : memref<640x64xf32, #tpu.memory_space<vmem>>, vector<1x16xf32>,
        %get3A_884 = vector.shape_cast %get3A_883 : vector<1x16xf32> to vector<16xf32>
        %mul3A_885 = arith.mulf %get3A_884, %gather3A_850 : vector<16xf32>
        %swap3A_886 = arith.index_cast %add3A_846 : i32 to index
        %swap3A_887 = arith.constant 48 : index
        %swap3A_888 = tpu.vector_load %arg10[%swap3A_886, %swap3A_887] {strides = array<i32>} : memref<640x64xf32, #tpu.memory_space<vmem>>, vector<1x16xf32>,
        %swap3A_889 = vector.shape_cast %swap3A_888 : vector<1x16xf32> to vector<16xf32>
        %swap3A_890 = vector.shape_cast %mul3A_885 : vector<16xf32> to vector<1x16xf32>
        tpu.vector_store %arg10[%swap3A_886, %swap3A_887], %swap3A_890 {strides = array<i32>} : memref<640x64xf32, #tpu.memory_space<vmem>>, vector<1x16xf32>,
        %mul3A_891 = arith.constant 16 : i32
        %mul3A_892 = arith.muli %scan3A_152, %mul3A_891 : i32
        %add3A_893 = arith.addi %mul3A_122, %mul3A_892 : i32
        %add3A_894 = arith.constant 15 : i32
        %add3A_895 = arith.addi %add3A_893, %add3A_894 : i32
        %broadcast_in_dim3A_896 = arith.constant 15 : i32
        %broadcast_in_dim3A_897 = vector.broadcast %broadcast_in_dim3A_896 : i32 to vector<16x1xi32>
        %gather3A_898 = vector.shape_cast %broadcast_in_dim3A_897 : vector<16x1xi32> to vector<16xi32>
        %gather3A_899 = tpu.dynamic_gather %get3A_158[%gather3A_898] in [0] : vector<16xf32>, vector<16xi32> -> vector<16xf32>
        %get3A_900 = arith.index_cast %add3A_895 : i32 to index
        %get3A_901 = arith.constant 0 : index
        %get3A_902 = tpu.vector_load %arg10[%get3A_900, %get3A_901] {strides = array<i32>} : memref<640x64xf32, #tpu.memory_space<vmem>>, vector<1x16xf32>,
        %get3A_903 = vector.shape_cast %get3A_902 : vector<1x16xf32> to vector<16xf32>
        %mul3A_904 = arith.mulf %get3A_903, %gather3A_899 : vector<16xf32>
        %swap3A_905 = arith.index_cast %add3A_895 : i32 to index
        %swap3A_906 = arith.constant 0 : index
        %swap3A_907 = tpu.vector_load %arg10[%swap3A_905, %swap3A_906] {strides = array<i32>} : memref<640x64xf32, #tpu.memory_space<vmem>>, vector<1x16xf32>,
        %swap3A_908 = vector.shape_cast %swap3A_907 : vector<1x16xf32> to vector<16xf32>
        %swap3A_909 = vector.shape_cast %mul3A_904 : vector<16xf32> to vector<1x16xf32>
        tpu.vector_store %arg10[%swap3A_905, %swap3A_906], %swap3A_909 {strides = array<i32>} : memref<640x64xf32, #tpu.memory_space<vmem>>, vector<1x16xf32>,
        %get3A_910 = arith.index_cast %add3A_895 : i32 to index
        %get3A_911 = arith.constant 16 : index
        %get3A_912 = tpu.vector_load %arg10[%get3A_910, %get3A_911] {strides = array<i32>} : memref<640x64xf32, #tpu.memory_space<vmem>>, vector<1x16xf32>,
        %get3A_913 = vector.shape_cast %get3A_912 : vector<1x16xf32> to vector<16xf32>
        %mul3A_914 = arith.mulf %get3A_913, %gather3A_899 : vector<16xf32>
        %swap3A_915 = arith.index_cast %add3A_895 : i32 to index
        %swap3A_916 = arith.constant 16 : index
        %swap3A_917 = tpu.vector_load %arg10[%swap3A_915, %swap3A_916] {strides = array<i32>} : memref<640x64xf32, #tpu.memory_space<vmem>>, vector<1x16xf32>,
        %swap3A_918 = vector.shape_cast %swap3A_917 : vector<1x16xf32> to vector<16xf32>
        %swap3A_919 = vector.shape_cast %mul3A_914 : vector<16xf32> to vector<1x16xf32>
        tpu.vector_store %arg10[%swap3A_915, %swap3A_916], %swap3A_919 {strides = array<i32>} : memref<640x64xf32, #tpu.memory_space<vmem>>, vector<1x16xf32>,
        %get3A_920 = arith.index_cast %add3A_895 : i32 to index
        %get3A_921 = arith.constant 32 : index
        %get3A_922 = tpu.vector_load %arg10[%get3A_920, %get3A_921] {strides = array<i32>} : memref<640x64xf32, #tpu.memory_space<vmem>>, vector<1x16xf32>,
        %get3A_923 = vector.shape_cast %get3A_922 : vector<1x16xf32> to vector<16xf32>
        %mul3A_924 = arith.mulf %get3A_923, %gather3A_899 : vector<16xf32>
        %swap3A_925 = arith.index_cast %add3A_895 : i32 to index
        %swap3A_926 = arith.constant 32 : index
        %swap3A_927 = tpu.vector_load %arg10[%swap3A_925, %swap3A_926] {strides = array<i32>} : memref<640x64xf32, #tpu.memory_space<vmem>>, vector<1x16xf32>,
        %swap3A_928 = vector.shape_cast %swap3A_927 : vector<1x16xf32> to vector<16xf32>
        %swap3A_929 = vector.shape_cast %mul3A_924 : vector<16xf32> to vector<1x16xf32>
        tpu.vector_store %arg10[%swap3A_925, %swap3A_926], %swap3A_929 {strides = array<i32>} : memref<640x64xf32, #tpu.memory_space<vmem>>, vector<1x16xf32>,
        %get3A_930 = arith.index_cast %add3A_895 : i32 to index
        %get3A_931 = arith.constant 48 : index
        %get3A_932 = tpu.vector_load %arg10[%get3A_930, %get3A_931] {strides = array<i32>} : memref<640x64xf32, #tpu.memory_space<vmem>>, vector<1x16xf32>,
        %get3A_933 = vector.shape_cast %get3A_932 : vector<1x16xf32> to vector<16xf32>
        %mul3A_934 = arith.mulf %get3A_933, %gather3A_899 : vector<16xf32>
        %swap3A_935 = arith.index_cast %add3A_895 : i32 to index
        %swap3A_936 = arith.constant 48 : index
        %swap3A_937 = tpu.vector_load %arg10[%swap3A_935, %swap3A_936] {strides = array<i32>} : memref<640x64xf32, #tpu.memory_space<vmem>>, vector<1x16xf32>,
        %swap3A_938 = vector.shape_cast %swap3A_937 : vector<1x16xf32> to vector<16xf32>
        %swap3A_939 = vector.shape_cast %mul3A_934 : vector<16xf32> to vector<1x16xf32>
        tpu.vector_store %arg10[%swap3A_935, %swap3A_936], %swap3A_939 {strides = array<i32>} : memref<640x64xf32, #tpu.memory_space<vmem>>, vector<1x16xf32>,
        %scan3A_940 = arith.constant 0 : i32
        scf.yield %scan3A_940 : i32
      }
      %scan3A_129 = arith.constant 8 : i32
      %mul3A_130 = arith.constant 128 : i32
      %mul3A_131 = arith.muli %scan3A_96, %mul3A_130 : i32
      %dma_start3A_132 = arith.constant 0 : i32
      %dma_start3A_133 = tpu.memref_slice %arg10[%mul3A_131, %dma_start3A_132] : memref<640x64xf32, #tpu.memory_space<vmem>> -> memref<128x64xf32, #tpu.memory_space<vmem>>
      %dma_start3A_134 = arith.constant 0 : i32
      %dma_start3A_135 = tpu.memref_slice %arg8[%scan3A_95, %dma_start3A_134] : memref<79x128xi32, #tpu.memory_space<vmem>> -> memref<1x128xi32, #tpu.memory_space<vmem>>
      %dma_start3A_136 = tpu.memref_squeeze %dma_start3A_135 : memref<1x128xi32, #tpu.memory_space<vmem>> -> memref<128xi32, #tpu.memory_space<vmem>>
      %dma_start3A_137 = arith.constant 0 : i32
      %dma_start3A_138 = arith.constant 0 : i32
      %dma_start3A_139 = tpu.memref_slice %arg12[%dma_start3A_137, %dma_start3A_138] : memref<10000x64xf32, #tpu.memory_space<vmem_shared>> -> memref<10000x64xf32, #tpu.memory_space<vmem_shared>>
      %dma_start3A_140 = tpu.memref_slice %arg14[%scan3A_96] : memref<5x!tpu.dma_semaphore, #tpu.memory_space<semaphore_mem>> -> memref<1x!tpu.dma_semaphore, #tpu.memory_space<semaphore_mem>>
      %dma_start3A_141 = tpu.memref_squeeze %dma_start3A_140 : memref<1x!tpu.dma_semaphore, #tpu.memory_space<semaphore_mem>> -> memref<!tpu.dma_semaphore, #tpu.memory_space<semaphore_mem>>
      tpu.enqueue_indirect_dma source(%dma_start3A_133 : memref<128x64xf32, #tpu.memory_space<vmem>>) target(%dma_start3A_139 : memref<10000x64xf32, #tpu.memory_space<vmem_shared>>) offsets(%dma_start3A_136 : memref<128xi32, #tpu.memory_space<vmem>>) semaphore(%dma_start3A_141 : memref<!tpu.dma_semaphore, #tpu.memory_space<semaphore_mem>>) {add = true}
      %eq3A_142 = arith.constant 4 : i32
      %eq3A_143 = arith.cmpi eq, %scan3A_96, %eq3A_142 : i32
      %add3A_144 = arith.constant 1 : i32
      %add3A_145 = arith.addi %scan3A_96, %add3A_144 : i32
      %jit3A = arith.constant 0 : i32
      %select_n3A = arith.select %eq3A_143, %jit3A, %add3A_145 : i32
      %eq3A_146 = arith.constant 4 : i32
      %eq3A_147 = arith.cmpi eq, %scan3A_97, %eq3A_146 : i32
      %add3A_148 = arith.constant 1 : i32
      %add3A_149 = arith.addi %scan3A_97, %add3A_148 : i32
      %jit3A_150 = arith.constant 0 : i32
      %select_n3A_151 = arith.select %eq3A_147, %jit3A_150, %add3A_149 : i32
      scf.yield %select_n3A, %select_n3A_151 : i32, i32
    }
    %scan3A_58 = arith.constant 79 : i32
    %dma_wait3A = arith.constant 77 : i32
    %dma_wait3A_59 = arith.constant 2 : i32
    %dma_wait3A_60 = arith.constant 256 : i32
    %dma_wait3A_61 = arith.constant 0 : i32
    %dma_wait3A_62 = tpu.memref_slice %arg10[%dma_wait3A_60, %dma_wait3A_61] : memref<640x64xf32, #tpu.memory_space<vmem>> -> memref<128x64xf32, #tpu.memory_space<vmem>>
    %dma_wait3A_63 = arith.constant 0 : i32
    %dma_wait3A_64 = tpu.memref_slice %arg8[%dma_wait3A, %dma_wait3A_63] : memref<79x128xi32, #tpu.memory_space<vmem>> -> memref<1x128xi32, #tpu.memory_space<vmem>>
    %dma_wait3A_65 = tpu.memref_squeeze %dma_wait3A_64 : memref<1x128xi32, #tpu.memory_space<vmem>> -> memref<128xi32, #tpu.memory_space<vmem>>
    %dma_wait3A_66 = arith.constant 0 : i32
    %dma_wait3A_67 = arith.constant 0 : i32
    %dma_wait3A_68 = tpu.memref_slice %arg12[%dma_wait3A_66, %dma_wait3A_67] : memref<10000x64xf32, #tpu.memory_space<vmem_shared>> -> memref<10000x64xf32, #tpu.memory_space<vmem_shared>>
    %dma_wait3A_69 = tpu.memref_slice %arg14[%dma_wait3A_59] : memref<5x!tpu.dma_semaphore, #tpu.memory_space<semaphore_mem>> -> memref<1x!tpu.dma_semaphore, #tpu.memory_space<semaphore_mem>>
    %dma_wait3A_70 = tpu.memref_squeeze %dma_wait3A_69 : memref<1x!tpu.dma_semaphore, #tpu.memory_space<semaphore_mem>> -> memref<!tpu.dma_semaphore, #tpu.memory_space<semaphore_mem>>
    tpu.wait_indirect_dma semaphore(%dma_wait3A_70 : memref<!tpu.dma_semaphore, #tpu.memory_space<semaphore_mem>>) src(%dma_wait3A_62 : memref<128x64xf32, #tpu.memory_space<vmem>>) dst(%dma_wait3A_68 : memref<10000x64xf32, #tpu.memory_space<vmem_shared>>)
    %dma_wait3A_71 = arith.constant 78 : i32
    %dma_wait3A_72 = arith.constant 3 : i32
    %dma_wait3A_73 = arith.constant 384 : i32
    %dma_wait3A_74 = arith.constant 0 : i32
    %dma_wait3A_75 = tpu.memref_slice %arg10[%dma_wait3A_73, %dma_wait3A_74] : memref<640x64xf32, #tpu.memory_space<vmem>> -> memref<128x64xf32, #tpu.memory_space<vmem>>
    %dma_wait3A_76 = arith.constant 0 : i32
    %dma_wait3A_77 = tpu.memref_slice %arg8[%dma_wait3A_71, %dma_wait3A_76] : memref<79x128xi32, #tpu.memory_space<vmem>> -> memref<1x128xi32, #tpu.memory_space<vmem>>
    %dma_wait3A_78 = tpu.memref_squeeze %dma_wait3A_77 : memref<1x128xi32, #tpu.memory_space<vmem>> -> memref<128xi32, #tpu.memory_space<vmem>>
    %dma_wait3A_79 = arith.constant 0 : i32
    %dma_wait3A_80 = arith.constant 0 : i32
    %dma_wait3A_81 = tpu.memref_slice %arg12[%dma_wait3A_79, %dma_wait3A_80] : memref<10000x64xf32, #tpu.memory_space<vmem_shared>> -> memref<10000x64xf32, #tpu.memory_space<vmem_shared>>
    %dma_wait3A_82 = tpu.memref_slice %arg14[%dma_wait3A_72] : memref<5x!tpu.dma_semaphore, #tpu.memory_space<semaphore_mem>> -> memref<1x!tpu.dma_semaphore, #tpu.memory_space<semaphore_mem>>
    %dma_wait3A_83 = tpu.memref_squeeze %dma_wait3A_82 : memref<1x!tpu.dma_semaphore, #tpu.memory_space<semaphore_mem>> -> memref<!tpu.dma_semaphore, #tpu.memory_space<semaphore_mem>>
    tpu.wait_indirect_dma semaphore(%dma_wait3A_83 : memref<!tpu.dma_semaphore, #tpu.memory_space<semaphore_mem>>) src(%dma_wait3A_75 : memref<128x64xf32, #tpu.memory_space<vmem>>) dst(%dma_wait3A_81 : memref<10000x64xf32, #tpu.memory_space<vmem_shared>>)
    %barrier3A_84 = arith.constant 0 : index
    tpu.barrier barrier_id(%barrier3A_84)
    %lt3A_85 = arith.constant 15 : i32
    %lt3A_86 = arith.cmpi slt, %arg1, %lt3A_85 : i32
    %convert_element_type3A_87 = arith.extui %lt3A_86 : i1 to i32
    %cond3A_88 = arith.constant 0 : i32
    %cond3A_89 = arith.cmpi ne, %convert_element_type3A_87, %cond3A_88 : i32
    scf.if %cond3A_89 {
      %mul3A_95 = arith.constant 640 : i32
      %mul3A_96 = arith.muli %arg1, %mul3A_95 : i32
      %add3A_97 = arith.constant 0 : i32
      %add3A_98 = arith.addi %mul3A_96, %add3A_97 : i32
      "tpu.region"() ({
        %run_scoped3A = tpu.sem_alloc : memref<!tpu.dma_semaphore, #tpu.memory_space<semaphore_mem>>
        %dma_start3A_115 = arith.constant 0 : i32
        %dma_start3A_116 = tpu.memref_slice %arg12[%add3A_98, %dma_start3A_115] : memref<10000x64xf32, #tpu.memory_space<vmem_shared>> -> memref<128x64xf32, #tpu.memory_space<vmem_shared>>
        %dma_start3A_117 = arith.constant 0 : i32
        %dma_start3A_118 = tpu.memref_slice %arg12[%add3A_98, %dma_start3A_117] : memref<10000x64xf32, #tpu.memory_space<vmem_shared>> -> memref<128x64xf32, #tpu.memory_space<vmem_shared>>
        tpu.enqueue_dma source(%dma_start3A_118 : memref<128x64xf32, #tpu.memory_space<vmem_shared>>) target(%arg11 : memref<128x64xf32, #tpu.memory_space<vmem>>) target_semaphore(%run_scoped3A : memref<!tpu.dma_semaphore, #tpu.memory_space<semaphore_mem>>)
        %dma_wait3A_119 = arith.constant 0 : i32
        %dma_wait3A_120 = tpu.memref_slice %arg12[%add3A_98, %dma_wait3A_119] : memref<10000x64xf32, #tpu.memory_space<vmem_shared>> -> memref<128x64xf32, #tpu.memory_space<vmem_shared>>
        %dma_wait3A_121 = arith.constant 0 : i32
        %dma_wait3A_122 = tpu.memref_slice %arg12[%add3A_98, %dma_wait3A_121] : memref<10000x64xf32, #tpu.memory_space<vmem_shared>> -> memref<128x64xf32, #tpu.memory_space<vmem_shared>>
        tpu.wait_dma2 semaphore(%run_scoped3A : memref<!tpu.dma_semaphore, #tpu.memory_space<semaphore_mem>>) src(%dma_wait3A_122 : memref<128x64xf32, #tpu.memory_space<vmem_shared>>) dst(%arg11 : memref<128x64xf32, #tpu.memory_space<vmem>>)
        tpu.yield
      }) : () -> ()
      "tpu.region"() ({
        %run_scoped3A = tpu.sem_alloc : memref<!tpu.dma_semaphore, #tpu.memory_space<semaphore_mem>>
        %dma_start3A_115 = arith.constant 0 : i32
        %dma_start3A_116 = tpu.memref_slice %arg6[%arg0, %add3A_98, %dma_start3A_115] : memref<2x10000x64xf32, #tpu.memory_space<hbm>> -> memref<1x128x64xf32, #tpu.memory_space<hbm>>
        %dma_start3A_117 = tpu.memref_squeeze %dma_start3A_116 : memref<1x128x64xf32, #tpu.memory_space<hbm>> -> memref<128x64xf32, #tpu.memory_space<hbm>>
        %dma_start3A_118 = arith.constant 0 : i32
        %dma_start3A_119 = tpu.memref_slice %arg6[%arg0, %add3A_98, %dma_start3A_118] : memref<2x10000x64xf32, #tpu.memory_space<hbm>> -> memref<1x128x64xf32, #tpu.memory_space<hbm>>
        %dma_start3A_120 = tpu.memref_squeeze %dma_start3A_119 : memref<1x128x64xf32, #tpu.memory_space<hbm>> -> memref<128x64xf32, #tpu.memory_space<hbm>>
        tpu.enqueue_dma source(%arg11 : memref<128x64xf32, #tpu.memory_space<vmem>>) target(%dma_start3A_120 : memref<128x64xf32, #tpu.memory_space<hbm>>) target_semaphore(%run_scoped3A : memref<!tpu.dma_semaphore, #tpu.memory_space<semaphore_mem>>)
        %dma_wait3A_121 = arith.constant 0 : i32
        %dma_wait3A_122 = tpu.memref_slice %arg6[%arg0, %add3A_98, %dma_wait3A_121] : memref<2x10000x64xf32, #tpu.memory_space<hbm>> -> memref<1x128x64xf32, #tpu.memory_space<hbm>>
        %dma_wait3A_123 = tpu.memref_squeeze %dma_wait3A_122 : memref<1x128x64xf32, #tpu.memory_space<hbm>> -> memref<128x64xf32, #tpu.memory_space<hbm>>
        %dma_wait3A_124 = arith.constant 0 : i32
        %dma_wait3A_125 = tpu.memref_slice %arg6[%arg0, %add3A_98, %dma_wait3A_124] : memref<2x10000x64xf32, #tpu.memory_space<hbm>> -> memref<1x128x64xf32, #tpu.memory_space<hbm>>
        %dma_wait3A_126 = tpu.memref_squeeze %dma_wait3A_125 : memref<1x128x64xf32, #tpu.memory_space<hbm>> -> memref<128x64xf32, #tpu.memory_space<hbm>>
        tpu.wait_dma2 semaphore(%run_scoped3A : memref<!tpu.dma_semaphore, #tpu.memory_space<semaphore_mem>>) src(%arg11 : memref<128x64xf32, #tpu.memory_space<vmem>>) dst(%dma_wait3A_126 : memref<128x64xf32, #tpu.memory_space<hbm>>)
        tpu.yield
      }) : () -> ()
      %mul3A_99 = arith.constant 640 : i32
      %mul3A_100 = arith.muli %arg1, %mul3A_99 : i32
      %add3A_101 = arith.constant 128 : i32
      %add3A_102 = arith.addi %mul3A_100, %add3A_101 : i32
      "tpu.region"() ({
        %run_scoped3A = tpu.sem_alloc : memref<!tpu.dma_semaphore, #tpu.memory_space<semaphore_mem>>
        %dma_start3A_115 = arith.constant 0 : i32
        %dma_start3A_116 = tpu.memref_slice %arg12[%add3A_102, %dma_start3A_115] : memref<10000x64xf32, #tpu.memory_space<vmem_shared>> -> memref<128x64xf32, #tpu.memory_space<vmem_shared>>
        %dma_start3A_117 = arith.constant 0 : i32
        %dma_start3A_118 = tpu.memref_slice %arg12[%add3A_102, %dma_start3A_117] : memref<10000x64xf32, #tpu.memory_space<vmem_shared>> -> memref<128x64xf32, #tpu.memory_space<vmem_shared>>
        tpu.enqueue_dma source(%dma_start3A_118 : memref<128x64xf32, #tpu.memory_space<vmem_shared>>) target(%arg11 : memref<128x64xf32, #tpu.memory_space<vmem>>) target_semaphore(%run_scoped3A : memref<!tpu.dma_semaphore, #tpu.memory_space<semaphore_mem>>)
        %dma_wait3A_119 = arith.constant 0 : i32
        %dma_wait3A_120 = tpu.memref_slice %arg12[%add3A_102, %dma_wait3A_119] : memref<10000x64xf32, #tpu.memory_space<vmem_shared>> -> memref<128x64xf32, #tpu.memory_space<vmem_shared>>
        %dma_wait3A_121 = arith.constant 0 : i32
        %dma_wait3A_122 = tpu.memref_slice %arg12[%add3A_102, %dma_wait3A_121] : memref<10000x64xf32, #tpu.memory_space<vmem_shared>> -> memref<128x64xf32, #tpu.memory_space<vmem_shared>>
        tpu.wait_dma2 semaphore(%run_scoped3A : memref<!tpu.dma_semaphore, #tpu.memory_space<semaphore_mem>>) src(%dma_wait3A_122 : memref<128x64xf32, #tpu.memory_space<vmem_shared>>) dst(%arg11 : memref<128x64xf32, #tpu.memory_space<vmem>>)
        tpu.yield
      }) : () -> ()
      "tpu.region"() ({
        %run_scoped3A = tpu.sem_alloc : memref<!tpu.dma_semaphore, #tpu.memory_space<semaphore_mem>>
        %dma_start3A_115 = arith.constant 0 : i32
        %dma_start3A_116 = tpu.memref_slice %arg6[%arg0, %add3A_102, %dma_start3A_115] : memref<2x10000x64xf32, #tpu.memory_space<hbm>> -> memref<1x128x64xf32, #tpu.memory_space<hbm>>
        %dma_start3A_117 = tpu.memref_squeeze %dma_start3A_116 : memref<1x128x64xf32, #tpu.memory_space<hbm>> -> memref<128x64xf32, #tpu.memory_space<hbm>>
        %dma_start3A_118 = arith.constant 0 : i32
        %dma_start3A_119 = tpu.memref_slice %arg6[%arg0, %add3A_102, %dma_start3A_118] : memref<2x10000x64xf32, #tpu.memory_space<hbm>> -> memref<1x128x64xf32, #tpu.memory_space<hbm>>
        %dma_start3A_120 = tpu.memref_squeeze %dma_start3A_119 : memref<1x128x64xf32, #tpu.memory_space<hbm>> -> memref<128x64xf32, #tpu.memory_space<hbm>>
        tpu.enqueue_dma source(%arg11 : memref<128x64xf32, #tpu.memory_space<vmem>>) target(%dma_start3A_120 : memref<128x64xf32, #tpu.memory_space<hbm>>) target_semaphore(%run_scoped3A : memref<!tpu.dma_semaphore, #tpu.memory_space<semaphore_mem>>)
        %dma_wait3A_121 = arith.constant 0 : i32
        %dma_wait3A_122 = tpu.memref_slice %arg6[%arg0, %add3A_102, %dma_wait3A_121] : memref<2x10000x64xf32, #tpu.memory_space<hbm>> -> memref<1x128x64xf32, #tpu.memory_space<hbm>>
        %dma_wait3A_123 = tpu.memref_squeeze %dma_wait3A_122 : memref<1x128x64xf32, #tpu.memory_space<hbm>> -> memref<128x64xf32, #tpu.memory_space<hbm>>
        %dma_wait3A_124 = arith.constant 0 : i32
        %dma_wait3A_125 = tpu.memref_slice %arg6[%arg0, %add3A_102, %dma_wait3A_124] : memref<2x10000x64xf32, #tpu.memory_space<hbm>> -> memref<1x128x64xf32, #tpu.memory_space<hbm>>
        %dma_wait3A_126 = tpu.memref_squeeze %dma_wait3A_125 : memref<1x128x64xf32, #tpu.memory_space<hbm>> -> memref<128x64xf32, #tpu.memory_space<hbm>>
        tpu.wait_dma2 semaphore(%run_scoped3A : memref<!tpu.dma_semaphore, #tpu.memory_space<semaphore_mem>>) src(%arg11 : memref<128x64xf32, #tpu.memory_space<vmem>>) dst(%dma_wait3A_126 : memref<128x64xf32, #tpu.memory_space<hbm>>)
        tpu.yield
      }) : () -> ()
      %mul3A_103 = arith.constant 640 : i32
      %mul3A_104 = arith.muli %arg1, %mul3A_103 : i32
      %add3A_105 = arith.constant 256 : i32
      %add3A_106 = arith.addi %mul3A_104, %add3A_105 : i32
      "tpu.region"() ({
        %run_scoped3A = tpu.sem_alloc : memref<!tpu.dma_semaphore, #tpu.memory_space<semaphore_mem>>
        %dma_start3A_115 = arith.constant 0 : i32
        %dma_start3A_116 = tpu.memref_slice %arg12[%add3A_106, %dma_start3A_115] : memref<10000x64xf32, #tpu.memory_space<vmem_shared>> -> memref<128x64xf32, #tpu.memory_space<vmem_shared>>
        %dma_start3A_117 = arith.constant 0 : i32
        %dma_start3A_118 = tpu.memref_slice %arg12[%add3A_106, %dma_start3A_117] : memref<10000x64xf32, #tpu.memory_space<vmem_shared>> -> memref<128x64xf32, #tpu.memory_space<vmem_shared>>
        tpu.enqueue_dma source(%dma_start3A_118 : memref<128x64xf32, #tpu.memory_space<vmem_shared>>) target(%arg11 : memref<128x64xf32, #tpu.memory_space<vmem>>) target_semaphore(%run_scoped3A : memref<!tpu.dma_semaphore, #tpu.memory_space<semaphore_mem>>)
        %dma_wait3A_119 = arith.constant 0 : i32
        %dma_wait3A_120 = tpu.memref_slice %arg12[%add3A_106, %dma_wait3A_119] : memref<10000x64xf32, #tpu.memory_space<vmem_shared>> -> memref<128x64xf32, #tpu.memory_space<vmem_shared>>
        %dma_wait3A_121 = arith.constant 0 : i32
        %dma_wait3A_122 = tpu.memref_slice %arg12[%add3A_106, %dma_wait3A_121] : memref<10000x64xf32, #tpu.memory_space<vmem_shared>> -> memref<128x64xf32, #tpu.memory_space<vmem_shared>>
        tpu.wait_dma2 semaphore(%run_scoped3A : memref<!tpu.dma_semaphore, #tpu.memory_space<semaphore_mem>>) src(%dma_wait3A_122 : memref<128x64xf32, #tpu.memory_space<vmem_shared>>) dst(%arg11 : memref<128x64xf32, #tpu.memory_space<vmem>>)
        tpu.yield
      }) : () -> ()
      "tpu.region"() ({
        %run_scoped3A = tpu.sem_alloc : memref<!tpu.dma_semaphore, #tpu.memory_space<semaphore_mem>>
        %dma_start3A_115 = arith.constant 0 : i32
        %dma_start3A_116 = tpu.memref_slice %arg6[%arg0, %add3A_106, %dma_start3A_115] : memref<2x10000x64xf32, #tpu.memory_space<hbm>> -> memref<1x128x64xf32, #tpu.memory_space<hbm>>
        %dma_start3A_117 = tpu.memref_squeeze %dma_start3A_116 : memref<1x128x64xf32, #tpu.memory_space<hbm>> -> memref<128x64xf32, #tpu.memory_space<hbm>>
        %dma_start3A_118 = arith.constant 0 : i32
        %dma_start3A_119 = tpu.memref_slice %arg6[%arg0, %add3A_106, %dma_start3A_118] : memref<2x10000x64xf32, #tpu.memory_space<hbm>> -> memref<1x128x64xf32, #tpu.memory_space<hbm>>
        %dma_start3A_120 = tpu.memref_squeeze %dma_start3A_119 : memref<1x128x64xf32, #tpu.memory_space<hbm>> -> memref<128x64xf32, #tpu.memory_space<hbm>>
        tpu.enqueue_dma source(%arg11 : memref<128x64xf32, #tpu.memory_space<vmem>>) target(%dma_start3A_120 : memref<128x64xf32, #tpu.memory_space<hbm>>) target_semaphore(%run_scoped3A : memref<!tpu.dma_semaphore, #tpu.memory_space<semaphore_mem>>)
        %dma_wait3A_121 = arith.constant 0 : i32
        %dma_wait3A_122 = tpu.memref_slice %arg6[%arg0, %add3A_106, %dma_wait3A_121] : memref<2x10000x64xf32, #tpu.memory_space<hbm>> -> memref<1x128x64xf32, #tpu.memory_space<hbm>>
        %dma_wait3A_123 = tpu.memref_squeeze %dma_wait3A_122 : memref<1x128x64xf32, #tpu.memory_space<hbm>> -> memref<128x64xf32, #tpu.memory_space<hbm>>
        %dma_wait3A_124 = arith.constant 0 : i32
        %dma_wait3A_125 = tpu.memref_slice %arg6[%arg0, %add3A_106, %dma_wait3A_124] : memref<2x10000x64xf32, #tpu.memory_space<hbm>> -> memref<1x128x64xf32, #tpu.memory_space<hbm>>
        %dma_wait3A_126 = tpu.memref_squeeze %dma_wait3A_125 : memref<1x128x64xf32, #tpu.memory_space<hbm>> -> memref<128x64xf32, #tpu.memory_space<hbm>>
        tpu.wait_dma2 semaphore(%run_scoped3A : memref<!tpu.dma_semaphore, #tpu.memory_space<semaphore_mem>>) src(%arg11 : memref<128x64xf32, #tpu.memory_space<vmem>>) dst(%dma_wait3A_126 : memref<128x64xf32, #tpu.memory_space<hbm>>)
        tpu.yield
      }) : () -> ()
      %mul3A_107 = arith.constant 640 : i32
      %mul3A_108 = arith.muli %arg1, %mul3A_107 : i32
      %add3A_109 = arith.constant 384 : i32
      %add3A_110 = arith.addi %mul3A_108, %add3A_109 : i32
      "tpu.region"() ({
        %run_scoped3A = tpu.sem_alloc : memref<!tpu.dma_semaphore, #tpu.memory_space<semaphore_mem>>
        %dma_start3A_115 = arith.constant 0 : i32
        %dma_start3A_116 = tpu.memref_slice %arg12[%add3A_110, %dma_start3A_115] : memref<10000x64xf32, #tpu.memory_space<vmem_shared>> -> memref<128x64xf32, #tpu.memory_space<vmem_shared>>
        %dma_start3A_117 = arith.constant 0 : i32
        %dma_start3A_118 = tpu.memref_slice %arg12[%add3A_110, %dma_start3A_117] : memref<10000x64xf32, #tpu.memory_space<vmem_shared>> -> memref<128x64xf32, #tpu.memory_space<vmem_shared>>
        tpu.enqueue_dma source(%dma_start3A_118 : memref<128x64xf32, #tpu.memory_space<vmem_shared>>) target(%arg11 : memref<128x64xf32, #tpu.memory_space<vmem>>) target_semaphore(%run_scoped3A : memref<!tpu.dma_semaphore, #tpu.memory_space<semaphore_mem>>)
        %dma_wait3A_119 = arith.constant 0 : i32
        %dma_wait3A_120 = tpu.memref_slice %arg12[%add3A_110, %dma_wait3A_119] : memref<10000x64xf32, #tpu.memory_space<vmem_shared>> -> memref<128x64xf32, #tpu.memory_space<vmem_shared>>
        %dma_wait3A_121 = arith.constant 0 : i32
        %dma_wait3A_122 = tpu.memref_slice %arg12[%add3A_110, %dma_wait3A_121] : memref<10000x64xf32, #tpu.memory_space<vmem_shared>> -> memref<128x64xf32, #tpu.memory_space<vmem_shared>>
        tpu.wait_dma2 semaphore(%run_scoped3A : memref<!tpu.dma_semaphore, #tpu.memory_space<semaphore_mem>>) src(%dma_wait3A_122 : memref<128x64xf32, #tpu.memory_space<vmem_shared>>) dst(%arg11 : memref<128x64xf32, #tpu.memory_space<vmem>>)
        tpu.yield
      }) : () -> ()
      "tpu.region"() ({
        %run_scoped3A = tpu.sem_alloc : memref<!tpu.dma_semaphore, #tpu.memory_space<semaphore_mem>>
        %dma_start3A_115 = arith.constant 0 : i32
        %dma_start3A_116 = tpu.memref_slice %arg6[%arg0, %add3A_110, %dma_start3A_115] : memref<2x10000x64xf32, #tpu.memory_space<hbm>> -> memref<1x128x64xf32, #tpu.memory_space<hbm>>
        %dma_start3A_117 = tpu.memref_squeeze %dma_start3A_116 : memref<1x128x64xf32, #tpu.memory_space<hbm>> -> memref<128x64xf32, #tpu.memory_space<hbm>>
        %dma_start3A_118 = arith.constant 0 : i32
        %dma_start3A_119 = tpu.memref_slice %arg6[%arg0, %add3A_110, %dma_start3A_118] : memref<2x10000x64xf32, #tpu.memory_space<hbm>> -> memref<1x128x64xf32, #tpu.memory_space<hbm>>
        %dma_start3A_120 = tpu.memref_squeeze %dma_start3A_119 : memref<1x128x64xf32, #tpu.memory_space<hbm>> -> memref<128x64xf32, #tpu.memory_space<hbm>>
        tpu.enqueue_dma source(%arg11 : memref<128x64xf32, #tpu.memory_space<vmem>>) target(%dma_start3A_120 : memref<128x64xf32, #tpu.memory_space<hbm>>) target_semaphore(%run_scoped3A : memref<!tpu.dma_semaphore, #tpu.memory_space<semaphore_mem>>)
        %dma_wait3A_121 = arith.constant 0 : i32
        %dma_wait3A_122 = tpu.memref_slice %arg6[%arg0, %add3A_110, %dma_wait3A_121] : memref<2x10000x64xf32, #tpu.memory_space<hbm>> -> memref<1x128x64xf32, #tpu.memory_space<hbm>>
        %dma_wait3A_123 = tpu.memref_squeeze %dma_wait3A_122 : memref<1x128x64xf32, #tpu.memory_space<hbm>> -> memref<128x64xf32, #tpu.memory_space<hbm>>
        %dma_wait3A_124 = arith.constant 0 : i32
        %dma_wait3A_125 = tpu.memref_slice %arg6[%arg0, %add3A_110, %dma_wait3A_124] : memref<2x10000x64xf32, #tpu.memory_space<hbm>> -> memref<1x128x64xf32, #tpu.memory_space<hbm>>
        %dma_wait3A_126 = tpu.memref_squeeze %dma_wait3A_125 : memref<1x128x64xf32, #tpu.memory_space<hbm>> -> memref<128x64xf32, #tpu.memory_space<hbm>>
        tpu.wait_dma2 semaphore(%run_scoped3A : memref<!tpu.dma_semaphore, #tpu.memory_space<semaphore_mem>>) src(%arg11 : memref<128x64xf32, #tpu.memory_space<vmem>>) dst(%dma_wait3A_126 : memref<128x64xf32, #tpu.memory_space<hbm>>)
        tpu.yield
      }) : () -> ()
      %mul3A_111 = arith.constant 640 : i32
      %mul3A_112 = arith.muli %arg1, %mul3A_111 : i32
      %add3A_113 = arith.constant 512 : i32
      %add3A_114 = arith.addi %mul3A_112, %add3A_113 : i32
      "tpu.region"() ({
        %run_scoped3A = tpu.sem_alloc : memref<!tpu.dma_semaphore, #tpu.memory_space<semaphore_mem>>
        %dma_start3A_115 = arith.constant 0 : i32
        %dma_start3A_116 = tpu.memref_slice %arg12[%add3A_114, %dma_start3A_115] : memref<10000x64xf32, #tpu.memory_space<vmem_shared>> -> memref<128x64xf32, #tpu.memory_space<vmem_shared>>
        %dma_start3A_117 = arith.constant 0 : i32
        %dma_start3A_118 = tpu.memref_slice %arg12[%add3A_114, %dma_start3A_117] : memref<10000x64xf32, #tpu.memory_space<vmem_shared>> -> memref<128x64xf32, #tpu.memory_space<vmem_shared>>
        tpu.enqueue_dma source(%dma_start3A_118 : memref<128x64xf32, #tpu.memory_space<vmem_shared>>) target(%arg11 : memref<128x64xf32, #tpu.memory_space<vmem>>) target_semaphore(%run_scoped3A : memref<!tpu.dma_semaphore, #tpu.memory_space<semaphore_mem>>)
        %dma_wait3A_119 = arith.constant 0 : i32
        %dma_wait3A_120 = tpu.memref_slice %arg12[%add3A_114, %dma_wait3A_119] : memref<10000x64xf32, #tpu.memory_space<vmem_shared>> -> memref<128x64xf32, #tpu.memory_space<vmem_shared>>
        %dma_wait3A_121 = arith.constant 0 : i32
        %dma_wait3A_122 = tpu.memref_slice %arg12[%add3A_114, %dma_wait3A_121] : memref<10000x64xf32, #tpu.memory_space<vmem_shared>> -> memref<128x64xf32, #tpu.memory_space<vmem_shared>>
        tpu.wait_dma2 semaphore(%run_scoped3A : memref<!tpu.dma_semaphore, #tpu.memory_space<semaphore_mem>>) src(%dma_wait3A_122 : memref<128x64xf32, #tpu.memory_space<vmem_shared>>) dst(%arg11 : memref<128x64xf32, #tpu.memory_space<vmem>>)
        tpu.yield
      }) : () -> ()
      "tpu.region"() ({
        %run_scoped3A = tpu.sem_alloc : memref<!tpu.dma_semaphore, #tpu.memory_space<semaphore_mem>>
        %dma_start3A_115 = arith.constant 0 : i32
        %dma_start3A_116 = tpu.memref_slice %arg6[%arg0, %add3A_114, %dma_start3A_115] : memref<2x10000x64xf32, #tpu.memory_space<hbm>> -> memref<1x128x64xf32, #tpu.memory_space<hbm>>
        %dma_start3A_117 = tpu.memref_squeeze %dma_start3A_116 : memref<1x128x64xf32, #tpu.memory_space<hbm>> -> memref<128x64xf32, #tpu.memory_space<hbm>>
        %dma_start3A_118 = arith.constant 0 : i32
        %dma_start3A_119 = tpu.memref_slice %arg6[%arg0, %add3A_114, %dma_start3A_118] : memref<2x10000x64xf32, #tpu.memory_space<hbm>> -> memref<1x128x64xf32, #tpu.memory_space<hbm>>
        %dma_start3A_120 = tpu.memref_squeeze %dma_start3A_119 : memref<1x128x64xf32, #tpu.memory_space<hbm>> -> memref<128x64xf32, #tpu.memory_space<hbm>>
        tpu.enqueue_dma source(%arg11 : memref<128x64xf32, #tpu.memory_space<vmem>>) target(%dma_start3A_120 : memref<128x64xf32, #tpu.memory_space<hbm>>) target_semaphore(%run_scoped3A : memref<!tpu.dma_semaphore, #tpu.memory_space<semaphore_mem>>)
        %dma_wait3A_121 = arith.constant 0 : i32
        %dma_wait3A_122 = tpu.memref_slice %arg6[%arg0, %add3A_114, %dma_wait3A_121] : memref<2x10000x64xf32, #tpu.memory_space<hbm>> -> memref<1x128x64xf32, #tpu.memory_space<hbm>>
        %dma_wait3A_123 = tpu.memref_squeeze %dma_wait3A_122 : memref<1x128x64xf32, #tpu.memory_space<hbm>> -> memref<128x64xf32, #tpu.memory_space<hbm>>
        %dma_wait3A_124 = arith.constant 0 : i32
        %dma_wait3A_125 = tpu.memref_slice %arg6[%arg0, %add3A_114, %dma_wait3A_124] : memref<2x10000x64xf32, #tpu.memory_space<hbm>> -> memref<1x128x64xf32, #tpu.memory_space<hbm>>
        %dma_wait3A_126 = tpu.memref_squeeze %dma_wait3A_125 : memref<1x128x64xf32, #tpu.memory_space<hbm>> -> memref<128x64xf32, #tpu.memory_space<hbm>>
        tpu.wait_dma2 semaphore(%run_scoped3A : memref<!tpu.dma_semaphore, #tpu.memory_space<semaphore_mem>>) src(%arg11 : memref<128x64xf32, #tpu.memory_space<vmem>>) dst(%dma_wait3A_126 : memref<128x64xf32, #tpu.memory_space<hbm>>)
        tpu.yield
      }) : () -> ()
    } else {
    }
    %eq3A_90 = arith.constant 15 : i32
    %eq3A_91 = arith.cmpi eq, %arg1, %eq3A_90 : i32
    %convert_element_type3A_92 = arith.extui %eq3A_91 : i1 to i32
    %cond3A_93 = arith.constant 0 : i32
    %cond3A_94 = arith.cmpi ne, %convert_element_type3A_92, %cond3A_93 : i32
    scf.if %cond3A_94 {
      "tpu.region"() ({
        %run_scoped3A = tpu.sem_alloc : memref<!tpu.dma_semaphore, #tpu.memory_space<semaphore_mem>>
        %dma_start3A_95 = arith.constant 9600 : i32
        %dma_start3A_96 = arith.constant 0 : i32
        %dma_start3A_97 = tpu.memref_slice %arg12[%dma_start3A_95, %dma_start3A_96] : memref<10000x64xf32, #tpu.memory_space<vmem_shared>> -> memref<128x64xf32, #tpu.memory_space<vmem_shared>>
        %dma_start3A_98 = arith.constant 9600 : i32
        %dma_start3A_99 = arith.constant 0 : i32
        %dma_start3A_100 = tpu.memref_slice %arg12[%dma_start3A_98, %dma_start3A_99] : memref<10000x64xf32, #tpu.memory_space<vmem_shared>> -> memref<128x64xf32, #tpu.memory_space<vmem_shared>>
        tpu.enqueue_dma source(%dma_start3A_100 : memref<128x64xf32, #tpu.memory_space<vmem_shared>>) target(%arg11 : memref<128x64xf32, #tpu.memory_space<vmem>>) target_semaphore(%run_scoped3A : memref<!tpu.dma_semaphore, #tpu.memory_space<semaphore_mem>>)
        %dma_wait3A_101 = arith.constant 9600 : i32
        %dma_wait3A_102 = arith.constant 0 : i32
        %dma_wait3A_103 = tpu.memref_slice %arg12[%dma_wait3A_101, %dma_wait3A_102] : memref<10000x64xf32, #tpu.memory_space<vmem_shared>> -> memref<128x64xf32, #tpu.memory_space<vmem_shared>>
        %dma_wait3A_104 = arith.constant 9600 : i32
        %dma_wait3A_105 = arith.constant 0 : i32
        %dma_wait3A_106 = tpu.memref_slice %arg12[%dma_wait3A_104, %dma_wait3A_105] : memref<10000x64xf32, #tpu.memory_space<vmem_shared>> -> memref<128x64xf32, #tpu.memory_space<vmem_shared>>
        tpu.wait_dma2 semaphore(%run_scoped3A : memref<!tpu.dma_semaphore, #tpu.memory_space<semaphore_mem>>) src(%dma_wait3A_106 : memref<128x64xf32, #tpu.memory_space<vmem_shared>>) dst(%arg11 : memref<128x64xf32, #tpu.memory_space<vmem>>)
        tpu.yield
      }) : () -> ()
      "tpu.region"() ({
        %run_scoped3A = tpu.sem_alloc : memref<!tpu.dma_semaphore, #tpu.memory_space<semaphore_mem>>
        %dma_start3A_95 = arith.constant 9600 : i32
        %dma_start3A_96 = arith.constant 0 : i32
        %dma_start3A_97 = tpu.memref_slice %arg6[%arg0, %dma_start3A_95, %dma_start3A_96] : memref<2x10000x64xf32, #tpu.memory_space<hbm>> -> memref<1x128x64xf32, #tpu.memory_space<hbm>>
        %dma_start3A_98 = tpu.memref_squeeze %dma_start3A_97 : memref<1x128x64xf32, #tpu.memory_space<hbm>> -> memref<128x64xf32, #tpu.memory_space<hbm>>
        %dma_start3A_99 = arith.constant 9600 : i32
        %dma_start3A_100 = arith.constant 0 : i32
        %dma_start3A_101 = tpu.memref_slice %arg6[%arg0, %dma_start3A_99, %dma_start3A_100] : memref<2x10000x64xf32, #tpu.memory_space<hbm>> -> memref<1x128x64xf32, #tpu.memory_space<hbm>>
        %dma_start3A_102 = tpu.memref_squeeze %dma_start3A_101 : memref<1x128x64xf32, #tpu.memory_space<hbm>> -> memref<128x64xf32, #tpu.memory_space<hbm>>
        tpu.enqueue_dma source(%arg11 : memref<128x64xf32, #tpu.memory_space<vmem>>) target(%dma_start3A_102 : memref<128x64xf32, #tpu.memory_space<hbm>>) target_semaphore(%run_scoped3A : memref<!tpu.dma_semaphore, #tpu.memory_space<semaphore_mem>>)
        %dma_wait3A_103 = arith.constant 9600 : i32
        %dma_wait3A_104 = arith.constant 0 : i32
        %dma_wait3A_105 = tpu.memref_slice %arg6[%arg0, %dma_wait3A_103, %dma_wait3A_104] : memref<2x10000x64xf32, #tpu.memory_space<hbm>> -> memref<1x128x64xf32, #tpu.memory_space<hbm>>
        %dma_wait3A_106 = tpu.memref_squeeze %dma_wait3A_105 : memref<1x128x64xf32, #tpu.memory_space<hbm>> -> memref<128x64xf32, #tpu.memory_space<hbm>>
        %dma_wait3A_107 = arith.constant 9600 : i32
        %dma_wait3A_108 = arith.constant 0 : i32
        %dma_wait3A_109 = tpu.memref_slice %arg6[%arg0, %dma_wait3A_107, %dma_wait3A_108] : memref<2x10000x64xf32, #tpu.memory_space<hbm>> -> memref<1x128x64xf32, #tpu.memory_space<hbm>>
        %dma_wait3A_110 = tpu.memref_squeeze %dma_wait3A_109 : memref<1x128x64xf32, #tpu.memory_space<hbm>> -> memref<128x64xf32, #tpu.memory_space<hbm>>
        tpu.wait_dma2 semaphore(%run_scoped3A : memref<!tpu.dma_semaphore, #tpu.memory_space<semaphore_mem>>) src(%arg11 : memref<128x64xf32, #tpu.memory_space<vmem>>) dst(%dma_wait3A_110 : memref<128x64xf32, #tpu.memory_space<hbm>>)
        tpu.yield
      }) : () -> ()
      "tpu.region"() ({
        %run_scoped3A = tpu.sem_alloc : memref<!tpu.dma_semaphore, #tpu.memory_space<semaphore_mem>>
        %dma_start3A_95 = arith.constant 9728 : i32
        %dma_start3A_96 = arith.constant 0 : i32
        %dma_start3A_97 = tpu.memref_slice %arg12[%dma_start3A_95, %dma_start3A_96] : memref<10000x64xf32, #tpu.memory_space<vmem_shared>> -> memref<128x64xf32, #tpu.memory_space<vmem_shared>>
        %dma_start3A_98 = arith.constant 9728 : i32
        %dma_start3A_99 = arith.constant 0 : i32
        %dma_start3A_100 = tpu.memref_slice %arg12[%dma_start3A_98, %dma_start3A_99] : memref<10000x64xf32, #tpu.memory_space<vmem_shared>> -> memref<128x64xf32, #tpu.memory_space<vmem_shared>>
        tpu.enqueue_dma source(%dma_start3A_100 : memref<128x64xf32, #tpu.memory_space<vmem_shared>>) target(%arg11 : memref<128x64xf32, #tpu.memory_space<vmem>>) target_semaphore(%run_scoped3A : memref<!tpu.dma_semaphore, #tpu.memory_space<semaphore_mem>>)
        %dma_wait3A_101 = arith.constant 9728 : i32
        %dma_wait3A_102 = arith.constant 0 : i32
        %dma_wait3A_103 = tpu.memref_slice %arg12[%dma_wait3A_101, %dma_wait3A_102] : memref<10000x64xf32, #tpu.memory_space<vmem_shared>> -> memref<128x64xf32, #tpu.memory_space<vmem_shared>>
        %dma_wait3A_104 = arith.constant 9728 : i32
        %dma_wait3A_105 = arith.constant 0 : i32
        %dma_wait3A_106 = tpu.memref_slice %arg12[%dma_wait3A_104, %dma_wait3A_105] : memref<10000x64xf32, #tpu.memory_space<vmem_shared>> -> memref<128x64xf32, #tpu.memory_space<vmem_shared>>
        tpu.wait_dma2 semaphore(%run_scoped3A : memref<!tpu.dma_semaphore, #tpu.memory_space<semaphore_mem>>) src(%dma_wait3A_106 : memref<128x64xf32, #tpu.memory_space<vmem_shared>>) dst(%arg11 : memref<128x64xf32, #tpu.memory_space<vmem>>)
        tpu.yield
      }) : () -> ()
      "tpu.region"() ({
        %run_scoped3A = tpu.sem_alloc : memref<!tpu.dma_semaphore, #tpu.memory_space<semaphore_mem>>
        %dma_start3A_95 = arith.constant 9728 : i32
        %dma_start3A_96 = arith.constant 0 : i32
        %dma_start3A_97 = tpu.memref_slice %arg6[%arg0, %dma_start3A_95, %dma_start3A_96] : memref<2x10000x64xf32, #tpu.memory_space<hbm>> -> memref<1x128x64xf32, #tpu.memory_space<hbm>>
        %dma_start3A_98 = tpu.memref_squeeze %dma_start3A_97 : memref<1x128x64xf32, #tpu.memory_space<hbm>> -> memref<128x64xf32, #tpu.memory_space<hbm>>
        %dma_start3A_99 = arith.constant 9728 : i32
        %dma_start3A_100 = arith.constant 0 : i32
        %dma_start3A_101 = tpu.memref_slice %arg6[%arg0, %dma_start3A_99, %dma_start3A_100] : memref<2x10000x64xf32, #tpu.memory_space<hbm>> -> memref<1x128x64xf32, #tpu.memory_space<hbm>>
        %dma_start3A_102 = tpu.memref_squeeze %dma_start3A_101 : memref<1x128x64xf32, #tpu.memory_space<hbm>> -> memref<128x64xf32, #tpu.memory_space<hbm>>
        tpu.enqueue_dma source(%arg11 : memref<128x64xf32, #tpu.memory_space<vmem>>) target(%dma_start3A_102 : memref<128x64xf32, #tpu.memory_space<hbm>>) target_semaphore(%run_scoped3A : memref<!tpu.dma_semaphore, #tpu.memory_space<semaphore_mem>>)
        %dma_wait3A_103 = arith.constant 9728 : i32
        %dma_wait3A_104 = arith.constant 0 : i32
        %dma_wait3A_105 = tpu.memref_slice %arg6[%arg0, %dma_wait3A_103, %dma_wait3A_104] : memref<2x10000x64xf32, #tpu.memory_space<hbm>> -> memref<1x128x64xf32, #tpu.memory_space<hbm>>
        %dma_wait3A_106 = tpu.memref_squeeze %dma_wait3A_105 : memref<1x128x64xf32, #tpu.memory_space<hbm>> -> memref<128x64xf32, #tpu.memory_space<hbm>>
        %dma_wait3A_107 = arith.constant 9728 : i32
        %dma_wait3A_108 = arith.constant 0 : i32
        %dma_wait3A_109 = tpu.memref_slice %arg6[%arg0, %dma_wait3A_107, %dma_wait3A_108] : memref<2x10000x64xf32, #tpu.memory_space<hbm>> -> memref<1x128x64xf32, #tpu.memory_space<hbm>>
        %dma_wait3A_110 = tpu.memref_squeeze %dma_wait3A_109 : memref<1x128x64xf32, #tpu.memory_space<hbm>> -> memref<128x64xf32, #tpu.memory_space<hbm>>
        tpu.wait_dma2 semaphore(%run_scoped3A : memref<!tpu.dma_semaphore, #tpu.memory_space<semaphore_mem>>) src(%arg11 : memref<128x64xf32, #tpu.memory_space<vmem>>) dst(%dma_wait3A_110 : memref<128x64xf32, #tpu.memory_space<hbm>>)
        tpu.yield
      }) : () -> ()
      "tpu.region"() ({
        %run_scoped3A = tpu.sem_alloc : memref<!tpu.dma_semaphore, #tpu.memory_space<semaphore_mem>>
        %dma_start3A_95 = arith.constant 9856 : i32
        %dma_start3A_96 = arith.constant 0 : i32
        %dma_start3A_97 = tpu.memref_slice %arg12[%dma_start3A_95, %dma_start3A_96] : memref<10000x64xf32, #tpu.memory_space<vmem_shared>> -> memref<128x64xf32, #tpu.memory_space<vmem_shared>>
        %dma_start3A_98 = arith.constant 9856 : i32
        %dma_start3A_99 = arith.constant 0 : i32
        %dma_start3A_100 = tpu.memref_slice %arg12[%dma_start3A_98, %dma_start3A_99] : memref<10000x64xf32, #tpu.memory_space<vmem_shared>> -> memref<128x64xf32, #tpu.memory_space<vmem_shared>>
        tpu.enqueue_dma source(%dma_start3A_100 : memref<128x64xf32, #tpu.memory_space<vmem_shared>>) target(%arg11 : memref<128x64xf32, #tpu.memory_space<vmem>>) target_semaphore(%run_scoped3A : memref<!tpu.dma_semaphore, #tpu.memory_space<semaphore_mem>>)
        %dma_wait3A_101 = arith.constant 9856 : i32
        %dma_wait3A_102 = arith.constant 0 : i32
        %dma_wait3A_103 = tpu.memref_slice %arg12[%dma_wait3A_101, %dma_wait3A_102] : memref<10000x64xf32, #tpu.memory_space<vmem_shared>> -> memref<128x64xf32, #tpu.memory_space<vmem_shared>>
        %dma_wait3A_104 = arith.constant 9856 : i32
        %dma_wait3A_105 = arith.constant 0 : i32
        %dma_wait3A_106 = tpu.memref_slice %arg12[%dma_wait3A_104, %dma_wait3A_105] : memref<10000x64xf32, #tpu.memory_space<vmem_shared>> -> memref<128x64xf32, #tpu.memory_space<vmem_shared>>
        tpu.wait_dma2 semaphore(%run_scoped3A : memref<!tpu.dma_semaphore, #tpu.memory_space<semaphore_mem>>) src(%dma_wait3A_106 : memref<128x64xf32, #tpu.memory_space<vmem_shared>>) dst(%arg11 : memref<128x64xf32, #tpu.memory_space<vmem>>)
        tpu.yield
      }) : () -> ()
      "tpu.region"() ({
        %run_scoped3A = tpu.sem_alloc : memref<!tpu.dma_semaphore, #tpu.memory_space<semaphore_mem>>
        %dma_start3A_95 = arith.constant 9856 : i32
        %dma_start3A_96 = arith.constant 0 : i32
        %dma_start3A_97 = tpu.memref_slice %arg6[%arg0, %dma_start3A_95, %dma_start3A_96] : memref<2x10000x64xf32, #tpu.memory_space<hbm>> -> memref<1x128x64xf32, #tpu.memory_space<hbm>>
        %dma_start3A_98 = tpu.memref_squeeze %dma_start3A_97 : memref<1x128x64xf32, #tpu.memory_space<hbm>> -> memref<128x64xf32, #tpu.memory_space<hbm>>
        %dma_start3A_99 = arith.constant 9856 : i32
        %dma_start3A_100 = arith.constant 0 : i32
        %dma_start3A_101 = tpu.memref_slice %arg6[%arg0, %dma_start3A_99, %dma_start3A_100] : memref<2x10000x64xf32, #tpu.memory_space<hbm>> -> memref<1x128x64xf32, #tpu.memory_space<hbm>>
        %dma_start3A_102 = tpu.memref_squeeze %dma_start3A_101 : memref<1x128x64xf32, #tpu.memory_space<hbm>> -> memref<128x64xf32, #tpu.memory_space<hbm>>
        tpu.enqueue_dma source(%arg11 : memref<128x64xf32, #tpu.memory_space<vmem>>) target(%dma_start3A_102 : memref<128x64xf32, #tpu.memory_space<hbm>>) target_semaphore(%run_scoped3A : memref<!tpu.dma_semaphore, #tpu.memory_space<semaphore_mem>>)
        %dma_wait3A_103 = arith.constant 9856 : i32
        %dma_wait3A_104 = arith.constant 0 : i32
        %dma_wait3A_105 = tpu.memref_slice %arg6[%arg0, %dma_wait3A_103, %dma_wait3A_104] : memref<2x10000x64xf32, #tpu.memory_space<hbm>> -> memref<1x128x64xf32, #tpu.memory_space<hbm>>
        %dma_wait3A_106 = tpu.memref_squeeze %dma_wait3A_105 : memref<1x128x64xf32, #tpu.memory_space<hbm>> -> memref<128x64xf32, #tpu.memory_space<hbm>>
        %dma_wait3A_107 = arith.constant 9856 : i32
        %dma_wait3A_108 = arith.constant 0 : i32
        %dma_wait3A_109 = tpu.memref_slice %arg6[%arg0, %dma_wait3A_107, %dma_wait3A_108] : memref<2x10000x64xf32, #tpu.memory_space<hbm>> -> memref<1x128x64xf32, #tpu.memory_space<hbm>>
        %dma_wait3A_110 = tpu.memref_squeeze %dma_wait3A_109 : memref<1x128x64xf32, #tpu.memory_space<hbm>> -> memref<128x64xf32, #tpu.memory_space<hbm>>
        tpu.wait_dma2 semaphore(%run_scoped3A : memref<!tpu.dma_semaphore, #tpu.memory_space<semaphore_mem>>) src(%arg11 : memref<128x64xf32, #tpu.memory_space<vmem>>) dst(%dma_wait3A_110 : memref<128x64xf32, #tpu.memory_space<hbm>>)
        tpu.yield
      }) : () -> ()
      "tpu.region"() ({
        %run_scoped3A = tpu.sem_alloc : memref<!tpu.dma_semaphore, #tpu.memory_space<semaphore_mem>>
        %dma_start3A_95 = arith.constant 0 : i32
        %dma_start3A_96 = arith.constant 0 : i32
        %dma_start3A_97 = tpu.memref_slice %arg11[%dma_start3A_95, %dma_start3A_96] : memref<128x64xf32, #tpu.memory_space<vmem>> -> memref<16x64xf32, #tpu.memory_space<vmem>>
        %dma_start3A_98 = arith.constant 9984 : i32
        %dma_start3A_99 = arith.constant 0 : i32
        %dma_start3A_100 = tpu.memref_slice %arg12[%dma_start3A_98, %dma_start3A_99] : memref<10000x64xf32, #tpu.memory_space<vmem_shared>> -> memref<16x64xf32, #tpu.memory_space<vmem_shared>>
        %dma_start3A_101 = arith.constant 0 : i32
        %dma_start3A_102 = arith.constant 0 : i32
        %dma_start3A_103 = tpu.memref_slice %arg11[%dma_start3A_101, %dma_start3A_102] : memref<128x64xf32, #tpu.memory_space<vmem>> -> memref<16x64xf32, #tpu.memory_space<vmem>>
        %dma_start3A_104 = arith.constant 9984 : i32
        %dma_start3A_105 = arith.constant 0 : i32
        %dma_start3A_106 = tpu.memref_slice %arg12[%dma_start3A_104, %dma_start3A_105] : memref<10000x64xf32, #tpu.memory_space<vmem_shared>> -> memref<16x64xf32, #tpu.memory_space<vmem_shared>>
        tpu.enqueue_dma source(%dma_start3A_106 : memref<16x64xf32, #tpu.memory_space<vmem_shared>>) target(%dma_start3A_103 : memref<16x64xf32, #tpu.memory_space<vmem>>) target_semaphore(%run_scoped3A : memref<!tpu.dma_semaphore, #tpu.memory_space<semaphore_mem>>)
        %dma_wait3A_107 = arith.constant 0 : i32
        %dma_wait3A_108 = arith.constant 0 : i32
        %dma_wait3A_109 = tpu.memref_slice %arg11[%dma_wait3A_107, %dma_wait3A_108] : memref<128x64xf32, #tpu.memory_space<vmem>> -> memref<16x64xf32, #tpu.memory_space<vmem>>
        %dma_wait3A_110 = arith.constant 9984 : i32
        %dma_wait3A_111 = arith.constant 0 : i32
        %dma_wait3A_112 = tpu.memref_slice %arg12[%dma_wait3A_110, %dma_wait3A_111] : memref<10000x64xf32, #tpu.memory_space<vmem_shared>> -> memref<16x64xf32, #tpu.memory_space<vmem_shared>>
        %dma_wait3A_113 = arith.constant 0 : i32
        %dma_wait3A_114 = arith.constant 0 : i32
        %dma_wait3A_115 = tpu.memref_slice %arg11[%dma_wait3A_113, %dma_wait3A_114] : memref<128x64xf32, #tpu.memory_space<vmem>> -> memref<16x64xf32, #tpu.memory_space<vmem>>
        %dma_wait3A_116 = arith.constant 9984 : i32
        %dma_wait3A_117 = arith.constant 0 : i32
        %dma_wait3A_118 = tpu.memref_slice %arg12[%dma_wait3A_116, %dma_wait3A_117] : memref<10000x64xf32, #tpu.memory_space<vmem_shared>> -> memref<16x64xf32, #tpu.memory_space<vmem_shared>>
        tpu.wait_dma2 semaphore(%run_scoped3A : memref<!tpu.dma_semaphore, #tpu.memory_space<semaphore_mem>>) src(%dma_wait3A_118 : memref<16x64xf32, #tpu.memory_space<vmem_shared>>) dst(%dma_wait3A_115 : memref<16x64xf32, #tpu.memory_space<vmem>>)
        tpu.yield
      }) : () -> ()
      "tpu.region"() ({
        %run_scoped3A = tpu.sem_alloc : memref<!tpu.dma_semaphore, #tpu.memory_space<semaphore_mem>>
        %dma_start3A_95 = arith.constant 0 : i32
        %dma_start3A_96 = arith.constant 0 : i32
        %dma_start3A_97 = tpu.memref_slice %arg11[%dma_start3A_95, %dma_start3A_96] : memref<128x64xf32, #tpu.memory_space<vmem>> -> memref<16x64xf32, #tpu.memory_space<vmem>>
        %dma_start3A_98 = arith.constant 9984 : i32
        %dma_start3A_99 = arith.constant 0 : i32
        %dma_start3A_100 = tpu.memref_slice %arg6[%arg0, %dma_start3A_98, %dma_start3A_99] : memref<2x10000x64xf32, #tpu.memory_space<hbm>> -> memref<1x16x64xf32, #tpu.memory_space<hbm>>
        %dma_start3A_101 = tpu.memref_squeeze %dma_start3A_100 : memref<1x16x64xf32, #tpu.memory_space<hbm>> -> memref<16x64xf32, #tpu.memory_space<hbm>>
        %dma_start3A_102 = arith.constant 9984 : i32
        %dma_start3A_103 = arith.constant 0 : i32
        %dma_start3A_104 = tpu.memref_slice %arg6[%arg0, %dma_start3A_102, %dma_start3A_103] : memref<2x10000x64xf32, #tpu.memory_space<hbm>> -> memref<1x16x64xf32, #tpu.memory_space<hbm>>
        %dma_start3A_105 = tpu.memref_squeeze %dma_start3A_104 : memref<1x16x64xf32, #tpu.memory_space<hbm>> -> memref<16x64xf32, #tpu.memory_space<hbm>>
        %dma_start3A_106 = arith.constant 0 : i32
        %dma_start3A_107 = arith.constant 0 : i32
        %dma_start3A_108 = tpu.memref_slice %arg11[%dma_start3A_106, %dma_start3A_107] : memref<128x64xf32, #tpu.memory_space<vmem>> -> memref<16x64xf32, #tpu.memory_space<vmem>>
        tpu.enqueue_dma source(%dma_start3A_108 : memref<16x64xf32, #tpu.memory_space<vmem>>) target(%dma_start3A_105 : memref<16x64xf32, #tpu.memory_space<hbm>>) target_semaphore(%run_scoped3A : memref<!tpu.dma_semaphore, #tpu.memory_space<semaphore_mem>>)
        %dma_wait3A_109 = arith.constant 0 : i32
        %dma_wait3A_110 = arith.constant 0 : i32
        %dma_wait3A_111 = tpu.memref_slice %arg11[%dma_wait3A_109, %dma_wait3A_110] : memref<128x64xf32, #tpu.memory_space<vmem>> -> memref<16x64xf32, #tpu.memory_space<vmem>>
        %dma_wait3A_112 = arith.constant 9984 : i32
        %dma_wait3A_113 = arith.constant 0 : i32
        %dma_wait3A_114 = tpu.memref_slice %arg6[%arg0, %dma_wait3A_112, %dma_wait3A_113] : memref<2x10000x64xf32, #tpu.memory_space<hbm>> -> memref<1x16x64xf32, #tpu.memory_space<hbm>>
        %dma_wait3A_115 = tpu.memref_squeeze %dma_wait3A_114 : memref<1x16x64xf32, #tpu.memory_space<hbm>> -> memref<16x64xf32, #tpu.memory_space<hbm>>
        %dma_wait3A_116 = arith.constant 9984 : i32
        %dma_wait3A_117 = arith.constant 0 : i32
        %dma_wait3A_118 = tpu.memref_slice %arg6[%arg0, %dma_wait3A_116, %dma_wait3A_117] : memref<2x10000x64xf32, #tpu.memory_space<hbm>> -> memref<1x16x64xf32, #tpu.memory_space<hbm>>
        %dma_wait3A_119 = tpu.memref_squeeze %dma_wait3A_118 : memref<1x16x64xf32, #tpu.memory_space<hbm>> -> memref<16x64xf32, #tpu.memory_space<hbm>>
        %dma_wait3A_120 = arith.constant 0 : i32
        %dma_wait3A_121 = arith.constant 0 : i32
        %dma_wait3A_122 = tpu.memref_slice %arg11[%dma_wait3A_120, %dma_wait3A_121] : memref<128x64xf32, #tpu.memory_space<vmem>> -> memref<16x64xf32, #tpu.memory_space<vmem>>
        tpu.wait_dma2 semaphore(%run_scoped3A : memref<!tpu.dma_semaphore, #tpu.memory_space<semaphore_mem>>) src(%dma_wait3A_122 : memref<16x64xf32, #tpu.memory_space<vmem>>) dst(%dma_wait3A_119 : memref<16x64xf32, #tpu.memory_space<hbm>>)
        tpu.yield
      }) : () -> ()
    } else {
    }
    return
  }
}

#map = affine_map<(d0, d1) -> (0, 0)>
#map1 = affine_map<(d0, d1) -> (0, 0, 0)>
module attributes {stable_mosaic.version = 14 : i64} {
  func.func @agg_kernel(%arg0: i32, %arg1: i32, %arg2: memref<10000x48xf32, #tpu.memory_space<hbm>>, %arg3: memref<32x79x128xi32, #tpu.memory_space<hbm>>, %arg4: memref<32x79x128xi32, #tpu.memory_space<hbm>>, %arg5: memref<32x79x128xf32, #tpu.memory_space<hbm>>, %arg6: memref<2x10000x48xf32, #tpu.memory_space<hbm>>, %arg7: memref<79x128xi32, #tpu.memory_space<vmem>>, %arg8: memref<79x128xi32, #tpu.memory_space<vmem>>, %arg9: memref<79x128xf32, #tpu.memory_space<vmem>>, %arg10: memref<640x48xf32, #tpu.memory_space<vmem>>, %arg11: memref<128x48xf32, #tpu.memory_space<vmem>>, %arg12: memref<10000x48xf32, #tpu.memory_space<vmem_shared>>, %arg13: memref<5x!tpu.dma_semaphore, #tpu.memory_space<semaphore_mem>>, %arg14: memref<5x!tpu.dma_semaphore, #tpu.memory_space<semaphore_mem>>) attributes {dimension_semantics = [#tpu.dimension_semantics<core_parallel>, #tpu.dimension_semantics<subcore_parallel>], iteration_bounds = array<i64: 2, 16>, scalar_prefetch = 0 : i64, scratch_operands = 8 : i64, tpu.core_type = #tpu.core_type<sc_vector_subcore>, window_params = [{transform_indices = #map}, {transform_indices = #map1}, {transform_indices = #map1}, {transform_indices = #map1}, {transform_indices = #map1}]} {
    %mul3A = arith.constant 16 : i32
    %mul3A_0 = arith.muli %arg0, %mul3A : i32
    %add3A = arith.addi %mul3A_0, %arg1 : i32
    %scan3A = arith.constant 0 : i32
    %scan3A_1 = arith.constant 0 : i32
    %scan3A_2 = arith.constant 128 : i32
    %scan3A_3 = arith.addi %scan3A_1, %scan3A_2 : i32
    %scan3A_4 = arith.constant 1 : i32
    %scan3A_5 = scf.for %scan3A_95 = %scan3A_1 to %scan3A_3 step %scan3A_4 iter_args(%scan3A_96 = %scan3A) -> (i32)  : i32 {
      %broadcast_in_dim3A = arith.constant 0.000000e+00 : f32
      %broadcast_in_dim3A_97 = vector.broadcast %broadcast_in_dim3A : f32 to vector<16xf32>
      %swap3A = arith.index_cast %scan3A_95 : i32 to index
      %swap3A_98 = arith.constant 0 : index
      %swap3A_99 = tpu.vector_load %arg11[%swap3A, %swap3A_98] {strides = array<i32>} : memref<128x48xf32, #tpu.memory_space<vmem>>, vector<1x16xf32>,
      %swap3A_100 = vector.shape_cast %swap3A_99 : vector<1x16xf32> to vector<16xf32>
      %swap3A_101 = vector.shape_cast %broadcast_in_dim3A_97 : vector<16xf32> to vector<1x16xf32>
      tpu.vector_store %arg11[%swap3A, %swap3A_98], %swap3A_101 {strides = array<i32>} : memref<128x48xf32, #tpu.memory_space<vmem>>, vector<1x16xf32>,
      %broadcast_in_dim3A_102 = arith.constant 0.000000e+00 : f32
      %broadcast_in_dim3A_103 = vector.broadcast %broadcast_in_dim3A_102 : f32 to vector<16xf32>
      %swap3A_104 = arith.index_cast %scan3A_95 : i32 to index
      %swap3A_105 = arith.constant 16 : index
      %swap3A_106 = tpu.vector_load %arg11[%swap3A_104, %swap3A_105] {strides = array<i32>} : memref<128x48xf32, #tpu.memory_space<vmem>>, vector<1x16xf32>,
      %swap3A_107 = vector.shape_cast %swap3A_106 : vector<1x16xf32> to vector<16xf32>
      %swap3A_108 = vector.shape_cast %broadcast_in_dim3A_103 : vector<16xf32> to vector<1x16xf32>
      tpu.vector_store %arg11[%swap3A_104, %swap3A_105], %swap3A_108 {strides = array<i32>} : memref<128x48xf32, #tpu.memory_space<vmem>>, vector<1x16xf32>,
      %broadcast_in_dim3A_109 = arith.constant 0.000000e+00 : f32
      %broadcast_in_dim3A_110 = vector.broadcast %broadcast_in_dim3A_109 : f32 to vector<16xf32>
      %swap3A_111 = arith.index_cast %scan3A_95 : i32 to index
      %swap3A_112 = arith.constant 32 : index
      %swap3A_113 = tpu.vector_load %arg11[%swap3A_111, %swap3A_112] {strides = array<i32>} : memref<128x48xf32, #tpu.memory_space<vmem>>, vector<1x16xf32>,
      %swap3A_114 = vector.shape_cast %swap3A_113 : vector<1x16xf32> to vector<16xf32>
      %swap3A_115 = vector.shape_cast %broadcast_in_dim3A_110 : vector<16xf32> to vector<1x16xf32>
      tpu.vector_store %arg11[%swap3A_111, %swap3A_112], %swap3A_115 {strides = array<i32>} : memref<128x48xf32, #tpu.memory_space<vmem>>, vector<1x16xf32>,
      %scan3A_116 = arith.constant 0 : i32
      scf.yield %scan3A_116 : i32
    }
    %scan3A_6 = arith.constant 128 : i32
    %lt3A = arith.constant 15 : i32
    %lt3A_7 = arith.cmpi slt, %arg1, %lt3A : i32
    %convert_element_type3A = arith.extui %lt3A_7 : i1 to i32
    %cond3A = arith.constant 0 : i32
    %cond3A_8 = arith.cmpi ne, %convert_element_type3A, %cond3A : i32
    scf.if %cond3A_8 {
      %mul3A_95 = arith.constant 640 : i32
      %mul3A_96 = arith.muli %arg1, %mul3A_95 : i32
      %add3A_97 = arith.constant 0 : i32
      %add3A_98 = arith.addi %mul3A_96, %add3A_97 : i32
      "tpu.region"() ({
        %run_scoped3A = tpu.sem_alloc : memref<!tpu.dma_semaphore, #tpu.memory_space<semaphore_mem>>
        %dma_start3A_115 = arith.constant 0 : i32
        %dma_start3A_116 = tpu.memref_slice %arg12[%add3A_98, %dma_start3A_115] : memref<10000x48xf32, #tpu.memory_space<vmem_shared>> -> memref<128x48xf32, #tpu.memory_space<vmem_shared>>
        %dma_start3A_117 = arith.constant 0 : i32
        %dma_start3A_118 = tpu.memref_slice %arg12[%add3A_98, %dma_start3A_117] : memref<10000x48xf32, #tpu.memory_space<vmem_shared>> -> memref<128x48xf32, #tpu.memory_space<vmem_shared>>
        tpu.enqueue_dma source(%arg11 : memref<128x48xf32, #tpu.memory_space<vmem>>) target(%dma_start3A_118 : memref<128x48xf32, #tpu.memory_space<vmem_shared>>) target_semaphore(%run_scoped3A : memref<!tpu.dma_semaphore, #tpu.memory_space<semaphore_mem>>)
        %dma_wait3A_119 = arith.constant 0 : i32
        %dma_wait3A_120 = tpu.memref_slice %arg12[%add3A_98, %dma_wait3A_119] : memref<10000x48xf32, #tpu.memory_space<vmem_shared>> -> memref<128x48xf32, #tpu.memory_space<vmem_shared>>
        %dma_wait3A_121 = arith.constant 0 : i32
        %dma_wait3A_122 = tpu.memref_slice %arg12[%add3A_98, %dma_wait3A_121] : memref<10000x48xf32, #tpu.memory_space<vmem_shared>> -> memref<128x48xf32, #tpu.memory_space<vmem_shared>>
        tpu.wait_dma2 semaphore(%run_scoped3A : memref<!tpu.dma_semaphore, #tpu.memory_space<semaphore_mem>>) src(%arg11 : memref<128x48xf32, #tpu.memory_space<vmem>>) dst(%dma_wait3A_122 : memref<128x48xf32, #tpu.memory_space<vmem_shared>>)
        tpu.yield
      }) : () -> ()
      %mul3A_99 = arith.constant 640 : i32
      %mul3A_100 = arith.muli %arg1, %mul3A_99 : i32
      %add3A_101 = arith.constant 128 : i32
      %add3A_102 = arith.addi %mul3A_100, %add3A_101 : i32
      "tpu.region"() ({
        %run_scoped3A = tpu.sem_alloc : memref<!tpu.dma_semaphore, #tpu.memory_space<semaphore_mem>>
        %dma_start3A_115 = arith.constant 0 : i32
        %dma_start3A_116 = tpu.memref_slice %arg12[%add3A_102, %dma_start3A_115] : memref<10000x48xf32, #tpu.memory_space<vmem_shared>> -> memref<128x48xf32, #tpu.memory_space<vmem_shared>>
        %dma_start3A_117 = arith.constant 0 : i32
        %dma_start3A_118 = tpu.memref_slice %arg12[%add3A_102, %dma_start3A_117] : memref<10000x48xf32, #tpu.memory_space<vmem_shared>> -> memref<128x48xf32, #tpu.memory_space<vmem_shared>>
        tpu.enqueue_dma source(%arg11 : memref<128x48xf32, #tpu.memory_space<vmem>>) target(%dma_start3A_118 : memref<128x48xf32, #tpu.memory_space<vmem_shared>>) target_semaphore(%run_scoped3A : memref<!tpu.dma_semaphore, #tpu.memory_space<semaphore_mem>>)
        %dma_wait3A_119 = arith.constant 0 : i32
        %dma_wait3A_120 = tpu.memref_slice %arg12[%add3A_102, %dma_wait3A_119] : memref<10000x48xf32, #tpu.memory_space<vmem_shared>> -> memref<128x48xf32, #tpu.memory_space<vmem_shared>>
        %dma_wait3A_121 = arith.constant 0 : i32
        %dma_wait3A_122 = tpu.memref_slice %arg12[%add3A_102, %dma_wait3A_121] : memref<10000x48xf32, #tpu.memory_space<vmem_shared>> -> memref<128x48xf32, #tpu.memory_space<vmem_shared>>
        tpu.wait_dma2 semaphore(%run_scoped3A : memref<!tpu.dma_semaphore, #tpu.memory_space<semaphore_mem>>) src(%arg11 : memref<128x48xf32, #tpu.memory_space<vmem>>) dst(%dma_wait3A_122 : memref<128x48xf32, #tpu.memory_space<vmem_shared>>)
        tpu.yield
      }) : () -> ()
      %mul3A_103 = arith.constant 640 : i32
      %mul3A_104 = arith.muli %arg1, %mul3A_103 : i32
      %add3A_105 = arith.constant 256 : i32
      %add3A_106 = arith.addi %mul3A_104, %add3A_105 : i32
      "tpu.region"() ({
        %run_scoped3A = tpu.sem_alloc : memref<!tpu.dma_semaphore, #tpu.memory_space<semaphore_mem>>
        %dma_start3A_115 = arith.constant 0 : i32
        %dma_start3A_116 = tpu.memref_slice %arg12[%add3A_106, %dma_start3A_115] : memref<10000x48xf32, #tpu.memory_space<vmem_shared>> -> memref<128x48xf32, #tpu.memory_space<vmem_shared>>
        %dma_start3A_117 = arith.constant 0 : i32
        %dma_start3A_118 = tpu.memref_slice %arg12[%add3A_106, %dma_start3A_117] : memref<10000x48xf32, #tpu.memory_space<vmem_shared>> -> memref<128x48xf32, #tpu.memory_space<vmem_shared>>
        tpu.enqueue_dma source(%arg11 : memref<128x48xf32, #tpu.memory_space<vmem>>) target(%dma_start3A_118 : memref<128x48xf32, #tpu.memory_space<vmem_shared>>) target_semaphore(%run_scoped3A : memref<!tpu.dma_semaphore, #tpu.memory_space<semaphore_mem>>)
        %dma_wait3A_119 = arith.constant 0 : i32
        %dma_wait3A_120 = tpu.memref_slice %arg12[%add3A_106, %dma_wait3A_119] : memref<10000x48xf32, #tpu.memory_space<vmem_shared>> -> memref<128x48xf32, #tpu.memory_space<vmem_shared>>
        %dma_wait3A_121 = arith.constant 0 : i32
        %dma_wait3A_122 = tpu.memref_slice %arg12[%add3A_106, %dma_wait3A_121] : memref<10000x48xf32, #tpu.memory_space<vmem_shared>> -> memref<128x48xf32, #tpu.memory_space<vmem_shared>>
        tpu.wait_dma2 semaphore(%run_scoped3A : memref<!tpu.dma_semaphore, #tpu.memory_space<semaphore_mem>>) src(%arg11 : memref<128x48xf32, #tpu.memory_space<vmem>>) dst(%dma_wait3A_122 : memref<128x48xf32, #tpu.memory_space<vmem_shared>>)
        tpu.yield
      }) : () -> ()
      %mul3A_107 = arith.constant 640 : i32
      %mul3A_108 = arith.muli %arg1, %mul3A_107 : i32
      %add3A_109 = arith.constant 384 : i32
      %add3A_110 = arith.addi %mul3A_108, %add3A_109 : i32
      "tpu.region"() ({
        %run_scoped3A = tpu.sem_alloc : memref<!tpu.dma_semaphore, #tpu.memory_space<semaphore_mem>>
        %dma_start3A_115 = arith.constant 0 : i32
        %dma_start3A_116 = tpu.memref_slice %arg12[%add3A_110, %dma_start3A_115] : memref<10000x48xf32, #tpu.memory_space<vmem_shared>> -> memref<128x48xf32, #tpu.memory_space<vmem_shared>>
        %dma_start3A_117 = arith.constant 0 : i32
        %dma_start3A_118 = tpu.memref_slice %arg12[%add3A_110, %dma_start3A_117] : memref<10000x48xf32, #tpu.memory_space<vmem_shared>> -> memref<128x48xf32, #tpu.memory_space<vmem_shared>>
        tpu.enqueue_dma source(%arg11 : memref<128x48xf32, #tpu.memory_space<vmem>>) target(%dma_start3A_118 : memref<128x48xf32, #tpu.memory_space<vmem_shared>>) target_semaphore(%run_scoped3A : memref<!tpu.dma_semaphore, #tpu.memory_space<semaphore_mem>>)
        %dma_wait3A_119 = arith.constant 0 : i32
        %dma_wait3A_120 = tpu.memref_slice %arg12[%add3A_110, %dma_wait3A_119] : memref<10000x48xf32, #tpu.memory_space<vmem_shared>> -> memref<128x48xf32, #tpu.memory_space<vmem_shared>>
        %dma_wait3A_121 = arith.constant 0 : i32
        %dma_wait3A_122 = tpu.memref_slice %arg12[%add3A_110, %dma_wait3A_121] : memref<10000x48xf32, #tpu.memory_space<vmem_shared>> -> memref<128x48xf32, #tpu.memory_space<vmem_shared>>
        tpu.wait_dma2 semaphore(%run_scoped3A : memref<!tpu.dma_semaphore, #tpu.memory_space<semaphore_mem>>) src(%arg11 : memref<128x48xf32, #tpu.memory_space<vmem>>) dst(%dma_wait3A_122 : memref<128x48xf32, #tpu.memory_space<vmem_shared>>)
        tpu.yield
      }) : () -> ()
      %mul3A_111 = arith.constant 640 : i32
      %mul3A_112 = arith.muli %arg1, %mul3A_111 : i32
      %add3A_113 = arith.constant 512 : i32
      %add3A_114 = arith.addi %mul3A_112, %add3A_113 : i32
      "tpu.region"() ({
        %run_scoped3A = tpu.sem_alloc : memref<!tpu.dma_semaphore, #tpu.memory_space<semaphore_mem>>
        %dma_start3A_115 = arith.constant 0 : i32
        %dma_start3A_116 = tpu.memref_slice %arg12[%add3A_114, %dma_start3A_115] : memref<10000x48xf32, #tpu.memory_space<vmem_shared>> -> memref<128x48xf32, #tpu.memory_space<vmem_shared>>
        %dma_start3A_117 = arith.constant 0 : i32
        %dma_start3A_118 = tpu.memref_slice %arg12[%add3A_114, %dma_start3A_117] : memref<10000x48xf32, #tpu.memory_space<vmem_shared>> -> memref<128x48xf32, #tpu.memory_space<vmem_shared>>
        tpu.enqueue_dma source(%arg11 : memref<128x48xf32, #tpu.memory_space<vmem>>) target(%dma_start3A_118 : memref<128x48xf32, #tpu.memory_space<vmem_shared>>) target_semaphore(%run_scoped3A : memref<!tpu.dma_semaphore, #tpu.memory_space<semaphore_mem>>)
        %dma_wait3A_119 = arith.constant 0 : i32
        %dma_wait3A_120 = tpu.memref_slice %arg12[%add3A_114, %dma_wait3A_119] : memref<10000x48xf32, #tpu.memory_space<vmem_shared>> -> memref<128x48xf32, #tpu.memory_space<vmem_shared>>
        %dma_wait3A_121 = arith.constant 0 : i32
        %dma_wait3A_122 = tpu.memref_slice %arg12[%add3A_114, %dma_wait3A_121] : memref<10000x48xf32, #tpu.memory_space<vmem_shared>> -> memref<128x48xf32, #tpu.memory_space<vmem_shared>>
        tpu.wait_dma2 semaphore(%run_scoped3A : memref<!tpu.dma_semaphore, #tpu.memory_space<semaphore_mem>>) src(%arg11 : memref<128x48xf32, #tpu.memory_space<vmem>>) dst(%dma_wait3A_122 : memref<128x48xf32, #tpu.memory_space<vmem_shared>>)
        tpu.yield
      }) : () -> ()
    } else {
    }
    %eq3A = arith.constant 15 : i32
    %eq3A_9 = arith.cmpi eq, %arg1, %eq3A : i32
    %convert_element_type3A_10 = arith.extui %eq3A_9 : i1 to i32
    %cond3A_11 = arith.constant 0 : i32
    %cond3A_12 = arith.cmpi ne, %convert_element_type3A_10, %cond3A_11 : i32
    scf.if %cond3A_12 {
      "tpu.region"() ({
        %run_scoped3A = tpu.sem_alloc : memref<!tpu.dma_semaphore, #tpu.memory_space<semaphore_mem>>
        %dma_start3A_95 = arith.constant 9600 : i32
        %dma_start3A_96 = arith.constant 0 : i32
        %dma_start3A_97 = tpu.memref_slice %arg12[%dma_start3A_95, %dma_start3A_96] : memref<10000x48xf32, #tpu.memory_space<vmem_shared>> -> memref<128x48xf32, #tpu.memory_space<vmem_shared>>
        %dma_start3A_98 = arith.constant 9600 : i32
        %dma_start3A_99 = arith.constant 0 : i32
        %dma_start3A_100 = tpu.memref_slice %arg12[%dma_start3A_98, %dma_start3A_99] : memref<10000x48xf32, #tpu.memory_space<vmem_shared>> -> memref<128x48xf32, #tpu.memory_space<vmem_shared>>
        tpu.enqueue_dma source(%arg11 : memref<128x48xf32, #tpu.memory_space<vmem>>) target(%dma_start3A_100 : memref<128x48xf32, #tpu.memory_space<vmem_shared>>) target_semaphore(%run_scoped3A : memref<!tpu.dma_semaphore, #tpu.memory_space<semaphore_mem>>)
        %dma_wait3A_101 = arith.constant 9600 : i32
        %dma_wait3A_102 = arith.constant 0 : i32
        %dma_wait3A_103 = tpu.memref_slice %arg12[%dma_wait3A_101, %dma_wait3A_102] : memref<10000x48xf32, #tpu.memory_space<vmem_shared>> -> memref<128x48xf32, #tpu.memory_space<vmem_shared>>
        %dma_wait3A_104 = arith.constant 9600 : i32
        %dma_wait3A_105 = arith.constant 0 : i32
        %dma_wait3A_106 = tpu.memref_slice %arg12[%dma_wait3A_104, %dma_wait3A_105] : memref<10000x48xf32, #tpu.memory_space<vmem_shared>> -> memref<128x48xf32, #tpu.memory_space<vmem_shared>>
        tpu.wait_dma2 semaphore(%run_scoped3A : memref<!tpu.dma_semaphore, #tpu.memory_space<semaphore_mem>>) src(%arg11 : memref<128x48xf32, #tpu.memory_space<vmem>>) dst(%dma_wait3A_106 : memref<128x48xf32, #tpu.memory_space<vmem_shared>>)
        tpu.yield
      }) : () -> ()
      "tpu.region"() ({
        %run_scoped3A = tpu.sem_alloc : memref<!tpu.dma_semaphore, #tpu.memory_space<semaphore_mem>>
        %dma_start3A_95 = arith.constant 9728 : i32
        %dma_start3A_96 = arith.constant 0 : i32
        %dma_start3A_97 = tpu.memref_slice %arg12[%dma_start3A_95, %dma_start3A_96] : memref<10000x48xf32, #tpu.memory_space<vmem_shared>> -> memref<128x48xf32, #tpu.memory_space<vmem_shared>>
        %dma_start3A_98 = arith.constant 9728 : i32
        %dma_start3A_99 = arith.constant 0 : i32
        %dma_start3A_100 = tpu.memref_slice %arg12[%dma_start3A_98, %dma_start3A_99] : memref<10000x48xf32, #tpu.memory_space<vmem_shared>> -> memref<128x48xf32, #tpu.memory_space<vmem_shared>>
        tpu.enqueue_dma source(%arg11 : memref<128x48xf32, #tpu.memory_space<vmem>>) target(%dma_start3A_100 : memref<128x48xf32, #tpu.memory_space<vmem_shared>>) target_semaphore(%run_scoped3A : memref<!tpu.dma_semaphore, #tpu.memory_space<semaphore_mem>>)
        %dma_wait3A_101 = arith.constant 9728 : i32
        %dma_wait3A_102 = arith.constant 0 : i32
        %dma_wait3A_103 = tpu.memref_slice %arg12[%dma_wait3A_101, %dma_wait3A_102] : memref<10000x48xf32, #tpu.memory_space<vmem_shared>> -> memref<128x48xf32, #tpu.memory_space<vmem_shared>>
        %dma_wait3A_104 = arith.constant 9728 : i32
        %dma_wait3A_105 = arith.constant 0 : i32
        %dma_wait3A_106 = tpu.memref_slice %arg12[%dma_wait3A_104, %dma_wait3A_105] : memref<10000x48xf32, #tpu.memory_space<vmem_shared>> -> memref<128x48xf32, #tpu.memory_space<vmem_shared>>
        tpu.wait_dma2 semaphore(%run_scoped3A : memref<!tpu.dma_semaphore, #tpu.memory_space<semaphore_mem>>) src(%arg11 : memref<128x48xf32, #tpu.memory_space<vmem>>) dst(%dma_wait3A_106 : memref<128x48xf32, #tpu.memory_space<vmem_shared>>)
        tpu.yield
      }) : () -> ()
      "tpu.region"() ({
        %run_scoped3A = tpu.sem_alloc : memref<!tpu.dma_semaphore, #tpu.memory_space<semaphore_mem>>
        %dma_start3A_95 = arith.constant 9856 : i32
        %dma_start3A_96 = arith.constant 0 : i32
        %dma_start3A_97 = tpu.memref_slice %arg12[%dma_start3A_95, %dma_start3A_96] : memref<10000x48xf32, #tpu.memory_space<vmem_shared>> -> memref<128x48xf32, #tpu.memory_space<vmem_shared>>
        %dma_start3A_98 = arith.constant 9856 : i32
        %dma_start3A_99 = arith.constant 0 : i32
        %dma_start3A_100 = tpu.memref_slice %arg12[%dma_start3A_98, %dma_start3A_99] : memref<10000x48xf32, #tpu.memory_space<vmem_shared>> -> memref<128x48xf32, #tpu.memory_space<vmem_shared>>
        tpu.enqueue_dma source(%arg11 : memref<128x48xf32, #tpu.memory_space<vmem>>) target(%dma_start3A_100 : memref<128x48xf32, #tpu.memory_space<vmem_shared>>) target_semaphore(%run_scoped3A : memref<!tpu.dma_semaphore, #tpu.memory_space<semaphore_mem>>)
        %dma_wait3A_101 = arith.constant 9856 : i32
        %dma_wait3A_102 = arith.constant 0 : i32
        %dma_wait3A_103 = tpu.memref_slice %arg12[%dma_wait3A_101, %dma_wait3A_102] : memref<10000x48xf32, #tpu.memory_space<vmem_shared>> -> memref<128x48xf32, #tpu.memory_space<vmem_shared>>
        %dma_wait3A_104 = arith.constant 9856 : i32
        %dma_wait3A_105 = arith.constant 0 : i32
        %dma_wait3A_106 = tpu.memref_slice %arg12[%dma_wait3A_104, %dma_wait3A_105] : memref<10000x48xf32, #tpu.memory_space<vmem_shared>> -> memref<128x48xf32, #tpu.memory_space<vmem_shared>>
        tpu.wait_dma2 semaphore(%run_scoped3A : memref<!tpu.dma_semaphore, #tpu.memory_space<semaphore_mem>>) src(%arg11 : memref<128x48xf32, #tpu.memory_space<vmem>>) dst(%dma_wait3A_106 : memref<128x48xf32, #tpu.memory_space<vmem_shared>>)
        tpu.yield
      }) : () -> ()
      "tpu.region"() ({
        %run_scoped3A = tpu.sem_alloc : memref<!tpu.dma_semaphore, #tpu.memory_space<semaphore_mem>>
        %dma_start3A_95 = arith.constant 0 : i32
        %dma_start3A_96 = arith.constant 0 : i32
        %dma_start3A_97 = tpu.memref_slice %arg11[%dma_start3A_95, %dma_start3A_96] : memref<128x48xf32, #tpu.memory_space<vmem>> -> memref<16x48xf32, #tpu.memory_space<vmem>>
        %dma_start3A_98 = arith.constant 9984 : i32
        %dma_start3A_99 = arith.constant 0 : i32
        %dma_start3A_100 = tpu.memref_slice %arg12[%dma_start3A_98, %dma_start3A_99] : memref<10000x48xf32, #tpu.memory_space<vmem_shared>> -> memref<16x48xf32, #tpu.memory_space<vmem_shared>>
        %dma_start3A_101 = arith.constant 9984 : i32
        %dma_start3A_102 = arith.constant 0 : i32
        %dma_start3A_103 = tpu.memref_slice %arg12[%dma_start3A_101, %dma_start3A_102] : memref<10000x48xf32, #tpu.memory_space<vmem_shared>> -> memref<16x48xf32, #tpu.memory_space<vmem_shared>>
        %dma_start3A_104 = arith.constant 0 : i32
        %dma_start3A_105 = arith.constant 0 : i32
        %dma_start3A_106 = tpu.memref_slice %arg11[%dma_start3A_104, %dma_start3A_105] : memref<128x48xf32, #tpu.memory_space<vmem>> -> memref<16x48xf32, #tpu.memory_space<vmem>>
        tpu.enqueue_dma source(%dma_start3A_106 : memref<16x48xf32, #tpu.memory_space<vmem>>) target(%dma_start3A_103 : memref<16x48xf32, #tpu.memory_space<vmem_shared>>) target_semaphore(%run_scoped3A : memref<!tpu.dma_semaphore, #tpu.memory_space<semaphore_mem>>)
        %dma_wait3A_107 = arith.constant 0 : i32
        %dma_wait3A_108 = arith.constant 0 : i32
        %dma_wait3A_109 = tpu.memref_slice %arg11[%dma_wait3A_107, %dma_wait3A_108] : memref<128x48xf32, #tpu.memory_space<vmem>> -> memref<16x48xf32, #tpu.memory_space<vmem>>
        %dma_wait3A_110 = arith.constant 9984 : i32
        %dma_wait3A_111 = arith.constant 0 : i32
        %dma_wait3A_112 = tpu.memref_slice %arg12[%dma_wait3A_110, %dma_wait3A_111] : memref<10000x48xf32, #tpu.memory_space<vmem_shared>> -> memref<16x48xf32, #tpu.memory_space<vmem_shared>>
        %dma_wait3A_113 = arith.constant 9984 : i32
        %dma_wait3A_114 = arith.constant 0 : i32
        %dma_wait3A_115 = tpu.memref_slice %arg12[%dma_wait3A_113, %dma_wait3A_114] : memref<10000x48xf32, #tpu.memory_space<vmem_shared>> -> memref<16x48xf32, #tpu.memory_space<vmem_shared>>
        %dma_wait3A_116 = arith.constant 0 : i32
        %dma_wait3A_117 = arith.constant 0 : i32
        %dma_wait3A_118 = tpu.memref_slice %arg11[%dma_wait3A_116, %dma_wait3A_117] : memref<128x48xf32, #tpu.memory_space<vmem>> -> memref<16x48xf32, #tpu.memory_space<vmem>>
        tpu.wait_dma2 semaphore(%run_scoped3A : memref<!tpu.dma_semaphore, #tpu.memory_space<semaphore_mem>>) src(%dma_wait3A_118 : memref<16x48xf32, #tpu.memory_space<vmem>>) dst(%dma_wait3A_115 : memref<16x48xf32, #tpu.memory_space<vmem_shared>>)
        tpu.yield
      }) : () -> ()
    } else {
    }
    "tpu.region"() ({
      %run_scoped3A = tpu.sem_alloc : memref<!tpu.dma_semaphore, #tpu.memory_space<semaphore_mem>>
      %dma_start3A_95 = arith.constant 0 : i32
      %dma_start3A_96 = arith.constant 0 : i32
      %dma_start3A_97 = tpu.memref_slice %arg3[%add3A, %dma_start3A_95, %dma_start3A_96] : memref<32x79x128xi32, #tpu.memory_space<hbm>> -> memref<1x79x128xi32, #tpu.memory_space<hbm>>
      %dma_start3A_98 = tpu.memref_squeeze %dma_start3A_97 : memref<1x79x128xi32, #tpu.memory_space<hbm>> -> memref<79x128xi32, #tpu.memory_space<hbm>>
      %dma_start3A_99 = arith.constant 0 : i32
      %dma_start3A_100 = arith.constant 0 : i32
      %dma_start3A_101 = tpu.memref_slice %arg3[%add3A, %dma_start3A_99, %dma_start3A_100] : memref<32x79x128xi32, #tpu.memory_space<hbm>> -> memref<1x79x128xi32, #tpu.memory_space<hbm>>
      %dma_start3A_102 = tpu.memref_squeeze %dma_start3A_101 : memref<1x79x128xi32, #tpu.memory_space<hbm>> -> memref<79x128xi32, #tpu.memory_space<hbm>>
      tpu.enqueue_dma source(%dma_start3A_102 : memref<79x128xi32, #tpu.memory_space<hbm>>) target(%arg7 : memref<79x128xi32, #tpu.memory_space<vmem>>) target_semaphore(%run_scoped3A : memref<!tpu.dma_semaphore, #tpu.memory_space<semaphore_mem>>)
      %dma_wait3A_103 = arith.constant 0 : i32
      %dma_wait3A_104 = arith.constant 0 : i32
      %dma_wait3A_105 = tpu.memref_slice %arg3[%add3A, %dma_wait3A_103, %dma_wait3A_104] : memref<32x79x128xi32, #tpu.memory_space<hbm>> -> memref<1x79x128xi32, #tpu.memory_space<hbm>>
      %dma_wait3A_106 = tpu.memref_squeeze %dma_wait3A_105 : memref<1x79x128xi32, #tpu.memory_space<hbm>> -> memref<79x128xi32, #tpu.memory_space<hbm>>
      %dma_wait3A_107 = arith.constant 0 : i32
      %dma_wait3A_108 = arith.constant 0 : i32
      %dma_wait3A_109 = tpu.memref_slice %arg3[%add3A, %dma_wait3A_107, %dma_wait3A_108] : memref<32x79x128xi32, #tpu.memory_space<hbm>> -> memref<1x79x128xi32, #tpu.memory_space<hbm>>
      %dma_wait3A_110 = tpu.memref_squeeze %dma_wait3A_109 : memref<1x79x128xi32, #tpu.memory_space<hbm>> -> memref<79x128xi32, #tpu.memory_space<hbm>>
      tpu.wait_dma2 semaphore(%run_scoped3A : memref<!tpu.dma_semaphore, #tpu.memory_space<semaphore_mem>>) src(%dma_wait3A_110 : memref<79x128xi32, #tpu.memory_space<hbm>>) dst(%arg7 : memref<79x128xi32, #tpu.memory_space<vmem>>)
      tpu.yield
    }) : () -> ()
    "tpu.region"() ({
      %run_scoped3A = tpu.sem_alloc : memref<!tpu.dma_semaphore, #tpu.memory_space<semaphore_mem>>
      %dma_start3A_95 = arith.constant 0 : i32
      %dma_start3A_96 = arith.constant 0 : i32
      %dma_start3A_97 = tpu.memref_slice %arg4[%add3A, %dma_start3A_95, %dma_start3A_96] : memref<32x79x128xi32, #tpu.memory_space<hbm>> -> memref<1x79x128xi32, #tpu.memory_space<hbm>>
      %dma_start3A_98 = tpu.memref_squeeze %dma_start3A_97 : memref<1x79x128xi32, #tpu.memory_space<hbm>> -> memref<79x128xi32, #tpu.memory_space<hbm>>
      %dma_start3A_99 = arith.constant 0 : i32
      %dma_start3A_100 = arith.constant 0 : i32
      %dma_start3A_101 = tpu.memref_slice %arg4[%add3A, %dma_start3A_99, %dma_start3A_100] : memref<32x79x128xi32, #tpu.memory_space<hbm>> -> memref<1x79x128xi32, #tpu.memory_space<hbm>>
      %dma_start3A_102 = tpu.memref_squeeze %dma_start3A_101 : memref<1x79x128xi32, #tpu.memory_space<hbm>> -> memref<79x128xi32, #tpu.memory_space<hbm>>
      tpu.enqueue_dma source(%dma_start3A_102 : memref<79x128xi32, #tpu.memory_space<hbm>>) target(%arg8 : memref<79x128xi32, #tpu.memory_space<vmem>>) target_semaphore(%run_scoped3A : memref<!tpu.dma_semaphore, #tpu.memory_space<semaphore_mem>>)
      %dma_wait3A_103 = arith.constant 0 : i32
      %dma_wait3A_104 = arith.constant 0 : i32
      %dma_wait3A_105 = tpu.memref_slice %arg4[%add3A, %dma_wait3A_103, %dma_wait3A_104] : memref<32x79x128xi32, #tpu.memory_space<hbm>> -> memref<1x79x128xi32, #tpu.memory_space<hbm>>
      %dma_wait3A_106 = tpu.memref_squeeze %dma_wait3A_105 : memref<1x79x128xi32, #tpu.memory_space<hbm>> -> memref<79x128xi32, #tpu.memory_space<hbm>>
      %dma_wait3A_107 = arith.constant 0 : i32
      %dma_wait3A_108 = arith.constant 0 : i32
      %dma_wait3A_109 = tpu.memref_slice %arg4[%add3A, %dma_wait3A_107, %dma_wait3A_108] : memref<32x79x128xi32, #tpu.memory_space<hbm>> -> memref<1x79x128xi32, #tpu.memory_space<hbm>>
      %dma_wait3A_110 = tpu.memref_squeeze %dma_wait3A_109 : memref<1x79x128xi32, #tpu.memory_space<hbm>> -> memref<79x128xi32, #tpu.memory_space<hbm>>
      tpu.wait_dma2 semaphore(%run_scoped3A : memref<!tpu.dma_semaphore, #tpu.memory_space<semaphore_mem>>) src(%dma_wait3A_110 : memref<79x128xi32, #tpu.memory_space<hbm>>) dst(%arg8 : memref<79x128xi32, #tpu.memory_space<vmem>>)
      tpu.yield
    }) : () -> ()
    "tpu.region"() ({
      %run_scoped3A = tpu.sem_alloc : memref<!tpu.dma_semaphore, #tpu.memory_space<semaphore_mem>>
      %dma_start3A_95 = arith.constant 0 : i32
      %dma_start3A_96 = arith.constant 0 : i32
      %dma_start3A_97 = tpu.memref_slice %arg5[%add3A, %dma_start3A_95, %dma_start3A_96] : memref<32x79x128xf32, #tpu.memory_space<hbm>> -> memref<1x79x128xf32, #tpu.memory_space<hbm>>
      %dma_start3A_98 = tpu.memref_squeeze %dma_start3A_97 : memref<1x79x128xf32, #tpu.memory_space<hbm>> -> memref<79x128xf32, #tpu.memory_space<hbm>>
      %dma_start3A_99 = arith.constant 0 : i32
      %dma_start3A_100 = arith.constant 0 : i32
      %dma_start3A_101 = tpu.memref_slice %arg5[%add3A, %dma_start3A_99, %dma_start3A_100] : memref<32x79x128xf32, #tpu.memory_space<hbm>> -> memref<1x79x128xf32, #tpu.memory_space<hbm>>
      %dma_start3A_102 = tpu.memref_squeeze %dma_start3A_101 : memref<1x79x128xf32, #tpu.memory_space<hbm>> -> memref<79x128xf32, #tpu.memory_space<hbm>>
      tpu.enqueue_dma source(%dma_start3A_102 : memref<79x128xf32, #tpu.memory_space<hbm>>) target(%arg9 : memref<79x128xf32, #tpu.memory_space<vmem>>) target_semaphore(%run_scoped3A : memref<!tpu.dma_semaphore, #tpu.memory_space<semaphore_mem>>)
      %dma_wait3A_103 = arith.constant 0 : i32
      %dma_wait3A_104 = arith.constant 0 : i32
      %dma_wait3A_105 = tpu.memref_slice %arg5[%add3A, %dma_wait3A_103, %dma_wait3A_104] : memref<32x79x128xf32, #tpu.memory_space<hbm>> -> memref<1x79x128xf32, #tpu.memory_space<hbm>>
      %dma_wait3A_106 = tpu.memref_squeeze %dma_wait3A_105 : memref<1x79x128xf32, #tpu.memory_space<hbm>> -> memref<79x128xf32, #tpu.memory_space<hbm>>
      %dma_wait3A_107 = arith.constant 0 : i32
      %dma_wait3A_108 = arith.constant 0 : i32
      %dma_wait3A_109 = tpu.memref_slice %arg5[%add3A, %dma_wait3A_107, %dma_wait3A_108] : memref<32x79x128xf32, #tpu.memory_space<hbm>> -> memref<1x79x128xf32, #tpu.memory_space<hbm>>
      %dma_wait3A_110 = tpu.memref_squeeze %dma_wait3A_109 : memref<1x79x128xf32, #tpu.memory_space<hbm>> -> memref<79x128xf32, #tpu.memory_space<hbm>>
      tpu.wait_dma2 semaphore(%run_scoped3A : memref<!tpu.dma_semaphore, #tpu.memory_space<semaphore_mem>>) src(%dma_wait3A_110 : memref<79x128xf32, #tpu.memory_space<hbm>>) dst(%arg9 : memref<79x128xf32, #tpu.memory_space<vmem>>)
      tpu.yield
    }) : () -> ()
    %barrier3A = arith.constant 0 : index
    tpu.barrier barrier_id(%barrier3A)
    %dma_start3A = arith.constant 0 : i32
    %dma_start3A_13 = arith.constant 0 : i32
    %dma_start3A_14 = arith.constant 0 : i32
    %dma_start3A_15 = arith.constant 0 : i32
    %dma_start3A_16 = tpu.memref_slice %arg10[%dma_start3A_14, %dma_start3A_15] : memref<640x48xf32, #tpu.memory_space<vmem>> -> memref<128x48xf32, #tpu.memory_space<vmem>>
    %dma_start3A_17 = arith.constant 0 : i32
    %dma_start3A_18 = tpu.memref_slice %arg7[%dma_start3A, %dma_start3A_17] : memref<79x128xi32, #tpu.memory_space<vmem>> -> memref<1x128xi32, #tpu.memory_space<vmem>>
    %dma_start3A_19 = tpu.memref_squeeze %dma_start3A_18 : memref<1x128xi32, #tpu.memory_space<vmem>> -> memref<128xi32, #tpu.memory_space<vmem>>
    %dma_start3A_20 = arith.constant 0 : i32
    %dma_start3A_21 = arith.constant 0 : i32
    %dma_start3A_22 = tpu.memref_slice %arg2[%dma_start3A_20, %dma_start3A_21] : memref<10000x48xf32, #tpu.memory_space<hbm>> -> memref<10000x48xf32, #tpu.memory_space<hbm>>
    %dma_start3A_23 = tpu.memref_slice %arg13[%dma_start3A_13] : memref<5x!tpu.dma_semaphore, #tpu.memory_space<semaphore_mem>> -> memref<1x!tpu.dma_semaphore, #tpu.memory_space<semaphore_mem>>
    %dma_start3A_24 = tpu.memref_squeeze %dma_start3A_23 : memref<1x!tpu.dma_semaphore, #tpu.memory_space<semaphore_mem>> -> memref<!tpu.dma_semaphore, #tpu.memory_space<semaphore_mem>>
    tpu.enqueue_indirect_dma source(%dma_start3A_22 : memref<10000x48xf32, #tpu.memory_space<hbm>>) target(%dma_start3A_16 : memref<128x48xf32, #tpu.memory_space<vmem>>) offsets(%dma_start3A_19 : memref<128xi32, #tpu.memory_space<vmem>>) semaphore(%dma_start3A_24 : memref<!tpu.dma_semaphore, #tpu.memory_space<semaphore_mem>>)
    %dma_start3A_25 = arith.constant 1 : i32
    %dma_start3A_26 = arith.constant 1 : i32
    %dma_start3A_27 = arith.constant 128 : i32
    %dma_start3A_28 = arith.constant 0 : i32
    %dma_start3A_29 = tpu.memref_slice %arg10[%dma_start3A_27, %dma_start3A_28] : memref<640x48xf32, #tpu.memory_space<vmem>> -> memref<128x48xf32, #tpu.memory_space<vmem>>
    %dma_start3A_30 = arith.constant 0 : i32
    %dma_start3A_31 = tpu.memref_slice %arg7[%dma_start3A_25, %dma_start3A_30] : memref<79x128xi32, #tpu.memory_space<vmem>> -> memref<1x128xi32, #tpu.memory_space<vmem>>
    %dma_start3A_32 = tpu.memref_squeeze %dma_start3A_31 : memref<1x128xi32, #tpu.memory_space<vmem>> -> memref<128xi32, #tpu.memory_space<vmem>>
    %dma_start3A_33 = arith.constant 0 : i32
    %dma_start3A_34 = arith.constant 0 : i32
    %dma_start3A_35 = tpu.memref_slice %arg2[%dma_start3A_33, %dma_start3A_34] : memref<10000x48xf32, #tpu.memory_space<hbm>> -> memref<10000x48xf32, #tpu.memory_space<hbm>>
    %dma_start3A_36 = tpu.memref_slice %arg13[%dma_start3A_26] : memref<5x!tpu.dma_semaphore, #tpu.memory_space<semaphore_mem>> -> memref<1x!tpu.dma_semaphore, #tpu.memory_space<semaphore_mem>>
    %dma_start3A_37 = tpu.memref_squeeze %dma_start3A_36 : memref<1x!tpu.dma_semaphore, #tpu.memory_space<semaphore_mem>> -> memref<!tpu.dma_semaphore, #tpu.memory_space<semaphore_mem>>
    tpu.enqueue_indirect_dma source(%dma_start3A_35 : memref<10000x48xf32, #tpu.memory_space<hbm>>) target(%dma_start3A_29 : memref<128x48xf32, #tpu.memory_space<vmem>>) offsets(%dma_start3A_32 : memref<128xi32, #tpu.memory_space<vmem>>) semaphore(%dma_start3A_37 : memref<!tpu.dma_semaphore, #tpu.memory_space<semaphore_mem>>)
    %dma_start3A_38 = arith.constant 2 : i32
    %dma_start3A_39 = arith.constant 2 : i32
    %dma_start3A_40 = arith.constant 256 : i32
    %dma_start3A_41 = arith.constant 0 : i32
    %dma_start3A_42 = tpu.memref_slice %arg10[%dma_start3A_40, %dma_start3A_41] : memref<640x48xf32, #tpu.memory_space<vmem>> -> memref<128x48xf32, #tpu.memory_space<vmem>>
    %dma_start3A_43 = arith.constant 0 : i32
    %dma_start3A_44 = tpu.memref_slice %arg7[%dma_start3A_38, %dma_start3A_43] : memref<79x128xi32, #tpu.memory_space<vmem>> -> memref<1x128xi32, #tpu.memory_space<vmem>>
    %dma_start3A_45 = tpu.memref_squeeze %dma_start3A_44 : memref<1x128xi32, #tpu.memory_space<vmem>> -> memref<128xi32, #tpu.memory_space<vmem>>
    %dma_start3A_46 = arith.constant 0 : i32
    %dma_start3A_47 = arith.constant 0 : i32
    %dma_start3A_48 = tpu.memref_slice %arg2[%dma_start3A_46, %dma_start3A_47] : memref<10000x48xf32, #tpu.memory_space<hbm>> -> memref<10000x48xf32, #tpu.memory_space<hbm>>
    %dma_start3A_49 = tpu.memref_slice %arg13[%dma_start3A_39] : memref<5x!tpu.dma_semaphore, #tpu.memory_space<semaphore_mem>> -> memref<1x!tpu.dma_semaphore, #tpu.memory_space<semaphore_mem>>
    %dma_start3A_50 = tpu.memref_squeeze %dma_start3A_49 : memref<1x!tpu.dma_semaphore, #tpu.memory_space<semaphore_mem>> -> memref<!tpu.dma_semaphore, #tpu.memory_space<semaphore_mem>>
    tpu.enqueue_indirect_dma source(%dma_start3A_48 : memref<10000x48xf32, #tpu.memory_space<hbm>>) target(%dma_start3A_42 : memref<128x48xf32, #tpu.memory_space<vmem>>) offsets(%dma_start3A_45 : memref<128xi32, #tpu.memory_space<vmem>>) semaphore(%dma_start3A_50 : memref<!tpu.dma_semaphore, #tpu.memory_space<semaphore_mem>>)
    %scan3A_51 = arith.constant 0 : i32
    %scan3A_52 = arith.constant 3 : i32
    %scan3A_53 = arith.constant 0 : i32
    %scan3A_54 = arith.constant 79 : i32
    %scan3A_55 = arith.addi %scan3A_53, %scan3A_54 : i32
    %scan3A_56 = arith.constant 1 : i32
    %scan3A_57:2 = scf.for %scan3A_95 = %scan3A_53 to %scan3A_55 step %scan3A_56 iter_args(%scan3A_96 = %scan3A_51, %scan3A_97 = %scan3A_52) -> (i32, i32)  : i32 {
      %ge3A = arith.constant 2 : i32
      %ge3A_98 = arith.cmpi sge, %scan3A_95, %ge3A : i32
      %convert_element_type3A_99 = arith.extui %ge3A_98 : i1 to i32
      %cond3A_100 = arith.constant 0 : i32
      %cond3A_101 = arith.cmpi ne, %convert_element_type3A_99, %cond3A_100 : i32
      scf.if %cond3A_101 {
        %sub3A = arith.constant 2 : i32
        %sub3A_152 = arith.subi %scan3A_95, %sub3A : i32
        %mul3A_153 = arith.constant 128 : i32
        %mul3A_154 = arith.muli %scan3A_97, %mul3A_153 : i32
        %dma_wait3A_155 = arith.constant 0 : i32
        %dma_wait3A_156 = tpu.memref_slice %arg10[%mul3A_154, %dma_wait3A_155] : memref<640x48xf32, #tpu.memory_space<vmem>> -> memref<128x48xf32, #tpu.memory_space<vmem>>
        %dma_wait3A_157 = arith.constant 0 : i32
        %dma_wait3A_158 = tpu.memref_slice %arg8[%sub3A_152, %dma_wait3A_157] : memref<79x128xi32, #tpu.memory_space<vmem>> -> memref<1x128xi32, #tpu.memory_space<vmem>>
        %dma_wait3A_159 = tpu.memref_squeeze %dma_wait3A_158 : memref<1x128xi32, #tpu.memory_space<vmem>> -> memref<128xi32, #tpu.memory_space<vmem>>
        %dma_wait3A_160 = arith.constant 0 : i32
        %dma_wait3A_161 = arith.constant 0 : i32
        %dma_wait3A_162 = tpu.memref_slice %arg12[%dma_wait3A_160, %dma_wait3A_161] : memref<10000x48xf32, #tpu.memory_space<vmem_shared>> -> memref<10000x48xf32, #tpu.memory_space<vmem_shared>>
        %dma_wait3A_163 = tpu.memref_slice %arg14[%scan3A_97] : memref<5x!tpu.dma_semaphore, #tpu.memory_space<semaphore_mem>> -> memref<1x!tpu.dma_semaphore, #tpu.memory_space<semaphore_mem>>
        %dma_wait3A_164 = tpu.memref_squeeze %dma_wait3A_163 : memref<1x!tpu.dma_semaphore, #tpu.memory_space<semaphore_mem>> -> memref<!tpu.dma_semaphore, #tpu.memory_space<semaphore_mem>>
        tpu.wait_indirect_dma semaphore(%dma_wait3A_164 : memref<!tpu.dma_semaphore, #tpu.memory_space<semaphore_mem>>) src(%dma_wait3A_156 : memref<128x48xf32, #tpu.memory_space<vmem>>) dst(%dma_wait3A_162 : memref<10000x48xf32, #tpu.memory_space<vmem_shared>>)
      } else {
      }
      %add3A_102 = arith.constant 3 : i32
      %add3A_103 = arith.addi %scan3A_95, %add3A_102 : i32
      %lt3A_104 = arith.constant 79 : i32
      %lt3A_105 = arith.cmpi slt, %add3A_103, %lt3A_104 : i32
      %convert_element_type3A_106 = arith.extui %lt3A_105 : i1 to i32
      %cond3A_107 = arith.constant 0 : i32
      %cond3A_108 = arith.cmpi ne, %convert_element_type3A_106, %cond3A_107 : i32
      scf.if %cond3A_108 {
        %add3A_152 = arith.constant 3 : i32
        %add3A_153 = arith.addi %scan3A_95, %add3A_152 : i32
        %mul3A_154 = arith.constant 128 : i32
        %mul3A_155 = arith.muli %scan3A_97, %mul3A_154 : i32
        %dma_start3A_156 = arith.constant 0 : i32
        %dma_start3A_157 = tpu.memref_slice %arg10[%mul3A_155, %dma_start3A_156] : memref<640x48xf32, #tpu.memory_space<vmem>> -> memref<128x48xf32, #tpu.memory_space<vmem>>
        %dma_start3A_158 = arith.constant 0 : i32
        %dma_start3A_159 = tpu.memref_slice %arg7[%add3A_153, %dma_start3A_158] : memref<79x128xi32, #tpu.memory_space<vmem>> -> memref<1x128xi32, #tpu.memory_space<vmem>>
        %dma_start3A_160 = tpu.memref_squeeze %dma_start3A_159 : memref<1x128xi32, #tpu.memory_space<vmem>> -> memref<128xi32, #tpu.memory_space<vmem>>
        %dma_start3A_161 = arith.constant 0 : i32
        %dma_start3A_162 = arith.constant 0 : i32
        %dma_start3A_163 = tpu.memref_slice %arg2[%dma_start3A_161, %dma_start3A_162] : memref<10000x48xf32, #tpu.memory_space<hbm>> -> memref<10000x48xf32, #tpu.memory_space<hbm>>
        %dma_start3A_164 = tpu.memref_slice %arg13[%scan3A_97] : memref<5x!tpu.dma_semaphore, #tpu.memory_space<semaphore_mem>> -> memref<1x!tpu.dma_semaphore, #tpu.memory_space<semaphore_mem>>
        %dma_start3A_165 = tpu.memref_squeeze %dma_start3A_164 : memref<1x!tpu.dma_semaphore, #tpu.memory_space<semaphore_mem>> -> memref<!tpu.dma_semaphore, #tpu.memory_space<semaphore_mem>>
        tpu.enqueue_indirect_dma source(%dma_start3A_163 : memref<10000x48xf32, #tpu.memory_space<hbm>>) target(%dma_start3A_157 : memref<128x48xf32, #tpu.memory_space<vmem>>) offsets(%dma_start3A_160 : memref<128xi32, #tpu.memory_space<vmem>>) semaphore(%dma_start3A_165 : memref<!tpu.dma_semaphore, #tpu.memory_space<semaphore_mem>>)
      } else {
      }
      %mul3A_109 = arith.constant 128 : i32
      %mul3A_110 = arith.muli %scan3A_96, %mul3A_109 : i32
      %dma_wait3A_111 = arith.constant 0 : i32
      %dma_wait3A_112 = tpu.memref_slice %arg10[%mul3A_110, %dma_wait3A_111] : memref<640x48xf32, #tpu.memory_space<vmem>> -> memref<128x48xf32, #tpu.memory_space<vmem>>
      %dma_wait3A_113 = arith.constant 0 : i32
      %dma_wait3A_114 = tpu.memref_slice %arg7[%scan3A_95, %dma_wait3A_113] : memref<79x128xi32, #tpu.memory_space<vmem>> -> memref<1x128xi32, #tpu.memory_space<vmem>>
      %dma_wait3A_115 = tpu.memref_squeeze %dma_wait3A_114 : memref<1x128xi32, #tpu.memory_space<vmem>> -> memref<128xi32, #tpu.memory_space<vmem>>
      %dma_wait3A_116 = arith.constant 0 : i32
      %dma_wait3A_117 = arith.constant 0 : i32
      %dma_wait3A_118 = tpu.memref_slice %arg2[%dma_wait3A_116, %dma_wait3A_117] : memref<10000x48xf32, #tpu.memory_space<hbm>> -> memref<10000x48xf32, #tpu.memory_space<hbm>>
      %dma_wait3A_119 = tpu.memref_slice %arg13[%scan3A_96] : memref<5x!tpu.dma_semaphore, #tpu.memory_space<semaphore_mem>> -> memref<1x!tpu.dma_semaphore, #tpu.memory_space<semaphore_mem>>
      %dma_wait3A_120 = tpu.memref_squeeze %dma_wait3A_119 : memref<1x!tpu.dma_semaphore, #tpu.memory_space<semaphore_mem>> -> memref<!tpu.dma_semaphore, #tpu.memory_space<semaphore_mem>>
      tpu.wait_indirect_dma semaphore(%dma_wait3A_120 : memref<!tpu.dma_semaphore, #tpu.memory_space<semaphore_mem>>) src(%dma_wait3A_118 : memref<10000x48xf32, #tpu.memory_space<hbm>>) dst(%dma_wait3A_112 : memref<128x48xf32, #tpu.memory_space<vmem>>)
      %mul3A_121 = arith.constant 128 : i32
      %mul3A_122 = arith.muli %scan3A_96, %mul3A_121 : i32
      %scan3A_123 = arith.constant 0 : i32
      %scan3A_124 = arith.constant 0 : i32
      %scan3A_125 = arith.constant 8 : i32
      %scan3A_126 = arith.addi %scan3A_124, %scan3A_125 : i32
      %scan3A_127 = arith.constant 1 : i32
      %scan3A_128 = scf.for %scan3A_152 = %scan3A_124 to %scan3A_126 step %scan3A_127 iter_args(%scan3A_153 = %scan3A_123) -> (i32)  : i32 {
        %mul3A_154 = arith.constant 16 : i32
        %mul3A_155 = arith.muli %scan3A_152, %mul3A_154 : i32
        %get3A = arith.index_cast %scan3A_95 : i32 to index
        %get3A_156 = arith.index_cast %mul3A_155 : i32 to index
        %get3A_157 = tpu.vector_load %arg9[%get3A, %get3A_156] {strides = array<i32>} : memref<79x128xf32, #tpu.memory_space<vmem>>, vector<1x16xf32>,
        %get3A_158 = vector.shape_cast %get3A_157 : vector<1x16xf32> to vector<16xf32>
        %mul3A_159 = arith.constant 16 : i32
        %mul3A_160 = arith.muli %scan3A_152, %mul3A_159 : i32
        %add3A_161 = arith.addi %mul3A_122, %mul3A_160 : i32
        %add3A_162 = arith.constant 0 : i32
        %add3A_163 = arith.addi %add3A_161, %add3A_162 : i32
        %broadcast_in_dim3A = arith.constant 0 : i32
        %broadcast_in_dim3A_164 = vector.broadcast %broadcast_in_dim3A : i32 to vector<16x1xi32>
        %gather3A = vector.shape_cast %broadcast_in_dim3A_164 : vector<16x1xi32> to vector<16xi32>
        %gather3A_165 = tpu.dynamic_gather %get3A_158[%gather3A] in [0] : vector<16xf32>, vector<16xi32> -> vector<16xf32>
        %get3A_166 = arith.index_cast %add3A_163 : i32 to index
        %get3A_167 = arith.constant 0 : index
        %get3A_168 = tpu.vector_load %arg10[%get3A_166, %get3A_167] {strides = array<i32>} : memref<640x48xf32, #tpu.memory_space<vmem>>, vector<1x16xf32>,
        %get3A_169 = vector.shape_cast %get3A_168 : vector<1x16xf32> to vector<16xf32>
        %mul3A_170 = arith.mulf %get3A_169, %gather3A_165 : vector<16xf32>
        %swap3A = arith.index_cast %add3A_163 : i32 to index
        %swap3A_171 = arith.constant 0 : index
        %swap3A_172 = tpu.vector_load %arg10[%swap3A, %swap3A_171] {strides = array<i32>} : memref<640x48xf32, #tpu.memory_space<vmem>>, vector<1x16xf32>,
        %swap3A_173 = vector.shape_cast %swap3A_172 : vector<1x16xf32> to vector<16xf32>
        %swap3A_174 = vector.shape_cast %mul3A_170 : vector<16xf32> to vector<1x16xf32>
        tpu.vector_store %arg10[%swap3A, %swap3A_171], %swap3A_174 {strides = array<i32>} : memref<640x48xf32, #tpu.memory_space<vmem>>, vector<1x16xf32>,
        %get3A_175 = arith.index_cast %add3A_163 : i32 to index
        %get3A_176 = arith.constant 16 : index
        %get3A_177 = tpu.vector_load %arg10[%get3A_175, %get3A_176] {strides = array<i32>} : memref<640x48xf32, #tpu.memory_space<vmem>>, vector<1x16xf32>,
        %get3A_178 = vector.shape_cast %get3A_177 : vector<1x16xf32> to vector<16xf32>
        %mul3A_179 = arith.mulf %get3A_178, %gather3A_165 : vector<16xf32>
        %swap3A_180 = arith.index_cast %add3A_163 : i32 to index
        %swap3A_181 = arith.constant 16 : index
        %swap3A_182 = tpu.vector_load %arg10[%swap3A_180, %swap3A_181] {strides = array<i32>} : memref<640x48xf32, #tpu.memory_space<vmem>>, vector<1x16xf32>,
        %swap3A_183 = vector.shape_cast %swap3A_182 : vector<1x16xf32> to vector<16xf32>
        %swap3A_184 = vector.shape_cast %mul3A_179 : vector<16xf32> to vector<1x16xf32>
        tpu.vector_store %arg10[%swap3A_180, %swap3A_181], %swap3A_184 {strides = array<i32>} : memref<640x48xf32, #tpu.memory_space<vmem>>, vector<1x16xf32>,
        %get3A_185 = arith.index_cast %add3A_163 : i32 to index
        %get3A_186 = arith.constant 32 : index
        %get3A_187 = tpu.vector_load %arg10[%get3A_185, %get3A_186] {strides = array<i32>} : memref<640x48xf32, #tpu.memory_space<vmem>>, vector<1x16xf32>,
        %get3A_188 = vector.shape_cast %get3A_187 : vector<1x16xf32> to vector<16xf32>
        %mul3A_189 = arith.mulf %get3A_188, %gather3A_165 : vector<16xf32>
        %swap3A_190 = arith.index_cast %add3A_163 : i32 to index
        %swap3A_191 = arith.constant 32 : index
        %swap3A_192 = tpu.vector_load %arg10[%swap3A_190, %swap3A_191] {strides = array<i32>} : memref<640x48xf32, #tpu.memory_space<vmem>>, vector<1x16xf32>,
        %swap3A_193 = vector.shape_cast %swap3A_192 : vector<1x16xf32> to vector<16xf32>
        %swap3A_194 = vector.shape_cast %mul3A_189 : vector<16xf32> to vector<1x16xf32>
        tpu.vector_store %arg10[%swap3A_190, %swap3A_191], %swap3A_194 {strides = array<i32>} : memref<640x48xf32, #tpu.memory_space<vmem>>, vector<1x16xf32>,
        %mul3A_195 = arith.constant 16 : i32
        %mul3A_196 = arith.muli %scan3A_152, %mul3A_195 : i32
        %add3A_197 = arith.addi %mul3A_122, %mul3A_196 : i32
        %add3A_198 = arith.constant 1 : i32
        %add3A_199 = arith.addi %add3A_197, %add3A_198 : i32
        %broadcast_in_dim3A_200 = arith.constant 1 : i32
        %broadcast_in_dim3A_201 = vector.broadcast %broadcast_in_dim3A_200 : i32 to vector<16x1xi32>
        %gather3A_202 = vector.shape_cast %broadcast_in_dim3A_201 : vector<16x1xi32> to vector<16xi32>
        %gather3A_203 = tpu.dynamic_gather %get3A_158[%gather3A_202] in [0] : vector<16xf32>, vector<16xi32> -> vector<16xf32>
        %get3A_204 = arith.index_cast %add3A_199 : i32 to index
        %get3A_205 = arith.constant 0 : index
        %get3A_206 = tpu.vector_load %arg10[%get3A_204, %get3A_205] {strides = array<i32>} : memref<640x48xf32, #tpu.memory_space<vmem>>, vector<1x16xf32>,
        %get3A_207 = vector.shape_cast %get3A_206 : vector<1x16xf32> to vector<16xf32>
        %mul3A_208 = arith.mulf %get3A_207, %gather3A_203 : vector<16xf32>
        %swap3A_209 = arith.index_cast %add3A_199 : i32 to index
        %swap3A_210 = arith.constant 0 : index
        %swap3A_211 = tpu.vector_load %arg10[%swap3A_209, %swap3A_210] {strides = array<i32>} : memref<640x48xf32, #tpu.memory_space<vmem>>, vector<1x16xf32>,
        %swap3A_212 = vector.shape_cast %swap3A_211 : vector<1x16xf32> to vector<16xf32>
        %swap3A_213 = vector.shape_cast %mul3A_208 : vector<16xf32> to vector<1x16xf32>
        tpu.vector_store %arg10[%swap3A_209, %swap3A_210], %swap3A_213 {strides = array<i32>} : memref<640x48xf32, #tpu.memory_space<vmem>>, vector<1x16xf32>,
        %get3A_214 = arith.index_cast %add3A_199 : i32 to index
        %get3A_215 = arith.constant 16 : index
        %get3A_216 = tpu.vector_load %arg10[%get3A_214, %get3A_215] {strides = array<i32>} : memref<640x48xf32, #tpu.memory_space<vmem>>, vector<1x16xf32>,
        %get3A_217 = vector.shape_cast %get3A_216 : vector<1x16xf32> to vector<16xf32>
        %mul3A_218 = arith.mulf %get3A_217, %gather3A_203 : vector<16xf32>
        %swap3A_219 = arith.index_cast %add3A_199 : i32 to index
        %swap3A_220 = arith.constant 16 : index
        %swap3A_221 = tpu.vector_load %arg10[%swap3A_219, %swap3A_220] {strides = array<i32>} : memref<640x48xf32, #tpu.memory_space<vmem>>, vector<1x16xf32>,
        %swap3A_222 = vector.shape_cast %swap3A_221 : vector<1x16xf32> to vector<16xf32>
        %swap3A_223 = vector.shape_cast %mul3A_218 : vector<16xf32> to vector<1x16xf32>
        tpu.vector_store %arg10[%swap3A_219, %swap3A_220], %swap3A_223 {strides = array<i32>} : memref<640x48xf32, #tpu.memory_space<vmem>>, vector<1x16xf32>,
        %get3A_224 = arith.index_cast %add3A_199 : i32 to index
        %get3A_225 = arith.constant 32 : index
        %get3A_226 = tpu.vector_load %arg10[%get3A_224, %get3A_225] {strides = array<i32>} : memref<640x48xf32, #tpu.memory_space<vmem>>, vector<1x16xf32>,
        %get3A_227 = vector.shape_cast %get3A_226 : vector<1x16xf32> to vector<16xf32>
        %mul3A_228 = arith.mulf %get3A_227, %gather3A_203 : vector<16xf32>
        %swap3A_229 = arith.index_cast %add3A_199 : i32 to index
        %swap3A_230 = arith.constant 32 : index
        %swap3A_231 = tpu.vector_load %arg10[%swap3A_229, %swap3A_230] {strides = array<i32>} : memref<640x48xf32, #tpu.memory_space<vmem>>, vector<1x16xf32>,
        %swap3A_232 = vector.shape_cast %swap3A_231 : vector<1x16xf32> to vector<16xf32>
        %swap3A_233 = vector.shape_cast %mul3A_228 : vector<16xf32> to vector<1x16xf32>
        tpu.vector_store %arg10[%swap3A_229, %swap3A_230], %swap3A_233 {strides = array<i32>} : memref<640x48xf32, #tpu.memory_space<vmem>>, vector<1x16xf32>,
        %mul3A_234 = arith.constant 16 : i32
        %mul3A_235 = arith.muli %scan3A_152, %mul3A_234 : i32
        %add3A_236 = arith.addi %mul3A_122, %mul3A_235 : i32
        %add3A_237 = arith.constant 2 : i32
        %add3A_238 = arith.addi %add3A_236, %add3A_237 : i32
        %broadcast_in_dim3A_239 = arith.constant 2 : i32
        %broadcast_in_dim3A_240 = vector.broadcast %broadcast_in_dim3A_239 : i32 to vector<16x1xi32>
        %gather3A_241 = vector.shape_cast %broadcast_in_dim3A_240 : vector<16x1xi32> to vector<16xi32>
        %gather3A_242 = tpu.dynamic_gather %get3A_158[%gather3A_241] in [0] : vector<16xf32>, vector<16xi32> -> vector<16xf32>
        %get3A_243 = arith.index_cast %add3A_238 : i32 to index
        %get3A_244 = arith.constant 0 : index
        %get3A_245 = tpu.vector_load %arg10[%get3A_243, %get3A_244] {strides = array<i32>} : memref<640x48xf32, #tpu.memory_space<vmem>>, vector<1x16xf32>,
        %get3A_246 = vector.shape_cast %get3A_245 : vector<1x16xf32> to vector<16xf32>
        %mul3A_247 = arith.mulf %get3A_246, %gather3A_242 : vector<16xf32>
        %swap3A_248 = arith.index_cast %add3A_238 : i32 to index
        %swap3A_249 = arith.constant 0 : index
        %swap3A_250 = tpu.vector_load %arg10[%swap3A_248, %swap3A_249] {strides = array<i32>} : memref<640x48xf32, #tpu.memory_space<vmem>>, vector<1x16xf32>,
        %swap3A_251 = vector.shape_cast %swap3A_250 : vector<1x16xf32> to vector<16xf32>
        %swap3A_252 = vector.shape_cast %mul3A_247 : vector<16xf32> to vector<1x16xf32>
        tpu.vector_store %arg10[%swap3A_248, %swap3A_249], %swap3A_252 {strides = array<i32>} : memref<640x48xf32, #tpu.memory_space<vmem>>, vector<1x16xf32>,
        %get3A_253 = arith.index_cast %add3A_238 : i32 to index
        %get3A_254 = arith.constant 16 : index
        %get3A_255 = tpu.vector_load %arg10[%get3A_253, %get3A_254] {strides = array<i32>} : memref<640x48xf32, #tpu.memory_space<vmem>>, vector<1x16xf32>,
        %get3A_256 = vector.shape_cast %get3A_255 : vector<1x16xf32> to vector<16xf32>
        %mul3A_257 = arith.mulf %get3A_256, %gather3A_242 : vector<16xf32>
        %swap3A_258 = arith.index_cast %add3A_238 : i32 to index
        %swap3A_259 = arith.constant 16 : index
        %swap3A_260 = tpu.vector_load %arg10[%swap3A_258, %swap3A_259] {strides = array<i32>} : memref<640x48xf32, #tpu.memory_space<vmem>>, vector<1x16xf32>,
        %swap3A_261 = vector.shape_cast %swap3A_260 : vector<1x16xf32> to vector<16xf32>
        %swap3A_262 = vector.shape_cast %mul3A_257 : vector<16xf32> to vector<1x16xf32>
        tpu.vector_store %arg10[%swap3A_258, %swap3A_259], %swap3A_262 {strides = array<i32>} : memref<640x48xf32, #tpu.memory_space<vmem>>, vector<1x16xf32>,
        %get3A_263 = arith.index_cast %add3A_238 : i32 to index
        %get3A_264 = arith.constant 32 : index
        %get3A_265 = tpu.vector_load %arg10[%get3A_263, %get3A_264] {strides = array<i32>} : memref<640x48xf32, #tpu.memory_space<vmem>>, vector<1x16xf32>,
        %get3A_266 = vector.shape_cast %get3A_265 : vector<1x16xf32> to vector<16xf32>
        %mul3A_267 = arith.mulf %get3A_266, %gather3A_242 : vector<16xf32>
        %swap3A_268 = arith.index_cast %add3A_238 : i32 to index
        %swap3A_269 = arith.constant 32 : index
        %swap3A_270 = tpu.vector_load %arg10[%swap3A_268, %swap3A_269] {strides = array<i32>} : memref<640x48xf32, #tpu.memory_space<vmem>>, vector<1x16xf32>,
        %swap3A_271 = vector.shape_cast %swap3A_270 : vector<1x16xf32> to vector<16xf32>
        %swap3A_272 = vector.shape_cast %mul3A_267 : vector<16xf32> to vector<1x16xf32>
        tpu.vector_store %arg10[%swap3A_268, %swap3A_269], %swap3A_272 {strides = array<i32>} : memref<640x48xf32, #tpu.memory_space<vmem>>, vector<1x16xf32>,
        %mul3A_273 = arith.constant 16 : i32
        %mul3A_274 = arith.muli %scan3A_152, %mul3A_273 : i32
        %add3A_275 = arith.addi %mul3A_122, %mul3A_274 : i32
        %add3A_276 = arith.constant 3 : i32
        %add3A_277 = arith.addi %add3A_275, %add3A_276 : i32
        %broadcast_in_dim3A_278 = arith.constant 3 : i32
        %broadcast_in_dim3A_279 = vector.broadcast %broadcast_in_dim3A_278 : i32 to vector<16x1xi32>
        %gather3A_280 = vector.shape_cast %broadcast_in_dim3A_279 : vector<16x1xi32> to vector<16xi32>
        %gather3A_281 = tpu.dynamic_gather %get3A_158[%gather3A_280] in [0] : vector<16xf32>, vector<16xi32> -> vector<16xf32>
        %get3A_282 = arith.index_cast %add3A_277 : i32 to index
        %get3A_283 = arith.constant 0 : index
        %get3A_284 = tpu.vector_load %arg10[%get3A_282, %get3A_283] {strides = array<i32>} : memref<640x48xf32, #tpu.memory_space<vmem>>, vector<1x16xf32>,
        %get3A_285 = vector.shape_cast %get3A_284 : vector<1x16xf32> to vector<16xf32>
        %mul3A_286 = arith.mulf %get3A_285, %gather3A_281 : vector<16xf32>
        %swap3A_287 = arith.index_cast %add3A_277 : i32 to index
        %swap3A_288 = arith.constant 0 : index
        %swap3A_289 = tpu.vector_load %arg10[%swap3A_287, %swap3A_288] {strides = array<i32>} : memref<640x48xf32, #tpu.memory_space<vmem>>, vector<1x16xf32>,
        %swap3A_290 = vector.shape_cast %swap3A_289 : vector<1x16xf32> to vector<16xf32>
        %swap3A_291 = vector.shape_cast %mul3A_286 : vector<16xf32> to vector<1x16xf32>
        tpu.vector_store %arg10[%swap3A_287, %swap3A_288], %swap3A_291 {strides = array<i32>} : memref<640x48xf32, #tpu.memory_space<vmem>>, vector<1x16xf32>,
        %get3A_292 = arith.index_cast %add3A_277 : i32 to index
        %get3A_293 = arith.constant 16 : index
        %get3A_294 = tpu.vector_load %arg10[%get3A_292, %get3A_293] {strides = array<i32>} : memref<640x48xf32, #tpu.memory_space<vmem>>, vector<1x16xf32>,
        %get3A_295 = vector.shape_cast %get3A_294 : vector<1x16xf32> to vector<16xf32>
        %mul3A_296 = arith.mulf %get3A_295, %gather3A_281 : vector<16xf32>
        %swap3A_297 = arith.index_cast %add3A_277 : i32 to index
        %swap3A_298 = arith.constant 16 : index
        %swap3A_299 = tpu.vector_load %arg10[%swap3A_297, %swap3A_298] {strides = array<i32>} : memref<640x48xf32, #tpu.memory_space<vmem>>, vector<1x16xf32>,
        %swap3A_300 = vector.shape_cast %swap3A_299 : vector<1x16xf32> to vector<16xf32>
        %swap3A_301 = vector.shape_cast %mul3A_296 : vector<16xf32> to vector<1x16xf32>
        tpu.vector_store %arg10[%swap3A_297, %swap3A_298], %swap3A_301 {strides = array<i32>} : memref<640x48xf32, #tpu.memory_space<vmem>>, vector<1x16xf32>,
        %get3A_302 = arith.index_cast %add3A_277 : i32 to index
        %get3A_303 = arith.constant 32 : index
        %get3A_304 = tpu.vector_load %arg10[%get3A_302, %get3A_303] {strides = array<i32>} : memref<640x48xf32, #tpu.memory_space<vmem>>, vector<1x16xf32>,
        %get3A_305 = vector.shape_cast %get3A_304 : vector<1x16xf32> to vector<16xf32>
        %mul3A_306 = arith.mulf %get3A_305, %gather3A_281 : vector<16xf32>
        %swap3A_307 = arith.index_cast %add3A_277 : i32 to index
        %swap3A_308 = arith.constant 32 : index
        %swap3A_309 = tpu.vector_load %arg10[%swap3A_307, %swap3A_308] {strides = array<i32>} : memref<640x48xf32, #tpu.memory_space<vmem>>, vector<1x16xf32>,
        %swap3A_310 = vector.shape_cast %swap3A_309 : vector<1x16xf32> to vector<16xf32>
        %swap3A_311 = vector.shape_cast %mul3A_306 : vector<16xf32> to vector<1x16xf32>
        tpu.vector_store %arg10[%swap3A_307, %swap3A_308], %swap3A_311 {strides = array<i32>} : memref<640x48xf32, #tpu.memory_space<vmem>>, vector<1x16xf32>,
        %mul3A_312 = arith.constant 16 : i32
        %mul3A_313 = arith.muli %scan3A_152, %mul3A_312 : i32
        %add3A_314 = arith.addi %mul3A_122, %mul3A_313 : i32
        %add3A_315 = arith.constant 4 : i32
        %add3A_316 = arith.addi %add3A_314, %add3A_315 : i32
        %broadcast_in_dim3A_317 = arith.constant 4 : i32
        %broadcast_in_dim3A_318 = vector.broadcast %broadcast_in_dim3A_317 : i32 to vector<16x1xi32>
        %gather3A_319 = vector.shape_cast %broadcast_in_dim3A_318 : vector<16x1xi32> to vector<16xi32>
        %gather3A_320 = tpu.dynamic_gather %get3A_158[%gather3A_319] in [0] : vector<16xf32>, vector<16xi32> -> vector<16xf32>
        %get3A_321 = arith.index_cast %add3A_316 : i32 to index
        %get3A_322 = arith.constant 0 : index
        %get3A_323 = tpu.vector_load %arg10[%get3A_321, %get3A_322] {strides = array<i32>} : memref<640x48xf32, #tpu.memory_space<vmem>>, vector<1x16xf32>,
        %get3A_324 = vector.shape_cast %get3A_323 : vector<1x16xf32> to vector<16xf32>
        %mul3A_325 = arith.mulf %get3A_324, %gather3A_320 : vector<16xf32>
        %swap3A_326 = arith.index_cast %add3A_316 : i32 to index
        %swap3A_327 = arith.constant 0 : index
        %swap3A_328 = tpu.vector_load %arg10[%swap3A_326, %swap3A_327] {strides = array<i32>} : memref<640x48xf32, #tpu.memory_space<vmem>>, vector<1x16xf32>,
        %swap3A_329 = vector.shape_cast %swap3A_328 : vector<1x16xf32> to vector<16xf32>
        %swap3A_330 = vector.shape_cast %mul3A_325 : vector<16xf32> to vector<1x16xf32>
        tpu.vector_store %arg10[%swap3A_326, %swap3A_327], %swap3A_330 {strides = array<i32>} : memref<640x48xf32, #tpu.memory_space<vmem>>, vector<1x16xf32>,
        %get3A_331 = arith.index_cast %add3A_316 : i32 to index
        %get3A_332 = arith.constant 16 : index
        %get3A_333 = tpu.vector_load %arg10[%get3A_331, %get3A_332] {strides = array<i32>} : memref<640x48xf32, #tpu.memory_space<vmem>>, vector<1x16xf32>,
        %get3A_334 = vector.shape_cast %get3A_333 : vector<1x16xf32> to vector<16xf32>
        %mul3A_335 = arith.mulf %get3A_334, %gather3A_320 : vector<16xf32>
        %swap3A_336 = arith.index_cast %add3A_316 : i32 to index
        %swap3A_337 = arith.constant 16 : index
        %swap3A_338 = tpu.vector_load %arg10[%swap3A_336, %swap3A_337] {strides = array<i32>} : memref<640x48xf32, #tpu.memory_space<vmem>>, vector<1x16xf32>,
        %swap3A_339 = vector.shape_cast %swap3A_338 : vector<1x16xf32> to vector<16xf32>
        %swap3A_340 = vector.shape_cast %mul3A_335 : vector<16xf32> to vector<1x16xf32>
        tpu.vector_store %arg10[%swap3A_336, %swap3A_337], %swap3A_340 {strides = array<i32>} : memref<640x48xf32, #tpu.memory_space<vmem>>, vector<1x16xf32>,
        %get3A_341 = arith.index_cast %add3A_316 : i32 to index
        %get3A_342 = arith.constant 32 : index
        %get3A_343 = tpu.vector_load %arg10[%get3A_341, %get3A_342] {strides = array<i32>} : memref<640x48xf32, #tpu.memory_space<vmem>>, vector<1x16xf32>,
        %get3A_344 = vector.shape_cast %get3A_343 : vector<1x16xf32> to vector<16xf32>
        %mul3A_345 = arith.mulf %get3A_344, %gather3A_320 : vector<16xf32>
        %swap3A_346 = arith.index_cast %add3A_316 : i32 to index
        %swap3A_347 = arith.constant 32 : index
        %swap3A_348 = tpu.vector_load %arg10[%swap3A_346, %swap3A_347] {strides = array<i32>} : memref<640x48xf32, #tpu.memory_space<vmem>>, vector<1x16xf32>,
        %swap3A_349 = vector.shape_cast %swap3A_348 : vector<1x16xf32> to vector<16xf32>
        %swap3A_350 = vector.shape_cast %mul3A_345 : vector<16xf32> to vector<1x16xf32>
        tpu.vector_store %arg10[%swap3A_346, %swap3A_347], %swap3A_350 {strides = array<i32>} : memref<640x48xf32, #tpu.memory_space<vmem>>, vector<1x16xf32>,
        %mul3A_351 = arith.constant 16 : i32
        %mul3A_352 = arith.muli %scan3A_152, %mul3A_351 : i32
        %add3A_353 = arith.addi %mul3A_122, %mul3A_352 : i32
        %add3A_354 = arith.constant 5 : i32
        %add3A_355 = arith.addi %add3A_353, %add3A_354 : i32
        %broadcast_in_dim3A_356 = arith.constant 5 : i32
        %broadcast_in_dim3A_357 = vector.broadcast %broadcast_in_dim3A_356 : i32 to vector<16x1xi32>
        %gather3A_358 = vector.shape_cast %broadcast_in_dim3A_357 : vector<16x1xi32> to vector<16xi32>
        %gather3A_359 = tpu.dynamic_gather %get3A_158[%gather3A_358] in [0] : vector<16xf32>, vector<16xi32> -> vector<16xf32>
        %get3A_360 = arith.index_cast %add3A_355 : i32 to index
        %get3A_361 = arith.constant 0 : index
        %get3A_362 = tpu.vector_load %arg10[%get3A_360, %get3A_361] {strides = array<i32>} : memref<640x48xf32, #tpu.memory_space<vmem>>, vector<1x16xf32>,
        %get3A_363 = vector.shape_cast %get3A_362 : vector<1x16xf32> to vector<16xf32>
        %mul3A_364 = arith.mulf %get3A_363, %gather3A_359 : vector<16xf32>
        %swap3A_365 = arith.index_cast %add3A_355 : i32 to index
        %swap3A_366 = arith.constant 0 : index
        %swap3A_367 = tpu.vector_load %arg10[%swap3A_365, %swap3A_366] {strides = array<i32>} : memref<640x48xf32, #tpu.memory_space<vmem>>, vector<1x16xf32>,
        %swap3A_368 = vector.shape_cast %swap3A_367 : vector<1x16xf32> to vector<16xf32>
        %swap3A_369 = vector.shape_cast %mul3A_364 : vector<16xf32> to vector<1x16xf32>
        tpu.vector_store %arg10[%swap3A_365, %swap3A_366], %swap3A_369 {strides = array<i32>} : memref<640x48xf32, #tpu.memory_space<vmem>>, vector<1x16xf32>,
        %get3A_370 = arith.index_cast %add3A_355 : i32 to index
        %get3A_371 = arith.constant 16 : index
        %get3A_372 = tpu.vector_load %arg10[%get3A_370, %get3A_371] {strides = array<i32>} : memref<640x48xf32, #tpu.memory_space<vmem>>, vector<1x16xf32>,
        %get3A_373 = vector.shape_cast %get3A_372 : vector<1x16xf32> to vector<16xf32>
        %mul3A_374 = arith.mulf %get3A_373, %gather3A_359 : vector<16xf32>
        %swap3A_375 = arith.index_cast %add3A_355 : i32 to index
        %swap3A_376 = arith.constant 16 : index
        %swap3A_377 = tpu.vector_load %arg10[%swap3A_375, %swap3A_376] {strides = array<i32>} : memref<640x48xf32, #tpu.memory_space<vmem>>, vector<1x16xf32>,
        %swap3A_378 = vector.shape_cast %swap3A_377 : vector<1x16xf32> to vector<16xf32>
        %swap3A_379 = vector.shape_cast %mul3A_374 : vector<16xf32> to vector<1x16xf32>
        tpu.vector_store %arg10[%swap3A_375, %swap3A_376], %swap3A_379 {strides = array<i32>} : memref<640x48xf32, #tpu.memory_space<vmem>>, vector<1x16xf32>,
        %get3A_380 = arith.index_cast %add3A_355 : i32 to index
        %get3A_381 = arith.constant 32 : index
        %get3A_382 = tpu.vector_load %arg10[%get3A_380, %get3A_381] {strides = array<i32>} : memref<640x48xf32, #tpu.memory_space<vmem>>, vector<1x16xf32>,
        %get3A_383 = vector.shape_cast %get3A_382 : vector<1x16xf32> to vector<16xf32>
        %mul3A_384 = arith.mulf %get3A_383, %gather3A_359 : vector<16xf32>
        %swap3A_385 = arith.index_cast %add3A_355 : i32 to index
        %swap3A_386 = arith.constant 32 : index
        %swap3A_387 = tpu.vector_load %arg10[%swap3A_385, %swap3A_386] {strides = array<i32>} : memref<640x48xf32, #tpu.memory_space<vmem>>, vector<1x16xf32>,
        %swap3A_388 = vector.shape_cast %swap3A_387 : vector<1x16xf32> to vector<16xf32>
        %swap3A_389 = vector.shape_cast %mul3A_384 : vector<16xf32> to vector<1x16xf32>
        tpu.vector_store %arg10[%swap3A_385, %swap3A_386], %swap3A_389 {strides = array<i32>} : memref<640x48xf32, #tpu.memory_space<vmem>>, vector<1x16xf32>,
        %mul3A_390 = arith.constant 16 : i32
        %mul3A_391 = arith.muli %scan3A_152, %mul3A_390 : i32
        %add3A_392 = arith.addi %mul3A_122, %mul3A_391 : i32
        %add3A_393 = arith.constant 6 : i32
        %add3A_394 = arith.addi %add3A_392, %add3A_393 : i32
        %broadcast_in_dim3A_395 = arith.constant 6 : i32
        %broadcast_in_dim3A_396 = vector.broadcast %broadcast_in_dim3A_395 : i32 to vector<16x1xi32>
        %gather3A_397 = vector.shape_cast %broadcast_in_dim3A_396 : vector<16x1xi32> to vector<16xi32>
        %gather3A_398 = tpu.dynamic_gather %get3A_158[%gather3A_397] in [0] : vector<16xf32>, vector<16xi32> -> vector<16xf32>
        %get3A_399 = arith.index_cast %add3A_394 : i32 to index
        %get3A_400 = arith.constant 0 : index
        %get3A_401 = tpu.vector_load %arg10[%get3A_399, %get3A_400] {strides = array<i32>} : memref<640x48xf32, #tpu.memory_space<vmem>>, vector<1x16xf32>,
        %get3A_402 = vector.shape_cast %get3A_401 : vector<1x16xf32> to vector<16xf32>
        %mul3A_403 = arith.mulf %get3A_402, %gather3A_398 : vector<16xf32>
        %swap3A_404 = arith.index_cast %add3A_394 : i32 to index
        %swap3A_405 = arith.constant 0 : index
        %swap3A_406 = tpu.vector_load %arg10[%swap3A_404, %swap3A_405] {strides = array<i32>} : memref<640x48xf32, #tpu.memory_space<vmem>>, vector<1x16xf32>,
        %swap3A_407 = vector.shape_cast %swap3A_406 : vector<1x16xf32> to vector<16xf32>
        %swap3A_408 = vector.shape_cast %mul3A_403 : vector<16xf32> to vector<1x16xf32>
        tpu.vector_store %arg10[%swap3A_404, %swap3A_405], %swap3A_408 {strides = array<i32>} : memref<640x48xf32, #tpu.memory_space<vmem>>, vector<1x16xf32>,
        %get3A_409 = arith.index_cast %add3A_394 : i32 to index
        %get3A_410 = arith.constant 16 : index
        %get3A_411 = tpu.vector_load %arg10[%get3A_409, %get3A_410] {strides = array<i32>} : memref<640x48xf32, #tpu.memory_space<vmem>>, vector<1x16xf32>,
        %get3A_412 = vector.shape_cast %get3A_411 : vector<1x16xf32> to vector<16xf32>
        %mul3A_413 = arith.mulf %get3A_412, %gather3A_398 : vector<16xf32>
        %swap3A_414 = arith.index_cast %add3A_394 : i32 to index
        %swap3A_415 = arith.constant 16 : index
        %swap3A_416 = tpu.vector_load %arg10[%swap3A_414, %swap3A_415] {strides = array<i32>} : memref<640x48xf32, #tpu.memory_space<vmem>>, vector<1x16xf32>,
        %swap3A_417 = vector.shape_cast %swap3A_416 : vector<1x16xf32> to vector<16xf32>
        %swap3A_418 = vector.shape_cast %mul3A_413 : vector<16xf32> to vector<1x16xf32>
        tpu.vector_store %arg10[%swap3A_414, %swap3A_415], %swap3A_418 {strides = array<i32>} : memref<640x48xf32, #tpu.memory_space<vmem>>, vector<1x16xf32>,
        %get3A_419 = arith.index_cast %add3A_394 : i32 to index
        %get3A_420 = arith.constant 32 : index
        %get3A_421 = tpu.vector_load %arg10[%get3A_419, %get3A_420] {strides = array<i32>} : memref<640x48xf32, #tpu.memory_space<vmem>>, vector<1x16xf32>,
        %get3A_422 = vector.shape_cast %get3A_421 : vector<1x16xf32> to vector<16xf32>
        %mul3A_423 = arith.mulf %get3A_422, %gather3A_398 : vector<16xf32>
        %swap3A_424 = arith.index_cast %add3A_394 : i32 to index
        %swap3A_425 = arith.constant 32 : index
        %swap3A_426 = tpu.vector_load %arg10[%swap3A_424, %swap3A_425] {strides = array<i32>} : memref<640x48xf32, #tpu.memory_space<vmem>>, vector<1x16xf32>,
        %swap3A_427 = vector.shape_cast %swap3A_426 : vector<1x16xf32> to vector<16xf32>
        %swap3A_428 = vector.shape_cast %mul3A_423 : vector<16xf32> to vector<1x16xf32>
        tpu.vector_store %arg10[%swap3A_424, %swap3A_425], %swap3A_428 {strides = array<i32>} : memref<640x48xf32, #tpu.memory_space<vmem>>, vector<1x16xf32>,
        %mul3A_429 = arith.constant 16 : i32
        %mul3A_430 = arith.muli %scan3A_152, %mul3A_429 : i32
        %add3A_431 = arith.addi %mul3A_122, %mul3A_430 : i32
        %add3A_432 = arith.constant 7 : i32
        %add3A_433 = arith.addi %add3A_431, %add3A_432 : i32
        %broadcast_in_dim3A_434 = arith.constant 7 : i32
        %broadcast_in_dim3A_435 = vector.broadcast %broadcast_in_dim3A_434 : i32 to vector<16x1xi32>
        %gather3A_436 = vector.shape_cast %broadcast_in_dim3A_435 : vector<16x1xi32> to vector<16xi32>
        %gather3A_437 = tpu.dynamic_gather %get3A_158[%gather3A_436] in [0] : vector<16xf32>, vector<16xi32> -> vector<16xf32>
        %get3A_438 = arith.index_cast %add3A_433 : i32 to index
        %get3A_439 = arith.constant 0 : index
        %get3A_440 = tpu.vector_load %arg10[%get3A_438, %get3A_439] {strides = array<i32>} : memref<640x48xf32, #tpu.memory_space<vmem>>, vector<1x16xf32>,
        %get3A_441 = vector.shape_cast %get3A_440 : vector<1x16xf32> to vector<16xf32>
        %mul3A_442 = arith.mulf %get3A_441, %gather3A_437 : vector<16xf32>
        %swap3A_443 = arith.index_cast %add3A_433 : i32 to index
        %swap3A_444 = arith.constant 0 : index
        %swap3A_445 = tpu.vector_load %arg10[%swap3A_443, %swap3A_444] {strides = array<i32>} : memref<640x48xf32, #tpu.memory_space<vmem>>, vector<1x16xf32>,
        %swap3A_446 = vector.shape_cast %swap3A_445 : vector<1x16xf32> to vector<16xf32>
        %swap3A_447 = vector.shape_cast %mul3A_442 : vector<16xf32> to vector<1x16xf32>
        tpu.vector_store %arg10[%swap3A_443, %swap3A_444], %swap3A_447 {strides = array<i32>} : memref<640x48xf32, #tpu.memory_space<vmem>>, vector<1x16xf32>,
        %get3A_448 = arith.index_cast %add3A_433 : i32 to index
        %get3A_449 = arith.constant 16 : index
        %get3A_450 = tpu.vector_load %arg10[%get3A_448, %get3A_449] {strides = array<i32>} : memref<640x48xf32, #tpu.memory_space<vmem>>, vector<1x16xf32>,
        %get3A_451 = vector.shape_cast %get3A_450 : vector<1x16xf32> to vector<16xf32>
        %mul3A_452 = arith.mulf %get3A_451, %gather3A_437 : vector<16xf32>
        %swap3A_453 = arith.index_cast %add3A_433 : i32 to index
        %swap3A_454 = arith.constant 16 : index
        %swap3A_455 = tpu.vector_load %arg10[%swap3A_453, %swap3A_454] {strides = array<i32>} : memref<640x48xf32, #tpu.memory_space<vmem>>, vector<1x16xf32>,
        %swap3A_456 = vector.shape_cast %swap3A_455 : vector<1x16xf32> to vector<16xf32>
        %swap3A_457 = vector.shape_cast %mul3A_452 : vector<16xf32> to vector<1x16xf32>
        tpu.vector_store %arg10[%swap3A_453, %swap3A_454], %swap3A_457 {strides = array<i32>} : memref<640x48xf32, #tpu.memory_space<vmem>>, vector<1x16xf32>,
        %get3A_458 = arith.index_cast %add3A_433 : i32 to index
        %get3A_459 = arith.constant 32 : index
        %get3A_460 = tpu.vector_load %arg10[%get3A_458, %get3A_459] {strides = array<i32>} : memref<640x48xf32, #tpu.memory_space<vmem>>, vector<1x16xf32>,
        %get3A_461 = vector.shape_cast %get3A_460 : vector<1x16xf32> to vector<16xf32>
        %mul3A_462 = arith.mulf %get3A_461, %gather3A_437 : vector<16xf32>
        %swap3A_463 = arith.index_cast %add3A_433 : i32 to index
        %swap3A_464 = arith.constant 32 : index
        %swap3A_465 = tpu.vector_load %arg10[%swap3A_463, %swap3A_464] {strides = array<i32>} : memref<640x48xf32, #tpu.memory_space<vmem>>, vector<1x16xf32>,
        %swap3A_466 = vector.shape_cast %swap3A_465 : vector<1x16xf32> to vector<16xf32>
        %swap3A_467 = vector.shape_cast %mul3A_462 : vector<16xf32> to vector<1x16xf32>
        tpu.vector_store %arg10[%swap3A_463, %swap3A_464], %swap3A_467 {strides = array<i32>} : memref<640x48xf32, #tpu.memory_space<vmem>>, vector<1x16xf32>,
        %mul3A_468 = arith.constant 16 : i32
        %mul3A_469 = arith.muli %scan3A_152, %mul3A_468 : i32
        %add3A_470 = arith.addi %mul3A_122, %mul3A_469 : i32
        %add3A_471 = arith.constant 8 : i32
        %add3A_472 = arith.addi %add3A_470, %add3A_471 : i32
        %broadcast_in_dim3A_473 = arith.constant 8 : i32
        %broadcast_in_dim3A_474 = vector.broadcast %broadcast_in_dim3A_473 : i32 to vector<16x1xi32>
        %gather3A_475 = vector.shape_cast %broadcast_in_dim3A_474 : vector<16x1xi32> to vector<16xi32>
        %gather3A_476 = tpu.dynamic_gather %get3A_158[%gather3A_475] in [0] : vector<16xf32>, vector<16xi32> -> vector<16xf32>
        %get3A_477 = arith.index_cast %add3A_472 : i32 to index
        %get3A_478 = arith.constant 0 : index
        %get3A_479 = tpu.vector_load %arg10[%get3A_477, %get3A_478] {strides = array<i32>} : memref<640x48xf32, #tpu.memory_space<vmem>>, vector<1x16xf32>,
        %get3A_480 = vector.shape_cast %get3A_479 : vector<1x16xf32> to vector<16xf32>
        %mul3A_481 = arith.mulf %get3A_480, %gather3A_476 : vector<16xf32>
        %swap3A_482 = arith.index_cast %add3A_472 : i32 to index
        %swap3A_483 = arith.constant 0 : index
        %swap3A_484 = tpu.vector_load %arg10[%swap3A_482, %swap3A_483] {strides = array<i32>} : memref<640x48xf32, #tpu.memory_space<vmem>>, vector<1x16xf32>,
        %swap3A_485 = vector.shape_cast %swap3A_484 : vector<1x16xf32> to vector<16xf32>
        %swap3A_486 = vector.shape_cast %mul3A_481 : vector<16xf32> to vector<1x16xf32>
        tpu.vector_store %arg10[%swap3A_482, %swap3A_483], %swap3A_486 {strides = array<i32>} : memref<640x48xf32, #tpu.memory_space<vmem>>, vector<1x16xf32>,
        %get3A_487 = arith.index_cast %add3A_472 : i32 to index
        %get3A_488 = arith.constant 16 : index
        %get3A_489 = tpu.vector_load %arg10[%get3A_487, %get3A_488] {strides = array<i32>} : memref<640x48xf32, #tpu.memory_space<vmem>>, vector<1x16xf32>,
        %get3A_490 = vector.shape_cast %get3A_489 : vector<1x16xf32> to vector<16xf32>
        %mul3A_491 = arith.mulf %get3A_490, %gather3A_476 : vector<16xf32>
        %swap3A_492 = arith.index_cast %add3A_472 : i32 to index
        %swap3A_493 = arith.constant 16 : index
        %swap3A_494 = tpu.vector_load %arg10[%swap3A_492, %swap3A_493] {strides = array<i32>} : memref<640x48xf32, #tpu.memory_space<vmem>>, vector<1x16xf32>,
        %swap3A_495 = vector.shape_cast %swap3A_494 : vector<1x16xf32> to vector<16xf32>
        %swap3A_496 = vector.shape_cast %mul3A_491 : vector<16xf32> to vector<1x16xf32>
        tpu.vector_store %arg10[%swap3A_492, %swap3A_493], %swap3A_496 {strides = array<i32>} : memref<640x48xf32, #tpu.memory_space<vmem>>, vector<1x16xf32>,
        %get3A_497 = arith.index_cast %add3A_472 : i32 to index
        %get3A_498 = arith.constant 32 : index
        %get3A_499 = tpu.vector_load %arg10[%get3A_497, %get3A_498] {strides = array<i32>} : memref<640x48xf32, #tpu.memory_space<vmem>>, vector<1x16xf32>,
        %get3A_500 = vector.shape_cast %get3A_499 : vector<1x16xf32> to vector<16xf32>
        %mul3A_501 = arith.mulf %get3A_500, %gather3A_476 : vector<16xf32>
        %swap3A_502 = arith.index_cast %add3A_472 : i32 to index
        %swap3A_503 = arith.constant 32 : index
        %swap3A_504 = tpu.vector_load %arg10[%swap3A_502, %swap3A_503] {strides = array<i32>} : memref<640x48xf32, #tpu.memory_space<vmem>>, vector<1x16xf32>,
        %swap3A_505 = vector.shape_cast %swap3A_504 : vector<1x16xf32> to vector<16xf32>
        %swap3A_506 = vector.shape_cast %mul3A_501 : vector<16xf32> to vector<1x16xf32>
        tpu.vector_store %arg10[%swap3A_502, %swap3A_503], %swap3A_506 {strides = array<i32>} : memref<640x48xf32, #tpu.memory_space<vmem>>, vector<1x16xf32>,
        %mul3A_507 = arith.constant 16 : i32
        %mul3A_508 = arith.muli %scan3A_152, %mul3A_507 : i32
        %add3A_509 = arith.addi %mul3A_122, %mul3A_508 : i32
        %add3A_510 = arith.constant 9 : i32
        %add3A_511 = arith.addi %add3A_509, %add3A_510 : i32
        %broadcast_in_dim3A_512 = arith.constant 9 : i32
        %broadcast_in_dim3A_513 = vector.broadcast %broadcast_in_dim3A_512 : i32 to vector<16x1xi32>
        %gather3A_514 = vector.shape_cast %broadcast_in_dim3A_513 : vector<16x1xi32> to vector<16xi32>
        %gather3A_515 = tpu.dynamic_gather %get3A_158[%gather3A_514] in [0] : vector<16xf32>, vector<16xi32> -> vector<16xf32>
        %get3A_516 = arith.index_cast %add3A_511 : i32 to index
        %get3A_517 = arith.constant 0 : index
        %get3A_518 = tpu.vector_load %arg10[%get3A_516, %get3A_517] {strides = array<i32>} : memref<640x48xf32, #tpu.memory_space<vmem>>, vector<1x16xf32>,
        %get3A_519 = vector.shape_cast %get3A_518 : vector<1x16xf32> to vector<16xf32>
        %mul3A_520 = arith.mulf %get3A_519, %gather3A_515 : vector<16xf32>
        %swap3A_521 = arith.index_cast %add3A_511 : i32 to index
        %swap3A_522 = arith.constant 0 : index
        %swap3A_523 = tpu.vector_load %arg10[%swap3A_521, %swap3A_522] {strides = array<i32>} : memref<640x48xf32, #tpu.memory_space<vmem>>, vector<1x16xf32>,
        %swap3A_524 = vector.shape_cast %swap3A_523 : vector<1x16xf32> to vector<16xf32>
        %swap3A_525 = vector.shape_cast %mul3A_520 : vector<16xf32> to vector<1x16xf32>
        tpu.vector_store %arg10[%swap3A_521, %swap3A_522], %swap3A_525 {strides = array<i32>} : memref<640x48xf32, #tpu.memory_space<vmem>>, vector<1x16xf32>,
        %get3A_526 = arith.index_cast %add3A_511 : i32 to index
        %get3A_527 = arith.constant 16 : index
        %get3A_528 = tpu.vector_load %arg10[%get3A_526, %get3A_527] {strides = array<i32>} : memref<640x48xf32, #tpu.memory_space<vmem>>, vector<1x16xf32>,
        %get3A_529 = vector.shape_cast %get3A_528 : vector<1x16xf32> to vector<16xf32>
        %mul3A_530 = arith.mulf %get3A_529, %gather3A_515 : vector<16xf32>
        %swap3A_531 = arith.index_cast %add3A_511 : i32 to index
        %swap3A_532 = arith.constant 16 : index
        %swap3A_533 = tpu.vector_load %arg10[%swap3A_531, %swap3A_532] {strides = array<i32>} : memref<640x48xf32, #tpu.memory_space<vmem>>, vector<1x16xf32>,
        %swap3A_534 = vector.shape_cast %swap3A_533 : vector<1x16xf32> to vector<16xf32>
        %swap3A_535 = vector.shape_cast %mul3A_530 : vector<16xf32> to vector<1x16xf32>
        tpu.vector_store %arg10[%swap3A_531, %swap3A_532], %swap3A_535 {strides = array<i32>} : memref<640x48xf32, #tpu.memory_space<vmem>>, vector<1x16xf32>,
        %get3A_536 = arith.index_cast %add3A_511 : i32 to index
        %get3A_537 = arith.constant 32 : index
        %get3A_538 = tpu.vector_load %arg10[%get3A_536, %get3A_537] {strides = array<i32>} : memref<640x48xf32, #tpu.memory_space<vmem>>, vector<1x16xf32>,
        %get3A_539 = vector.shape_cast %get3A_538 : vector<1x16xf32> to vector<16xf32>
        %mul3A_540 = arith.mulf %get3A_539, %gather3A_515 : vector<16xf32>
        %swap3A_541 = arith.index_cast %add3A_511 : i32 to index
        %swap3A_542 = arith.constant 32 : index
        %swap3A_543 = tpu.vector_load %arg10[%swap3A_541, %swap3A_542] {strides = array<i32>} : memref<640x48xf32, #tpu.memory_space<vmem>>, vector<1x16xf32>,
        %swap3A_544 = vector.shape_cast %swap3A_543 : vector<1x16xf32> to vector<16xf32>
        %swap3A_545 = vector.shape_cast %mul3A_540 : vector<16xf32> to vector<1x16xf32>
        tpu.vector_store %arg10[%swap3A_541, %swap3A_542], %swap3A_545 {strides = array<i32>} : memref<640x48xf32, #tpu.memory_space<vmem>>, vector<1x16xf32>,
        %mul3A_546 = arith.constant 16 : i32
        %mul3A_547 = arith.muli %scan3A_152, %mul3A_546 : i32
        %add3A_548 = arith.addi %mul3A_122, %mul3A_547 : i32
        %add3A_549 = arith.constant 10 : i32
        %add3A_550 = arith.addi %add3A_548, %add3A_549 : i32
        %broadcast_in_dim3A_551 = arith.constant 10 : i32
        %broadcast_in_dim3A_552 = vector.broadcast %broadcast_in_dim3A_551 : i32 to vector<16x1xi32>
        %gather3A_553 = vector.shape_cast %broadcast_in_dim3A_552 : vector<16x1xi32> to vector<16xi32>
        %gather3A_554 = tpu.dynamic_gather %get3A_158[%gather3A_553] in [0] : vector<16xf32>, vector<16xi32> -> vector<16xf32>
        %get3A_555 = arith.index_cast %add3A_550 : i32 to index
        %get3A_556 = arith.constant 0 : index
        %get3A_557 = tpu.vector_load %arg10[%get3A_555, %get3A_556] {strides = array<i32>} : memref<640x48xf32, #tpu.memory_space<vmem>>, vector<1x16xf32>,
        %get3A_558 = vector.shape_cast %get3A_557 : vector<1x16xf32> to vector<16xf32>
        %mul3A_559 = arith.mulf %get3A_558, %gather3A_554 : vector<16xf32>
        %swap3A_560 = arith.index_cast %add3A_550 : i32 to index
        %swap3A_561 = arith.constant 0 : index
        %swap3A_562 = tpu.vector_load %arg10[%swap3A_560, %swap3A_561] {strides = array<i32>} : memref<640x48xf32, #tpu.memory_space<vmem>>, vector<1x16xf32>,
        %swap3A_563 = vector.shape_cast %swap3A_562 : vector<1x16xf32> to vector<16xf32>
        %swap3A_564 = vector.shape_cast %mul3A_559 : vector<16xf32> to vector<1x16xf32>
        tpu.vector_store %arg10[%swap3A_560, %swap3A_561], %swap3A_564 {strides = array<i32>} : memref<640x48xf32, #tpu.memory_space<vmem>>, vector<1x16xf32>,
        %get3A_565 = arith.index_cast %add3A_550 : i32 to index
        %get3A_566 = arith.constant 16 : index
        %get3A_567 = tpu.vector_load %arg10[%get3A_565, %get3A_566] {strides = array<i32>} : memref<640x48xf32, #tpu.memory_space<vmem>>, vector<1x16xf32>,
        %get3A_568 = vector.shape_cast %get3A_567 : vector<1x16xf32> to vector<16xf32>
        %mul3A_569 = arith.mulf %get3A_568, %gather3A_554 : vector<16xf32>
        %swap3A_570 = arith.index_cast %add3A_550 : i32 to index
        %swap3A_571 = arith.constant 16 : index
        %swap3A_572 = tpu.vector_load %arg10[%swap3A_570, %swap3A_571] {strides = array<i32>} : memref<640x48xf32, #tpu.memory_space<vmem>>, vector<1x16xf32>,
        %swap3A_573 = vector.shape_cast %swap3A_572 : vector<1x16xf32> to vector<16xf32>
        %swap3A_574 = vector.shape_cast %mul3A_569 : vector<16xf32> to vector<1x16xf32>
        tpu.vector_store %arg10[%swap3A_570, %swap3A_571], %swap3A_574 {strides = array<i32>} : memref<640x48xf32, #tpu.memory_space<vmem>>, vector<1x16xf32>,
        %get3A_575 = arith.index_cast %add3A_550 : i32 to index
        %get3A_576 = arith.constant 32 : index
        %get3A_577 = tpu.vector_load %arg10[%get3A_575, %get3A_576] {strides = array<i32>} : memref<640x48xf32, #tpu.memory_space<vmem>>, vector<1x16xf32>,
        %get3A_578 = vector.shape_cast %get3A_577 : vector<1x16xf32> to vector<16xf32>
        %mul3A_579 = arith.mulf %get3A_578, %gather3A_554 : vector<16xf32>
        %swap3A_580 = arith.index_cast %add3A_550 : i32 to index
        %swap3A_581 = arith.constant 32 : index
        %swap3A_582 = tpu.vector_load %arg10[%swap3A_580, %swap3A_581] {strides = array<i32>} : memref<640x48xf32, #tpu.memory_space<vmem>>, vector<1x16xf32>,
        %swap3A_583 = vector.shape_cast %swap3A_582 : vector<1x16xf32> to vector<16xf32>
        %swap3A_584 = vector.shape_cast %mul3A_579 : vector<16xf32> to vector<1x16xf32>
        tpu.vector_store %arg10[%swap3A_580, %swap3A_581], %swap3A_584 {strides = array<i32>} : memref<640x48xf32, #tpu.memory_space<vmem>>, vector<1x16xf32>,
        %mul3A_585 = arith.constant 16 : i32
        %mul3A_586 = arith.muli %scan3A_152, %mul3A_585 : i32
        %add3A_587 = arith.addi %mul3A_122, %mul3A_586 : i32
        %add3A_588 = arith.constant 11 : i32
        %add3A_589 = arith.addi %add3A_587, %add3A_588 : i32
        %broadcast_in_dim3A_590 = arith.constant 11 : i32
        %broadcast_in_dim3A_591 = vector.broadcast %broadcast_in_dim3A_590 : i32 to vector<16x1xi32>
        %gather3A_592 = vector.shape_cast %broadcast_in_dim3A_591 : vector<16x1xi32> to vector<16xi32>
        %gather3A_593 = tpu.dynamic_gather %get3A_158[%gather3A_592] in [0] : vector<16xf32>, vector<16xi32> -> vector<16xf32>
        %get3A_594 = arith.index_cast %add3A_589 : i32 to index
        %get3A_595 = arith.constant 0 : index
        %get3A_596 = tpu.vector_load %arg10[%get3A_594, %get3A_595] {strides = array<i32>} : memref<640x48xf32, #tpu.memory_space<vmem>>, vector<1x16xf32>,
        %get3A_597 = vector.shape_cast %get3A_596 : vector<1x16xf32> to vector<16xf32>
        %mul3A_598 = arith.mulf %get3A_597, %gather3A_593 : vector<16xf32>
        %swap3A_599 = arith.index_cast %add3A_589 : i32 to index
        %swap3A_600 = arith.constant 0 : index
        %swap3A_601 = tpu.vector_load %arg10[%swap3A_599, %swap3A_600] {strides = array<i32>} : memref<640x48xf32, #tpu.memory_space<vmem>>, vector<1x16xf32>,
        %swap3A_602 = vector.shape_cast %swap3A_601 : vector<1x16xf32> to vector<16xf32>
        %swap3A_603 = vector.shape_cast %mul3A_598 : vector<16xf32> to vector<1x16xf32>
        tpu.vector_store %arg10[%swap3A_599, %swap3A_600], %swap3A_603 {strides = array<i32>} : memref<640x48xf32, #tpu.memory_space<vmem>>, vector<1x16xf32>,
        %get3A_604 = arith.index_cast %add3A_589 : i32 to index
        %get3A_605 = arith.constant 16 : index
        %get3A_606 = tpu.vector_load %arg10[%get3A_604, %get3A_605] {strides = array<i32>} : memref<640x48xf32, #tpu.memory_space<vmem>>, vector<1x16xf32>,
        %get3A_607 = vector.shape_cast %get3A_606 : vector<1x16xf32> to vector<16xf32>
        %mul3A_608 = arith.mulf %get3A_607, %gather3A_593 : vector<16xf32>
        %swap3A_609 = arith.index_cast %add3A_589 : i32 to index
        %swap3A_610 = arith.constant 16 : index
        %swap3A_611 = tpu.vector_load %arg10[%swap3A_609, %swap3A_610] {strides = array<i32>} : memref<640x48xf32, #tpu.memory_space<vmem>>, vector<1x16xf32>,
        %swap3A_612 = vector.shape_cast %swap3A_611 : vector<1x16xf32> to vector<16xf32>
        %swap3A_613 = vector.shape_cast %mul3A_608 : vector<16xf32> to vector<1x16xf32>
        tpu.vector_store %arg10[%swap3A_609, %swap3A_610], %swap3A_613 {strides = array<i32>} : memref<640x48xf32, #tpu.memory_space<vmem>>, vector<1x16xf32>,
        %get3A_614 = arith.index_cast %add3A_589 : i32 to index
        %get3A_615 = arith.constant 32 : index
        %get3A_616 = tpu.vector_load %arg10[%get3A_614, %get3A_615] {strides = array<i32>} : memref<640x48xf32, #tpu.memory_space<vmem>>, vector<1x16xf32>,
        %get3A_617 = vector.shape_cast %get3A_616 : vector<1x16xf32> to vector<16xf32>
        %mul3A_618 = arith.mulf %get3A_617, %gather3A_593 : vector<16xf32>
        %swap3A_619 = arith.index_cast %add3A_589 : i32 to index
        %swap3A_620 = arith.constant 32 : index
        %swap3A_621 = tpu.vector_load %arg10[%swap3A_619, %swap3A_620] {strides = array<i32>} : memref<640x48xf32, #tpu.memory_space<vmem>>, vector<1x16xf32>,
        %swap3A_622 = vector.shape_cast %swap3A_621 : vector<1x16xf32> to vector<16xf32>
        %swap3A_623 = vector.shape_cast %mul3A_618 : vector<16xf32> to vector<1x16xf32>
        tpu.vector_store %arg10[%swap3A_619, %swap3A_620], %swap3A_623 {strides = array<i32>} : memref<640x48xf32, #tpu.memory_space<vmem>>, vector<1x16xf32>,
        %mul3A_624 = arith.constant 16 : i32
        %mul3A_625 = arith.muli %scan3A_152, %mul3A_624 : i32
        %add3A_626 = arith.addi %mul3A_122, %mul3A_625 : i32
        %add3A_627 = arith.constant 12 : i32
        %add3A_628 = arith.addi %add3A_626, %add3A_627 : i32
        %broadcast_in_dim3A_629 = arith.constant 12 : i32
        %broadcast_in_dim3A_630 = vector.broadcast %broadcast_in_dim3A_629 : i32 to vector<16x1xi32>
        %gather3A_631 = vector.shape_cast %broadcast_in_dim3A_630 : vector<16x1xi32> to vector<16xi32>
        %gather3A_632 = tpu.dynamic_gather %get3A_158[%gather3A_631] in [0] : vector<16xf32>, vector<16xi32> -> vector<16xf32>
        %get3A_633 = arith.index_cast %add3A_628 : i32 to index
        %get3A_634 = arith.constant 0 : index
        %get3A_635 = tpu.vector_load %arg10[%get3A_633, %get3A_634] {strides = array<i32>} : memref<640x48xf32, #tpu.memory_space<vmem>>, vector<1x16xf32>,
        %get3A_636 = vector.shape_cast %get3A_635 : vector<1x16xf32> to vector<16xf32>
        %mul3A_637 = arith.mulf %get3A_636, %gather3A_632 : vector<16xf32>
        %swap3A_638 = arith.index_cast %add3A_628 : i32 to index
        %swap3A_639 = arith.constant 0 : index
        %swap3A_640 = tpu.vector_load %arg10[%swap3A_638, %swap3A_639] {strides = array<i32>} : memref<640x48xf32, #tpu.memory_space<vmem>>, vector<1x16xf32>,
        %swap3A_641 = vector.shape_cast %swap3A_640 : vector<1x16xf32> to vector<16xf32>
        %swap3A_642 = vector.shape_cast %mul3A_637 : vector<16xf32> to vector<1x16xf32>
        tpu.vector_store %arg10[%swap3A_638, %swap3A_639], %swap3A_642 {strides = array<i32>} : memref<640x48xf32, #tpu.memory_space<vmem>>, vector<1x16xf32>,
        %get3A_643 = arith.index_cast %add3A_628 : i32 to index
        %get3A_644 = arith.constant 16 : index
        %get3A_645 = tpu.vector_load %arg10[%get3A_643, %get3A_644] {strides = array<i32>} : memref<640x48xf32, #tpu.memory_space<vmem>>, vector<1x16xf32>,
        %get3A_646 = vector.shape_cast %get3A_645 : vector<1x16xf32> to vector<16xf32>
        %mul3A_647 = arith.mulf %get3A_646, %gather3A_632 : vector<16xf32>
        %swap3A_648 = arith.index_cast %add3A_628 : i32 to index
        %swap3A_649 = arith.constant 16 : index
        %swap3A_650 = tpu.vector_load %arg10[%swap3A_648, %swap3A_649] {strides = array<i32>} : memref<640x48xf32, #tpu.memory_space<vmem>>, vector<1x16xf32>,
        %swap3A_651 = vector.shape_cast %swap3A_650 : vector<1x16xf32> to vector<16xf32>
        %swap3A_652 = vector.shape_cast %mul3A_647 : vector<16xf32> to vector<1x16xf32>
        tpu.vector_store %arg10[%swap3A_648, %swap3A_649], %swap3A_652 {strides = array<i32>} : memref<640x48xf32, #tpu.memory_space<vmem>>, vector<1x16xf32>,
        %get3A_653 = arith.index_cast %add3A_628 : i32 to index
        %get3A_654 = arith.constant 32 : index
        %get3A_655 = tpu.vector_load %arg10[%get3A_653, %get3A_654] {strides = array<i32>} : memref<640x48xf32, #tpu.memory_space<vmem>>, vector<1x16xf32>,
        %get3A_656 = vector.shape_cast %get3A_655 : vector<1x16xf32> to vector<16xf32>
        %mul3A_657 = arith.mulf %get3A_656, %gather3A_632 : vector<16xf32>
        %swap3A_658 = arith.index_cast %add3A_628 : i32 to index
        %swap3A_659 = arith.constant 32 : index
        %swap3A_660 = tpu.vector_load %arg10[%swap3A_658, %swap3A_659] {strides = array<i32>} : memref<640x48xf32, #tpu.memory_space<vmem>>, vector<1x16xf32>,
        %swap3A_661 = vector.shape_cast %swap3A_660 : vector<1x16xf32> to vector<16xf32>
        %swap3A_662 = vector.shape_cast %mul3A_657 : vector<16xf32> to vector<1x16xf32>
        tpu.vector_store %arg10[%swap3A_658, %swap3A_659], %swap3A_662 {strides = array<i32>} : memref<640x48xf32, #tpu.memory_space<vmem>>, vector<1x16xf32>,
        %mul3A_663 = arith.constant 16 : i32
        %mul3A_664 = arith.muli %scan3A_152, %mul3A_663 : i32
        %add3A_665 = arith.addi %mul3A_122, %mul3A_664 : i32
        %add3A_666 = arith.constant 13 : i32
        %add3A_667 = arith.addi %add3A_665, %add3A_666 : i32
        %broadcast_in_dim3A_668 = arith.constant 13 : i32
        %broadcast_in_dim3A_669 = vector.broadcast %broadcast_in_dim3A_668 : i32 to vector<16x1xi32>
        %gather3A_670 = vector.shape_cast %broadcast_in_dim3A_669 : vector<16x1xi32> to vector<16xi32>
        %gather3A_671 = tpu.dynamic_gather %get3A_158[%gather3A_670] in [0] : vector<16xf32>, vector<16xi32> -> vector<16xf32>
        %get3A_672 = arith.index_cast %add3A_667 : i32 to index
        %get3A_673 = arith.constant 0 : index
        %get3A_674 = tpu.vector_load %arg10[%get3A_672, %get3A_673] {strides = array<i32>} : memref<640x48xf32, #tpu.memory_space<vmem>>, vector<1x16xf32>,
        %get3A_675 = vector.shape_cast %get3A_674 : vector<1x16xf32> to vector<16xf32>
        %mul3A_676 = arith.mulf %get3A_675, %gather3A_671 : vector<16xf32>
        %swap3A_677 = arith.index_cast %add3A_667 : i32 to index
        %swap3A_678 = arith.constant 0 : index
        %swap3A_679 = tpu.vector_load %arg10[%swap3A_677, %swap3A_678] {strides = array<i32>} : memref<640x48xf32, #tpu.memory_space<vmem>>, vector<1x16xf32>,
        %swap3A_680 = vector.shape_cast %swap3A_679 : vector<1x16xf32> to vector<16xf32>
        %swap3A_681 = vector.shape_cast %mul3A_676 : vector<16xf32> to vector<1x16xf32>
        tpu.vector_store %arg10[%swap3A_677, %swap3A_678], %swap3A_681 {strides = array<i32>} : memref<640x48xf32, #tpu.memory_space<vmem>>, vector<1x16xf32>,
        %get3A_682 = arith.index_cast %add3A_667 : i32 to index
        %get3A_683 = arith.constant 16 : index
        %get3A_684 = tpu.vector_load %arg10[%get3A_682, %get3A_683] {strides = array<i32>} : memref<640x48xf32, #tpu.memory_space<vmem>>, vector<1x16xf32>,
        %get3A_685 = vector.shape_cast %get3A_684 : vector<1x16xf32> to vector<16xf32>
        %mul3A_686 = arith.mulf %get3A_685, %gather3A_671 : vector<16xf32>
        %swap3A_687 = arith.index_cast %add3A_667 : i32 to index
        %swap3A_688 = arith.constant 16 : index
        %swap3A_689 = tpu.vector_load %arg10[%swap3A_687, %swap3A_688] {strides = array<i32>} : memref<640x48xf32, #tpu.memory_space<vmem>>, vector<1x16xf32>,
        %swap3A_690 = vector.shape_cast %swap3A_689 : vector<1x16xf32> to vector<16xf32>
        %swap3A_691 = vector.shape_cast %mul3A_686 : vector<16xf32> to vector<1x16xf32>
        tpu.vector_store %arg10[%swap3A_687, %swap3A_688], %swap3A_691 {strides = array<i32>} : memref<640x48xf32, #tpu.memory_space<vmem>>, vector<1x16xf32>,
        %get3A_692 = arith.index_cast %add3A_667 : i32 to index
        %get3A_693 = arith.constant 32 : index
        %get3A_694 = tpu.vector_load %arg10[%get3A_692, %get3A_693] {strides = array<i32>} : memref<640x48xf32, #tpu.memory_space<vmem>>, vector<1x16xf32>,
        %get3A_695 = vector.shape_cast %get3A_694 : vector<1x16xf32> to vector<16xf32>
        %mul3A_696 = arith.mulf %get3A_695, %gather3A_671 : vector<16xf32>
        %swap3A_697 = arith.index_cast %add3A_667 : i32 to index
        %swap3A_698 = arith.constant 32 : index
        %swap3A_699 = tpu.vector_load %arg10[%swap3A_697, %swap3A_698] {strides = array<i32>} : memref<640x48xf32, #tpu.memory_space<vmem>>, vector<1x16xf32>,
        %swap3A_700 = vector.shape_cast %swap3A_699 : vector<1x16xf32> to vector<16xf32>
        %swap3A_701 = vector.shape_cast %mul3A_696 : vector<16xf32> to vector<1x16xf32>
        tpu.vector_store %arg10[%swap3A_697, %swap3A_698], %swap3A_701 {strides = array<i32>} : memref<640x48xf32, #tpu.memory_space<vmem>>, vector<1x16xf32>,
        %mul3A_702 = arith.constant 16 : i32
        %mul3A_703 = arith.muli %scan3A_152, %mul3A_702 : i32
        %add3A_704 = arith.addi %mul3A_122, %mul3A_703 : i32
        %add3A_705 = arith.constant 14 : i32
        %add3A_706 = arith.addi %add3A_704, %add3A_705 : i32
        %broadcast_in_dim3A_707 = arith.constant 14 : i32
        %broadcast_in_dim3A_708 = vector.broadcast %broadcast_in_dim3A_707 : i32 to vector<16x1xi32>
        %gather3A_709 = vector.shape_cast %broadcast_in_dim3A_708 : vector<16x1xi32> to vector<16xi32>
        %gather3A_710 = tpu.dynamic_gather %get3A_158[%gather3A_709] in [0] : vector<16xf32>, vector<16xi32> -> vector<16xf32>
        %get3A_711 = arith.index_cast %add3A_706 : i32 to index
        %get3A_712 = arith.constant 0 : index
        %get3A_713 = tpu.vector_load %arg10[%get3A_711, %get3A_712] {strides = array<i32>} : memref<640x48xf32, #tpu.memory_space<vmem>>, vector<1x16xf32>,
        %get3A_714 = vector.shape_cast %get3A_713 : vector<1x16xf32> to vector<16xf32>
        %mul3A_715 = arith.mulf %get3A_714, %gather3A_710 : vector<16xf32>
        %swap3A_716 = arith.index_cast %add3A_706 : i32 to index
        %swap3A_717 = arith.constant 0 : index
        %swap3A_718 = tpu.vector_load %arg10[%swap3A_716, %swap3A_717] {strides = array<i32>} : memref<640x48xf32, #tpu.memory_space<vmem>>, vector<1x16xf32>,
        %swap3A_719 = vector.shape_cast %swap3A_718 : vector<1x16xf32> to vector<16xf32>
        %swap3A_720 = vector.shape_cast %mul3A_715 : vector<16xf32> to vector<1x16xf32>
        tpu.vector_store %arg10[%swap3A_716, %swap3A_717], %swap3A_720 {strides = array<i32>} : memref<640x48xf32, #tpu.memory_space<vmem>>, vector<1x16xf32>,
        %get3A_721 = arith.index_cast %add3A_706 : i32 to index
        %get3A_722 = arith.constant 16 : index
        %get3A_723 = tpu.vector_load %arg10[%get3A_721, %get3A_722] {strides = array<i32>} : memref<640x48xf32, #tpu.memory_space<vmem>>, vector<1x16xf32>,
        %get3A_724 = vector.shape_cast %get3A_723 : vector<1x16xf32> to vector<16xf32>
        %mul3A_725 = arith.mulf %get3A_724, %gather3A_710 : vector<16xf32>
        %swap3A_726 = arith.index_cast %add3A_706 : i32 to index
        %swap3A_727 = arith.constant 16 : index
        %swap3A_728 = tpu.vector_load %arg10[%swap3A_726, %swap3A_727] {strides = array<i32>} : memref<640x48xf32, #tpu.memory_space<vmem>>, vector<1x16xf32>,
        %swap3A_729 = vector.shape_cast %swap3A_728 : vector<1x16xf32> to vector<16xf32>
        %swap3A_730 = vector.shape_cast %mul3A_725 : vector<16xf32> to vector<1x16xf32>
        tpu.vector_store %arg10[%swap3A_726, %swap3A_727], %swap3A_730 {strides = array<i32>} : memref<640x48xf32, #tpu.memory_space<vmem>>, vector<1x16xf32>,
        %get3A_731 = arith.index_cast %add3A_706 : i32 to index
        %get3A_732 = arith.constant 32 : index
        %get3A_733 = tpu.vector_load %arg10[%get3A_731, %get3A_732] {strides = array<i32>} : memref<640x48xf32, #tpu.memory_space<vmem>>, vector<1x16xf32>,
        %get3A_734 = vector.shape_cast %get3A_733 : vector<1x16xf32> to vector<16xf32>
        %mul3A_735 = arith.mulf %get3A_734, %gather3A_710 : vector<16xf32>
        %swap3A_736 = arith.index_cast %add3A_706 : i32 to index
        %swap3A_737 = arith.constant 32 : index
        %swap3A_738 = tpu.vector_load %arg10[%swap3A_736, %swap3A_737] {strides = array<i32>} : memref<640x48xf32, #tpu.memory_space<vmem>>, vector<1x16xf32>,
        %swap3A_739 = vector.shape_cast %swap3A_738 : vector<1x16xf32> to vector<16xf32>
        %swap3A_740 = vector.shape_cast %mul3A_735 : vector<16xf32> to vector<1x16xf32>
        tpu.vector_store %arg10[%swap3A_736, %swap3A_737], %swap3A_740 {strides = array<i32>} : memref<640x48xf32, #tpu.memory_space<vmem>>, vector<1x16xf32>,
        %mul3A_741 = arith.constant 16 : i32
        %mul3A_742 = arith.muli %scan3A_152, %mul3A_741 : i32
        %add3A_743 = arith.addi %mul3A_122, %mul3A_742 : i32
        %add3A_744 = arith.constant 15 : i32
        %add3A_745 = arith.addi %add3A_743, %add3A_744 : i32
        %broadcast_in_dim3A_746 = arith.constant 15 : i32
        %broadcast_in_dim3A_747 = vector.broadcast %broadcast_in_dim3A_746 : i32 to vector<16x1xi32>
        %gather3A_748 = vector.shape_cast %broadcast_in_dim3A_747 : vector<16x1xi32> to vector<16xi32>
        %gather3A_749 = tpu.dynamic_gather %get3A_158[%gather3A_748] in [0] : vector<16xf32>, vector<16xi32> -> vector<16xf32>
        %get3A_750 = arith.index_cast %add3A_745 : i32 to index
        %get3A_751 = arith.constant 0 : index
        %get3A_752 = tpu.vector_load %arg10[%get3A_750, %get3A_751] {strides = array<i32>} : memref<640x48xf32, #tpu.memory_space<vmem>>, vector<1x16xf32>,
        %get3A_753 = vector.shape_cast %get3A_752 : vector<1x16xf32> to vector<16xf32>
        %mul3A_754 = arith.mulf %get3A_753, %gather3A_749 : vector<16xf32>
        %swap3A_755 = arith.index_cast %add3A_745 : i32 to index
        %swap3A_756 = arith.constant 0 : index
        %swap3A_757 = tpu.vector_load %arg10[%swap3A_755, %swap3A_756] {strides = array<i32>} : memref<640x48xf32, #tpu.memory_space<vmem>>, vector<1x16xf32>,
        %swap3A_758 = vector.shape_cast %swap3A_757 : vector<1x16xf32> to vector<16xf32>
        %swap3A_759 = vector.shape_cast %mul3A_754 : vector<16xf32> to vector<1x16xf32>
        tpu.vector_store %arg10[%swap3A_755, %swap3A_756], %swap3A_759 {strides = array<i32>} : memref<640x48xf32, #tpu.memory_space<vmem>>, vector<1x16xf32>,
        %get3A_760 = arith.index_cast %add3A_745 : i32 to index
        %get3A_761 = arith.constant 16 : index
        %get3A_762 = tpu.vector_load %arg10[%get3A_760, %get3A_761] {strides = array<i32>} : memref<640x48xf32, #tpu.memory_space<vmem>>, vector<1x16xf32>,
        %get3A_763 = vector.shape_cast %get3A_762 : vector<1x16xf32> to vector<16xf32>
        %mul3A_764 = arith.mulf %get3A_763, %gather3A_749 : vector<16xf32>
        %swap3A_765 = arith.index_cast %add3A_745 : i32 to index
        %swap3A_766 = arith.constant 16 : index
        %swap3A_767 = tpu.vector_load %arg10[%swap3A_765, %swap3A_766] {strides = array<i32>} : memref<640x48xf32, #tpu.memory_space<vmem>>, vector<1x16xf32>,
        %swap3A_768 = vector.shape_cast %swap3A_767 : vector<1x16xf32> to vector<16xf32>
        %swap3A_769 = vector.shape_cast %mul3A_764 : vector<16xf32> to vector<1x16xf32>
        tpu.vector_store %arg10[%swap3A_765, %swap3A_766], %swap3A_769 {strides = array<i32>} : memref<640x48xf32, #tpu.memory_space<vmem>>, vector<1x16xf32>,
        %get3A_770 = arith.index_cast %add3A_745 : i32 to index
        %get3A_771 = arith.constant 32 : index
        %get3A_772 = tpu.vector_load %arg10[%get3A_770, %get3A_771] {strides = array<i32>} : memref<640x48xf32, #tpu.memory_space<vmem>>, vector<1x16xf32>,
        %get3A_773 = vector.shape_cast %get3A_772 : vector<1x16xf32> to vector<16xf32>
        %mul3A_774 = arith.mulf %get3A_773, %gather3A_749 : vector<16xf32>
        %swap3A_775 = arith.index_cast %add3A_745 : i32 to index
        %swap3A_776 = arith.constant 32 : index
        %swap3A_777 = tpu.vector_load %arg10[%swap3A_775, %swap3A_776] {strides = array<i32>} : memref<640x48xf32, #tpu.memory_space<vmem>>, vector<1x16xf32>,
        %swap3A_778 = vector.shape_cast %swap3A_777 : vector<1x16xf32> to vector<16xf32>
        %swap3A_779 = vector.shape_cast %mul3A_774 : vector<16xf32> to vector<1x16xf32>
        tpu.vector_store %arg10[%swap3A_775, %swap3A_776], %swap3A_779 {strides = array<i32>} : memref<640x48xf32, #tpu.memory_space<vmem>>, vector<1x16xf32>,
        %scan3A_780 = arith.constant 0 : i32
        scf.yield %scan3A_780 : i32
      }
      %scan3A_129 = arith.constant 8 : i32
      %mul3A_130 = arith.constant 128 : i32
      %mul3A_131 = arith.muli %scan3A_96, %mul3A_130 : i32
      %dma_start3A_132 = arith.constant 0 : i32
      %dma_start3A_133 = tpu.memref_slice %arg10[%mul3A_131, %dma_start3A_132] : memref<640x48xf32, #tpu.memory_space<vmem>> -> memref<128x48xf32, #tpu.memory_space<vmem>>
      %dma_start3A_134 = arith.constant 0 : i32
      %dma_start3A_135 = tpu.memref_slice %arg8[%scan3A_95, %dma_start3A_134] : memref<79x128xi32, #tpu.memory_space<vmem>> -> memref<1x128xi32, #tpu.memory_space<vmem>>
      %dma_start3A_136 = tpu.memref_squeeze %dma_start3A_135 : memref<1x128xi32, #tpu.memory_space<vmem>> -> memref<128xi32, #tpu.memory_space<vmem>>
      %dma_start3A_137 = arith.constant 0 : i32
      %dma_start3A_138 = arith.constant 0 : i32
      %dma_start3A_139 = tpu.memref_slice %arg12[%dma_start3A_137, %dma_start3A_138] : memref<10000x48xf32, #tpu.memory_space<vmem_shared>> -> memref<10000x48xf32, #tpu.memory_space<vmem_shared>>
      %dma_start3A_140 = tpu.memref_slice %arg14[%scan3A_96] : memref<5x!tpu.dma_semaphore, #tpu.memory_space<semaphore_mem>> -> memref<1x!tpu.dma_semaphore, #tpu.memory_space<semaphore_mem>>
      %dma_start3A_141 = tpu.memref_squeeze %dma_start3A_140 : memref<1x!tpu.dma_semaphore, #tpu.memory_space<semaphore_mem>> -> memref<!tpu.dma_semaphore, #tpu.memory_space<semaphore_mem>>
      tpu.enqueue_indirect_dma source(%dma_start3A_133 : memref<128x48xf32, #tpu.memory_space<vmem>>) target(%dma_start3A_139 : memref<10000x48xf32, #tpu.memory_space<vmem_shared>>) offsets(%dma_start3A_136 : memref<128xi32, #tpu.memory_space<vmem>>) semaphore(%dma_start3A_141 : memref<!tpu.dma_semaphore, #tpu.memory_space<semaphore_mem>>) {add = true}
      %eq3A_142 = arith.constant 4 : i32
      %eq3A_143 = arith.cmpi eq, %scan3A_96, %eq3A_142 : i32
      %add3A_144 = arith.constant 1 : i32
      %add3A_145 = arith.addi %scan3A_96, %add3A_144 : i32
      %jit3A = arith.constant 0 : i32
      %select_n3A = arith.select %eq3A_143, %jit3A, %add3A_145 : i32
      %eq3A_146 = arith.constant 4 : i32
      %eq3A_147 = arith.cmpi eq, %scan3A_97, %eq3A_146 : i32
      %add3A_148 = arith.constant 1 : i32
      %add3A_149 = arith.addi %scan3A_97, %add3A_148 : i32
      %jit3A_150 = arith.constant 0 : i32
      %select_n3A_151 = arith.select %eq3A_147, %jit3A_150, %add3A_149 : i32
      scf.yield %select_n3A, %select_n3A_151 : i32, i32
    }
    %scan3A_58 = arith.constant 79 : i32
    %dma_wait3A = arith.constant 77 : i32
    %dma_wait3A_59 = arith.constant 2 : i32
    %dma_wait3A_60 = arith.constant 256 : i32
    %dma_wait3A_61 = arith.constant 0 : i32
    %dma_wait3A_62 = tpu.memref_slice %arg10[%dma_wait3A_60, %dma_wait3A_61] : memref<640x48xf32, #tpu.memory_space<vmem>> -> memref<128x48xf32, #tpu.memory_space<vmem>>
    %dma_wait3A_63 = arith.constant 0 : i32
    %dma_wait3A_64 = tpu.memref_slice %arg8[%dma_wait3A, %dma_wait3A_63] : memref<79x128xi32, #tpu.memory_space<vmem>> -> memref<1x128xi32, #tpu.memory_space<vmem>>
    %dma_wait3A_65 = tpu.memref_squeeze %dma_wait3A_64 : memref<1x128xi32, #tpu.memory_space<vmem>> -> memref<128xi32, #tpu.memory_space<vmem>>
    %dma_wait3A_66 = arith.constant 0 : i32
    %dma_wait3A_67 = arith.constant 0 : i32
    %dma_wait3A_68 = tpu.memref_slice %arg12[%dma_wait3A_66, %dma_wait3A_67] : memref<10000x48xf32, #tpu.memory_space<vmem_shared>> -> memref<10000x48xf32, #tpu.memory_space<vmem_shared>>
    %dma_wait3A_69 = tpu.memref_slice %arg14[%dma_wait3A_59] : memref<5x!tpu.dma_semaphore, #tpu.memory_space<semaphore_mem>> -> memref<1x!tpu.dma_semaphore, #tpu.memory_space<semaphore_mem>>
    %dma_wait3A_70 = tpu.memref_squeeze %dma_wait3A_69 : memref<1x!tpu.dma_semaphore, #tpu.memory_space<semaphore_mem>> -> memref<!tpu.dma_semaphore, #tpu.memory_space<semaphore_mem>>
    tpu.wait_indirect_dma semaphore(%dma_wait3A_70 : memref<!tpu.dma_semaphore, #tpu.memory_space<semaphore_mem>>) src(%dma_wait3A_62 : memref<128x48xf32, #tpu.memory_space<vmem>>) dst(%dma_wait3A_68 : memref<10000x48xf32, #tpu.memory_space<vmem_shared>>)
    %dma_wait3A_71 = arith.constant 78 : i32
    %dma_wait3A_72 = arith.constant 3 : i32
    %dma_wait3A_73 = arith.constant 384 : i32
    %dma_wait3A_74 = arith.constant 0 : i32
    %dma_wait3A_75 = tpu.memref_slice %arg10[%dma_wait3A_73, %dma_wait3A_74] : memref<640x48xf32, #tpu.memory_space<vmem>> -> memref<128x48xf32, #tpu.memory_space<vmem>>
    %dma_wait3A_76 = arith.constant 0 : i32
    %dma_wait3A_77 = tpu.memref_slice %arg8[%dma_wait3A_71, %dma_wait3A_76] : memref<79x128xi32, #tpu.memory_space<vmem>> -> memref<1x128xi32, #tpu.memory_space<vmem>>
    %dma_wait3A_78 = tpu.memref_squeeze %dma_wait3A_77 : memref<1x128xi32, #tpu.memory_space<vmem>> -> memref<128xi32, #tpu.memory_space<vmem>>
    %dma_wait3A_79 = arith.constant 0 : i32
    %dma_wait3A_80 = arith.constant 0 : i32
    %dma_wait3A_81 = tpu.memref_slice %arg12[%dma_wait3A_79, %dma_wait3A_80] : memref<10000x48xf32, #tpu.memory_space<vmem_shared>> -> memref<10000x48xf32, #tpu.memory_space<vmem_shared>>
    %dma_wait3A_82 = tpu.memref_slice %arg14[%dma_wait3A_72] : memref<5x!tpu.dma_semaphore, #tpu.memory_space<semaphore_mem>> -> memref<1x!tpu.dma_semaphore, #tpu.memory_space<semaphore_mem>>
    %dma_wait3A_83 = tpu.memref_squeeze %dma_wait3A_82 : memref<1x!tpu.dma_semaphore, #tpu.memory_space<semaphore_mem>> -> memref<!tpu.dma_semaphore, #tpu.memory_space<semaphore_mem>>
    tpu.wait_indirect_dma semaphore(%dma_wait3A_83 : memref<!tpu.dma_semaphore, #tpu.memory_space<semaphore_mem>>) src(%dma_wait3A_75 : memref<128x48xf32, #tpu.memory_space<vmem>>) dst(%dma_wait3A_81 : memref<10000x48xf32, #tpu.memory_space<vmem_shared>>)
    %barrier3A_84 = arith.constant 0 : index
    tpu.barrier barrier_id(%barrier3A_84)
    %lt3A_85 = arith.constant 15 : i32
    %lt3A_86 = arith.cmpi slt, %arg1, %lt3A_85 : i32
    %convert_element_type3A_87 = arith.extui %lt3A_86 : i1 to i32
    %cond3A_88 = arith.constant 0 : i32
    %cond3A_89 = arith.cmpi ne, %convert_element_type3A_87, %cond3A_88 : i32
    scf.if %cond3A_89 {
      %mul3A_95 = arith.constant 640 : i32
      %mul3A_96 = arith.muli %arg1, %mul3A_95 : i32
      %add3A_97 = arith.constant 0 : i32
      %add3A_98 = arith.addi %mul3A_96, %add3A_97 : i32
      "tpu.region"() ({
        %run_scoped3A = tpu.sem_alloc : memref<!tpu.dma_semaphore, #tpu.memory_space<semaphore_mem>>
        %dma_start3A_115 = arith.constant 0 : i32
        %dma_start3A_116 = tpu.memref_slice %arg12[%add3A_98, %dma_start3A_115] : memref<10000x48xf32, #tpu.memory_space<vmem_shared>> -> memref<128x48xf32, #tpu.memory_space<vmem_shared>>
        %dma_start3A_117 = arith.constant 0 : i32
        %dma_start3A_118 = tpu.memref_slice %arg12[%add3A_98, %dma_start3A_117] : memref<10000x48xf32, #tpu.memory_space<vmem_shared>> -> memref<128x48xf32, #tpu.memory_space<vmem_shared>>
        tpu.enqueue_dma source(%dma_start3A_118 : memref<128x48xf32, #tpu.memory_space<vmem_shared>>) target(%arg11 : memref<128x48xf32, #tpu.memory_space<vmem>>) target_semaphore(%run_scoped3A : memref<!tpu.dma_semaphore, #tpu.memory_space<semaphore_mem>>)
        %dma_wait3A_119 = arith.constant 0 : i32
        %dma_wait3A_120 = tpu.memref_slice %arg12[%add3A_98, %dma_wait3A_119] : memref<10000x48xf32, #tpu.memory_space<vmem_shared>> -> memref<128x48xf32, #tpu.memory_space<vmem_shared>>
        %dma_wait3A_121 = arith.constant 0 : i32
        %dma_wait3A_122 = tpu.memref_slice %arg12[%add3A_98, %dma_wait3A_121] : memref<10000x48xf32, #tpu.memory_space<vmem_shared>> -> memref<128x48xf32, #tpu.memory_space<vmem_shared>>
        tpu.wait_dma2 semaphore(%run_scoped3A : memref<!tpu.dma_semaphore, #tpu.memory_space<semaphore_mem>>) src(%dma_wait3A_122 : memref<128x48xf32, #tpu.memory_space<vmem_shared>>) dst(%arg11 : memref<128x48xf32, #tpu.memory_space<vmem>>)
        tpu.yield
      }) : () -> ()
      "tpu.region"() ({
        %run_scoped3A = tpu.sem_alloc : memref<!tpu.dma_semaphore, #tpu.memory_space<semaphore_mem>>
        %dma_start3A_115 = arith.constant 0 : i32
        %dma_start3A_116 = tpu.memref_slice %arg6[%arg0, %add3A_98, %dma_start3A_115] : memref<2x10000x48xf32, #tpu.memory_space<hbm>> -> memref<1x128x48xf32, #tpu.memory_space<hbm>>
        %dma_start3A_117 = tpu.memref_squeeze %dma_start3A_116 : memref<1x128x48xf32, #tpu.memory_space<hbm>> -> memref<128x48xf32, #tpu.memory_space<hbm>>
        %dma_start3A_118 = arith.constant 0 : i32
        %dma_start3A_119 = tpu.memref_slice %arg6[%arg0, %add3A_98, %dma_start3A_118] : memref<2x10000x48xf32, #tpu.memory_space<hbm>> -> memref<1x128x48xf32, #tpu.memory_space<hbm>>
        %dma_start3A_120 = tpu.memref_squeeze %dma_start3A_119 : memref<1x128x48xf32, #tpu.memory_space<hbm>> -> memref<128x48xf32, #tpu.memory_space<hbm>>
        tpu.enqueue_dma source(%arg11 : memref<128x48xf32, #tpu.memory_space<vmem>>) target(%dma_start3A_120 : memref<128x48xf32, #tpu.memory_space<hbm>>) target_semaphore(%run_scoped3A : memref<!tpu.dma_semaphore, #tpu.memory_space<semaphore_mem>>)
        %dma_wait3A_121 = arith.constant 0 : i32
        %dma_wait3A_122 = tpu.memref_slice %arg6[%arg0, %add3A_98, %dma_wait3A_121] : memref<2x10000x48xf32, #tpu.memory_space<hbm>> -> memref<1x128x48xf32, #tpu.memory_space<hbm>>
        %dma_wait3A_123 = tpu.memref_squeeze %dma_wait3A_122 : memref<1x128x48xf32, #tpu.memory_space<hbm>> -> memref<128x48xf32, #tpu.memory_space<hbm>>
        %dma_wait3A_124 = arith.constant 0 : i32
        %dma_wait3A_125 = tpu.memref_slice %arg6[%arg0, %add3A_98, %dma_wait3A_124] : memref<2x10000x48xf32, #tpu.memory_space<hbm>> -> memref<1x128x48xf32, #tpu.memory_space<hbm>>
        %dma_wait3A_126 = tpu.memref_squeeze %dma_wait3A_125 : memref<1x128x48xf32, #tpu.memory_space<hbm>> -> memref<128x48xf32, #tpu.memory_space<hbm>>
        tpu.wait_dma2 semaphore(%run_scoped3A : memref<!tpu.dma_semaphore, #tpu.memory_space<semaphore_mem>>) src(%arg11 : memref<128x48xf32, #tpu.memory_space<vmem>>) dst(%dma_wait3A_126 : memref<128x48xf32, #tpu.memory_space<hbm>>)
        tpu.yield
      }) : () -> ()
      %mul3A_99 = arith.constant 640 : i32
      %mul3A_100 = arith.muli %arg1, %mul3A_99 : i32
      %add3A_101 = arith.constant 128 : i32
      %add3A_102 = arith.addi %mul3A_100, %add3A_101 : i32
      "tpu.region"() ({
        %run_scoped3A = tpu.sem_alloc : memref<!tpu.dma_semaphore, #tpu.memory_space<semaphore_mem>>
        %dma_start3A_115 = arith.constant 0 : i32
        %dma_start3A_116 = tpu.memref_slice %arg12[%add3A_102, %dma_start3A_115] : memref<10000x48xf32, #tpu.memory_space<vmem_shared>> -> memref<128x48xf32, #tpu.memory_space<vmem_shared>>
        %dma_start3A_117 = arith.constant 0 : i32
        %dma_start3A_118 = tpu.memref_slice %arg12[%add3A_102, %dma_start3A_117] : memref<10000x48xf32, #tpu.memory_space<vmem_shared>> -> memref<128x48xf32, #tpu.memory_space<vmem_shared>>
        tpu.enqueue_dma source(%dma_start3A_118 : memref<128x48xf32, #tpu.memory_space<vmem_shared>>) target(%arg11 : memref<128x48xf32, #tpu.memory_space<vmem>>) target_semaphore(%run_scoped3A : memref<!tpu.dma_semaphore, #tpu.memory_space<semaphore_mem>>)
        %dma_wait3A_119 = arith.constant 0 : i32
        %dma_wait3A_120 = tpu.memref_slice %arg12[%add3A_102, %dma_wait3A_119] : memref<10000x48xf32, #tpu.memory_space<vmem_shared>> -> memref<128x48xf32, #tpu.memory_space<vmem_shared>>
        %dma_wait3A_121 = arith.constant 0 : i32
        %dma_wait3A_122 = tpu.memref_slice %arg12[%add3A_102, %dma_wait3A_121] : memref<10000x48xf32, #tpu.memory_space<vmem_shared>> -> memref<128x48xf32, #tpu.memory_space<vmem_shared>>
        tpu.wait_dma2 semaphore(%run_scoped3A : memref<!tpu.dma_semaphore, #tpu.memory_space<semaphore_mem>>) src(%dma_wait3A_122 : memref<128x48xf32, #tpu.memory_space<vmem_shared>>) dst(%arg11 : memref<128x48xf32, #tpu.memory_space<vmem>>)
        tpu.yield
      }) : () -> ()
      "tpu.region"() ({
        %run_scoped3A = tpu.sem_alloc : memref<!tpu.dma_semaphore, #tpu.memory_space<semaphore_mem>>
        %dma_start3A_115 = arith.constant 0 : i32
        %dma_start3A_116 = tpu.memref_slice %arg6[%arg0, %add3A_102, %dma_start3A_115] : memref<2x10000x48xf32, #tpu.memory_space<hbm>> -> memref<1x128x48xf32, #tpu.memory_space<hbm>>
        %dma_start3A_117 = tpu.memref_squeeze %dma_start3A_116 : memref<1x128x48xf32, #tpu.memory_space<hbm>> -> memref<128x48xf32, #tpu.memory_space<hbm>>
        %dma_start3A_118 = arith.constant 0 : i32
        %dma_start3A_119 = tpu.memref_slice %arg6[%arg0, %add3A_102, %dma_start3A_118] : memref<2x10000x48xf32, #tpu.memory_space<hbm>> -> memref<1x128x48xf32, #tpu.memory_space<hbm>>
        %dma_start3A_120 = tpu.memref_squeeze %dma_start3A_119 : memref<1x128x48xf32, #tpu.memory_space<hbm>> -> memref<128x48xf32, #tpu.memory_space<hbm>>
        tpu.enqueue_dma source(%arg11 : memref<128x48xf32, #tpu.memory_space<vmem>>) target(%dma_start3A_120 : memref<128x48xf32, #tpu.memory_space<hbm>>) target_semaphore(%run_scoped3A : memref<!tpu.dma_semaphore, #tpu.memory_space<semaphore_mem>>)
        %dma_wait3A_121 = arith.constant 0 : i32
        %dma_wait3A_122 = tpu.memref_slice %arg6[%arg0, %add3A_102, %dma_wait3A_121] : memref<2x10000x48xf32, #tpu.memory_space<hbm>> -> memref<1x128x48xf32, #tpu.memory_space<hbm>>
        %dma_wait3A_123 = tpu.memref_squeeze %dma_wait3A_122 : memref<1x128x48xf32, #tpu.memory_space<hbm>> -> memref<128x48xf32, #tpu.memory_space<hbm>>
        %dma_wait3A_124 = arith.constant 0 : i32
        %dma_wait3A_125 = tpu.memref_slice %arg6[%arg0, %add3A_102, %dma_wait3A_124] : memref<2x10000x48xf32, #tpu.memory_space<hbm>> -> memref<1x128x48xf32, #tpu.memory_space<hbm>>
        %dma_wait3A_126 = tpu.memref_squeeze %dma_wait3A_125 : memref<1x128x48xf32, #tpu.memory_space<hbm>> -> memref<128x48xf32, #tpu.memory_space<hbm>>
        tpu.wait_dma2 semaphore(%run_scoped3A : memref<!tpu.dma_semaphore, #tpu.memory_space<semaphore_mem>>) src(%arg11 : memref<128x48xf32, #tpu.memory_space<vmem>>) dst(%dma_wait3A_126 : memref<128x48xf32, #tpu.memory_space<hbm>>)
        tpu.yield
      }) : () -> ()
      %mul3A_103 = arith.constant 640 : i32
      %mul3A_104 = arith.muli %arg1, %mul3A_103 : i32
      %add3A_105 = arith.constant 256 : i32
      %add3A_106 = arith.addi %mul3A_104, %add3A_105 : i32
      "tpu.region"() ({
        %run_scoped3A = tpu.sem_alloc : memref<!tpu.dma_semaphore, #tpu.memory_space<semaphore_mem>>
        %dma_start3A_115 = arith.constant 0 : i32
        %dma_start3A_116 = tpu.memref_slice %arg12[%add3A_106, %dma_start3A_115] : memref<10000x48xf32, #tpu.memory_space<vmem_shared>> -> memref<128x48xf32, #tpu.memory_space<vmem_shared>>
        %dma_start3A_117 = arith.constant 0 : i32
        %dma_start3A_118 = tpu.memref_slice %arg12[%add3A_106, %dma_start3A_117] : memref<10000x48xf32, #tpu.memory_space<vmem_shared>> -> memref<128x48xf32, #tpu.memory_space<vmem_shared>>
        tpu.enqueue_dma source(%dma_start3A_118 : memref<128x48xf32, #tpu.memory_space<vmem_shared>>) target(%arg11 : memref<128x48xf32, #tpu.memory_space<vmem>>) target_semaphore(%run_scoped3A : memref<!tpu.dma_semaphore, #tpu.memory_space<semaphore_mem>>)
        %dma_wait3A_119 = arith.constant 0 : i32
        %dma_wait3A_120 = tpu.memref_slice %arg12[%add3A_106, %dma_wait3A_119] : memref<10000x48xf32, #tpu.memory_space<vmem_shared>> -> memref<128x48xf32, #tpu.memory_space<vmem_shared>>
        %dma_wait3A_121 = arith.constant 0 : i32
        %dma_wait3A_122 = tpu.memref_slice %arg12[%add3A_106, %dma_wait3A_121] : memref<10000x48xf32, #tpu.memory_space<vmem_shared>> -> memref<128x48xf32, #tpu.memory_space<vmem_shared>>
        tpu.wait_dma2 semaphore(%run_scoped3A : memref<!tpu.dma_semaphore, #tpu.memory_space<semaphore_mem>>) src(%dma_wait3A_122 : memref<128x48xf32, #tpu.memory_space<vmem_shared>>) dst(%arg11 : memref<128x48xf32, #tpu.memory_space<vmem>>)
        tpu.yield
      }) : () -> ()
      "tpu.region"() ({
        %run_scoped3A = tpu.sem_alloc : memref<!tpu.dma_semaphore, #tpu.memory_space<semaphore_mem>>
        %dma_start3A_115 = arith.constant 0 : i32
        %dma_start3A_116 = tpu.memref_slice %arg6[%arg0, %add3A_106, %dma_start3A_115] : memref<2x10000x48xf32, #tpu.memory_space<hbm>> -> memref<1x128x48xf32, #tpu.memory_space<hbm>>
        %dma_start3A_117 = tpu.memref_squeeze %dma_start3A_116 : memref<1x128x48xf32, #tpu.memory_space<hbm>> -> memref<128x48xf32, #tpu.memory_space<hbm>>
        %dma_start3A_118 = arith.constant 0 : i32
        %dma_start3A_119 = tpu.memref_slice %arg6[%arg0, %add3A_106, %dma_start3A_118] : memref<2x10000x48xf32, #tpu.memory_space<hbm>> -> memref<1x128x48xf32, #tpu.memory_space<hbm>>
        %dma_start3A_120 = tpu.memref_squeeze %dma_start3A_119 : memref<1x128x48xf32, #tpu.memory_space<hbm>> -> memref<128x48xf32, #tpu.memory_space<hbm>>
        tpu.enqueue_dma source(%arg11 : memref<128x48xf32, #tpu.memory_space<vmem>>) target(%dma_start3A_120 : memref<128x48xf32, #tpu.memory_space<hbm>>) target_semaphore(%run_scoped3A : memref<!tpu.dma_semaphore, #tpu.memory_space<semaphore_mem>>)
        %dma_wait3A_121 = arith.constant 0 : i32
        %dma_wait3A_122 = tpu.memref_slice %arg6[%arg0, %add3A_106, %dma_wait3A_121] : memref<2x10000x48xf32, #tpu.memory_space<hbm>> -> memref<1x128x48xf32, #tpu.memory_space<hbm>>
        %dma_wait3A_123 = tpu.memref_squeeze %dma_wait3A_122 : memref<1x128x48xf32, #tpu.memory_space<hbm>> -> memref<128x48xf32, #tpu.memory_space<hbm>>
        %dma_wait3A_124 = arith.constant 0 : i32
        %dma_wait3A_125 = tpu.memref_slice %arg6[%arg0, %add3A_106, %dma_wait3A_124] : memref<2x10000x48xf32, #tpu.memory_space<hbm>> -> memref<1x128x48xf32, #tpu.memory_space<hbm>>
        %dma_wait3A_126 = tpu.memref_squeeze %dma_wait3A_125 : memref<1x128x48xf32, #tpu.memory_space<hbm>> -> memref<128x48xf32, #tpu.memory_space<hbm>>
        tpu.wait_dma2 semaphore(%run_scoped3A : memref<!tpu.dma_semaphore, #tpu.memory_space<semaphore_mem>>) src(%arg11 : memref<128x48xf32, #tpu.memory_space<vmem>>) dst(%dma_wait3A_126 : memref<128x48xf32, #tpu.memory_space<hbm>>)
        tpu.yield
      }) : () -> ()
      %mul3A_107 = arith.constant 640 : i32
      %mul3A_108 = arith.muli %arg1, %mul3A_107 : i32
      %add3A_109 = arith.constant 384 : i32
      %add3A_110 = arith.addi %mul3A_108, %add3A_109 : i32
      "tpu.region"() ({
        %run_scoped3A = tpu.sem_alloc : memref<!tpu.dma_semaphore, #tpu.memory_space<semaphore_mem>>
        %dma_start3A_115 = arith.constant 0 : i32
        %dma_start3A_116 = tpu.memref_slice %arg12[%add3A_110, %dma_start3A_115] : memref<10000x48xf32, #tpu.memory_space<vmem_shared>> -> memref<128x48xf32, #tpu.memory_space<vmem_shared>>
        %dma_start3A_117 = arith.constant 0 : i32
        %dma_start3A_118 = tpu.memref_slice %arg12[%add3A_110, %dma_start3A_117] : memref<10000x48xf32, #tpu.memory_space<vmem_shared>> -> memref<128x48xf32, #tpu.memory_space<vmem_shared>>
        tpu.enqueue_dma source(%dma_start3A_118 : memref<128x48xf32, #tpu.memory_space<vmem_shared>>) target(%arg11 : memref<128x48xf32, #tpu.memory_space<vmem>>) target_semaphore(%run_scoped3A : memref<!tpu.dma_semaphore, #tpu.memory_space<semaphore_mem>>)
        %dma_wait3A_119 = arith.constant 0 : i32
        %dma_wait3A_120 = tpu.memref_slice %arg12[%add3A_110, %dma_wait3A_119] : memref<10000x48xf32, #tpu.memory_space<vmem_shared>> -> memref<128x48xf32, #tpu.memory_space<vmem_shared>>
        %dma_wait3A_121 = arith.constant 0 : i32
        %dma_wait3A_122 = tpu.memref_slice %arg12[%add3A_110, %dma_wait3A_121] : memref<10000x48xf32, #tpu.memory_space<vmem_shared>> -> memref<128x48xf32, #tpu.memory_space<vmem_shared>>
        tpu.wait_dma2 semaphore(%run_scoped3A : memref<!tpu.dma_semaphore, #tpu.memory_space<semaphore_mem>>) src(%dma_wait3A_122 : memref<128x48xf32, #tpu.memory_space<vmem_shared>>) dst(%arg11 : memref<128x48xf32, #tpu.memory_space<vmem>>)
        tpu.yield
      }) : () -> ()
      "tpu.region"() ({
        %run_scoped3A = tpu.sem_alloc : memref<!tpu.dma_semaphore, #tpu.memory_space<semaphore_mem>>
        %dma_start3A_115 = arith.constant 0 : i32
        %dma_start3A_116 = tpu.memref_slice %arg6[%arg0, %add3A_110, %dma_start3A_115] : memref<2x10000x48xf32, #tpu.memory_space<hbm>> -> memref<1x128x48xf32, #tpu.memory_space<hbm>>
        %dma_start3A_117 = tpu.memref_squeeze %dma_start3A_116 : memref<1x128x48xf32, #tpu.memory_space<hbm>> -> memref<128x48xf32, #tpu.memory_space<hbm>>
        %dma_start3A_118 = arith.constant 0 : i32
        %dma_start3A_119 = tpu.memref_slice %arg6[%arg0, %add3A_110, %dma_start3A_118] : memref<2x10000x48xf32, #tpu.memory_space<hbm>> -> memref<1x128x48xf32, #tpu.memory_space<hbm>>
        %dma_start3A_120 = tpu.memref_squeeze %dma_start3A_119 : memref<1x128x48xf32, #tpu.memory_space<hbm>> -> memref<128x48xf32, #tpu.memory_space<hbm>>
        tpu.enqueue_dma source(%arg11 : memref<128x48xf32, #tpu.memory_space<vmem>>) target(%dma_start3A_120 : memref<128x48xf32, #tpu.memory_space<hbm>>) target_semaphore(%run_scoped3A : memref<!tpu.dma_semaphore, #tpu.memory_space<semaphore_mem>>)
        %dma_wait3A_121 = arith.constant 0 : i32
        %dma_wait3A_122 = tpu.memref_slice %arg6[%arg0, %add3A_110, %dma_wait3A_121] : memref<2x10000x48xf32, #tpu.memory_space<hbm>> -> memref<1x128x48xf32, #tpu.memory_space<hbm>>
        %dma_wait3A_123 = tpu.memref_squeeze %dma_wait3A_122 : memref<1x128x48xf32, #tpu.memory_space<hbm>> -> memref<128x48xf32, #tpu.memory_space<hbm>>
        %dma_wait3A_124 = arith.constant 0 : i32
        %dma_wait3A_125 = tpu.memref_slice %arg6[%arg0, %add3A_110, %dma_wait3A_124] : memref<2x10000x48xf32, #tpu.memory_space<hbm>> -> memref<1x128x48xf32, #tpu.memory_space<hbm>>
        %dma_wait3A_126 = tpu.memref_squeeze %dma_wait3A_125 : memref<1x128x48xf32, #tpu.memory_space<hbm>> -> memref<128x48xf32, #tpu.memory_space<hbm>>
        tpu.wait_dma2 semaphore(%run_scoped3A : memref<!tpu.dma_semaphore, #tpu.memory_space<semaphore_mem>>) src(%arg11 : memref<128x48xf32, #tpu.memory_space<vmem>>) dst(%dma_wait3A_126 : memref<128x48xf32, #tpu.memory_space<hbm>>)
        tpu.yield
      }) : () -> ()
      %mul3A_111 = arith.constant 640 : i32
      %mul3A_112 = arith.muli %arg1, %mul3A_111 : i32
      %add3A_113 = arith.constant 512 : i32
      %add3A_114 = arith.addi %mul3A_112, %add3A_113 : i32
      "tpu.region"() ({
        %run_scoped3A = tpu.sem_alloc : memref<!tpu.dma_semaphore, #tpu.memory_space<semaphore_mem>>
        %dma_start3A_115 = arith.constant 0 : i32
        %dma_start3A_116 = tpu.memref_slice %arg12[%add3A_114, %dma_start3A_115] : memref<10000x48xf32, #tpu.memory_space<vmem_shared>> -> memref<128x48xf32, #tpu.memory_space<vmem_shared>>
        %dma_start3A_117 = arith.constant 0 : i32
        %dma_start3A_118 = tpu.memref_slice %arg12[%add3A_114, %dma_start3A_117] : memref<10000x48xf32, #tpu.memory_space<vmem_shared>> -> memref<128x48xf32, #tpu.memory_space<vmem_shared>>
        tpu.enqueue_dma source(%dma_start3A_118 : memref<128x48xf32, #tpu.memory_space<vmem_shared>>) target(%arg11 : memref<128x48xf32, #tpu.memory_space<vmem>>) target_semaphore(%run_scoped3A : memref<!tpu.dma_semaphore, #tpu.memory_space<semaphore_mem>>)
        %dma_wait3A_119 = arith.constant 0 : i32
        %dma_wait3A_120 = tpu.memref_slice %arg12[%add3A_114, %dma_wait3A_119] : memref<10000x48xf32, #tpu.memory_space<vmem_shared>> -> memref<128x48xf32, #tpu.memory_space<vmem_shared>>
        %dma_wait3A_121 = arith.constant 0 : i32
        %dma_wait3A_122 = tpu.memref_slice %arg12[%add3A_114, %dma_wait3A_121] : memref<10000x48xf32, #tpu.memory_space<vmem_shared>> -> memref<128x48xf32, #tpu.memory_space<vmem_shared>>
        tpu.wait_dma2 semaphore(%run_scoped3A : memref<!tpu.dma_semaphore, #tpu.memory_space<semaphore_mem>>) src(%dma_wait3A_122 : memref<128x48xf32, #tpu.memory_space<vmem_shared>>) dst(%arg11 : memref<128x48xf32, #tpu.memory_space<vmem>>)
        tpu.yield
      }) : () -> ()
      "tpu.region"() ({
        %run_scoped3A = tpu.sem_alloc : memref<!tpu.dma_semaphore, #tpu.memory_space<semaphore_mem>>
        %dma_start3A_115 = arith.constant 0 : i32
        %dma_start3A_116 = tpu.memref_slice %arg6[%arg0, %add3A_114, %dma_start3A_115] : memref<2x10000x48xf32, #tpu.memory_space<hbm>> -> memref<1x128x48xf32, #tpu.memory_space<hbm>>
        %dma_start3A_117 = tpu.memref_squeeze %dma_start3A_116 : memref<1x128x48xf32, #tpu.memory_space<hbm>> -> memref<128x48xf32, #tpu.memory_space<hbm>>
        %dma_start3A_118 = arith.constant 0 : i32
        %dma_start3A_119 = tpu.memref_slice %arg6[%arg0, %add3A_114, %dma_start3A_118] : memref<2x10000x48xf32, #tpu.memory_space<hbm>> -> memref<1x128x48xf32, #tpu.memory_space<hbm>>
        %dma_start3A_120 = tpu.memref_squeeze %dma_start3A_119 : memref<1x128x48xf32, #tpu.memory_space<hbm>> -> memref<128x48xf32, #tpu.memory_space<hbm>>
        tpu.enqueue_dma source(%arg11 : memref<128x48xf32, #tpu.memory_space<vmem>>) target(%dma_start3A_120 : memref<128x48xf32, #tpu.memory_space<hbm>>) target_semaphore(%run_scoped3A : memref<!tpu.dma_semaphore, #tpu.memory_space<semaphore_mem>>)
        %dma_wait3A_121 = arith.constant 0 : i32
        %dma_wait3A_122 = tpu.memref_slice %arg6[%arg0, %add3A_114, %dma_wait3A_121] : memref<2x10000x48xf32, #tpu.memory_space<hbm>> -> memref<1x128x48xf32, #tpu.memory_space<hbm>>
        %dma_wait3A_123 = tpu.memref_squeeze %dma_wait3A_122 : memref<1x128x48xf32, #tpu.memory_space<hbm>> -> memref<128x48xf32, #tpu.memory_space<hbm>>
        %dma_wait3A_124 = arith.constant 0 : i32
        %dma_wait3A_125 = tpu.memref_slice %arg6[%arg0, %add3A_114, %dma_wait3A_124] : memref<2x10000x48xf32, #tpu.memory_space<hbm>> -> memref<1x128x48xf32, #tpu.memory_space<hbm>>
        %dma_wait3A_126 = tpu.memref_squeeze %dma_wait3A_125 : memref<1x128x48xf32, #tpu.memory_space<hbm>> -> memref<128x48xf32, #tpu.memory_space<hbm>>
        tpu.wait_dma2 semaphore(%run_scoped3A : memref<!tpu.dma_semaphore, #tpu.memory_space<semaphore_mem>>) src(%arg11 : memref<128x48xf32, #tpu.memory_space<vmem>>) dst(%dma_wait3A_126 : memref<128x48xf32, #tpu.memory_space<hbm>>)
        tpu.yield
      }) : () -> ()
    } else {
    }
    %eq3A_90 = arith.constant 15 : i32
    %eq3A_91 = arith.cmpi eq, %arg1, %eq3A_90 : i32
    %convert_element_type3A_92 = arith.extui %eq3A_91 : i1 to i32
    %cond3A_93 = arith.constant 0 : i32
    %cond3A_94 = arith.cmpi ne, %convert_element_type3A_92, %cond3A_93 : i32
    scf.if %cond3A_94 {
      "tpu.region"() ({
        %run_scoped3A = tpu.sem_alloc : memref<!tpu.dma_semaphore, #tpu.memory_space<semaphore_mem>>
        %dma_start3A_95 = arith.constant 9600 : i32
        %dma_start3A_96 = arith.constant 0 : i32
        %dma_start3A_97 = tpu.memref_slice %arg12[%dma_start3A_95, %dma_start3A_96] : memref<10000x48xf32, #tpu.memory_space<vmem_shared>> -> memref<128x48xf32, #tpu.memory_space<vmem_shared>>
        %dma_start3A_98 = arith.constant 9600 : i32
        %dma_start3A_99 = arith.constant 0 : i32
        %dma_start3A_100 = tpu.memref_slice %arg12[%dma_start3A_98, %dma_start3A_99] : memref<10000x48xf32, #tpu.memory_space<vmem_shared>> -> memref<128x48xf32, #tpu.memory_space<vmem_shared>>
        tpu.enqueue_dma source(%dma_start3A_100 : memref<128x48xf32, #tpu.memory_space<vmem_shared>>) target(%arg11 : memref<128x48xf32, #tpu.memory_space<vmem>>) target_semaphore(%run_scoped3A : memref<!tpu.dma_semaphore, #tpu.memory_space<semaphore_mem>>)
        %dma_wait3A_101 = arith.constant 9600 : i32
        %dma_wait3A_102 = arith.constant 0 : i32
        %dma_wait3A_103 = tpu.memref_slice %arg12[%dma_wait3A_101, %dma_wait3A_102] : memref<10000x48xf32, #tpu.memory_space<vmem_shared>> -> memref<128x48xf32, #tpu.memory_space<vmem_shared>>
        %dma_wait3A_104 = arith.constant 9600 : i32
        %dma_wait3A_105 = arith.constant 0 : i32
        %dma_wait3A_106 = tpu.memref_slice %arg12[%dma_wait3A_104, %dma_wait3A_105] : memref<10000x48xf32, #tpu.memory_space<vmem_shared>> -> memref<128x48xf32, #tpu.memory_space<vmem_shared>>
        tpu.wait_dma2 semaphore(%run_scoped3A : memref<!tpu.dma_semaphore, #tpu.memory_space<semaphore_mem>>) src(%dma_wait3A_106 : memref<128x48xf32, #tpu.memory_space<vmem_shared>>) dst(%arg11 : memref<128x48xf32, #tpu.memory_space<vmem>>)
        tpu.yield
      }) : () -> ()
      "tpu.region"() ({
        %run_scoped3A = tpu.sem_alloc : memref<!tpu.dma_semaphore, #tpu.memory_space<semaphore_mem>>
        %dma_start3A_95 = arith.constant 9600 : i32
        %dma_start3A_96 = arith.constant 0 : i32
        %dma_start3A_97 = tpu.memref_slice %arg6[%arg0, %dma_start3A_95, %dma_start3A_96] : memref<2x10000x48xf32, #tpu.memory_space<hbm>> -> memref<1x128x48xf32, #tpu.memory_space<hbm>>
        %dma_start3A_98 = tpu.memref_squeeze %dma_start3A_97 : memref<1x128x48xf32, #tpu.memory_space<hbm>> -> memref<128x48xf32, #tpu.memory_space<hbm>>
        %dma_start3A_99 = arith.constant 9600 : i32
        %dma_start3A_100 = arith.constant 0 : i32
        %dma_start3A_101 = tpu.memref_slice %arg6[%arg0, %dma_start3A_99, %dma_start3A_100] : memref<2x10000x48xf32, #tpu.memory_space<hbm>> -> memref<1x128x48xf32, #tpu.memory_space<hbm>>
        %dma_start3A_102 = tpu.memref_squeeze %dma_start3A_101 : memref<1x128x48xf32, #tpu.memory_space<hbm>> -> memref<128x48xf32, #tpu.memory_space<hbm>>
        tpu.enqueue_dma source(%arg11 : memref<128x48xf32, #tpu.memory_space<vmem>>) target(%dma_start3A_102 : memref<128x48xf32, #tpu.memory_space<hbm>>) target_semaphore(%run_scoped3A : memref<!tpu.dma_semaphore, #tpu.memory_space<semaphore_mem>>)
        %dma_wait3A_103 = arith.constant 9600 : i32
        %dma_wait3A_104 = arith.constant 0 : i32
        %dma_wait3A_105 = tpu.memref_slice %arg6[%arg0, %dma_wait3A_103, %dma_wait3A_104] : memref<2x10000x48xf32, #tpu.memory_space<hbm>> -> memref<1x128x48xf32, #tpu.memory_space<hbm>>
        %dma_wait3A_106 = tpu.memref_squeeze %dma_wait3A_105 : memref<1x128x48xf32, #tpu.memory_space<hbm>> -> memref<128x48xf32, #tpu.memory_space<hbm>>
        %dma_wait3A_107 = arith.constant 9600 : i32
        %dma_wait3A_108 = arith.constant 0 : i32
        %dma_wait3A_109 = tpu.memref_slice %arg6[%arg0, %dma_wait3A_107, %dma_wait3A_108] : memref<2x10000x48xf32, #tpu.memory_space<hbm>> -> memref<1x128x48xf32, #tpu.memory_space<hbm>>
        %dma_wait3A_110 = tpu.memref_squeeze %dma_wait3A_109 : memref<1x128x48xf32, #tpu.memory_space<hbm>> -> memref<128x48xf32, #tpu.memory_space<hbm>>
        tpu.wait_dma2 semaphore(%run_scoped3A : memref<!tpu.dma_semaphore, #tpu.memory_space<semaphore_mem>>) src(%arg11 : memref<128x48xf32, #tpu.memory_space<vmem>>) dst(%dma_wait3A_110 : memref<128x48xf32, #tpu.memory_space<hbm>>)
        tpu.yield
      }) : () -> ()
      "tpu.region"() ({
        %run_scoped3A = tpu.sem_alloc : memref<!tpu.dma_semaphore, #tpu.memory_space<semaphore_mem>>
        %dma_start3A_95 = arith.constant 9728 : i32
        %dma_start3A_96 = arith.constant 0 : i32
        %dma_start3A_97 = tpu.memref_slice %arg12[%dma_start3A_95, %dma_start3A_96] : memref<10000x48xf32, #tpu.memory_space<vmem_shared>> -> memref<128x48xf32, #tpu.memory_space<vmem_shared>>
        %dma_start3A_98 = arith.constant 9728 : i32
        %dma_start3A_99 = arith.constant 0 : i32
        %dma_start3A_100 = tpu.memref_slice %arg12[%dma_start3A_98, %dma_start3A_99] : memref<10000x48xf32, #tpu.memory_space<vmem_shared>> -> memref<128x48xf32, #tpu.memory_space<vmem_shared>>
        tpu.enqueue_dma source(%dma_start3A_100 : memref<128x48xf32, #tpu.memory_space<vmem_shared>>) target(%arg11 : memref<128x48xf32, #tpu.memory_space<vmem>>) target_semaphore(%run_scoped3A : memref<!tpu.dma_semaphore, #tpu.memory_space<semaphore_mem>>)
        %dma_wait3A_101 = arith.constant 9728 : i32
        %dma_wait3A_102 = arith.constant 0 : i32
        %dma_wait3A_103 = tpu.memref_slice %arg12[%dma_wait3A_101, %dma_wait3A_102] : memref<10000x48xf32, #tpu.memory_space<vmem_shared>> -> memref<128x48xf32, #tpu.memory_space<vmem_shared>>
        %dma_wait3A_104 = arith.constant 9728 : i32
        %dma_wait3A_105 = arith.constant 0 : i32
        %dma_wait3A_106 = tpu.memref_slice %arg12[%dma_wait3A_104, %dma_wait3A_105] : memref<10000x48xf32, #tpu.memory_space<vmem_shared>> -> memref<128x48xf32, #tpu.memory_space<vmem_shared>>
        tpu.wait_dma2 semaphore(%run_scoped3A : memref<!tpu.dma_semaphore, #tpu.memory_space<semaphore_mem>>) src(%dma_wait3A_106 : memref<128x48xf32, #tpu.memory_space<vmem_shared>>) dst(%arg11 : memref<128x48xf32, #tpu.memory_space<vmem>>)
        tpu.yield
      }) : () -> ()
      "tpu.region"() ({
        %run_scoped3A = tpu.sem_alloc : memref<!tpu.dma_semaphore, #tpu.memory_space<semaphore_mem>>
        %dma_start3A_95 = arith.constant 9728 : i32
        %dma_start3A_96 = arith.constant 0 : i32
        %dma_start3A_97 = tpu.memref_slice %arg6[%arg0, %dma_start3A_95, %dma_start3A_96] : memref<2x10000x48xf32, #tpu.memory_space<hbm>> -> memref<1x128x48xf32, #tpu.memory_space<hbm>>
        %dma_start3A_98 = tpu.memref_squeeze %dma_start3A_97 : memref<1x128x48xf32, #tpu.memory_space<hbm>> -> memref<128x48xf32, #tpu.memory_space<hbm>>
        %dma_start3A_99 = arith.constant 9728 : i32
        %dma_start3A_100 = arith.constant 0 : i32
        %dma_start3A_101 = tpu.memref_slice %arg6[%arg0, %dma_start3A_99, %dma_start3A_100] : memref<2x10000x48xf32, #tpu.memory_space<hbm>> -> memref<1x128x48xf32, #tpu.memory_space<hbm>>
        %dma_start3A_102 = tpu.memref_squeeze %dma_start3A_101 : memref<1x128x48xf32, #tpu.memory_space<hbm>> -> memref<128x48xf32, #tpu.memory_space<hbm>>
        tpu.enqueue_dma source(%arg11 : memref<128x48xf32, #tpu.memory_space<vmem>>) target(%dma_start3A_102 : memref<128x48xf32, #tpu.memory_space<hbm>>) target_semaphore(%run_scoped3A : memref<!tpu.dma_semaphore, #tpu.memory_space<semaphore_mem>>)
        %dma_wait3A_103 = arith.constant 9728 : i32
        %dma_wait3A_104 = arith.constant 0 : i32
        %dma_wait3A_105 = tpu.memref_slice %arg6[%arg0, %dma_wait3A_103, %dma_wait3A_104] : memref<2x10000x48xf32, #tpu.memory_space<hbm>> -> memref<1x128x48xf32, #tpu.memory_space<hbm>>
        %dma_wait3A_106 = tpu.memref_squeeze %dma_wait3A_105 : memref<1x128x48xf32, #tpu.memory_space<hbm>> -> memref<128x48xf32, #tpu.memory_space<hbm>>
        %dma_wait3A_107 = arith.constant 9728 : i32
        %dma_wait3A_108 = arith.constant 0 : i32
        %dma_wait3A_109 = tpu.memref_slice %arg6[%arg0, %dma_wait3A_107, %dma_wait3A_108] : memref<2x10000x48xf32, #tpu.memory_space<hbm>> -> memref<1x128x48xf32, #tpu.memory_space<hbm>>
        %dma_wait3A_110 = tpu.memref_squeeze %dma_wait3A_109 : memref<1x128x48xf32, #tpu.memory_space<hbm>> -> memref<128x48xf32, #tpu.memory_space<hbm>>
        tpu.wait_dma2 semaphore(%run_scoped3A : memref<!tpu.dma_semaphore, #tpu.memory_space<semaphore_mem>>) src(%arg11 : memref<128x48xf32, #tpu.memory_space<vmem>>) dst(%dma_wait3A_110 : memref<128x48xf32, #tpu.memory_space<hbm>>)
        tpu.yield
      }) : () -> ()
      "tpu.region"() ({
        %run_scoped3A = tpu.sem_alloc : memref<!tpu.dma_semaphore, #tpu.memory_space<semaphore_mem>>
        %dma_start3A_95 = arith.constant 9856 : i32
        %dma_start3A_96 = arith.constant 0 : i32
        %dma_start3A_97 = tpu.memref_slice %arg12[%dma_start3A_95, %dma_start3A_96] : memref<10000x48xf32, #tpu.memory_space<vmem_shared>> -> memref<128x48xf32, #tpu.memory_space<vmem_shared>>
        %dma_start3A_98 = arith.constant 9856 : i32
        %dma_start3A_99 = arith.constant 0 : i32
        %dma_start3A_100 = tpu.memref_slice %arg12[%dma_start3A_98, %dma_start3A_99] : memref<10000x48xf32, #tpu.memory_space<vmem_shared>> -> memref<128x48xf32, #tpu.memory_space<vmem_shared>>
        tpu.enqueue_dma source(%dma_start3A_100 : memref<128x48xf32, #tpu.memory_space<vmem_shared>>) target(%arg11 : memref<128x48xf32, #tpu.memory_space<vmem>>) target_semaphore(%run_scoped3A : memref<!tpu.dma_semaphore, #tpu.memory_space<semaphore_mem>>)
        %dma_wait3A_101 = arith.constant 9856 : i32
        %dma_wait3A_102 = arith.constant 0 : i32
        %dma_wait3A_103 = tpu.memref_slice %arg12[%dma_wait3A_101, %dma_wait3A_102] : memref<10000x48xf32, #tpu.memory_space<vmem_shared>> -> memref<128x48xf32, #tpu.memory_space<vmem_shared>>
        %dma_wait3A_104 = arith.constant 9856 : i32
        %dma_wait3A_105 = arith.constant 0 : i32
        %dma_wait3A_106 = tpu.memref_slice %arg12[%dma_wait3A_104, %dma_wait3A_105] : memref<10000x48xf32, #tpu.memory_space<vmem_shared>> -> memref<128x48xf32, #tpu.memory_space<vmem_shared>>
        tpu.wait_dma2 semaphore(%run_scoped3A : memref<!tpu.dma_semaphore, #tpu.memory_space<semaphore_mem>>) src(%dma_wait3A_106 : memref<128x48xf32, #tpu.memory_space<vmem_shared>>) dst(%arg11 : memref<128x48xf32, #tpu.memory_space<vmem>>)
        tpu.yield
      }) : () -> ()
      "tpu.region"() ({
        %run_scoped3A = tpu.sem_alloc : memref<!tpu.dma_semaphore, #tpu.memory_space<semaphore_mem>>
        %dma_start3A_95 = arith.constant 9856 : i32
        %dma_start3A_96 = arith.constant 0 : i32
        %dma_start3A_97 = tpu.memref_slice %arg6[%arg0, %dma_start3A_95, %dma_start3A_96] : memref<2x10000x48xf32, #tpu.memory_space<hbm>> -> memref<1x128x48xf32, #tpu.memory_space<hbm>>
        %dma_start3A_98 = tpu.memref_squeeze %dma_start3A_97 : memref<1x128x48xf32, #tpu.memory_space<hbm>> -> memref<128x48xf32, #tpu.memory_space<hbm>>
        %dma_start3A_99 = arith.constant 9856 : i32
        %dma_start3A_100 = arith.constant 0 : i32
        %dma_start3A_101 = tpu.memref_slice %arg6[%arg0, %dma_start3A_99, %dma_start3A_100] : memref<2x10000x48xf32, #tpu.memory_space<hbm>> -> memref<1x128x48xf32, #tpu.memory_space<hbm>>
        %dma_start3A_102 = tpu.memref_squeeze %dma_start3A_101 : memref<1x128x48xf32, #tpu.memory_space<hbm>> -> memref<128x48xf32, #tpu.memory_space<hbm>>
        tpu.enqueue_dma source(%arg11 : memref<128x48xf32, #tpu.memory_space<vmem>>) target(%dma_start3A_102 : memref<128x48xf32, #tpu.memory_space<hbm>>) target_semaphore(%run_scoped3A : memref<!tpu.dma_semaphore, #tpu.memory_space<semaphore_mem>>)
        %dma_wait3A_103 = arith.constant 9856 : i32
        %dma_wait3A_104 = arith.constant 0 : i32
        %dma_wait3A_105 = tpu.memref_slice %arg6[%arg0, %dma_wait3A_103, %dma_wait3A_104] : memref<2x10000x48xf32, #tpu.memory_space<hbm>> -> memref<1x128x48xf32, #tpu.memory_space<hbm>>
        %dma_wait3A_106 = tpu.memref_squeeze %dma_wait3A_105 : memref<1x128x48xf32, #tpu.memory_space<hbm>> -> memref<128x48xf32, #tpu.memory_space<hbm>>
        %dma_wait3A_107 = arith.constant 9856 : i32
        %dma_wait3A_108 = arith.constant 0 : i32
        %dma_wait3A_109 = tpu.memref_slice %arg6[%arg0, %dma_wait3A_107, %dma_wait3A_108] : memref<2x10000x48xf32, #tpu.memory_space<hbm>> -> memref<1x128x48xf32, #tpu.memory_space<hbm>>
        %dma_wait3A_110 = tpu.memref_squeeze %dma_wait3A_109 : memref<1x128x48xf32, #tpu.memory_space<hbm>> -> memref<128x48xf32, #tpu.memory_space<hbm>>
        tpu.wait_dma2 semaphore(%run_scoped3A : memref<!tpu.dma_semaphore, #tpu.memory_space<semaphore_mem>>) src(%arg11 : memref<128x48xf32, #tpu.memory_space<vmem>>) dst(%dma_wait3A_110 : memref<128x48xf32, #tpu.memory_space<hbm>>)
        tpu.yield
      }) : () -> ()
      "tpu.region"() ({
        %run_scoped3A = tpu.sem_alloc : memref<!tpu.dma_semaphore, #tpu.memory_space<semaphore_mem>>
        %dma_start3A_95 = arith.constant 0 : i32
        %dma_start3A_96 = arith.constant 0 : i32
        %dma_start3A_97 = tpu.memref_slice %arg11[%dma_start3A_95, %dma_start3A_96] : memref<128x48xf32, #tpu.memory_space<vmem>> -> memref<16x48xf32, #tpu.memory_space<vmem>>
        %dma_start3A_98 = arith.constant 9984 : i32
        %dma_start3A_99 = arith.constant 0 : i32
        %dma_start3A_100 = tpu.memref_slice %arg12[%dma_start3A_98, %dma_start3A_99] : memref<10000x48xf32, #tpu.memory_space<vmem_shared>> -> memref<16x48xf32, #tpu.memory_space<vmem_shared>>
        %dma_start3A_101 = arith.constant 0 : i32
        %dma_start3A_102 = arith.constant 0 : i32
        %dma_start3A_103 = tpu.memref_slice %arg11[%dma_start3A_101, %dma_start3A_102] : memref<128x48xf32, #tpu.memory_space<vmem>> -> memref<16x48xf32, #tpu.memory_space<vmem>>
        %dma_start3A_104 = arith.constant 9984 : i32
        %dma_start3A_105 = arith.constant 0 : i32
        %dma_start3A_106 = tpu.memref_slice %arg12[%dma_start3A_104, %dma_start3A_105] : memref<10000x48xf32, #tpu.memory_space<vmem_shared>> -> memref<16x48xf32, #tpu.memory_space<vmem_shared>>
        tpu.enqueue_dma source(%dma_start3A_106 : memref<16x48xf32, #tpu.memory_space<vmem_shared>>) target(%dma_start3A_103 : memref<16x48xf32, #tpu.memory_space<vmem>>) target_semaphore(%run_scoped3A : memref<!tpu.dma_semaphore, #tpu.memory_space<semaphore_mem>>)
        %dma_wait3A_107 = arith.constant 0 : i32
        %dma_wait3A_108 = arith.constant 0 : i32
        %dma_wait3A_109 = tpu.memref_slice %arg11[%dma_wait3A_107, %dma_wait3A_108] : memref<128x48xf32, #tpu.memory_space<vmem>> -> memref<16x48xf32, #tpu.memory_space<vmem>>
        %dma_wait3A_110 = arith.constant 9984 : i32
        %dma_wait3A_111 = arith.constant 0 : i32
        %dma_wait3A_112 = tpu.memref_slice %arg12[%dma_wait3A_110, %dma_wait3A_111] : memref<10000x48xf32, #tpu.memory_space<vmem_shared>> -> memref<16x48xf32, #tpu.memory_space<vmem_shared>>
        %dma_wait3A_113 = arith.constant 0 : i32
        %dma_wait3A_114 = arith.constant 0 : i32
        %dma_wait3A_115 = tpu.memref_slice %arg11[%dma_wait3A_113, %dma_wait3A_114] : memref<128x48xf32, #tpu.memory_space<vmem>> -> memref<16x48xf32, #tpu.memory_space<vmem>>
        %dma_wait3A_116 = arith.constant 9984 : i32
        %dma_wait3A_117 = arith.constant 0 : i32
        %dma_wait3A_118 = tpu.memref_slice %arg12[%dma_wait3A_116, %dma_wait3A_117] : memref<10000x48xf32, #tpu.memory_space<vmem_shared>> -> memref<16x48xf32, #tpu.memory_space<vmem_shared>>
        tpu.wait_dma2 semaphore(%run_scoped3A : memref<!tpu.dma_semaphore, #tpu.memory_space<semaphore_mem>>) src(%dma_wait3A_118 : memref<16x48xf32, #tpu.memory_space<vmem_shared>>) dst(%dma_wait3A_115 : memref<16x48xf32, #tpu.memory_space<vmem>>)
        tpu.yield
      }) : () -> ()
      "tpu.region"() ({
        %run_scoped3A = tpu.sem_alloc : memref<!tpu.dma_semaphore, #tpu.memory_space<semaphore_mem>>
        %dma_start3A_95 = arith.constant 0 : i32
        %dma_start3A_96 = arith.constant 0 : i32
        %dma_start3A_97 = tpu.memref_slice %arg11[%dma_start3A_95, %dma_start3A_96] : memref<128x48xf32, #tpu.memory_space<vmem>> -> memref<16x48xf32, #tpu.memory_space<vmem>>
        %dma_start3A_98 = arith.constant 9984 : i32
        %dma_start3A_99 = arith.constant 0 : i32
        %dma_start3A_100 = tpu.memref_slice %arg6[%arg0, %dma_start3A_98, %dma_start3A_99] : memref<2x10000x48xf32, #tpu.memory_space<hbm>> -> memref<1x16x48xf32, #tpu.memory_space<hbm>>
        %dma_start3A_101 = tpu.memref_squeeze %dma_start3A_100 : memref<1x16x48xf32, #tpu.memory_space<hbm>> -> memref<16x48xf32, #tpu.memory_space<hbm>>
        %dma_start3A_102 = arith.constant 9984 : i32
        %dma_start3A_103 = arith.constant 0 : i32
        %dma_start3A_104 = tpu.memref_slice %arg6[%arg0, %dma_start3A_102, %dma_start3A_103] : memref<2x10000x48xf32, #tpu.memory_space<hbm>> -> memref<1x16x48xf32, #tpu.memory_space<hbm>>
        %dma_start3A_105 = tpu.memref_squeeze %dma_start3A_104 : memref<1x16x48xf32, #tpu.memory_space<hbm>> -> memref<16x48xf32, #tpu.memory_space<hbm>>
        %dma_start3A_106 = arith.constant 0 : i32
        %dma_start3A_107 = arith.constant 0 : i32
        %dma_start3A_108 = tpu.memref_slice %arg11[%dma_start3A_106, %dma_start3A_107] : memref<128x48xf32, #tpu.memory_space<vmem>> -> memref<16x48xf32, #tpu.memory_space<vmem>>
        tpu.enqueue_dma source(%dma_start3A_108 : memref<16x48xf32, #tpu.memory_space<vmem>>) target(%dma_start3A_105 : memref<16x48xf32, #tpu.memory_space<hbm>>) target_semaphore(%run_scoped3A : memref<!tpu.dma_semaphore, #tpu.memory_space<semaphore_mem>>)
        %dma_wait3A_109 = arith.constant 0 : i32
        %dma_wait3A_110 = arith.constant 0 : i32
        %dma_wait3A_111 = tpu.memref_slice %arg11[%dma_wait3A_109, %dma_wait3A_110] : memref<128x48xf32, #tpu.memory_space<vmem>> -> memref<16x48xf32, #tpu.memory_space<vmem>>
        %dma_wait3A_112 = arith.constant 9984 : i32
        %dma_wait3A_113 = arith.constant 0 : i32
        %dma_wait3A_114 = tpu.memref_slice %arg6[%arg0, %dma_wait3A_112, %dma_wait3A_113] : memref<2x10000x48xf32, #tpu.memory_space<hbm>> -> memref<1x16x48xf32, #tpu.memory_space<hbm>>
        %dma_wait3A_115 = tpu.memref_squeeze %dma_wait3A_114 : memref<1x16x48xf32, #tpu.memory_space<hbm>> -> memref<16x48xf32, #tpu.memory_space<hbm>>
        %dma_wait3A_116 = arith.constant 9984 : i32
        %dma_wait3A_117 = arith.constant 0 : i32
        %dma_wait3A_118 = tpu.memref_slice %arg6[%arg0, %dma_wait3A_116, %dma_wait3A_117] : memref<2x10000x48xf32, #tpu.memory_space<hbm>> -> memref<1x16x48xf32, #tpu.memory_space<hbm>>
        %dma_wait3A_119 = tpu.memref_squeeze %dma_wait3A_118 : memref<1x16x48xf32, #tpu.memory_space<hbm>> -> memref<16x48xf32, #tpu.memory_space<hbm>>
        %dma_wait3A_120 = arith.constant 0 : i32
        %dma_wait3A_121 = arith.constant 0 : i32
        %dma_wait3A_122 = tpu.memref_slice %arg11[%dma_wait3A_120, %dma_wait3A_121] : memref<128x48xf32, #tpu.memory_space<vmem>> -> memref<16x48xf32, #tpu.memory_space<vmem>>
        tpu.wait_dma2 semaphore(%run_scoped3A : memref<!tpu.dma_semaphore, #tpu.memory_space<semaphore_mem>>) src(%dma_wait3A_122 : memref<16x48xf32, #tpu.memory_space<vmem>>) dst(%dma_wait3A_119 : memref<16x48xf32, #tpu.memory_space<hbm>>)
        tpu.yield
      }) : () -> ()
    } else {
    }
    return
  }
}

module attributes {stable_mosaic.version = 14 : i64} {
  func.func @body(%arg0: i32, %arg1: memref<2000x2xf32, #tpu.memory_space<vmem>>, %arg2: memref<2000x128xf32, #tpu.memory_space<vmem>>, %arg3: memref<128x64xf32, #tpu.memory_space<vmem>>, %arg4: memref<2000x64xf32, #tpu.memory_space<vmem>>, %arg5: memref<2000x1xf32, #tpu.memory_space<vmem>>) attributes {dimension_semantics = [#tpu.dimension_semantics<arbitrary>], iteration_bounds = array<i64: 5>, scalar_prefetch = 0 : i64, scratch_operands = 0 : i64, tpu.core_type = #tpu.core_type<tc>, window_params = [{transform_indices = @transform_0, window_bounds = array<i64: 2000, 2>}, {transform_indices = @transform_1, window_bounds = array<i64: 2000, 128>}, {pipeline_mode = #tpu.pipeline_mode<synchronous>, transform_indices = @transform_2, window_bounds = array<i64: 128, 64>}, {transform_indices = @transform_3, window_bounds = array<i64: 2000, 64>}, {transform_indices = @transform_4, window_bounds = array<i64: 2000, 1>}]} {
    %get3A = arith.constant 0 : index
    %get3A_0 = arith.constant 0 : index
    %get3A_1 = vector.load %arg1[%get3A, %get3A_0] : memref<2000x2xf32, #tpu.memory_space<vmem>>, vector<2000x2xf32>
    %slice3A = vector.extract_strided_slice %get3A_1 {offsets = [0, 0], sizes = [2000, 1], strides = [1, 1]} : vector<2000x2xf32> to vector<2000x1xf32>
    %slice3A_2 = vector.extract_strided_slice %get3A_1 {offsets = [0, 1], sizes = [2000, 1], strides = [1, 1]} : vector<2000x2xf32> to vector<2000x1xf32>
    %add3A = arith.addf %slice3A, %slice3A_2 : vector<2000x1xf32>
    %add3A_3 = arith.constant 1.000000e+00 : f32
    %add3A_4 = vector.broadcast %add3A_3 : f32 to vector<2000x1xf32>
    %add3A_5 = arith.addf %add3A, %add3A_4 : vector<2000x1xf32>
    %rsqrt3A = math.rsqrt %add3A_5 : vector<2000x1xf32>
    %get3A_6 = arith.constant 0 : index
    %get3A_7 = arith.constant 0 : index
    %get3A_8 = vector.load %arg2[%get3A_6, %get3A_7] : memref<2000x128xf32, #tpu.memory_space<vmem>>, vector<2000x128xf32>
    %get3A_9 = arith.constant 0 : index
    %get3A_10 = arith.constant 0 : index
    %get3A_11 = vector.load %arg3[%get3A_9, %get3A_10] : memref<128x64xf32, #tpu.memory_space<vmem>>, vector<128x64xf32>
    %dot_general3A = arith.constant dense<0.000000e+00> : vector<2000x64xf32>
    %dot_general3A_12 = tpu.matmul %get3A_8, %get3A_11, %dot_general3A {dimension_numbers = #tpu.dot_dimension_numbers<[1], [0], [0], [1], [0, 0, 1, 1], [], []>, transpose_lhs_hint = false} : vector<2000x128xf32>, vector<128x64xf32>, vector<2000x64xf32> -> vector<2000x64xf32>
    %mul3A = vector.broadcast %rsqrt3A : vector<2000x1xf32> to vector<2000x64xf32>
    %mul3A_13 = arith.mulf %mul3A, %dot_general3A_12 : vector<2000x64xf32>
    %swap3A = arith.constant 0 : index
    %swap3A_14 = arith.constant 0 : index
    %swap3A_15 = vector.load %arg4[%swap3A, %swap3A_14] : memref<2000x64xf32, #tpu.memory_space<vmem>>, vector<2000x64xf32>
    tpu.vector_store %arg4[%swap3A, %swap3A_14], %mul3A_13 {strides = array<i32>} : memref<2000x64xf32, #tpu.memory_space<vmem>>, vector<2000x64xf32>,
    %swap3A_16 = arith.constant 0 : index
    %swap3A_17 = arith.constant 0 : index
    %swap3A_18 = vector.load %arg5[%swap3A_16, %swap3A_17] : memref<2000x1xf32, #tpu.memory_space<vmem>>, vector<2000x1xf32>
    tpu.vector_store %arg5[%swap3A_16, %swap3A_17], %rsqrt3A {strides = array<i32>} : memref<2000x1xf32, #tpu.memory_space<vmem>>, vector<2000x1xf32>,
    return
  }
  func.func @transform_0(%arg0: i32) -> (i32, i32) {
    %c0_i32 = arith.constant 0 : i32
    %c0_i32_0 = arith.constant 0 : i32
    return %arg0, %c0_i32 : i32, i32
  }
  func.func @transform_1(%arg0: i32) -> (i32, i32) {
    %c0_i32 = arith.constant 0 : i32
    %c0_i32_0 = arith.constant 0 : i32
    return %arg0, %c0_i32 : i32, i32
  }
  func.func @transform_2(%arg0: i32) -> (i32, i32) {
    %c0_i32 = arith.constant 0 : i32
    %c0_i32_0 = arith.constant 0 : i32
    %c0_i32_1 = arith.constant 0 : i32
    return %c0_i32, %c0_i32_0 : i32, i32
  }
  func.func @transform_3(%arg0: i32) -> (i32, i32) {
    %c0_i32 = arith.constant 0 : i32
    %c0_i32_0 = arith.constant 0 : i32
    return %arg0, %c0_i32 : i32, i32
  }
  func.func @transform_4(%arg0: i32) -> (i32, i32) {
    %c0_i32 = arith.constant 0 : i32
    %c0_i32_0 = arith.constant 0 : i32
    return %arg0, %c0_i32 : i32, i32
  }
}

module attributes {stable_mosaic.version = 14 : i64} {
  func.func @body(%arg0: i32, %arg1: memref<2x2000x64xf32, #tpu.memory_space<vmem>>, %arg2: memref<2000x64xf32, #tpu.memory_space<vmem>>, %arg3: memref<2000x1xf32, #tpu.memory_space<vmem>>, %arg4: memref<1x64xf32, #tpu.memory_space<vmem>>, %arg5: memref<64x48xf32, #tpu.memory_space<vmem>>, %arg6: memref<2000x48xf32, #tpu.memory_space<vmem>>) attributes {dimension_semantics = [#tpu.dimension_semantics<arbitrary>], iteration_bounds = array<i64: 5>, scalar_prefetch = 0 : i64, scratch_operands = 0 : i64, tpu.core_type = #tpu.core_type<tc>, window_params = [{transform_indices = @transform_0, window_bounds = array<i64: 2, 2000, 64>}, {transform_indices = @transform_1, window_bounds = array<i64: 2000, 64>}, {transform_indices = @transform_2, window_bounds = array<i64: 2000, 1>}, {pipeline_mode = #tpu.pipeline_mode<synchronous>, transform_indices = @transform_3, window_bounds = array<i64: 1, 64>}, {pipeline_mode = #tpu.pipeline_mode<synchronous>, transform_indices = @transform_4, window_bounds = array<i64: 64, 48>}, {transform_indices = @transform_5, window_bounds = array<i64: 2000, 48>}]} {
    %get3A = arith.constant 0 : index
    %get3A_0 = arith.constant 0 : index
    %get3A_1 = arith.constant 0 : index
    %get3A_2 = vector.load %arg1[%get3A, %get3A_0, %get3A_1] : memref<2x2000x64xf32, #tpu.memory_space<vmem>>, vector<1x2000x64xf32>
    %get3A_3 = vector.shape_cast %get3A_2 : vector<1x2000x64xf32> to vector<2000x64xf32>
    %get3A_4 = arith.constant 1 : index
    %get3A_5 = arith.constant 0 : index
    %get3A_6 = arith.constant 0 : index
    %get3A_7 = vector.load %arg1[%get3A_4, %get3A_5, %get3A_6] : memref<2x2000x64xf32, #tpu.memory_space<vmem>>, vector<1x2000x64xf32>
    %get3A_8 = vector.shape_cast %get3A_7 : vector<1x2000x64xf32> to vector<2000x64xf32>
    %add3A = arith.addf %get3A_3, %get3A_8 : vector<2000x64xf32>
    %get3A_9 = arith.constant 0 : index
    %get3A_10 = arith.constant 0 : index
    %get3A_11 = vector.load %arg3[%get3A_9, %get3A_10] : memref<2000x1xf32, #tpu.memory_space<vmem>>, vector<2000x1xf32>
    %get3A_12 = arith.constant 0 : index
    %get3A_13 = arith.constant 0 : index
    %get3A_14 = vector.load %arg2[%get3A_12, %get3A_13] : memref<2000x64xf32, #tpu.memory_space<vmem>>, vector<2000x64xf32>
    %add3A_15 = arith.addf %add3A, %get3A_14 : vector<2000x64xf32>
    %mul3A = vector.broadcast %get3A_11 : vector<2000x1xf32> to vector<2000x64xf32>
    %mul3A_16 = arith.mulf %mul3A, %add3A_15 : vector<2000x64xf32>
    %get3A_17 = arith.constant 0 : index
    %get3A_18 = arith.constant 0 : index
    %get3A_19 = vector.load %arg4[%get3A_17, %get3A_18] : memref<1x64xf32, #tpu.memory_space<vmem>>, vector<1x64xf32>
    %add3A_20 = vector.broadcast %get3A_19 : vector<1x64xf32> to vector<2000x64xf32>
    %add3A_21 = arith.addf %mul3A_16, %add3A_20 : vector<2000x64xf32>
    %max3A = arith.constant 0.000000e+00 : f32
    %max3A_22 = vector.broadcast %max3A : f32 to vector<2000x64xf32>
    %max3A_23 = arith.maximumf %add3A_21, %max3A_22 : vector<2000x64xf32>
    %get3A_24 = arith.constant 0 : index
    %get3A_25 = arith.constant 0 : index
    %get3A_26 = vector.load %arg5[%get3A_24, %get3A_25] : memref<64x48xf32, #tpu.memory_space<vmem>>, vector<64x48xf32>
    %dot_general3A = arith.constant dense<0.000000e+00> : vector<2000x48xf32>
    %dot_general3A_27 = tpu.matmul %max3A_23, %get3A_26, %dot_general3A {dimension_numbers = #tpu.dot_dimension_numbers<[1], [0], [0], [1], [0, 0, 1, 1], [], []>, transpose_lhs_hint = false} : vector<2000x64xf32>, vector<64x48xf32>, vector<2000x48xf32> -> vector<2000x48xf32>
    %mul3A_28 = vector.broadcast %get3A_11 : vector<2000x1xf32> to vector<2000x48xf32>
    %mul3A_29 = arith.mulf %mul3A_28, %dot_general3A_27 : vector<2000x48xf32>
    %swap3A = arith.constant 0 : index
    %swap3A_30 = arith.constant 0 : index
    %swap3A_31 = vector.load %arg6[%swap3A, %swap3A_30] : memref<2000x48xf32, #tpu.memory_space<vmem>>, vector<2000x48xf32>
    tpu.vector_store %arg6[%swap3A, %swap3A_30], %mul3A_29 {strides = array<i32>} : memref<2000x48xf32, #tpu.memory_space<vmem>>, vector<2000x48xf32>,
    return
  }
  func.func @transform_0(%arg0: i32) -> (i32, i32, i32) {
    %c0_i32 = arith.constant 0 : i32
    %c0_i32_0 = arith.constant 0 : i32
    %c0_i32_1 = arith.constant 0 : i32
    return %c0_i32, %arg0, %c0_i32_0 : i32, i32, i32
  }
  func.func @transform_1(%arg0: i32) -> (i32, i32) {
    %c0_i32 = arith.constant 0 : i32
    %c0_i32_0 = arith.constant 0 : i32
    return %arg0, %c0_i32 : i32, i32
  }
  func.func @transform_2(%arg0: i32) -> (i32, i32) {
    %c0_i32 = arith.constant 0 : i32
    %c0_i32_0 = arith.constant 0 : i32
    return %arg0, %c0_i32 : i32, i32
  }
  func.func @transform_3(%arg0: i32) -> (i32, i32) {
    %c0_i32 = arith.constant 0 : i32
    %c0_i32_0 = arith.constant 0 : i32
    %c0_i32_1 = arith.constant 0 : i32
    return %c0_i32, %c0_i32_0 : i32, i32
  }
  func.func @transform_4(%arg0: i32) -> (i32, i32) {
    %c0_i32 = arith.constant 0 : i32
    %c0_i32_0 = arith.constant 0 : i32
    %c0_i32_1 = arith.constant 0 : i32
    return %c0_i32, %c0_i32_0 : i32, i32
  }
  func.func @transform_5(%arg0: i32) -> (i32, i32) {
    %c0_i32 = arith.constant 0 : i32
    %c0_i32_0 = arith.constant 0 : i32
    return %arg0, %c0_i32 : i32, i32
  }
}

module attributes {stable_mosaic.version = 14 : i64} {
  func.func @body(%arg0: i32, %arg1: memref<2x2000x48xf32, #tpu.memory_space<vmem>>, %arg2: memref<2000x48xf32, #tpu.memory_space<vmem>>, %arg3: memref<2000x1xf32, #tpu.memory_space<vmem>>, %arg4: memref<1x48xf32, #tpu.memory_space<vmem>>, %arg5: memref<2000x48xf32, #tpu.memory_space<vmem>>) attributes {dimension_semantics = [#tpu.dimension_semantics<arbitrary>], iteration_bounds = array<i64: 5>, scalar_prefetch = 0 : i64, scratch_operands = 0 : i64, tpu.core_type = #tpu.core_type<tc>, window_params = [{transform_indices = @transform_0, window_bounds = array<i64: 2, 2000, 48>}, {transform_indices = @transform_1, window_bounds = array<i64: 2000, 48>}, {transform_indices = @transform_2, window_bounds = array<i64: 2000, 1>}, {pipeline_mode = #tpu.pipeline_mode<synchronous>, transform_indices = @transform_3, window_bounds = array<i64: 1, 48>}, {transform_indices = @transform_4, window_bounds = array<i64: 2000, 48>}]} {
    %get3A = arith.constant 0 : index
    %get3A_0 = arith.constant 0 : index
    %get3A_1 = arith.constant 0 : index
    %get3A_2 = vector.load %arg1[%get3A, %get3A_0, %get3A_1] : memref<2x2000x48xf32, #tpu.memory_space<vmem>>, vector<1x2000x48xf32>
    %get3A_3 = vector.shape_cast %get3A_2 : vector<1x2000x48xf32> to vector<2000x48xf32>
    %get3A_4 = arith.constant 1 : index
    %get3A_5 = arith.constant 0 : index
    %get3A_6 = arith.constant 0 : index
    %get3A_7 = vector.load %arg1[%get3A_4, %get3A_5, %get3A_6] : memref<2x2000x48xf32, #tpu.memory_space<vmem>>, vector<1x2000x48xf32>
    %get3A_8 = vector.shape_cast %get3A_7 : vector<1x2000x48xf32> to vector<2000x48xf32>
    %add3A = arith.addf %get3A_3, %get3A_8 : vector<2000x48xf32>
    %get3A_9 = arith.constant 0 : index
    %get3A_10 = arith.constant 0 : index
    %get3A_11 = vector.load %arg3[%get3A_9, %get3A_10] : memref<2000x1xf32, #tpu.memory_space<vmem>>, vector<2000x1xf32>
    %get3A_12 = arith.constant 0 : index
    %get3A_13 = arith.constant 0 : index
    %get3A_14 = vector.load %arg2[%get3A_12, %get3A_13] : memref<2000x48xf32, #tpu.memory_space<vmem>>, vector<2000x48xf32>
    %add3A_15 = arith.addf %add3A, %get3A_14 : vector<2000x48xf32>
    %mul3A = vector.broadcast %get3A_11 : vector<2000x1xf32> to vector<2000x48xf32>
    %mul3A_16 = arith.mulf %mul3A, %add3A_15 : vector<2000x48xf32>
    %get3A_17 = arith.constant 0 : index
    %get3A_18 = arith.constant 0 : index
    %get3A_19 = vector.load %arg4[%get3A_17, %get3A_18] : memref<1x48xf32, #tpu.memory_space<vmem>>, vector<1x48xf32>
    %add3A_20 = vector.broadcast %get3A_19 : vector<1x48xf32> to vector<2000x48xf32>
    %add3A_21 = arith.addf %mul3A_16, %add3A_20 : vector<2000x48xf32>
    %swap3A = arith.constant 0 : index
    %swap3A_22 = arith.constant 0 : index
    %swap3A_23 = vector.load %arg5[%swap3A, %swap3A_22] : memref<2000x48xf32, #tpu.memory_space<vmem>>, vector<2000x48xf32>
    tpu.vector_store %arg5[%swap3A, %swap3A_22], %add3A_21 {strides = array<i32>} : memref<2000x48xf32, #tpu.memory_space<vmem>>, vector<2000x48xf32>,
    return
  }
  func.func @transform_0(%arg0: i32) -> (i32, i32, i32) {
    %c0_i32 = arith.constant 0 : i32
    %c0_i32_0 = arith.constant 0 : i32
    %c0_i32_1 = arith.constant 0 : i32
    return %c0_i32, %arg0, %c0_i32_0 : i32, i32, i32
  }
  func.func @transform_1(%arg0: i32) -> (i32, i32) {
    %c0_i32 = arith.constant 0 : i32
    %c0_i32_0 = arith.constant 0 : i32
    return %arg0, %c0_i32 : i32, i32
  }
  func.func @transform_2(%arg0: i32) -> (i32, i32) {
    %c0_i32 = arith.constant 0 : i32
    %c0_i32_0 = arith.constant 0 : i32
    return %arg0, %c0_i32 : i32, i32
  }
  func.func @transform_3(%arg0: i32) -> (i32, i32) {
    %c0_i32 = arith.constant 0 : i32
    %c0_i32_0 = arith.constant 0 : i32
    %c0_i32_1 = arith.constant 0 : i32
    return %c0_i32, %c0_i32_0 : i32, i32
  }
  func.func @transform_4(%arg0: i32) -> (i32, i32) {
    %c0_i32 = arith.constant 0 : i32
    %c0_i32_0 = arith.constant 0 : i32
    return %arg0, %c0_i32 : i32, i32
  }
}

</mosaic_0001>

<sc_bundles>
// kernel: kernel.11.cloned.1.call-start
scs
__scs_entry_jumppad:
0x0: {  	(pc) =	sbr.rel $0x88, $3  }
0x1: {  	(tag) =	ssettag $0x0;
	lr =	simm.s32 $0x1  }
0x2: {  	[smem:$0x3F9A] =	sst lr;
	_ =	strace $0xD0000000  }
0x3: {  	_ = 	snop  }
0x4: {  	_ = 	snop  }
0x5: {  	_ = 	snop  }
0x6: {  	_ = 	snop  }
0x7: {  	_ = 	snop  }
__scs_overlays_trampoline_lowered:
0x8: {  	[smem:$0x3FA9] =	sst s0  }
0x9: {  	[smem:$0x3FAA] =	sst s1  }
0xa: {  	[smem:$0x3FAB] =	sst s2  }
0xb: {  	[smem:$0x3FAC] =	sst s3  }
0xc: {  	[smem:$0x3FAD] =	sst s4  }
0xd: {  	[smem:$0x3FAE] =	sst s5  }
0xe: {  	[smem:$0x3FAF] =	sst s6  }
0xf: {  	[smem:$0x3FB0] =	sst s7  }
0x10: {  	[smem:$0x3FB1] =	sst s8  }
0x11: {  	[smem:$0x3FB2] =	sst s9;
	s0 =	simm.s32 @!p0 $0x0  }
0x12: {  	s1 =	sld [smem:$0x3F98];
	s0 =	simm.s32 @p0 $0x1  }
0x13: {  	[smem:$0x3FB3] =	sst s0;
	s0 =	simm.s32 @!p1 $0x0  }
0x14: {  	s2 =	sld [smem:$0x3F97];
	s0 =	simm.s32 @p1 $0x1  }
0x15: {  	[smem:$0x3FB4] =	sst s0;
	s0 =	simm.s32 @!p2 $0x0  }
0x16: {  	s3 =	sld [smem:$0x3FDB];
	s0 =	simm.s32 @p2 $0x1  }
0x17: {  	s4 =	simm.s32 $0x1BF5;
	[smem:$0x3FB6] =	sst s0  }
0x18: {  	s0 =	sld [smem:$0x3F99];
	_ =	swait.ge [sflag:s4], $0x0  }
0x19: {  	s7 =	sld [smem:$0x3F9A]  }
0x1a: {  	s8 =	sadd.s32 $0xFFFFE003, lr  }
0x1b: {  	s9 =	sadd.s32 $0xFFFFFEF7, lr;
	s5 =	simm.s32 $0xFFFFFFFF;
	p2 =	slt.u32 s8, $0xFFFFF086  }
0x1c: {  	p1 =	slt.u32 s9, $0xF7A;
	s5 =	simm.s32 @!p2 $0x0  }
0x1d: {  	s5 =	simm.s32 @p1 $0x1;
	p0 =	seq.s32 s7, s2  }
0x1e: {  	s7 =	smul.u32 @!p0 $0xF7A, s2;
	p2 =	seq.s32 @!p0 s5, $0x0  }
0x1f: {  	s9 =	smul.u32 $0xF7A, s1;
	s8 =	simm.s32 @!p0 $0x1BF5;
	p2 =	por !p2, p0  }
0x20: {  	[sflag:s8] =	ssyncset.s32 @!p0 $0xFFFFF086;
	s6 =	sadd.s32 @!p0 s3, s7;
	s7 =	simm.s32 @!p0 $0x108  }
0x21: {  	s3 =	sadd.s32 s3, s9;
	s6 =	sadd.s32 @!p0 $0x88, s6;
	s7 =	simm.s32 @p2 $0x1082  }
0x22: {  	[simem:s7], [sflag:s8] =	dma.local @!p0 [hbm:s6], $0xF7A  }
0x23: {  	s9 =	sor.u32 $0xD0000000, s2;
	s6 =	simm.s32 $0x108;
	_ =	swait.ge @!p0 [sflag:s8], $0x0  }
0x24: {  	s3 =	sadd.s32 $0x88, s3;
	s6 =	simm.s32 @!p1 $0x1082;
	[sflag:s4] =	ssyncset.s32 $0xFFFFF086  }
0x25: {  	[simem:s6], [sflag:s4] =	dma.local [hbm:s3], $0xF7A  }
0x26: {  	[smem:$0x3F9A] =	sst s1;
	(tag) =	ssettag s2;
	_ =	strace s9  }
0x27: {  	s1 =	sld [smem:$0x3FAA]  }
0x28: {  	s2 =	sld [smem:$0x3FAB]  }
0x29: {  	s4 =	sld [smem:$0x3FAD]  }
0x2a: {  	p0 =	seq.s32 s5, $0x0;
	s5 =	sld [smem:$0x3FAE]  }
0x2b: {  	s6 =	sld [smem:$0x3FAF]  }
0x2c: {  	s7 =	sld [smem:$0x3FB0]  }
0x2d: {  	s3 =	simm.s32 $0x108;
	s8 =	sld [smem:$0x3FB1]  }
0x2e: {  	s3 =	simm.s32 @!p0 $0x1082;
	s9 =	sld [smem:$0x3FB2]  }
0x2f: {  	lr =	sadd.s32 s0, s3;
	s0 =	sld [smem:$0x3FA9]  }
0x30: {  	s3 =	sld [smem:$0x3FAC]  }
0x31: {  	[smem:$0x3FB5] =	sst s10  }
0x32: {  	s10 =	sld [smem:$0x3FB3];
	_ =	sdelay $0x3  }
0x33: {  	p0 =	seq.s32 s10, $0x1;
	s10 =	sld [smem:$0x3FB5];
	_ =	sdelay $0x3  }
0x34: {  	[smem:$0x3FB5] =	sst s10  }
0x35: {  	s10 =	sld [smem:$0x3FB4];
	_ =	sdelay $0x3  }
0x36: {  	p1 =	seq.s32 s10, $0x1;
	s10 =	sld [smem:$0x3FB5];
	_ =	sdelay $0x3  }
0x37: {  	[smem:$0x3FB5] =	sst s10  }
0x38: {  	s10 =	sld [smem:$0x3FB6]  }
0x39: {  	_ = 	snop;
	(pc) =	sbr.ind lr, $3  }
0x3a: {  	_ = 	snop  }
0x3b: {  	_ = 	snop  }
0x3c: {  	p2 =	seq.s32 s10, $0x1;
	s10 =	sld [smem:$0x3FB5]  }
0x3d: {  	_ =	shalt  }
0x3e: {  	_ =	shalt  }
0x3f: {  	_ =	shalt  }
0x40: {  	_ =	shalt  }
0x41: {  	_ =	shalt  }
0x42: {  	_ =	shalt  }
0x43: {  	_ =	shalt  }
0x44: {  	_ =	shalt  }
0x45: {  	_ =	shalt  }
0x46: {  	_ =	shalt  }
0x47: {  	_ =	shalt  }
0x48: {  	_ =	shalt  }
0x49: {  	_ =	shalt  }
0x4a: {  	_ =	shalt  }
0x4b: {  	_ =	shalt  }
0x4c: {  	_ =	shalt  }
0x4d: {  	_ =	shalt  }
0x4e: {  	_ =	shalt  }
0x4f: {  	_ =	shalt  }
0x50: {  	_ =	shalt  }
0x51: {  	_ =	shalt  }
0x52: {  	_ =	shalt  }
0x53: {  	_ =	shalt  }
0x54: {  	_ =	shalt  }
0x55: {  	_ =	shalt  }
0x56: {  	_ =	shalt  }
0x57: {  	_ =	shalt  }
0x58: {  	_ =	shalt  }
0x59: {  	_ =	shalt  }
0x5a: {  	_ =	shalt  }
0x5b: {  	_ =	shalt  }
0x5c: {  	_ =	shalt  }
0x5d: {  	_ =	shalt  }
0x5e: {  	_ =	shalt  }
0x5f: {  	_ =	shalt  }
0x60: {  	_ =	shalt  }
0x61: {  	_ =	shalt  }
0x62: {  	_ =	shalt  }
0x63: {  	_ =	shalt  }
0x64: {  	_ =	shalt  }
0x65: {  	_ =	shalt  }
0x66: {  	_ =	shalt  }
0x67: {  	_ =	shalt  }
0x68: {  	_ =	shalt  }
0x69: {  	_ =	shalt  }
0x6a: {  	_ =	shalt  }
0x6b: {  	_ =	shalt  }
0x6c: {  	_ =	shalt  }
0x6d: {  	_ =	shalt  }
0x6e: {  	_ =	shalt  }
0x6f: {  	_ =	shalt  }
0x70: {  	_ =	shalt  }
0x71: {  	_ =	shalt  }
0x72: {  	_ =	shalt  }
0x73: {  	_ =	shalt  }
0x74: {  	_ =	shalt  }
0x75: {  	_ =	shalt  }
0x76: {  	_ =	shalt  }
0x77: {  	_ =	shalt  }
0x78: {  	_ =	shalt  }
0x79: {  	_ =	shalt  }
0x7a: {  	_ =	shalt  }
0x7b: {  	_ =	shalt  }
0x7c: {  	_ =	shalt  }
0x7d: {  	_ =	shalt  }
0x7e: {  	_ =	shalt  }
0x7f: {  	_ =	shalt  }
0x80: {  	_ =	shalt  }
0x81: {  	_ =	shalt  }
0x82: {  	_ =	shalt  }
0x83: {  	_ =	shalt  }
0x84: {  	_ =	shalt  }
0x85: {  	_ =	shalt  }
0x86: {  	_ =	shalt  }
0x87: {  	_ =	shalt  }
.Lfunc_end0:
.L_simem_size_0:
called_computation.1_lowered:
.L_overlay_start_0:
0x88: {  	s2 =	sld [smem:$0x3FD9]  }
0x89: {  	s3 =	sld [smem:$0x3FFE];
	_ =	sdelay $0x1  }
0x8a: {  	s1 =	srdreg.scid  }
0x8b: {  	s0 =	sand.u32 $0x1, s1  }
0x8c: {  	s16 =	sshll.u32 s0, $0xA;
	s2 =	sadd.s32 s3, s2  }
0x8d: {  	s2 =	sadd.s32 s2, s16  }
0x8e: {  	[smem:$0x3FC1] =	sst s2  }
0x8f: {  	_ = 	snop  }
0x90: {  	(tm) =	ssettm $0x1  }
0x91: {  	s17 =	sld [smem:$0x3FFB];
	_ =	sdelay $0x3  }
0x92: {  	_ =	strace s17  }
0x93: {  	s2 =	sld [smem:$0x3FFC];
	_ =	sdelay $0x3  }
0x94: {  	_ =	strace s2  }
0x95: {  	s2 =	sld [smem:$0x3FFD];
	_ =	sdelay $0x3  }
0x96: {  	_ =	strace s2  }
0x97: {  	_ =	strace $0x8FFFFFFF  }
0x98: {  	s18 =	sld [smem:$0x3FDB];
	_ =	sdelay $0x1  }
0x99: {  	s19 =	simm.s32 $_scs_section_size  }
0x9a: {  	s4 =	simm.s32 $_size__tile_overlayer_lowered;
	s5 =	simm.s32 $_tile_overlayer_lowered  }
0x9b: {  	s22 =	simm.s32 $0x1BFF;
	s21 =	sshll.u32 s5, $0x1;
	s2 =	sadd.s32 s19, s18  }
0x9c: {  	s6 =	simm.s32 $0x0;
	s20 =	sshll.u32 s4, $0x1;
	s4 =	sadd.s32 s21, s2  }
0x9d: {  	[timem:s6], [sflag:s22] =	dma.local [hbm:s4], s20  }
0x9e: {  	_ =	swait.ge [sflag:s22], s20  }
0x9f: {  	s3 =	ssub.s32 $0x0, s20;
	[sflag:s22] =	ssyncset.done $0x0  }
0xa0: {  	[sflag:s22] =	ssyncadd.s32 s3;
	_ =	sdelay $0x1  }
0xa1: {  	s23 =	simm.s32 $0x1B8B  }
0xa2: {  	_ =	swait.ge [sflag:s23], $0x1  }
0xa3: {  	[sflag:s23] =	ssyncset.done $0x0  }
0xa4: {  	s25 =	simm.s32 $0x1B8E;
	s24 =	sld [smem:$0x3FFE];
	[sflag:s23] =	ssyncadd.s32 $0xFFFFFFFF  }
0xa5: {  	s26 =	simm.s32 $execute0_lowered;
	[smem:$0x3FD2] =	sst s25  }
0xa6: {  	s4 =	sshll.u32 s26, $0x1;
	_ =	strace $0x80000049;
	[dreg:$0x1] =	wrdreg $0xFFFFFFFF  }
0xa7: {  	s28 =	simm.s32 $_size_execute0_lowered;
	s2 =	sadd.s32 s2, s4;
	[dreg:$0x0] =	wrdreg $0x0  }
0xa8: {  	s4 =	sshll.u32 s28, $0x1;
	[dreg:$0x2] =	wrdreg s2  }
0xa9: {  	[dreg:$0x3] =	wrdreg s4  }
0xaa: {  	[dreg:$0x4] =	wrdreg $0xC0  }
0xab: {  	_ =	task [dreg:s6], $0x5FFFF  }
0xac: {  	[dreg:$0x1] =	wrdreg $0xFFFFFFFF  }
0xad: {  	[dreg:$0x0] =	wrdreg $0x60  }
0xae: {  	[dreg:$0x2] =	wrdreg s24  }
0xaf: {  	[dreg:$0x3] =	wrdreg $0x136800  }
0xb0: {  	[dreg:$0x4] =	wrdreg $0x9  }
0xb1: {  	_ =	task.clear_ibuf [dreg:s6], $0x5FFFF;
	_ =	strace $0x90000049  }
0xb2: {  	s29 =	simm.s32 $0x9;
	_ =	strace $0x8000004B  }
0xb3: {  	_ =	swait.ge [sflag:s29], $0x1  }
0xb4: {  	[sflag:s29] =	ssyncadd.s32 $0xFFFFFFFF  }
0xb5: {  	_ =	strace $0x9000004B  }
0xb6: {  	_ =	sfence  }
0xb7: {  	s30 =	sld [smem:$0x0];
	_ =	sdelay $0x2  }
0xb8: {  	s31 =	sshll.u32 s1, $0xD;
	s1 =	sshrl.u32 s1, $0x2  }
0xb9: {  	s3 =	sand.u32 $0x4000, s31;
	s1 =	sadd.s32 s1, s30  }
0xba: {  	s0 =	sor.u32 s3, s0;
	s1 =	sshll.u32 s1, $0x11  }
0xbb: {  	s0 =	sor.u32 s1, s0  }
0xbc: {  	s0 =	sadd.s32 $0x8F2B, s0  }
0xbd: {  	[sflag:s0] =	ssyncadd.remote.s32 $0x1  }
0xbe: {  	_ =	sfence.sel $0xFFFF  }
0xbf: {  	[dreg:$0x0] =	wrdreg $0xFFFFFFFF;
	(pc) =	sbr.abs _section_cstart, $3  }
0xc0: {  	[dreg:$0x1] =	wrdreg $0xFFFFFFFF  }
0xc1: {  	_ =	task.clear_ibuf [dreg:s6], $0x2FFFF;
	_ =	strace $0x9FFFFFFF  }
0xc2: {  	(tm) =	ssettm $0x7FFFFFFF  }
0xc3: {  	_ =	shalt  }
tec
execute0_lowered:
.L_overlay_start_1:
0x0: {  	(tag) =	ssettag $0x1  }
0x1: {  	s0 =	srdreg.scid  }
0x2: {  	s1 =	rddreg [dreg:$0x0];
	s11 =	stileid.u32;
	s0 =	sand.u32 $0x1, s0  }
0x3: {  	s2 =	rddreg [dreg:$0x1];
	s6 =	smul.u32 $0x28000, s11;
	s3 =	sshll.u32 s0, $0x4  }
0x4: {  	p0 =	seq.s32 s11, $0xF;
	s29 =	sadd.s32 $0x96000, s2;
	s4 =	sor.u32 s11, s3  }
0x5: {  	s30 =	sadd.s32 $0x98000, s2;
	s31 =	sadd.s32 $0x9A000, s2;
	s5 =	smul.u32 $0x4F0, s4  }
0x6: {  	s8 =	ssub.s32 $0x2, s0;
	s0 =	smul.u32 $0x9C400, s0;
	s9 =	sshrl.u32 s6, $0x2  }
0x7: {  	s3 =	simm.s32 $0x0;
	s7 =	sadd.s32 s5, s1;
	s5 =	sadd.s32 s9, s2  }
0x8: {  	s10 =	sshrl.u32 s8, $0x1;
	[smem:$0x7FF] =	sst s3;
	s12 =	sadd.s32 $0x2000, s5  }
0x9: {  	_ =	strace $0x8000004A;
	s13 =	sadd.s32 $0x4000, s5;
	[dreg:$0x3] =	wrdreg s12  }
0xa: {  	s4 =	sadd.s32 $0x2A000, s1;
	s14 =	sadd.s32 $0x20200, s7;
	[dreg:$0x4] =	wrdreg s13  }
0xb: {  	s6 =	ssub.s32 s8, s10;
	s15 =	sadd.s32 $0x1C00, s7;
	[dreg:$0x5] =	wrdreg s14  }
0xc: {  	s9 =	smul.u32 $0xA000, s11;
	s7 =	sadd.s32 $0xBA00, s7;
	[dreg:$0x6] =	wrdreg s15  }
0xd: {  	s1 =	sadd.s32 $0x3DA00, s1;
	s28 =	sadd.s32 $0x8000, s5;
	[dreg:$0x7] =	wrdreg s7  }
0xe: {  	s16 =	sadd.s32 s9, s0;
	s17 =	sadd.s32 $0x2000, s9;
	s10 =	sadd.s32 s9, s2  }
0xf: {  	s20 =	sadd.s32 $0x4000, s9;
	s23 =	sadd.s32 $0x6000, s9;
	s9 =	sadd.s32 $0x8000, s9  }
0x10: {  	[dreg:$0x8] =	wrdreg s10;
	s7 =	sshrl.u32 s16, $0x3;
	s18 =	sadd.s32 s0, s17  }
0x11: {  	s8 =	sadd.s32 s17, s2;
	s21 =	sadd.s32 s0, s20;
	s22 =	sadd.s32 s20, s2  }
0x12: {  	s24 =	sadd.s32 s0, s23;
	s25 =	sadd.s32 s0, s9;
	s0 =	sshrl.u32 s0, $0x3  }
0x13: {  	s7 =	sadd.s32 s1, s7;
	s19 =	sshrl.u32 s18, $0x3;
	[dreg:$0xa] =	wrdreg s8  }
0x14: {  	[dreg:$0xc] =	wrdreg s22;
	s8 =	sadd.s32 s23, s2;
	s26 =	sshrl.u32 s25, $0x3  }
0x15: {  	s0 =	sadd.s32 s1, s0;
	s25 =	smax.u32 s6, $0x1;
	[dreg:$0x9] =	wrdreg s7  }
0x16: {  	s6 =	simm.s32 $0x80;
	s7 =	sadd.s32 s1, s19;
	[dreg:$0xe] =	wrdreg s8  }
0x17: {  	v0 =	vimm.f32 $0.0e+00;
	v1 =	vimm.s32 $0x0;
	s19 =	sadd.s32 s9, s2;
	s20 =	sadd.s32 s1, s26;
	s22 =	sadd.s32 $0x13000, s0  }
0x18: {  	v2 =	vimm.s32 $0x1;
	v3 =	vimm.s32 $0x2;
	v4 =	vimm.s32 $0x3;
	s23 =	sadd.s32 $0x13400, s0;
	[dreg:$0xb] =	wrdreg s7;
	s7 =	sshrl.u32 s21, $0x3  }
0x19: {  	v5 =	vimm.s32 $0x4;
	v6 =	vimm.s32 $0x5;
	v7 =	vimm.s32 $0x6;
	s26 =	sadd.s32 $0x6000, s5;
	s8 =	simm.s32 $0x9;
	s7 =	sadd.s32 s1, s7  }
0x1a: {  	v8 =	vimm.s32 $0x7;
	v9 =	vimm.s32 $0x8;
	v10 =	vimm.s32 $0x9;
	s21 =	sadd.s32 $0x12C00, s0;
	[dreg:$0xd] =	wrdreg s7;
	s7 =	sshrl.u32 s24, $0x3  }
0x1b: {  	v11 =	vimm.s32 $0xA;
	v12 =	vimm.s32 $0xB;
	v13 =	vimm.s32 $0xC;
	s24 =	sadd.s32 $0x13800, s0;
	s0 =	simm.s32 $0xB;
	s7 =	sadd.s32 s1, s7  }
0x1c: {  	v14 =	vimm.s32 $0xD;
	v15 =	vimm.s32 $0xE;
	v16 =	vimm.s32 $0xF;
	s1 =	sadd.s32 $0x9C000, s2;
	[dreg:$0xf] =	wrdreg s7;
	s7 =	simm.s32 $0x8  }
.LBB2_1:
0x1d: {  	s10 =	simm.s32 $0x100;
	s9 =	simm.s32 $0x0  }
.LBB2_2:
0x1e: {  	p1 =	sne.s32 s10, $0x7F00;
	[tilespmem:s9+$0x116B0] =	vst v0;
	s11 =	smov.u32 s10;
	s10 =	sadd.s32 $0x100, s10  }
.Ltmp0:
0x1f: {  	[tilespmem:s9+$0x116A0] =	vst v0;
	(pc) =	sbr.rel @p1 .LBB2_2-.Ltmp0, $3  }
0x20: {  	[tilespmem:s9+$0x11680] =	vst v0  }
0x21: {  	[tilespmem:s9+$0x11690] =	vst v0;
	_ =	sdelay $0x1  }
0x22: {  	s9 =	sshra.s32 s11, $0x2  }
0x23: {  	[tilespmem:s9+$0x116B0] =	vst v0  }
0x24: {  	[tilespmem:s9+$0x116A0] =	vst v0  }
0x25: {  	[tilespmem:s9+$0x11680] =	vst v0  }
0x26: {  	[tilespmem:s9+$0x11690] =	vst v0;
	s9 =	simm.s32 @p0 $0x11680;
	s10 =	simm.s32 @p0 $0xB  }
0x27: {  	[spmem:s29] =	stream.linear.scatter @p0 [tilespmem:s9], [sflag:$0xB], $0x2000, $0x38;
	[tilespmem:$0x1D2C0] =	vst v63  }
0x28: {  	_ =	swait.ge @p0 [sflag:s10], $0x2000  }
0x29: {  	[sflag:s10] =	ssyncset.done @p0 $0x0  }
0x2a: {  	[sflag:s10] =	ssyncadd.s32 @p0 $0xFFFFE000  }
0x2b: {  	[spmem:s30] =	stream.linear.scatter @p0 [tilespmem:s9], [sflag:$0xB], $0x2000, $0x38;
	[tilespmem:$0x1D2C0] =	vst v63  }
0x2c: {  	_ =	swait.ge @p0 [sflag:s10], $0x2000  }
0x2d: {  	[sflag:s10] =	ssyncset.done @p0 $0x0  }
0x2e: {  	[sflag:s10] =	ssyncadd.s32 @p0 $0xFFFFE000  }
0x2f: {  	[spmem:s31] =	stream.linear.scatter @p0 [tilespmem:s9], [sflag:$0xB], $0x2000, $0x38;
	[tilespmem:$0x1D2C0] =	vst v63  }
0x30: {  	_ =	swait.ge @p0 [sflag:s10], $0x2000  }
0x31: {  	[sflag:s10] =	ssyncset.done @p0 $0x0  }
0x32: {  	[sflag:s10] =	ssyncadd.s32 @p0 $0xFFFFE000  }
0x33: {  	[spmem:s1] =	stream.linear.scatter @p0 [tilespmem:s9], [sflag:$0xB], $0x400, $0x38;
	[tilespmem:$0x1D2C0] =	vst v63  }
0x34: {  	_ =	swait.ge @p0 [sflag:s10], $0x400  }
0x35: {  	[sflag:s10] =	ssyncset.done @p0 $0x0  }
0x36: {  	s9 =	simm.s32 @!p0 $0x11680;
	[sflag:s10] =	ssyncadd.s32 @p0 $0xFFFFFC00;
	s10 =	simm.s32 @!p0 $0xB  }
0x37: {  	[spmem:s5] =	stream.linear.scatter @!p0 [tilespmem:s9], [sflag:$0xB], $0x2000, $0x38;
	[tilespmem:$0x1D2C0] =	vst v63  }
0x38: {  	_ =	swait.ge @!p0 [sflag:s10], $0x2000  }
0x39: {  	[sflag:s10] =	ssyncset.done @!p0 $0x0  }
0x3a: {  	s11 =	rddreg [dreg:$0x3];
	[sflag:s10] =	ssyncadd.s32 @!p0 $0xFFFFE000  }
0x3b: {  	[spmem:s11] =	stream.linear.scatter @!p0 [tilespmem:s9], [sflag:$0xB], $0x2000, $0x38;
	[tilespmem:$0x1D2C0] =	vst v63  }
0x3c: {  	_ =	swait.ge @!p0 [sflag:s10], $0x2000  }
0x3d: {  	[sflag:s10] =	ssyncset.done @!p0 $0x0  }
0x3e: {  	s11 =	rddreg [dreg:$0x4];
	[sflag:s10] =	ssyncadd.s32 @!p0 $0xFFFFE000  }
0x3f: {  	[spmem:s11] =	stream.linear.scatter @!p0 [tilespmem:s9], [sflag:$0xB], $0x2000, $0x38;
	[tilespmem:$0x1D2C0] =	vst v63  }
0x40: {  	_ =	swait.ge @!p0 [sflag:s10], $0x2000  }
0x41: {  	[sflag:s10] =	ssyncset.done @!p0 $0x0  }
0x42: {  	[sflag:s10] =	ssyncadd.s32 @!p0 $0xFFFFE000  }
0x43: {  	[spmem:s26] =	stream.linear.scatter @!p0 [tilespmem:s9], [sflag:$0xB], $0x2000, $0x38;
	[tilespmem:$0x1D2C0] =	vst v63  }
0x44: {  	_ =	swait.ge @!p0 [sflag:s10], $0x2000  }
0x45: {  	[sflag:s10] =	ssyncset.done @!p0 $0x0  }
0x46: {  	[sflag:s10] =	ssyncadd.s32 @!p0 $0xFFFFE000  }
0x47: {  	[spmem:s28] =	stream.linear.scatter @!p0 [tilespmem:s9], [sflag:$0xB], $0x2000, $0x38;
	[tilespmem:$0x1D2C0] =	vst v63  }
0x48: {  	_ =	swait.ge @!p0 [sflag:s10], $0x2000  }
0x49: {  	[sflag:s10] =	ssyncset.done @!p0 $0x0  }
0x4a: {  	s14 =	simm.s32 $0x0;
	[sflag:s10] =	ssyncadd.s32 @!p0 $0xFFFFE000;
	s10 =	rddreg [dreg:$0x5]  }
0x4b: {  	[tilespmem:s14], [sflag:$0xB] =	stream.linear.gather [hbm4b:s10+s14], $0x2780, $0x38;
	[tilespmem:$0x1D2C0] =	vst v63  }
0x4c: {  	_ =	swait.ge [sflag:s0], $0x2780  }
0x4d: {  	[sflag:s0] =	ssyncset.done $0x0  }
0x4e: {  	s12 =	simm.s32 $0x2780;
	s11 =	rddreg [dreg:$0x6];
	[sflag:s0] =	ssyncadd.s32 $0xFFFFD880  }
0x4f: {  	[tilespmem:s12], [sflag:$0xB] =	stream.linear.gather [hbm4b:s11+s14], $0x2780, $0x38;
	[tilespmem:$0x1D2C0] =	vst v63  }
0x50: {  	_ =	swait.ge [sflag:s0], $0x2780  }
0x51: {  	[sflag:s0] =	ssyncset.done $0x0  }
0x52: {  	s10 =	simm.s32 $0x4F00;
	s13 =	rddreg [dreg:$0x7];
	[sflag:s0] =	ssyncadd.s32 $0xFFFFD880  }
0x53: {  	[tilespmem:s10], [sflag:$0xB] =	stream.linear.gather [hbm4b:s13+s14], $0x2780, $0x38;
	[tilespmem:$0x1D2C0] =	vst v63  }
0x54: {  	_ =	swait.ge [sflag:s0], $0x2780  }
0x55: {  	[sflag:s0] =	ssyncset.done $0x0  }
0x56: {  	[sflag:s0] =	ssyncadd.s32 $0xFFFFD880  }
0x57: {  	s15 =	simm.s32 $0x7680;
	[bflag:$0x0] =	sbarrier.arrive $0xFFFF  }
0x58: {  	[tilespmem:s15], [sflag:$0x1] =	stream.indirect.gather [hbm4b:s4+s6], $0x40, s14, s6, $0xb8;
	[tilespmem:$0x1D2C0] =	vst v63  }
0x59: {  	s16 =	simm.s32 $0x9680;
	s17 =	simm.s32 $0x100  }
0x5a: {  	[tilespmem:s16], [sflag:$0x2] =	stream.indirect.gather [hbm4b:s4+s6], $0x40, s6, s6, $0xb8;
	[tilespmem:$0x1D2C0] =	vst v63  }
0x5b: {  	s18 =	simm.s32 $0xB680;
	s11 =	simm.s32 $0x3;
	s12 =	simm.s32 $0x0  }
0x5c: {  	[tilespmem:s18], [sflag:$0x3] =	stream.indirect.gather [hbm4b:s4+s6], $0x40, s17, s6, $0xb8;
	[tilespmem:$0x1D2C0] =	vst v63  }
.LBB2_4:
0x5d: {  	p1 =	slt.u32 s12, $0x2  }
0x5e: {  	s9 =	sadd.s32 @!p1 $0x6, s11  }
0x5f: {  	p2 =	slt.u32 @!p1 s12, $0x4C;
	_ =	swait.ge @!p1 [sflag:s9], $0x2000  }
0x60: {  	s13 =	sshll.u32 s12, $0x9;
	p2 =	por p1, p2;
	[sflag:s9] =	ssyncset.done @!p1 $0x0  }
0x61: {  	s13 =	sshll.u32 @p2 s12, $0x9;
	[sflag:s9] =	ssyncadd.s32 @!p1 $0xFFFFE000;
	s9 =	sshll.u32 @p2 s11, $0xF  }
0x62: {  	s15 =	sshrl.u32 @p2 s13, $0x2;
	s9 =	sshra.s32 @p2 s9, $0x2  }
0x63: {  	s16 =	sadd.s32 @p2 $0x1, s11;
	s15 =	sadd.s32 @p2 $0x180, s15;
	s9 =	sadd.s32 @p2 $0x7680, s9  }
0x64: {  	[tilespmem:s9], [sflag:s16] =	stream.indirect.gather @p2 [hbm4b:s4+s6], $0x40, s15, s6, $0xb8;
	[tilespmem:$0x1D2C0] =	vst v63  }
0x65: {  	v17 =	vmov s10;
	s9 =	sadd.s32 $0x1, s14  }
0x66: {  	s17 =	sshll.u32 s14, $0xF;
	_ =	swait.ge [sflag:s9], $0x2000  }
0x67: {  	s18 =	sshra.s32 s17, $0x2;
	s17 =	simm.s32 $0x0;
	[sflag:s9] =	ssyncset.done $0x0  }
0x68: {  	s15 =	sadd.s32 $0x7680, s18;
	s16 =	sadd.s32 $0x7880, s18;
	[sflag:s9] =	ssyncadd.s32 $0xFFFFE000  }
.LBB2_5:
0x69: {  	s18 =	sshra.s32 s17, $0x2  }
0x6a: {  	v18 =	vld.idx.msk [tilespmem:v17+s18+$0x0 ss:$0x1], $0xffff;
	_ =	sdelay $0x1  }
0x6b: {  	v19 =	vld [tilespmem:s16+$0xFFFFFE00];
	_ =	sdelay $0x2  }
0x6c: {  	v20 =	vperm.xlane v18, v1;
	_ =	sdelay $0x1  }
0x6d: {  	v19 =	vmul.f32 v19, v20;
	_ =	sdelay $0x1  }
0x6e: {  	[tilespmem:s16+$0xFFFFFE00] =	vst v19;
	v19 =	vld [tilespmem:s16+$0xFFFFFE10];
	_ =	sdelay $0x4  }
0x6f: {  	v19 =	vmul.f32 v19, v20;
	_ =	sdelay $0x1  }
0x70: {  	[tilespmem:s16+$0xFFFFFE10] =	vst v19;
	v19 =	vld [tilespmem:s16+$0xFFFFFE20];
	_ =	sdelay $0x4  }
0x71: {  	v19 =	vmul.f32 v19, v20;
	_ =	sdelay $0x1  }
0x72: {  	[tilespmem:s16+$0xFFFFFE20] =	vst v19;
	v19 =	vld [tilespmem:s16+$0xFFFFFE30];
	_ =	sdelay $0x4  }
0x73: {  	v19 =	vmul.f32 v19, v20;
	_ =	sdelay $0x1  }
0x74: {  	[tilespmem:s16+$0xFFFFFE30] =	vst v19;
	v19 =	vld [tilespmem:s16+$0xFFFFFE40];
	_ =	sdelay $0x2  }
0x75: {  	v50 =	vperm.xlane v18, v2;
	_ =	sdelay $0x1  }
0x76: {  	v19 =	vmul.f32 v19, v50;
	_ =	sdelay $0x1  }
0x77: {  	[tilespmem:s16+$0xFFFFFE40] =	vst v19;
	v19 =	vld [tilespmem:s16+$0xFFFFFE50];
	_ =	sdelay $0x4  }
0x78: {  	v19 =	vmul.f32 v19, v50;
	_ =	sdelay $0x1  }
0x79: {  	[tilespmem:s16+$0xFFFFFE50] =	vst v19;
	v19 =	vld [tilespmem:s16+$0xFFFFFE60];
	_ =	sdelay $0x4  }
0x7a: {  	v19 =	vmul.f32 v19, v50;
	_ =	sdelay $0x1  }
0x7b: {  	[tilespmem:s16+$0xFFFFFE60] =	vst v19;
	v19 =	vld [tilespmem:s16+$0xFFFFFE70];
	_ =	sdelay $0x4  }
0x7c: {  	v19 =	vmul.f32 v19, v50;
	_ =	sdelay $0x1  }
0x7d: {  	[tilespmem:s16+$0xFFFFFE70] =	vst v19;
	v19 =	vld [tilespmem:s16+$0xFFFFFE80];
	_ =	sdelay $0x2  }
0x7e: {  	v51 =	vperm.xlane v18, v3;
	_ =	sdelay $0x1  }
0x7f: {  	v19 =	vmul.f32 v19, v51;
	_ =	sdelay $0x1  }
0x80: {  	[tilespmem:s16+$0xFFFFFE80] =	vst v19;
	v19 =	vld [tilespmem:s16+$0xFFFFFE90];
	_ =	sdelay $0x4  }
0x81: {  	v19 =	vmul.f32 v19, v51;
	_ =	sdelay $0x1  }
0x82: {  	[tilespmem:s16+$0xFFFFFE90] =	vst v19;
	v19 =	vld [tilespmem:s16+$0xFFFFFEA0];
	_ =	sdelay $0x4  }
0x83: {  	v19 =	vmul.f32 v19, v51;
	_ =	sdelay $0x1  }
0x84: {  	[tilespmem:s16+$0xFFFFFEA0] =	vst v19;
	v19 =	vld [tilespmem:s16+$0xFFFFFEB0];
	_ =	sdelay $0x4  }
0x85: {  	v19 =	vmul.f32 v19, v51;
	_ =	sdelay $0x1  }
0x86: {  	[tilespmem:s16+$0xFFFFFEB0] =	vst v19;
	v19 =	vld [tilespmem:s16+$0xFFFFFEC0];
	_ =	sdelay $0x2  }
0x87: {  	v52 =	vperm.xlane v18, v4;
	_ =	sdelay $0x1  }
0x88: {  	v19 =	vmul.f32 v19, v52;
	_ =	sdelay $0x1  }
0x89: {  	[tilespmem:s16+$0xFFFFFEC0] =	vst v19;
	v19 =	vld [tilespmem:s16+$0xFFFFFED0];
	_ =	sdelay $0x4  }
0x8a: {  	v19 =	vmul.f32 v19, v52;
	_ =	sdelay $0x1  }
0x8b: {  	[tilespmem:s16+$0xFFFFFED0] =	vst v19;
	v19 =	vld [tilespmem:s16+$0xFFFFFEE0];
	_ =	sdelay $0x4  }
0x8c: {  	v19 =	vmul.f32 v19, v52;
	_ =	sdelay $0x1  }
0x8d: {  	[tilespmem:s16+$0xFFFFFEE0] =	vst v19;
	v19 =	vld [tilespmem:s16+$0xFFFFFEF0];
	_ =	sdelay $0x4  }
0x8e: {  	v19 =	vmul.f32 v19, v52;
	_ =	sdelay $0x1  }
0x8f: {  	[tilespmem:s16+$0xFFFFFEF0] =	vst v19;
	v19 =	vld [tilespmem:s16+$0xFFFFFF00];
	_ =	sdelay $0x2  }
0x90: {  	v53 =	vperm.xlane v18, v5;
	_ =	sdelay $0x1  }
0x91: {  	v19 =	vmul.f32 v19, v53;
	_ =	sdelay $0x1  }
0x92: {  	[tilespmem:s16+$0xFFFFFF00] =	vst v19;
	v19 =	vld [tilespmem:s16+$0xFFFFFF10];
	_ =	sdelay $0x4  }
0x93: {  	v19 =	vmul.f32 v19, v53;
	_ =	sdelay $0x1  }
0x94: {  	[tilespmem:s16+$0xFFFFFF10] =	vst v19;
	v19 =	vld [tilespmem:s16+$0xFFFFFF20];
	_ =	sdelay $0x4  }
0x95: {  	v19 =	vmul.f32 v19, v53;
	_ =	sdelay $0x1  }
0x96: {  	[tilespmem:s16+$0xFFFFFF20] =	vst v19;
	v19 =	vld [tilespmem:s16+$0xFFFFFF30];
	_ =	sdelay $0x4  }
0x97: {  	v19 =	vmul.f32 v19, v53;
	_ =	sdelay $0x1  }
0x98: {  	[tilespmem:s16+$0xFFFFFF30] =	vst v19;
	v19 =	vld [tilespmem:s16+$0xFFFFFF40];
	_ =	sdelay $0x2  }
0x99: {  	v54 =	vperm.xlane v18, v6;
	_ =	sdelay $0x1  }
0x9a: {  	v19 =	vmul.f32 v19, v54;
	_ =	sdelay $0x1  }
0x9b: {  	[tilespmem:s16+$0xFFFFFF40] =	vst v19;
	v19 =	vld [tilespmem:s16+$0xFFFFFF50];
	_ =	sdelay $0x4  }
0x9c: {  	v19 =	vmul.f32 v19, v54;
	_ =	sdelay $0x1  }
0x9d: {  	[tilespmem:s16+$0xFFFFFF50] =	vst v19;
	v19 =	vld [tilespmem:s16+$0xFFFFFF60];
	_ =	sdelay $0x4  }
0x9e: {  	v19 =	vmul.f32 v19, v54;
	_ =	sdelay $0x1  }
0x9f: {  	[tilespmem:s16+$0xFFFFFF60] =	vst v19;
	v19 =	vld [tilespmem:s16+$0xFFFFFF70];
	_ =	sdelay $0x4  }
0xa0: {  	v19 =	vmul.f32 v19, v54;
	_ =	sdelay $0x1  }
0xa1: {  	[tilespmem:s16+$0xFFFFFF70] =	vst v19;
	v19 =	vld [tilespmem:s16+$0xFFFFFF80];
	_ =	sdelay $0x2  }
0xa2: {  	v55 =	vperm.xlane v18, v7;
	_ =	sdelay $0x1  }
0xa3: {  	v19 =	vmul.f32 v19, v55;
	_ =	sdelay $0x1  }
0xa4: {  	[tilespmem:s16+$0xFFFFFF80] =	vst v19;
	v19 =	vld [tilespmem:s16+$0xFFFFFF90];
	_ =	sdelay $0x4  }
0xa5: {  	v19 =	vmul.f32 v19, v55;
	_ =	sdelay $0x1  }
0xa6: {  	[tilespmem:s16+$0xFFFFFF90] =	vst v19;
	v19 =	vld [tilespmem:s16+$0xFFFFFFA0];
	_ =	sdelay $0x4  }
0xa7: {  	v19 =	vmul.f32 v19, v55;
	_ =	sdelay $0x1  }
0xa8: {  	[tilespmem:s16+$0xFFFFFFA0] =	vst v19;
	v19 =	vld [tilespmem:s16+$0xFFFFFFB0];
	_ =	sdelay $0x4  }
0xa9: {  	v19 =	vmul.f32 v19, v55;
	_ =	sdelay $0x1  }
0xaa: {  	[tilespmem:s16+$0xFFFFFFB0] =	vst v19;
	v19 =	vld [tilespmem:s16+$0xFFFFFFC0];
	_ =	sdelay $0x2  }
0xab: {  	v56 =	vperm.xlane v18, v8;
	_ =	sdelay $0x1  }
0xac: {  	v19 =	vmul.f32 v19, v56;
	_ =	sdelay $0x1  }
0xad: {  	[tilespmem:s16+$0xFFFFFFC0] =	vst v19;
	v19 =	vld [tilespmem:s16+$0xFFFFFFD0];
	_ =	sdelay $0x4  }
0xae: {  	v19 =	vmul.f32 v19, v56;
	_ =	sdelay $0x1  }
0xaf: {  	[tilespmem:s16+$0xFFFFFFD0] =	vst v19;
	v19 =	vld [tilespmem:s16+$0xFFFFFFE0];
	_ =	sdelay $0x4  }
0xb0: {  	v19 =	vmul.f32 v19, v56;
	_ =	sdelay $0x1  }
0xb1: {  	[tilespmem:s16+$0xFFFFFFE0] =	vst v19;
	v19 =	vld [tilespmem:s16+$0xFFFFFFF0];
	_ =	sdelay $0x4  }
0xb2: {  	v19 =	vmul.f32 v19, v56;
	_ =	sdelay $0x1  }
0xb3: {  	[tilespmem:s16+$0xFFFFFFF0] =	vst v19;
	v19 =	vld [tilespmem:s16+$0x0];
	_ =	sdelay $0x2  }
0xb4: {  	v57 =	vperm.xlane v18, v9;
	_ =	sdelay $0x1  }
0xb5: {  	v19 =	vmul.f32 v19, v57;
	_ =	sdelay $0x1  }
0xb6: {  	[tilespmem:s16+$0x0] =	vst v19;
	v19 =	vld [tilespmem:s16+$0x10];
	_ =	sdelay $0x4  }
0xb7: {  	v19 =	vmul.f32 v19, v57;
	_ =	sdelay $0x1  }
0xb8: {  	[tilespmem:s16+$0x10] =	vst v19;
	v19 =	vld [tilespmem:s16+$0x20];
	_ =	sdelay $0x4  }
0xb9: {  	v19 =	vmul.f32 v19, v57;
	_ =	sdelay $0x1  }
0xba: {  	[tilespmem:s16+$0x20] =	vst v19;
	v19 =	vld [tilespmem:s16+$0x30];
	_ =	sdelay $0x4  }
0xbb: {  	v19 =	vmul.f32 v19, v57;
	_ =	sdelay $0x1  }
0xbc: {  	[tilespmem:s16+$0x30] =	vst v19;
	v19 =	vld [tilespmem:s16+$0x40];
	_ =	sdelay $0x2  }
0xbd: {  	v58 =	vperm.xlane v18, v10;
	_ =	sdelay $0x1  }
0xbe: {  	v19 =	vmul.f32 v19, v58;
	_ =	sdelay $0x1  }
0xbf: {  	[tilespmem:s16+$0x40] =	vst v19;
	v19 =	vld [tilespmem:s16+$0x50];
	_ =	sdelay $0x4  }
0xc0: {  	v19 =	vmul.f32 v19, v58;
	_ =	sdelay $0x1  }
0xc1: {  	[tilespmem:s16+$0x50] =	vst v19;
	v19 =	vld [tilespmem:s16+$0x60];
	_ =	sdelay $0x4  }
0xc2: {  	v19 =	vmul.f32 v19, v58;
	_ =	sdelay $0x1  }
0xc3: {  	[tilespmem:s16+$0x60] =	vst v19;
	v19 =	vld [tilespmem:s16+$0x70];
	_ =	sdelay $0x4  }
0xc4: {  	v19 =	vmul.f32 v19, v58;
	_ =	sdelay $0x1  }
0xc5: {  	[tilespmem:s16+$0x70] =	vst v19;
	v19 =	vld [tilespmem:s16+$0x80];
	_ =	sdelay $0x2  }
0xc6: {  	v59 =	vperm.xlane v18, v11;
	_ =	sdelay $0x1  }
0xc7: {  	v19 =	vmul.f32 v19, v59;
	_ =	sdelay $0x1  }
0xc8: {  	[tilespmem:s16+$0x80] =	vst v19;
	v19 =	vld [tilespmem:s16+$0x90];
	_ =	sdelay $0x4  }
0xc9: {  	v19 =	vmul.f32 v19, v59;
	_ =	sdelay $0x1  }
0xca: {  	[tilespmem:s16+$0x90] =	vst v19;
	v19 =	vld [tilespmem:s16+$0xA0];
	_ =	sdelay $0x4  }
0xcb: {  	v19 =	vmul.f32 v19, v59;
	_ =	sdelay $0x1  }
0xcc: {  	[tilespmem:s16+$0xA0] =	vst v19;
	v19 =	vld [tilespmem:s16+$0xB0];
	_ =	sdelay $0x4  }
0xcd: {  	v19 =	vmul.f32 v19, v59;
	_ =	sdelay $0x1  }
0xce: {  	[tilespmem:s16+$0xB0] =	vst v19;
	v19 =	vld [tilespmem:s16+$0xC0];
	_ =	sdelay $0x2  }
0xcf: {  	v60 =	vperm.xlane v18, v12;
	_ =	sdelay $0x1  }
0xd0: {  	v19 =	vmul.f32 v19, v60;
	_ =	sdelay $0x1  }
0xd1: {  	[tilespmem:s16+$0xC0] =	vst v19;
	v19 =	vld [tilespmem:s16+$0xD0];
	_ =	sdelay $0x4  }
0xd2: {  	v19 =	vmul.f32 v19, v60;
	_ =	sdelay $0x1  }
0xd3: {  	[tilespmem:s16+$0xD0] =	vst v19;
	v19 =	vld [tilespmem:s16+$0xE0];
	_ =	sdelay $0x4  }
0xd4: {  	v19 =	vmul.f32 v19, v60;
	_ =	sdelay $0x1  }
0xd5: {  	[tilespmem:s16+$0xE0] =	vst v19;
	v19 =	vld [tilespmem:s16+$0xF0];
	_ =	sdelay $0x4  }
0xd6: {  	v19 =	vmul.f32 v19, v60;
	_ =	sdelay $0x1  }
0xd7: {  	[tilespmem:s16+$0xF0] =	vst v19;
	v19 =	vld [tilespmem:s16+$0x100];
	_ =	sdelay $0x2  }
0xd8: {  	v61 =	vperm.xlane v18, v13;
	_ =	sdelay $0x1  }
0xd9: {  	v19 =	vmul.f32 v19, v61;
	_ =	sdelay $0x1  }
0xda: {  	[tilespmem:s16+$0x100] =	vst v19;
	v19 =	vld [tilespmem:s16+$0x110];
	_ =	sdelay $0x4  }
0xdb: {  	v19 =	vmul.f32 v19, v61;
	_ =	sdelay $0x1  }
0xdc: {  	[tilespmem:s16+$0x110] =	vst v19;
	v19 =	vld [tilespmem:s16+$0x120];
	_ =	sdelay $0x4  }
0xdd: {  	v19 =	vmul.f32 v19, v61;
	_ =	sdelay $0x1  }
0xde: {  	[tilespmem:s16+$0x120] =	vst v19;
	v19 =	vld [tilespmem:s16+$0x130];
	_ =	sdelay $0x4  }
0xdf: {  	v19 =	vmul.f32 v19, v61;
	_ =	sdelay $0x1  }
0xe0: {  	[tilespmem:s16+$0x130] =	vst v19;
	v19 =	vld [tilespmem:s16+$0x140];
	_ =	sdelay $0x2  }
0xe1: {  	v62 =	vperm.xlane v18, v14;
	_ =	sdelay $0x1  }
0xe2: {  	v19 =	vmul.f32 v19, v62;
	_ =	sdelay $0x1  }
0xe3: {  	[tilespmem:s16+$0x140] =	vst v19;
	v19 =	vld [tilespmem:s16+$0x150];
	_ =	sdelay $0x4  }
0xe4: {  	v19 =	vmul.f32 v19, v62;
	_ =	sdelay $0x1  }
0xe5: {  	[tilespmem:s16+$0x150] =	vst v19;
	v19 =	vld [tilespmem:s16+$0x160];
	_ =	sdelay $0x4  }
0xe6: {  	v19 =	vmul.f32 v19, v62;
	_ =	sdelay $0x1  }
0xe7: {  	[tilespmem:s16+$0x160] =	vst v19;
	v19 =	vld [tilespmem:s16+$0x170];
	_ =	sdelay $0x4  }
0xe8: {  	v19 =	vmul.f32 v19, v62;
	_ =	sdelay $0x1  }
0xe9: {  	[tilespmem:s16+$0x170] =	vst v19;
	v19 =	vld [tilespmem:s16+$0x180];
	_ =	sdelay $0x2  }
0xea: {  	v63 =	vperm.xlane v18, v15;
	_ =	sdelay $0x1  }
0xeb: {  	v19 =	vmul.f32 v19, v63;
	_ =	sdelay $0x1  }
0xec: {  	[tilespmem:s16+$0x180] =	vst v19;
	v19 =	vld [tilespmem:s16+$0x190];
	_ =	sdelay $0x4  }
0xed: {  	v19 =	vmul.f32 v19, v63;
	_ =	sdelay $0x1  }
0xee: {  	[tilespmem:s16+$0x190] =	vst v19;
	v19 =	vld [tilespmem:s16+$0x1A0];
	_ =	sdelay $0x4  }
0xef: {  	v19 =	vmul.f32 v19, v63;
	_ =	sdelay $0x1  }
0xf0: {  	[tilespmem:s16+$0x1A0] =	vst v19;
	v19 =	vld [tilespmem:s16+$0x1B0];
	_ =	sdelay $0x4  }
0xf1: {  	v19 =	vmul.f32 v19, v63;
	_ =	sdelay $0x1  }
0xf2: {  	[tilespmem:s16+$0x1B0] =	vst v19;
	v19 =	vld [tilespmem:s16+$0x1C0];
	_ =	sdelay $0x2  }
0xf3: {  	v18 =	vperm.xlane v18, v16;
	_ =	sdelay $0x1  }
0xf4: {  	v19 =	vmul.f32 v19, v18;
	_ =	sdelay $0x1  }
0xf5: {  	[tilespmem:s16+$0x1C0] =	vst v19;
	v19 =	vld [tilespmem:s16+$0x1D0];
	_ =	sdelay $0x4  }
0xf6: {  	v19 =	vmul.f32 v19, v18;
	_ =	sdelay $0x1  }
0xf7: {  	[tilespmem:s16+$0x1D0] =	vst v19;
	v19 =	vld [tilespmem:s16+$0x1E0];
	_ =	sdelay $0x4  }
0xf8: {  	v19 =	vmul.f32 v19, v18;
	_ =	sdelay $0x1  }
0xf9: {  	[tilespmem:s16+$0x1E0] =	vst v19;
	v19 =	vld [tilespmem:s16+$0x1F0];
	_ =	sdelay $0x1  }
0xfa: {  	p1 =	sne.s32 s17, $0x1C0  }
.Ltmp1:
0xfb: {  	_ = 	snop;
	(pc) =	sbr.rel @p1 .LBB2_5-.Ltmp1, $3  }
0xfc: {  	_ = 	snop  }
0xfd: {  	v18 =	vmul.f32 v19, v18;
	_ =	sdelay $0x1  }
0xfe: {  	s17 =	sadd.s32 $0x40, s17;
	[tilespmem:s16+$0x1F0] =	vst v18;
	s16 =	sadd.s32 $0x400, s16  }
0xff: {  	p1 =	seq.s32 s14, $0x4;
	s12 =	sadd.s32 $0x1, s12  }
0x100: {  	s9 =	simm.s32 @p1 $0x0;
	p1 =	sne.s32 s12, $0x4F  }
.Ltmp2:
0x101: {  	_ = 	snop;
	(pc) =	sbr.rel @p1 .LBB2_4-.Ltmp2, $4  }
0x102: {  	s13 =	sshrl.u32 s13, $0x2;
	s16 =	sadd.s32 $0x6, s14  }
0x103: {  	p2 =	seq.s32 s11, $0x4;
	s11 =	sadd.s32 $0x1, s11;
	s13 =	sadd.s32 $0x2780, s13  }
0x104: {  	[spmem:s2] =	stream.indirect.scatter.add.f32 [tilespmem:s15], [sflag:s16], $0x40, s13, s6, $0xb8;
	[tilespmem:$0x1D2C0] =	vst v63  }
0x105: {  	s10 =	sadd.s32 $0x80, s10;
	s11 =	simm.s32 @p2 $0x0;
	s14 =	smov.u32 s9  }
0x106: {  	_ =	swait.ge [sflag:s7], $0x2000  }
0x107: {  	[sflag:s7] =	ssyncset.done $0x0  }
0x108: {  	[sflag:s7] =	ssyncadd.s32 $0xFFFFE000  }
0x109: {  	_ =	swait.ge [sflag:s8], $0x2000  }
0x10a: {  	[sflag:s8] =	ssyncset.done $0x0  }
0x10b: {  	[sflag:s8] =	ssyncadd.s32 $0xFFFFE000  }
0x10c: {  	s9 =	simm.s32 @p0 $0x11680;
	s10 =	simm.s32 @p0 $0xB;
	[bflag:$0x0] =	sbarrier.arrive $0xFFFF  }
0x10d: {  	[tilespmem:s9], [sflag:$0xB] =	stream.linear.gather @p0 [spmem:s29], $0x2000, $0x38;
	[tilespmem:$0x1D2C0] =	vst v63  }
0x10e: {  	_ =	swait.ge @p0 [sflag:s10], $0x2000  }
0x10f: {  	[sflag:s10] =	ssyncset.done @p0 $0x0  }
0x110: {  	s11 =	simm.s32 @p0 $0x0;
	[sflag:s10] =	ssyncadd.s32 @p0 $0xFFFFE000  }
0x111: {  	[hbm4b:s21+s11] =	stream.linear.scatter @p0 [tilespmem:s9], [sflag:$0xB], $0x2000, $0x38;
	[tilespmem:$0x1D2C0] =	vst v63  }
0x112: {  	_ =	swait.ge @p0 [sflag:s10], $0x2000  }
0x113: {  	[sflag:s10] =	ssyncset.done @p0 $0x0  }
0x114: {  	[sflag:s10] =	ssyncadd.s32 @p0 $0xFFFFE000  }
0x115: {  	[tilespmem:s9], [sflag:$0xB] =	stream.linear.gather @p0 [spmem:s30], $0x2000, $0x38;
	[tilespmem:$0x1D2C0] =	vst v63  }
0x116: {  	_ =	swait.ge @p0 [sflag:s10], $0x2000  }
0x117: {  	[sflag:s10] =	ssyncset.done @p0 $0x0  }
0x118: {  	[sflag:s10] =	ssyncadd.s32 @p0 $0xFFFFE000  }
0x119: {  	[hbm4b:s22+s11] =	stream.linear.scatter @p0 [tilespmem:s9], [sflag:$0xB], $0x2000, $0x38;
	[tilespmem:$0x1D2C0] =	vst v63  }
0x11a: {  	_ =	swait.ge @p0 [sflag:s10], $0x2000  }
0x11b: {  	[sflag:s10] =	ssyncset.done @p0 $0x0  }
0x11c: {  	[sflag:s10] =	ssyncadd.s32 @p0 $0xFFFFE000  }
0x11d: {  	[tilespmem:s9], [sflag:$0xB] =	stream.linear.gather @p0 [spmem:s31], $0x2000, $0x38;
	[tilespmem:$0x1D2C0] =	vst v63  }
0x11e: {  	_ =	swait.ge @p0 [sflag:s10], $0x2000  }
0x11f: {  	[sflag:s10] =	ssyncset.done @p0 $0x0  }
0x120: {  	[sflag:s10] =	ssyncadd.s32 @p0 $0xFFFFE000  }
0x121: {  	[hbm4b:s23+s11] =	stream.linear.scatter @p0 [tilespmem:s9], [sflag:$0xB], $0x2000, $0x38;
	[tilespmem:$0x1D2C0] =	vst v63  }
0x122: {  	_ =	swait.ge @p0 [sflag:s10], $0x2000  }
0x123: {  	[sflag:s10] =	ssyncset.done @p0 $0x0  }
0x124: {  	[sflag:s10] =	ssyncadd.s32 @p0 $0xFFFFE000  }
0x125: {  	[tilespmem:s9], [sflag:$0xB] =	stream.linear.gather @p0 [spmem:s1], $0x400, $0x38;
	[tilespmem:$0x1D2C0] =	vst v63  }
0x126: {  	_ =	swait.ge @p0 [sflag:s10], $0x400  }
0x127: {  	[sflag:s10] =	ssyncset.done @p0 $0x0  }
0x128: {  	[sflag:s10] =	ssyncadd.s32 @p0 $0xFFFFFC00  }
0x129: {  	[hbm4b:s24+s11] =	stream.linear.scatter @p0 [tilespmem:s9], [sflag:$0xB], $0x400, $0x38;
	[tilespmem:$0x1D2C0] =	vst v63  }
0x12a: {  	_ =	swait.ge @p0 [sflag:s10], $0x400  }
0x12b: {  	[sflag:s10] =	ssyncset.done @p0 $0x0  }
0x12c: {  	s9 =	simm.s32 @!p0 $0x11680;
	[sflag:s10] =	ssyncadd.s32 @p0 $0xFFFFFC00;
	s10 =	rddreg [dreg:$0x8]  }
0x12d: {  	[tilespmem:s9], [sflag:$0xB] =	stream.linear.gather @!p0 [spmem:s10], $0x2000, $0x38;
	[tilespmem:$0x1D2C0] =	vst v63  }
0x12e: {  	s10 =	simm.s32 @!p0 $0xB  }
0x12f: {  	_ =	swait.ge @!p0 [sflag:s10], $0x2000  }
0x130: {  	[sflag:s10] =	ssyncset.done @!p0 $0x0  }
0x131: {  	s11 =	simm.s32 @!p0 $0x0;
	s12 =	rddreg [dreg:$0x9];
	[sflag:s10] =	ssyncadd.s32 @!p0 $0xFFFFE000  }
0x132: {  	[hbm4b:s12+s11] =	stream.linear.scatter @!p0 [tilespmem:s9], [sflag:$0xB], $0x2000, $0x38;
	[tilespmem:$0x1D2C0] =	vst v63  }
0x133: {  	_ =	swait.ge @!p0 [sflag:s10], $0x2000  }
0x134: {  	[sflag:s10] =	ssyncset.done @!p0 $0x0  }
0x135: {  	s12 =	rddreg [dreg:$0xa];
	[sflag:s10] =	ssyncadd.s32 @!p0 $0xFFFFE000  }
0x136: {  	[tilespmem:s9], [sflag:$0xB] =	stream.linear.gather @!p0 [spmem:s12], $0x2000, $0x38;
	[tilespmem:$0x1D2C0] =	vst v63  }
0x137: {  	_ =	swait.ge @!p0 [sflag:s10], $0x2000  }
0x138: {  	[sflag:s10] =	ssyncset.done @!p0 $0x0  }
0x139: {  	s12 =	rddreg [dreg:$0xb];
	[sflag:s10] =	ssyncadd.s32 @!p0 $0xFFFFE000  }
0x13a: {  	[hbm4b:s12+s11] =	stream.linear.scatter @!p0 [tilespmem:s9], [sflag:$0xB], $0x2000, $0x38;
	[tilespmem:$0x1D2C0] =	vst v63  }
0x13b: {  	_ =	swait.ge @!p0 [sflag:s10], $0x2000  }
0x13c: {  	[sflag:s10] =	ssyncset.done @!p0 $0x0  }
0x13d: {  	s12 =	rddreg [dreg:$0xc];
	[sflag:s10] =	ssyncadd.s32 @!p0 $0xFFFFE000  }
0x13e: {  	[tilespmem:s9], [sflag:$0xB] =	stream.linear.gather @!p0 [spmem:s12], $0x2000, $0x38;
	[tilespmem:$0x1D2C0] =	vst v63  }
0x13f: {  	_ =	swait.ge @!p0 [sflag:s10], $0x2000  }
0x140: {  	[sflag:s10] =	ssyncset.done @!p0 $0x0  }
0x141: {  	s12 =	rddreg [dreg:$0xd];
	[sflag:s10] =	ssyncadd.s32 @!p0 $0xFFFFE000  }
0x142: {  	[hbm4b:s12+s11] =	stream.linear.scatter @!p0 [tilespmem:s9], [sflag:$0xB], $0x2000, $0x38;
	[tilespmem:$0x1D2C0] =	vst v63  }
0x143: {  	_ =	swait.ge @!p0 [sflag:s10], $0x2000  }
0x144: {  	[sflag:s10] =	ssyncset.done @!p0 $0x0  }
0x145: {  	s12 =	rddreg [dreg:$0xe];
	[sflag:s10] =	ssyncadd.s32 @!p0 $0xFFFFE000  }
0x146: {  	[tilespmem:s9], [sflag:$0xB] =	stream.linear.gather @!p0 [spmem:s12], $0x2000, $0x38;
	[tilespmem:$0x1D2C0] =	vst v63  }
0x147: {  	_ =	swait.ge @!p0 [sflag:s10], $0x2000  }
0x148: {  	[sflag:s10] =	ssyncset.done @!p0 $0x0  }
0x149: {  	s12 =	rddreg [dreg:$0xf];
	[sflag:s10] =	ssyncadd.s32 @!p0 $0xFFFFE000  }
0x14a: {  	[hbm4b:s12+s11] =	stream.linear.scatter @!p0 [tilespmem:s9], [sflag:$0xB], $0x2000, $0x38;
	[tilespmem:$0x1D2C0] =	vst v63  }
0x14b: {  	_ =	swait.ge @!p0 [sflag:s10], $0x2000  }
0x14c: {  	[sflag:s10] =	ssyncset.done @!p0 $0x0  }
0x14d: {  	[sflag:s10] =	ssyncadd.s32 @!p0 $0xFFFFE000  }
0x14e: {  	[tilespmem:s9], [sflag:$0xB] =	stream.linear.gather @!p0 [spmem:s19], $0x2000, $0x38;
	[tilespmem:$0x1D2C0] =	vst v63  }
0x14f: {  	s3 =	sadd.s32 $0x1, s3;
	_ =	swait.ge @!p0 [sflag:s10], $0x2000  }
0x150: {  	p1 =	sne.s32 s3, s25;
	[sflag:s10] =	ssyncset.done @!p0 $0x0  }
.Ltmp3:
0x151: {  	[sflag:s10] =	ssyncadd.s32 @!p0 $0xFFFFE000;
	(pc) =	sbr.rel @p1 .LBB2_1-.Ltmp3, $4  }
0x152: {  	[hbm4b:s20+s11] =	stream.linear.scatter @!p0 [tilespmem:s9], [sflag:$0xB], $0x2000, $0x38;
	[tilespmem:$0x1D2C0] =	vst v63  }
0x153: {  	_ =	swait.ge @!p0 [sflag:s10], $0x2000  }
0x154: {  	[sflag:s10] =	ssyncset.done @!p0 $0x0  }
0x155: {  	[sflag:s10] =	ssyncadd.s32 @!p0 $0xFFFFE000  }
0x156: {  	_ =	sfence.sel $0x180000  }
0x157: {  	[bflag:$0x0] =	sbarrier.arrive $0xFFFF  }
0x158: {  	_ =	strace $0x9000004A  }
0x159: {  	s0 =	stileid.u32;
	[bflag:$0x2] =	sbarrier.arrive $0xFFFF  }
0x15a: {  	p0 =	sne.s32 s0, $0x0;
	s0 =	rddreg [dreg:$0x2]  }
0x15b: {  	s0 =	sadd.s32 @!p0 $0x100000, s0  }
0x15c: {  	[sflag:s0] =	ssyncadd.tile.s32 @!p0 $0x1;
	_ =	shalt  }
.Lfunc_end2:
_tile_overlayer_lowered:
.L_overlay_start_2:
0x15d: {  	(tag) =	ssettag $0x2  }
0x15e: {  	s0 =	rddreg [dreg:$0x0];
	s2 =	stileid.u32  }
0x15f: {  	s1 =	rddreg [dreg:$0x1];
	p0 =	sne.s32 s2, $0x0  }
0x160: {  	s3 =	rddreg [dreg:$0x2];
	[bflag:$0x3] =	sbarrier.arrive $0xFFFF;
	s2 =	simm.s32 @!p0 $0x1C0B  }
0x161: {  	[timem:s3], [sflag:s2] =	dma.local @!p0 [hbm:s0], s1  }
0x162: {  	s0 =	simm.s32 @!p0 $0xB  }
0x163: {  	_ =	swait.ge @!p0 [sflag:s0], s1  }
0x164: {  	s1 =	ssub.s32 @!p0 $0x0, s1;
	[sflag:s0] =	ssyncset.done @!p0 $0x0  }
0x165: {  	[sflag:s0] =	ssyncadd.s32 @!p0 s1  }
0x166: {  	[bflag:$0x3] =	sbarrier.arrive $0xFFFF  }
0x167: {  	_ =	shalt  }

// kernel: kernel.14.cloned.1.call-start
scs
__scs_entry_jumppad:
0x0: {  	(pc) =	sbr.rel $0x88, $3  }
0x1: {  	(tag) =	ssettag $0x0;
	lr =	simm.s32 $0x1  }
0x2: {  	[smem:$0x3F9A] =	sst lr;
	_ =	strace $0xD0000000  }
0x3: {  	_ = 	snop  }
0x4: {  	_ = 	snop  }
0x5: {  	_ = 	snop  }
0x6: {  	_ = 	snop  }
0x7: {  	_ = 	snop  }
__scs_overlays_trampoline_lowered:
0x8: {  	[smem:$0x3FA9] =	sst s0  }
0x9: {  	[smem:$0x3FAA] =	sst s1  }
0xa: {  	[smem:$0x3FAB] =	sst s2  }
0xb: {  	[smem:$0x3FAC] =	sst s3  }
0xc: {  	[smem:$0x3FAD] =	sst s4  }
0xd: {  	[smem:$0x3FAE] =	sst s5  }
0xe: {  	[smem:$0x3FAF] =	sst s6  }
0xf: {  	[smem:$0x3FB0] =	sst s7  }
0x10: {  	[smem:$0x3FB1] =	sst s8  }
0x11: {  	[smem:$0x3FB2] =	sst s9;
	s0 =	simm.s32 @!p0 $0x0  }
0x12: {  	s1 =	sld [smem:$0x3F98];
	s0 =	simm.s32 @p0 $0x1  }
0x13: {  	[smem:$0x3FB3] =	sst s0;
	s0 =	simm.s32 @!p1 $0x0  }
0x14: {  	s2 =	sld [smem:$0x3F97];
	s0 =	simm.s32 @p1 $0x1  }
0x15: {  	[smem:$0x3FB4] =	sst s0;
	s0 =	simm.s32 @!p2 $0x0  }
0x16: {  	s3 =	sld [smem:$0x3FDB];
	s0 =	simm.s32 @p2 $0x1  }
0x17: {  	s4 =	simm.s32 $0x1BF5;
	[smem:$0x3FB6] =	sst s0  }
0x18: {  	s0 =	sld [smem:$0x3F99];
	_ =	swait.ge [sflag:s4], $0x0  }
0x19: {  	s7 =	sld [smem:$0x3F9A]  }
0x1a: {  	s8 =	sadd.s32 $0xFFFFE003, lr  }
0x1b: {  	s9 =	sadd.s32 $0xFFFFFEF7, lr;
	s5 =	simm.s32 $0xFFFFFFFF;
	p2 =	slt.u32 s8, $0xFFFFF086  }
0x1c: {  	p1 =	slt.u32 s9, $0xF7A;
	s5 =	simm.s32 @!p2 $0x0  }
0x1d: {  	s5 =	simm.s32 @p1 $0x1;
	p0 =	seq.s32 s7, s2  }
0x1e: {  	s7 =	smul.u32 @!p0 $0xF7A, s2;
	p2 =	seq.s32 @!p0 s5, $0x0  }
0x1f: {  	s9 =	smul.u32 $0xF7A, s1;
	s8 =	simm.s32 @!p0 $0x1BF5;
	p2 =	por !p2, p0  }
0x20: {  	[sflag:s8] =	ssyncset.s32 @!p0 $0xFFFFF086;
	s6 =	sadd.s32 @!p0 s3, s7;
	s7 =	simm.s32 @!p0 $0x108  }
0x21: {  	s3 =	sadd.s32 s3, s9;
	s6 =	sadd.s32 @!p0 $0x88, s6;
	s7 =	simm.s32 @p2 $0x1082  }
0x22: {  	[simem:s7], [sflag:s8] =	dma.local @!p0 [hbm:s6], $0xF7A  }
0x23: {  	s9 =	sor.u32 $0xD0000000, s2;
	s6 =	simm.s32 $0x108;
	_ =	swait.ge @!p0 [sflag:s8], $0x0  }
0x24: {  	s3 =	sadd.s32 $0x88, s3;
	s6 =	simm.s32 @!p1 $0x1082;
	[sflag:s4] =	ssyncset.s32 $0xFFFFF086  }
0x25: {  	[simem:s6], [sflag:s4] =	dma.local [hbm:s3], $0xF7A  }
0x26: {  	[smem:$0x3F9A] =	sst s1;
	(tag) =	ssettag s2;
	_ =	strace s9  }
0x27: {  	s1 =	sld [smem:$0x3FAA]  }
0x28: {  	s2 =	sld [smem:$0x3FAB]  }
0x29: {  	s4 =	sld [smem:$0x3FAD]  }
0x2a: {  	p0 =	seq.s32 s5, $0x0;
	s5 =	sld [smem:$0x3FAE]  }
0x2b: {  	s6 =	sld [smem:$0x3FAF]  }
0x2c: {  	s7 =	sld [smem:$0x3FB0]  }
0x2d: {  	s3 =	simm.s32 $0x108;
	s8 =	sld [smem:$0x3FB1]  }
0x2e: {  	s3 =	simm.s32 @!p0 $0x1082;
	s9 =	sld [smem:$0x3FB2]  }
0x2f: {  	lr =	sadd.s32 s0, s3;
	s0 =	sld [smem:$0x3FA9]  }
0x30: {  	s3 =	sld [smem:$0x3FAC]  }
0x31: {  	[smem:$0x3FB5] =	sst s10  }
0x32: {  	s10 =	sld [smem:$0x3FB3];
	_ =	sdelay $0x3  }
0x33: {  	p0 =	seq.s32 s10, $0x1;
	s10 =	sld [smem:$0x3FB5];
	_ =	sdelay $0x3  }
0x34: {  	[smem:$0x3FB5] =	sst s10  }
0x35: {  	s10 =	sld [smem:$0x3FB4];
	_ =	sdelay $0x3  }
0x36: {  	p1 =	seq.s32 s10, $0x1;
	s10 =	sld [smem:$0x3FB5];
	_ =	sdelay $0x3  }
0x37: {  	[smem:$0x3FB5] =	sst s10  }
0x38: {  	s10 =	sld [smem:$0x3FB6]  }
0x39: {  	_ = 	snop;
	(pc) =	sbr.ind lr, $3  }
0x3a: {  	_ = 	snop  }
0x3b: {  	_ = 	snop  }
0x3c: {  	p2 =	seq.s32 s10, $0x1;
	s10 =	sld [smem:$0x3FB5]  }
0x3d: {  	_ =	shalt  }
0x3e: {  	_ =	shalt  }
0x3f: {  	_ =	shalt  }
0x40: {  	_ =	shalt  }
0x41: {  	_ =	shalt  }
0x42: {  	_ =	shalt  }
0x43: {  	_ =	shalt  }
0x44: {  	_ =	shalt  }
0x45: {  	_ =	shalt  }
0x46: {  	_ =	shalt  }
0x47: {  	_ =	shalt  }
0x48: {  	_ =	shalt  }
0x49: {  	_ =	shalt  }
0x4a: {  	_ =	shalt  }
0x4b: {  	_ =	shalt  }
0x4c: {  	_ =	shalt  }
0x4d: {  	_ =	shalt  }
0x4e: {  	_ =	shalt  }
0x4f: {  	_ =	shalt  }
0x50: {  	_ =	shalt  }
0x51: {  	_ =	shalt  }
0x52: {  	_ =	shalt  }
0x53: {  	_ =	shalt  }
0x54: {  	_ =	shalt  }
0x55: {  	_ =	shalt  }
0x56: {  	_ =	shalt  }
0x57: {  	_ =	shalt  }
0x58: {  	_ =	shalt  }
0x59: {  	_ =	shalt  }
0x5a: {  	_ =	shalt  }
0x5b: {  	_ =	shalt  }
0x5c: {  	_ =	shalt  }
0x5d: {  	_ =	shalt  }
0x5e: {  	_ =	shalt  }
0x5f: {  	_ =	shalt  }
0x60: {  	_ =	shalt  }
0x61: {  	_ =	shalt  }
0x62: {  	_ =	shalt  }
0x63: {  	_ =	shalt  }
0x64: {  	_ =	shalt  }
0x65: {  	_ =	shalt  }
0x66: {  	_ =	shalt  }
0x67: {  	_ =	shalt  }
0x68: {  	_ =	shalt  }
0x69: {  	_ =	shalt  }
0x6a: {  	_ =	shalt  }
0x6b: {  	_ =	shalt  }
0x6c: {  	_ =	shalt  }
0x6d: {  	_ =	shalt  }
0x6e: {  	_ =	shalt  }
0x6f: {  	_ =	shalt  }
0x70: {  	_ =	shalt  }
0x71: {  	_ =	shalt  }
0x72: {  	_ =	shalt  }
0x73: {  	_ =	shalt  }
0x74: {  	_ =	shalt  }
0x75: {  	_ =	shalt  }
0x76: {  	_ =	shalt  }
0x77: {  	_ =	shalt  }
0x78: {  	_ =	shalt  }
0x79: {  	_ =	shalt  }
0x7a: {  	_ =	shalt  }
0x7b: {  	_ =	shalt  }
0x7c: {  	_ =	shalt  }
0x7d: {  	_ =	shalt  }
0x7e: {  	_ =	shalt  }
0x7f: {  	_ =	shalt  }
0x80: {  	_ =	shalt  }
0x81: {  	_ =	shalt  }
0x82: {  	_ =	shalt  }
0x83: {  	_ =	shalt  }
0x84: {  	_ =	shalt  }
0x85: {  	_ =	shalt  }
0x86: {  	_ =	shalt  }
0x87: {  	_ =	shalt  }
.Lfunc_end0:
.L_simem_size_0:
called_computation.2_lowered:
.L_overlay_start_0:
0x88: {  	s2 =	sld [smem:$0x3FD9]  }
0x89: {  	s3 =	sld [smem:$0x3FFE];
	_ =	sdelay $0x1  }
0x8a: {  	s1 =	srdreg.scid  }
0x8b: {  	s0 =	sand.u32 $0x1, s1  }
0x8c: {  	s16 =	sshll.u32 s0, $0xA;
	s2 =	sadd.s32 s3, s2  }
0x8d: {  	s2 =	sadd.s32 s2, s16  }
0x8e: {  	[smem:$0x3FC1] =	sst s2  }
0x8f: {  	_ = 	snop  }
0x90: {  	(tm) =	ssettm $0x1  }
0x91: {  	s17 =	sld [smem:$0x3FFB];
	_ =	sdelay $0x3  }
0x92: {  	_ =	strace s17  }
0x93: {  	s2 =	sld [smem:$0x3FFC];
	_ =	sdelay $0x3  }
0x94: {  	_ =	strace s2  }
0x95: {  	s2 =	sld [smem:$0x3FFD];
	_ =	sdelay $0x3  }
0x96: {  	_ =	strace s2  }
0x97: {  	_ =	strace $0x8FFFFFFF  }
0x98: {  	s18 =	sld [smem:$0x3FDB];
	_ =	sdelay $0x1  }
0x99: {  	s19 =	simm.s32 $_scs_section_size  }
0x9a: {  	s4 =	simm.s32 $_size__tile_overlayer_lowered;
	s5 =	simm.s32 $_tile_overlayer_lowered  }
0x9b: {  	s22 =	simm.s32 $0x1BFF;
	s21 =	sshll.u32 s5, $0x1;
	s2 =	sadd.s32 s19, s18  }
0x9c: {  	s6 =	simm.s32 $0x0;
	s20 =	sshll.u32 s4, $0x1;
	s4 =	sadd.s32 s21, s2  }
0x9d: {  	[timem:s6], [sflag:s22] =	dma.local [hbm:s4], s20  }
0x9e: {  	_ =	swait.ge [sflag:s22], s20  }
0x9f: {  	s3 =	ssub.s32 $0x0, s20;
	[sflag:s22] =	ssyncset.done $0x0  }
0xa0: {  	[sflag:s22] =	ssyncadd.s32 s3;
	_ =	sdelay $0x1  }
0xa1: {  	s23 =	simm.s32 $0x1B8B  }
0xa2: {  	_ =	swait.ge [sflag:s23], $0x1  }
0xa3: {  	[sflag:s23] =	ssyncset.done $0x0  }
0xa4: {  	s25 =	simm.s32 $0x1B8E;
	s24 =	sld [smem:$0x3FFE];
	[sflag:s23] =	ssyncadd.s32 $0xFFFFFFFF  }
0xa5: {  	s26 =	simm.s32 $execute0_lowered;
	[smem:$0x3FD2] =	sst s25  }
0xa6: {  	s4 =	sshll.u32 s26, $0x1;
	_ =	strace $0x8000004C;
	[dreg:$0x1] =	wrdreg $0xFFFFFFFF  }
0xa7: {  	s28 =	simm.s32 $_size_execute0_lowered;
	s2 =	sadd.s32 s2, s4;
	[dreg:$0x0] =	wrdreg $0x0  }
0xa8: {  	s4 =	sshll.u32 s28, $0x1;
	[dreg:$0x2] =	wrdreg s2  }
0xa9: {  	[dreg:$0x3] =	wrdreg s4  }
0xaa: {  	[dreg:$0x4] =	wrdreg $0xC0  }
0xab: {  	_ =	task [dreg:s6], $0x5FFFF  }
0xac: {  	[dreg:$0x1] =	wrdreg $0xFFFFFFFF  }
0xad: {  	[dreg:$0x0] =	wrdreg $0x60  }
0xae: {  	[dreg:$0x2] =	wrdreg s24  }
0xaf: {  	[dreg:$0x3] =	wrdreg $0x106800  }
0xb0: {  	[dreg:$0x4] =	wrdreg $0x9  }
0xb1: {  	_ =	task.clear_ibuf [dreg:s6], $0x5FFFF;
	_ =	strace $0x9000004C  }
0xb2: {  	s29 =	simm.s32 $0x9;
	_ =	strace $0x8000004E  }
0xb3: {  	_ =	swait.ge [sflag:s29], $0x1  }
0xb4: {  	[sflag:s29] =	ssyncadd.s32 $0xFFFFFFFF  }
0xb5: {  	_ =	strace $0x9000004E  }
0xb6: {  	_ =	sfence  }
0xb7: {  	s30 =	sld [smem:$0x0];
	_ =	sdelay $0x2  }
0xb8: {  	s31 =	sshll.u32 s1, $0xD;
	s1 =	sshrl.u32 s1, $0x2  }
0xb9: {  	s3 =	sand.u32 $0x4000, s31;
	s1 =	sadd.s32 s1, s30  }
0xba: {  	s0 =	sor.u32 s3, s0;
	s1 =	sshll.u32 s1, $0x11  }
0xbb: {  	s0 =	sor.u32 s1, s0  }
0xbc: {  	s0 =	sadd.s32 $0x8F2B, s0  }
0xbd: {  	[sflag:s0] =	ssyncadd.remote.s32 $0x1  }
0xbe: {  	_ =	sfence.sel $0xFFFF  }
0xbf: {  	[dreg:$0x0] =	wrdreg $0xFFFFFFFF;
	(pc) =	sbr.abs _section_cstart, $3  }
0xc0: {  	[dreg:$0x1] =	wrdreg $0xFFFFFFFF  }
0xc1: {  	_ =	task.clear_ibuf [dreg:s6], $0x2FFFF;
	_ =	strace $0x9FFFFFFF  }
0xc2: {  	(tm) =	ssettm $0x7FFFFFFF  }
0xc3: {  	_ =	shalt  }
tec
execute0_lowered:
.L_overlay_start_1:
0x0: {  	(tag) =	ssettag $0x1  }
0x1: {  	s0 =	srdreg.scid  }
0x2: {  	s1 =	rddreg [dreg:$0x0];
	s11 =	stileid.u32  }
0x3: {  	s2 =	rddreg [dreg:$0x1];
	s6 =	smul.u32 $0x1E000, s11  }
0x4: {  	s0 =	sand.u32 $0x1, s0;
	s9 =	smul.u32 $0x7800, s11;
	p0 =	seq.s32 s11, $0xF  }
0x5: {  	s29 =	sadd.s32 $0x70800, s2;
	s30 =	sadd.s32 $0x72000, s2;
	s31 =	sadd.s32 $0x73800, s2  }
0x6: {  	s3 =	sshll.u32 s0, $0x4;
	s8 =	ssub.s32 $0x2, s0;
	s0 =	smul.u32 $0x75300, s0  }
0x7: {  	s4 =	sor.u32 s11, s3;
	s3 =	simm.s32 $0x0;
	s25 =	sshrl.u32 s6, $0x2  }
0x8: {  	s26 =	sshrl.u32 s8, $0x1;
	s16 =	sadd.s32 $0x1800, s9;
	s19 =	sadd.s32 $0x3000, s9  }
0x9: {  	s22 =	sadd.s32 $0x4800, s9;
	s5 =	smul.u32 $0x4F0, s4;
	[smem:$0x7FF] =	sst s3  }
0xa: {  	s4 =	sadd.s32 $0x2A000, s1;
	s6 =	ssub.s32 s8, s26;
	s8 =	sadd.s32 s16, s2  }
0xb: {  	s21 =	sadd.s32 s19, s2;
	_ =	strace $0x8000004D;
	[dreg:$0xa] =	wrdreg s8  }
0xc: {  	s15 =	sadd.s32 s9, s0;
	s17 =	sadd.s32 s0, s16;
	[dreg:$0xc] =	wrdreg s21  }
0xd: {  	s8 =	sadd.s32 s22, s2;
	s7 =	sadd.s32 s5, s1;
	s5 =	sadd.s32 s25, s2  }
0xe: {  	s20 =	sadd.s32 s0, s19;
	[dreg:$0xe] =	wrdreg s8;
	s10 =	sadd.s32 $0x1800, s5  }
0xf: {  	s23 =	sadd.s32 s0, s22;
	s12 =	sadd.s32 $0x3000, s5;
	[dreg:$0x3] =	wrdreg s10  }
0x10: {  	s18 =	sshrl.u32 s17, $0x3;
	s13 =	sadd.s32 $0x20200, s7;
	[dreg:$0x4] =	wrdreg s12  }
0x11: {  	s1 =	sadd.s32 $0x38C00, s1;
	s14 =	sadd.s32 $0x1C00, s7;
	[dreg:$0x5] =	wrdreg s13  }
0x12: {  	s8 =	simm.s32 $0x9;
	s7 =	sadd.s32 $0xBA00, s7;
	[dreg:$0x6] =	wrdreg s14  }
0x13: {  	s28 =	sadd.s32 $0x6000, s5;
	[dreg:$0x7] =	wrdreg s7;
	s10 =	sadd.s32 s9, s2  }
0x14: {  	s7 =	sshrl.u32 s15, $0x3;
	s9 =	sadd.s32 $0x6000, s9;
	[dreg:$0x8] =	wrdreg s10  }
0x15: {  	s7 =	sadd.s32 s1, s7;
	s24 =	sadd.s32 s0, s9;
	s0 =	sshrl.u32 s0, $0x3  }
0x16: {  	s26 =	sadd.s32 s9, s2;
	[dreg:$0x9] =	wrdreg s7;
	s7 =	sadd.s32 s1, s18  }
0x17: {  	s25 =	sshrl.u32 s24, $0x3;
	[dreg:$0x10] =	wrdreg s26;
	s0 =	sadd.s32 s1, s0  }
0x18: {  	v0 =	vimm.f32 $0.0e+00;
	v1 =	vimm.s32 $0x0;
	s26 =	sadd.s32 $0x4800, s5;
	[dreg:$0xb] =	wrdreg s7;
	s7 =	sshrl.u32 s20, $0x3  }
0x19: {  	v2 =	vimm.s32 $0x1;
	v3 =	vimm.s32 $0x2;
	v4 =	vimm.s32 $0x3;
	s20 =	sadd.s32 s1, s25;
	s21 =	sadd.s32 $0xE100, s0;
	s22 =	sadd.s32 $0xE400, s0  }
0x1a: {  	v5 =	vimm.s32 $0x4;
	v6 =	vimm.s32 $0x5;
	v7 =	vimm.s32 $0x6;
	s24 =	sadd.s32 $0xEA00, s0;
	s25 =	smax.u32 s6, $0x1;
	s7 =	sadd.s32 s1, s7  }
0x1b: {  	v8 =	vimm.s32 $0x7;
	v9 =	vimm.s32 $0x8;
	v10 =	vimm.s32 $0x9;
	s6 =	simm.s32 $0x80;
	[dreg:$0xd] =	wrdreg s7;
	s7 =	sshrl.u32 s23, $0x3  }
0x1c: {  	v11 =	vimm.s32 $0xA;
	v12 =	vimm.s32 $0xB;
	v13 =	vimm.s32 $0xC;
	s23 =	sadd.s32 $0xE700, s0;
	s0 =	simm.s32 $0xB;
	s7 =	sadd.s32 s1, s7  }
0x1d: {  	v14 =	vimm.s32 $0xD;
	v15 =	vimm.s32 $0xE;
	v16 =	vimm.s32 $0xF;
	s1 =	sadd.s32 $0x75000, s2;
	[dreg:$0xf] =	wrdreg s7;
	s7 =	simm.s32 $0x8  }
.LBB2_1:
0x1e: {  	s9 =	simm.s32 $0xC0;
	s10 =	simm.s32 $0x0  }
.LBB2_2:
0x1f: {  	p1 =	sne.s32 s9, $0x5F40;
	[tilespmem:s10+$0xEEA0] =	vst v0;
	s11 =	smov.u32 s9;
	s9 =	sadd.s32 $0xC0, s9  }
.Ltmp0:
0x20: {  	[tilespmem:s10+$0xEE80] =	vst v0;
	(pc) =	sbr.rel @p1 .LBB2_2-.Ltmp0, $2  }
0x21: {  	[tilespmem:s10+$0xEE90] =	vst v0;
	_ =	sdelay $0x2  }
0x22: {  	s10 =	sshra.s32 s11, $0x2  }
0x23: {  	[tilespmem:s10+$0xEEA0] =	vst v0  }
0x24: {  	[tilespmem:s10+$0xEE80] =	vst v0  }
0x25: {  	[tilespmem:s10+$0xEE90] =	vst v0;
	s9 =	simm.s32 @p0 $0xEE80;
	s10 =	simm.s32 @p0 $0xB  }
0x26: {  	[spmem:s29] =	stream.linear.scatter @p0 [tilespmem:s9], [sflag:$0xB], $0x1800, $0x38;
	[tilespmem:$0x17BB0] =	vst v63  }
0x27: {  	_ =	swait.ge @p0 [sflag:s10], $0x1800  }
0x28: {  	[sflag:s10] =	ssyncset.done @p0 $0x0  }
0x29: {  	[sflag:s10] =	ssyncadd.s32 @p0 $0xFFFFE800  }
0x2a: {  	[spmem:s30] =	stream.linear.scatter @p0 [tilespmem:s9], [sflag:$0xB], $0x1800, $0x38;
	[tilespmem:$0x17BB0] =	vst v63  }
0x2b: {  	_ =	swait.ge @p0 [sflag:s10], $0x1800  }
0x2c: {  	[sflag:s10] =	ssyncset.done @p0 $0x0  }
0x2d: {  	[sflag:s10] =	ssyncadd.s32 @p0 $0xFFFFE800  }
0x2e: {  	[spmem:s31] =	stream.linear.scatter @p0 [tilespmem:s9], [sflag:$0xB], $0x1800, $0x38;
	[tilespmem:$0x17BB0] =	vst v63  }
0x2f: {  	_ =	swait.ge @p0 [sflag:s10], $0x1800  }
0x30: {  	[sflag:s10] =	ssyncset.done @p0 $0x0  }
0x31: {  	[sflag:s10] =	ssyncadd.s32 @p0 $0xFFFFE800  }
0x32: {  	[spmem:s1] =	stream.linear.scatter @p0 [tilespmem:s9], [sflag:$0xB], $0x300, $0x38;
	[tilespmem:$0x17BB0] =	vst v63  }
0x33: {  	_ =	swait.ge @p0 [sflag:s10], $0x300  }
0x34: {  	[sflag:s10] =	ssyncset.done @p0 $0x0  }
0x35: {  	s9 =	simm.s32 @!p0 $0xEE80;
	[sflag:s10] =	ssyncadd.s32 @p0 $0xFFFFFD00;
	s10 =	simm.s32 @!p0 $0xB  }
0x36: {  	[spmem:s5] =	stream.linear.scatter @!p0 [tilespmem:s9], [sflag:$0xB], $0x1800, $0x38;
	[tilespmem:$0x17BB0] =	vst v63  }
0x37: {  	_ =	swait.ge @!p0 [sflag:s10], $0x1800  }
0x38: {  	[sflag:s10] =	ssyncset.done @!p0 $0x0  }
0x39: {  	s11 =	rddreg [dreg:$0x3];
	[sflag:s10] =	ssyncadd.s32 @!p0 $0xFFFFE800  }
0x3a: {  	[spmem:s11] =	stream.linear.scatter @!p0 [tilespmem:s9], [sflag:$0xB], $0x1800, $0x38;
	[tilespmem:$0x17BB0] =	vst v63  }
0x3b: {  	_ =	swait.ge @!p0 [sflag:s10], $0x1800  }
0x3c: {  	[sflag:s10] =	ssyncset.done @!p0 $0x0  }
0x3d: {  	s11 =	rddreg [dreg:$0x4];
	[sflag:s10] =	ssyncadd.s32 @!p0 $0xFFFFE800  }
0x3e: {  	[spmem:s11] =	stream.linear.scatter @!p0 [tilespmem:s9], [sflag:$0xB], $0x1800, $0x38;
	[tilespmem:$0x17BB0] =	vst v63  }
0x3f: {  	_ =	swait.ge @!p0 [sflag:s10], $0x1800  }
0x40: {  	[sflag:s10] =	ssyncset.done @!p0 $0x0  }
0x41: {  	[sflag:s10] =	ssyncadd.s32 @!p0 $0xFFFFE800  }
0x42: {  	[spmem:s26] =	stream.linear.scatter @!p0 [tilespmem:s9], [sflag:$0xB], $0x1800, $0x38;
	[tilespmem:$0x17BB0] =	vst v63  }
0x43: {  	_ =	swait.ge @!p0 [sflag:s10], $0x1800  }
0x44: {  	[sflag:s10] =	ssyncset.done @!p0 $0x0  }
0x45: {  	[sflag:s10] =	ssyncadd.s32 @!p0 $0xFFFFE800  }
0x46: {  	[spmem:s28] =	stream.linear.scatter @!p0 [tilespmem:s9], [sflag:$0xB], $0x1800, $0x38;
	[tilespmem:$0x17BB0] =	vst v63  }
0x47: {  	_ =	swait.ge @!p0 [sflag:s10], $0x1800  }
0x48: {  	[sflag:s10] =	ssyncset.done @!p0 $0x0  }
0x49: {  	s13 =	simm.s32 $0x0;
	s11 =	rddreg [dreg:$0x5];
	[sflag:s10] =	ssyncadd.s32 @!p0 $0xFFFFE800  }
0x4a: {  	[tilespmem:s13], [sflag:$0xB] =	stream.linear.gather [hbm4b:s11+s13], $0x2780, $0x38;
	[tilespmem:$0x17BB0] =	vst v63  }
0x4b: {  	_ =	swait.ge [sflag:s0], $0x2780  }
0x4c: {  	[sflag:s0] =	ssyncset.done $0x0  }
0x4d: {  	s14 =	simm.s32 $0x2780;
	s12 =	rddreg [dreg:$0x6];
	[sflag:s0] =	ssyncadd.s32 $0xFFFFD880  }
0x4e: {  	[tilespmem:s14], [sflag:$0xB] =	stream.linear.gather [hbm4b:s12+s13], $0x2780, $0x38;
	[tilespmem:$0x17BB0] =	vst v63  }
0x4f: {  	_ =	swait.ge [sflag:s0], $0x2780  }
0x50: {  	[sflag:s0] =	ssyncset.done $0x0  }
0x51: {  	s10 =	simm.s32 $0x4F00;
	s15 =	rddreg [dreg:$0x7];
	[sflag:s0] =	ssyncadd.s32 $0xFFFFD880  }
0x52: {  	[tilespmem:s10], [sflag:$0xB] =	stream.linear.gather [hbm4b:s15+s13], $0x2780, $0x38;
	[tilespmem:$0x17BB0] =	vst v63  }
0x53: {  	_ =	swait.ge [sflag:s0], $0x2780  }
0x54: {  	[sflag:s0] =	ssyncset.done $0x0  }
0x55: {  	[sflag:s0] =	ssyncadd.s32 $0xFFFFD880  }
0x56: {  	s16 =	simm.s32 $0x7680;
	[bflag:$0x0] =	sbarrier.arrive $0xFFFF  }
0x57: {  	[tilespmem:s16], [sflag:$0x1] =	stream.indirect.gather [hbm4b:s4+s6], $0x30, s13, s6, $0xb8;
	[tilespmem:$0x17BB0] =	vst v63  }
0x58: {  	s17 =	simm.s32 $0x8E80;
	s18 =	simm.s32 $0x100  }
0x59: {  	[tilespmem:s17], [sflag:$0x2] =	stream.indirect.gather [hbm4b:s4+s6], $0x30, s6, s6, $0xb8;
	[tilespmem:$0x17BB0] =	vst v63  }
0x5a: {  	s19 =	simm.s32 $0xA680;
	s11 =	simm.s32 $0x3;
	s12 =	simm.s32 $0x0  }
0x5b: {  	[tilespmem:s19], [sflag:$0x3] =	stream.indirect.gather [hbm4b:s4+s6], $0x30, s18, s6, $0xb8;
	[tilespmem:$0x17BB0] =	vst v63  }
.LBB2_4:
0x5c: {  	p1 =	slt.u32 s12, $0x2  }
0x5d: {  	s9 =	sadd.s32 @!p1 $0x6, s11  }
0x5e: {  	p2 =	slt.u32 @!p1 s12, $0x4C;
	_ =	swait.ge @!p1 [sflag:s9], $0x1800  }
0x5f: {  	p2 =	por p1, p2;
	[sflag:s9] =	ssyncset.done @!p1 $0x0  }
0x60: {  	s14 =	sshll.u32 s12, $0x9;
	[sflag:s9] =	ssyncadd.s32 @!p1 $0xFFFFE800;
	s9 =	smul.u32 @p2 $0x6000, s11  }
0x61: {  	s14 =	sshll.u32 @p2 s12, $0x9  }
0x62: {  	s15 =	sshrl.u32 @p2 s14, $0x2;
	s9 =	sshra.s32 @p2 s9, $0x2  }
0x63: {  	s16 =	sadd.s32 @p2 $0x1, s11;
	s15 =	sadd.s32 @p2 $0x180, s15;
	s9 =	sadd.s32 @p2 $0x7680, s9  }
0x64: {  	[tilespmem:s9], [sflag:s16] =	stream.indirect.gather @p2 [hbm4b:s4+s6], $0x30, s15, s6, $0xb8;
	[tilespmem:$0x17BB0] =	vst v63  }
0x65: {  	s19 =	smul.u32 $0x6000, s13;
	s9 =	sadd.s32 $0x1, s13  }
0x66: {  	_ =	swait.ge [sflag:s9], $0x1800  }
0x67: {  	s15 =	sshra.s32 s19, $0x2;
	[sflag:s9] =	ssyncset.done $0x0  }
0x68: {  	s16 =	sadd.s32 $0x7800, s15;
	[sflag:s9] =	ssyncadd.s32 $0xFFFFE800  }
0x69: {  	v28 =	vld [tilespmem:s16+$0x160]  }
0x6a: {  	v17 =	vld [tilespmem:s16+$0xFFFFFFF0]  }
0x6b: {  	v18 =	vld [tilespmem:s16+$0xFFFFFEA0]  }
0x6c: {  	v19 =	vld [tilespmem:s16+$0xFFFFFFA0]  }
0x6d: {  	v32 =	vld [tilespmem:s16+$0xFFFFFE90]  }
0x6e: {  	v36 =	vld [tilespmem:s16+$0x90]  }
0x6f: {  	v34 =	vld [tilespmem:s16+$0xFFFFFEE0]  }
0x70: {  	v43 =	vld [tilespmem:s16+$0x150]  }
0x71: {  	v21 =	vld [tilespmem:s16+$0x0]  }
0x72: {  	v29 =	vld [tilespmem:s16+$0xB0]  }
0x73: {  	v33 =	vld [tilespmem:s16+$0xFFFFFFB0]  }
0x74: {  	v37 =	vld [tilespmem:s16+$0xFFFFFEF0]  }
0x75: {  	v23 =	vmov s10;
	v38 =	vld [tilespmem:s16+$0x120]  }
0x76: {  	v42 =	vld [tilespmem:s16+$0x170]  }
0x77: {  	v35 =	vld [tilespmem:s16+$0x70]  }
0x78: {  	v44 =	vld [tilespmem:s16+$0xFFFFFF00]  }
0x79: {  	s17 =	simm.s32 $0x0;
	v24 =	vld [tilespmem:s16+$0xFFFFFFC0]  }
0x7a: {  	v30 =	vld.idx.msk [tilespmem:v23+s17+$0x0 ss:$0x1], $0xffff  }
0x7b: {  	v40 =	vld [tilespmem:s16+$0x140]  }
0x7c: {  	v20 =	vld [tilespmem:s16+$0x60]  }
0x7d: {  	v26 =	vld [tilespmem:s16+$0xFFFFFE80]  }
0x7e: {  	v27 =	vld [tilespmem:s16+$0x10]  }
0x7f: {  	v31 =	vld [tilespmem:s16+$0xFFFFFF90]  }
0x80: {  	v46 =	vld [tilespmem:s16+$0x100];
	v22 =	vperm.xlane v30, v1;
	v39 =	vperm.xlane v30, v16  }
0x81: {  	v45 =	vld [tilespmem:s16+$0x110];
	v41 =	vperm.xlane v30, v3;
	v25 =	vperm.xlane v30, v15  }
0x82: {  	v49 =	vmul.f32 v26, v22;
	v26 =	vld [tilespmem:s16+$0xFFFFFF20];
	v48 =	vmul.f32 v43, v39  }
0x83: {  	s18 =	smov.u32 s16;
	s17 =	simm.s32 $0x40;
	v47 =	vmul.f32 v34, v41;
	v34 =	vld [tilespmem:s16+$0xFFFFFF40];
	v43 =	vperm.xlane v30, v14  }
.LBB2_5:
0x84: {  	p1 =	sne.s32 s17, $0x1C0  }
0x85: {  	[tilespmem:s16+$0xFFFFFE80] =	vst v49;
	v44 =	vmul.f32 v44, v41;
	v49 =	vld [tilespmem:s16+$0xFFFFFF50];
	v42 =	vmul.f32 v42, v39;
	s18 =	sadd.s32 $0x300, s18;
	s19 =	smov.u32 s17;
	s17 =	sadd.s32 $0x40, s17  }
0x86: {  	v50 =	vperm.xlane v30, v12;
	v51 =	vld [tilespmem:s16+$0xF0];
	v46 =	vmul.f32 v46, v43;
	[tilespmem:s16+$0x150] =	vst v48  }
0x87: {  	v48 =	vld [tilespmem:s16+$0xFFFFFEC0];
	[tilespmem:s16+$0xFFFFFEE0] =	vst v47;
	v47 =	vperm.xlane v30, v7;
	v45 =	vmul.f32 v45, v43  }
0x88: {  	v38 =	vmul.f32 v38, v25;
	v40 =	vmul.f32 v40, v25;
	v52 =	vld [tilespmem:s16+$0x80];
	[tilespmem:s16+$0x100] =	vst v46  }
0x89: {  	v53 =	vperm.xlane v30, v11;
	v36 =	vmul.f32 v36, v50;
	v46 =	vld [tilespmem:s16+$0xFFFFFED0];
	[tilespmem:s16+$0x170] =	vst v42  }
0x8a: {  	v28 =	vmul.f32 v28, v39;
	v42 =	vperm.xlane v30, v2;
	[tilespmem:s16+$0xFFFFFF00] =	vst v44;
	v44 =	vld [tilespmem:s16+$0xC0]  }
0x8b: {  	v37 =	vmul.f32 v37, v41;
	[tilespmem:s16+$0x90] =	vst v36;
	v36 =	vmul.f32 v51, v43;
	v39 =	vld [tilespmem:s16+$0x130]  }
0x8c: {  	v43 =	vperm.xlane v30, v6;
	v41 =	vmul.f32 v48, v42;
	v48 =	vld [tilespmem:s16+$0xD0];
	[tilespmem:s16+$0x120] =	vst v38  }
0x8d: {  	v32 =	vmul.f32 v32, v22;
	v38 =	vld [tilespmem:s16+$0x30];
	v51 =	vmul.f32 v52, v53;
	[tilespmem:s16+$0x110] =	vst v45  }
0x8e: {  	v45 =	vmul.f32 v46, v42;
	v46 =	vperm.xlane v30, v4;
	v52 =	vld [tilespmem:s16+$0xE0];
	[tilespmem:s16+$0x140] =	vst v40  }
0x8f: {  	v35 =	vmul.f32 v35, v53;
	v40 =	vperm.xlane v30, v13;
	[tilespmem:s16+$0xFFFFFEF0] =	vst v37;
	v37 =	vld [tilespmem:s16+$0xFFFFFF70]  }
0x90: {  	v54 =	vperm.xlane v30, v9;
	v33 =	vmul.f32 v33, v47;
	[tilespmem:s16+$0xFFFFFE90] =	vst v32;
	v32 =	vld [tilespmem:s16+$0xFFFFFF60]  }
0x91: {  	v56 =	vperm.xlane v30, v8;
	v55 =	vld [tilespmem:s16+$0xFFFFFEB0];
	[tilespmem:s16+$0x70] =	vst v35;
	v35 =	vmul.f32 v44, v40  }
0x92: {  	v44 =	vperm.xlane v30, v10;
	v48 =	vmul.f32 v48, v40;
	[tilespmem:s16+$0xFFFFFFB0] =	vst v33;
	v33 =	vld [tilespmem:s16+$0xFFFFFFD0]  }
0x93: {  	v30 =	vperm.xlane v30, v5;
	v57 =	vld [tilespmem:s16+$0xFFFFFF80];
	v40 =	vmul.f32 v52, v40;
	[tilespmem:s16+$0xF0] =	vst v36  }
0x94: {  	v29 =	vmul.f32 v29, v50;
	v36 =	vmul.f32 v38, v44;
	v38 =	vld [tilespmem:s16+$0xA0];
	[tilespmem:s16+$0x160] =	vst v28  }
0x95: {  	v34 =	vmul.f32 v34, v30;
	v28 =	vmul.f32 v49, v30;
	v49 =	vld [tilespmem:s16+$0x50];
	[tilespmem:s16+$0xC0] =	vst v35  }
0x96: {  	v30 =	vmul.f32 v32, v30;
	v52 =	vmul.f32 v55, v42;
	[tilespmem:s16+$0x30] =	vst v36;
	v32 =	vld [tilespmem:s16+$0x40]  }
0x97: {  	v35 =	vmul.f32 v37, v43;
	v33 =	vmul.f32 v33, v56;
	v36 =	vld [tilespmem:s16+$0x20];
	[tilespmem:s16+$0x80] =	vst v51  }
0x98: {  	v31 =	vmul.f32 v31, v43;
	v37 =	vld [tilespmem:s16+$0xFFFFFF10];
	v51 =	vmul.f32 v57, v43;
	[tilespmem:s16+$0xB0] =	vst v29  }
0x99: {  	v21 =	vmul.f32 v21, v54;
	[tilespmem:s16+$0xFFFFFF50] =	vst v28;
	v29 =	vld [tilespmem:s16+$0xFFFFFFE0];
	v38 =	vmul.f32 v38, v50  }
0x9a: {  	v27 =	vmul.f32 v27, v54;
	v24 =	vmul.f32 v24, v47;
	v28 =	vld [tilespmem:s18+$0x160];
	[tilespmem:s16+$0xFFFFFEC0] =	vst v41  }
0x9b: {  	v43 =	vmul.f32 v49, v44;
	v41 =	vld [tilespmem:s16+$0xFFFFFF30];
	[tilespmem:s16+$0xFFFFFF40] =	vst v34;
	v34 =	vmul.f32 v32, v44  }
0x9c: {  	v25 =	vmul.f32 v39, v25;
	[tilespmem:s16+$0xFFFFFED0] =	vst v45;
	v42 =	vmul.f32 v36, v54  }
0x9d: {  	v26 =	vmul.f32 v26, v46;
	v37 =	vmul.f32 v37, v46;
	[tilespmem:s16+$0x0] =	vst v21  }
0x9e: {  	v21 =	vmul.f32 v17, v56;
	v39 =	vmul.f32 v29, v56;
	[tilespmem:s16+$0xD0] =	vst v48  }
0x9f: {  	v17 =	vmul.f32 v19, v47;
	v19 =	vmul.f32 v20, v53;
	[tilespmem:s16+$0xFFFFFF90] =	vst v31  }
0xa0: {  	v18 =	vmul.f32 v18, v22;
	v20 =	vmul.f32 v41, v46;
	[tilespmem:s16+$0xFFFFFFC0] =	vst v24  }
0xa1: {  	[tilespmem:s16+$0x10] =	vst v27  }
0xa2: {  	[tilespmem:s16+$0xFFFFFFA0] =	vst v17  }
0xa3: {  	[tilespmem:s16+$0xFFFFFEA0] =	vst v18  }
0xa4: {  	[tilespmem:s16+$0xFFFFFF30] =	vst v20  }
0xa5: {  	v17 =	vld [tilespmem:s18+$0xFFFFFFF0];
	[tilespmem:s16+$0xFFFFFF20] =	vst v26  }
0xa6: {  	v18 =	vld [tilespmem:s18+$0xFFFFFEA0];
	[tilespmem:s16+$0x60] =	vst v19  }
0xa7: {  	v19 =	vld [tilespmem:s18+$0xFFFFFFA0];
	[tilespmem:s16+$0xFFFFFFF0] =	vst v21  }
0xa8: {  	v32 =	vld [tilespmem:s18+$0xFFFFFE90];
	[tilespmem:s16+$0x130] =	vst v25  }
0xa9: {  	v36 =	vld [tilespmem:s18+$0x90];
	[tilespmem:s16+$0xA0] =	vst v38  }
0xaa: {  	v47 =	vld [tilespmem:s18+$0xFFFFFEE0];
	[tilespmem:s16+$0xFFFFFF70] =	vst v35  }
0xab: {  	v48 =	vld [tilespmem:s18+$0x150];
	[tilespmem:s16+$0xE0] =	vst v40  }
0xac: {  	v21 =	vld [tilespmem:s18+$0x0];
	[tilespmem:s16+$0xFFFFFF10] =	vst v37  }
0xad: {  	v29 =	vld [tilespmem:s18+$0xB0];
	[tilespmem:s16+$0xFFFFFFD0] =	vst v33  }
0xae: {  	v33 =	vld [tilespmem:s18+$0xFFFFFFB0];
	[tilespmem:s16+$0xFFFFFFE0] =	vst v39  }
0xaf: {  	v37 =	vld [tilespmem:s18+$0xFFFFFEF0];
	[tilespmem:s16+$0x20] =	vst v42  }
0xb0: {  	v38 =	vld [tilespmem:s18+$0x120];
	[tilespmem:s16+$0xFFFFFF60] =	vst v30  }
0xb1: {  	v42 =	vld [tilespmem:s18+$0x170];
	[tilespmem:s16+$0x50] =	vst v43  }
0xb2: {  	v35 =	vld [tilespmem:s18+$0x70];
	[tilespmem:s16+$0xFFFFFEB0] =	vst v52  }
0xb3: {  	v44 =	vld [tilespmem:s18+$0xFFFFFF00];
	[tilespmem:s16+$0xFFFFFF80] =	vst v51  }
0xb4: {  	s19 =	sshra.s32 s19, $0x2;
	v24 =	vld [tilespmem:s18+$0xFFFFFFC0];
	[tilespmem:s16+$0x40] =	vst v34;
	s16 =	smov.u32 s18  }
0xb5: {  	v30 =	vld.idx.msk [tilespmem:v23+s19+$0x0 ss:$0x1], $0xffff  }
0xb6: {  	v40 =	vld [tilespmem:s18+$0x140]  }
0xb7: {  	v20 =	vld [tilespmem:s18+$0x60]  }
0xb8: {  	v26 =	vld [tilespmem:s18+$0xFFFFFE80]  }
0xb9: {  	v27 =	vld [tilespmem:s18+$0x10]  }
.Ltmp1:
0xba: {  	v31 =	vld [tilespmem:s18+$0xFFFFFF90];
	(pc) =	sbr.rel @p1 .LBB2_5-.Ltmp1, $4  }
0xbb: {  	v22 =	vperm.xlane v30, v1;
	v39 =	vperm.xlane v30, v16;
	v46 =	vld [tilespmem:s18+$0x100]  }
0xbc: {  	v41 =	vperm.xlane v30, v3;
	v25 =	vperm.xlane v30, v15;
	v45 =	vld [tilespmem:s18+$0x110]  }
0xbd: {  	v48 =	vmul.f32 v48, v39;
	v49 =	vmul.f32 v26, v22;
	v26 =	vld [tilespmem:s18+$0xFFFFFF20]  }
0xbe: {  	v43 =	vperm.xlane v30, v14;
	v47 =	vmul.f32 v47, v41;
	v34 =	vld [tilespmem:s18+$0xFFFFFF40]  }
0xbf: {  	[tilespmem:s16+$0xFFFFFE80] =	vst v49  }
0xc0: {  	[tilespmem:s16+$0x150] =	vst v48;
	v42 =	vmul.f32 v42, v39  }
0xc1: {  	v44 =	vmul.f32 v44, v41;
	[tilespmem:s16+$0xFFFFFEE0] =	vst v47  }
0xc2: {  	v38 =	vmul.f32 v38, v25;
	[tilespmem:s16+$0x170] =	vst v42  }
0xc3: {  	v40 =	vmul.f32 v40, v25;
	[tilespmem:s16+$0xFFFFFF00] =	vst v44  }
0xc4: {  	v37 =	vmul.f32 v37, v41;
	[tilespmem:s16+$0x120] =	vst v38  }
0xc5: {  	v32 =	vmul.f32 v32, v22;
	[tilespmem:s16+$0x140] =	vst v40  }
0xc6: {  	v28 =	vmul.f32 v28, v39;
	[tilespmem:s16+$0xFFFFFEF0] =	vst v37  }
0xc7: {  	v48 =	vperm.xlane v30, v12;
	v18 =	vmul.f32 v18, v22;
	[tilespmem:s16+$0xFFFFFE90] =	vst v32  }
0xc8: {  	v23 =	vmul.f32 v46, v43;
	[tilespmem:s16+$0x160] =	vst v28  }
0xc9: {  	v36 =	vmul.f32 v36, v48;
	[tilespmem:s16+$0xFFFFFEA0] =	vst v18  }
0xca: {  	v54 =	vmul.f32 v45, v43;
	v38 =	vperm.xlane v30, v11;
	[tilespmem:s16+$0x100] =	vst v23  }
0xcb: {  	v44 =	vperm.xlane v30, v7;
	v29 =	vmul.f32 v29, v48;
	[tilespmem:s16+$0x90] =	vst v36  }
0xcc: {  	v61 =	vld [tilespmem:s16+$0xF0];
	v47 =	vperm.xlane v30, v5;
	[tilespmem:s16+$0x110] =	vst v54;
	v35 =	vmul.f32 v35, v38  }
0xcd: {  	v53 =	vld [tilespmem:s16+$0xC0];
	v58 =	vmul.f32 v33, v44;
	[tilespmem:s16+$0xB0] =	vst v29  }
0xce: {  	v56 =	vld [tilespmem:s16+$0x30];
	v34 =	vmul.f32 v34, v47;
	[tilespmem:s16+$0x70] =	vst v35  }
0xcf: {  	v62 =	vld [tilespmem:s16+$0x80];
	v19 =	vmul.f32 v19, v44;
	[tilespmem:s16+$0xFFFFFFB0] =	vst v58  }
0xd0: {  	v55 =	vld [tilespmem:s16+$0xFFFFFF50];
	v45 =	vperm.xlane v30, v13;
	v18 =	vmul.f32 v20, v38;
	[tilespmem:s16+$0xFFFFFF40] =	vst v34  }
0xd1: {  	v57 =	vld [tilespmem:s16+$0xD0];
	v32 =	vperm.xlane v30, v10;
	v59 =	vmul.f32 v61, v43;
	[tilespmem:s16+$0xFFFFFFA0] =	vst v19  }
0xd2: {  	v42 =	vmul.f32 v53, v45;
	[tilespmem:s16+$0x60] =	vst v18  }
0xd3: {  	v60 =	vmul.f32 v56, v32;
	[tilespmem:s16+$0xF0] =	vst v59  }
0xd4: {  	v61 =	vmul.f32 v62, v38;
	[tilespmem:s16+$0xC0] =	vst v42  }
0xd5: {  	v40 =	vld [tilespmem:s16+$0xA0];
	v41 =	vmul.f32 v55, v47;
	[tilespmem:s16+$0x30] =	vst v60  }
0xd6: {  	v29 =	vperm.xlane v30, v9;
	v53 =	vmul.f32 v57, v45;
	[tilespmem:s16+$0x80] =	vst v61  }
0xd7: {  	v56 =	vmul.f32 v24, v44;
	[tilespmem:s16+$0xFFFFFF50] =	vst v41  }
0xd8: {  	v52 =	vld [tilespmem:s16+$0xFFFFFEC0];
	v21 =	vmul.f32 v21, v29;
	[tilespmem:s16+$0xD0] =	vst v53  }
0xd9: {  	v63 =	vld [tilespmem:s16+$0xFFFFFED0];
	v57 =	vmul.f32 v27, v29;
	v58 =	vperm.xlane v30, v4;
	[tilespmem:s16+$0xFFFFFFC0] =	vst v56  }
0xda: {  	v19 =	vperm.xlane v30, v8;
	v18 =	vmul.f32 v40, v48;
	[tilespmem:s16+$0x0] =	vst v21  }
0xdb: {  	v51 =	vld [tilespmem:s16+$0xFFFFFF10];
	v42 =	vperm.xlane v30, v2;
	[tilespmem:s16+$0x10] =	vst v57;
	v61 =	vmul.f32 v26, v58  }
0xdc: {  	v35 =	vld [tilespmem:s16+$0xFFFFFF70];
	v17 =	vmul.f32 v17, v19;
	[tilespmem:s16+$0xA0] =	vst v18  }
0xdd: {  	v36 =	vld [tilespmem:s16+$0x130];
	v41 =	vperm.xlane v30, v6;
	v62 =	vmul.f32 v52, v42;
	[tilespmem:s16+$0xFFFFFF20] =	vst v61  }
0xde: {  	v33 =	vld [tilespmem:s16+$0xFFFFFFD0];
	v23 =	vmul.f32 v63, v42;
	[tilespmem:s16+$0xFFFFFFF0] =	vst v17  }
0xdf: {  	v54 =	vld [tilespmem:s16+$0xFFFFFFE0];
	v55 =	vmul.f32 v31, v41;
	[tilespmem:s16+$0xFFFFFEC0] =	vst v62  }
0xe0: {  	v63 =	vld [tilespmem:s16+$0xFFFFFF30];
	v18 =	vmul.f32 v51, v58;
	[tilespmem:s16+$0xFFFFFED0] =	vst v23  }
0xe1: {  	v43 =	vld [tilespmem:s16+$0xE0];
	[tilespmem:s16+$0xFFFFFF90] =	vst v55;
	v17 =	vmul.f32 v35, v41  }
0xe2: {  	v52 =	vld [tilespmem:s16+$0x20];
	v62 =	vmul.f32 v36, v25;
	[tilespmem:s16+$0xFFFFFF10] =	vst v18  }
0xe3: {  	v39 =	vld [tilespmem:s16+$0xFFFFFF60];
	[tilespmem:s16+$0xFFFFFF70] =	vst v17;
	v17 =	vmul.f32 v33, v19  }
0xe4: {  	v49 =	vld [tilespmem:s16+$0x50];
	[tilespmem:s16+$0x130] =	vst v62;
	v19 =	vmul.f32 v54, v19  }
0xe5: {  	v50 =	vld [tilespmem:s16+$0xFFFFFEB0];
	v60 =	vmul.f32 v63, v58;
	[tilespmem:s16+$0xFFFFFFD0] =	vst v17  }
0xe6: {  	v46 =	vld [tilespmem:s16+$0xFFFFFF80];
	v63 =	vmul.f32 v43, v45;
	[tilespmem:s16+$0xFFFFFFE0] =	vst v19  }
0xe7: {  	v59 =	vld [tilespmem:s16+$0x40];
	v18 =	vmul.f32 v52, v29;
	[tilespmem:s16+$0xFFFFFF30] =	vst v60  }
0xe8: {  	v17 =	vmul.f32 v39, v47;
	[tilespmem:s16+$0xE0] =	vst v63  }
0xe9: {  	p1 =	seq.s32 s13, $0x4;
	s12 =	sadd.s32 $0x1, s12;
	v19 =	vmul.f32 v49, v32;
	[tilespmem:s16+$0x20] =	vst v18  }
0xea: {  	s9 =	simm.s32 @p1 $0x0;
	p1 =	sne.s32 s12, $0x4F;
	v18 =	vmul.f32 v50, v42;
	[tilespmem:s16+$0xFFFFFF60] =	vst v17  }
.Ltmp2:
0xeb: {  	v17 =	vmul.f32 v46, v41;
	[tilespmem:s16+$0x50] =	vst v19;
	(pc) =	sbr.rel @p1 .LBB2_4-.Ltmp2, $4  }
0xec: {  	s14 =	sshrl.u32 s14, $0x2;
	s15 =	sadd.s32 $0x7680, s15;
	s19 =	sadd.s32 $0x6, s13;
	v19 =	vmul.f32 v59, v32;
	[tilespmem:s16+$0xFFFFFEB0] =	vst v18  }
0xed: {  	p2 =	seq.s32 s11, $0x4;
	s11 =	sadd.s32 $0x1, s11;
	s10 =	sadd.s32 $0x80, s10;
	[tilespmem:s16+$0xFFFFFF80] =	vst v17  }
0xee: {  	s14 =	sadd.s32 $0x2780, s14;
	s11 =	simm.s32 @p2 $0x0;
	s13 =	smov.u32 s9;
	[tilespmem:s16+$0x40] =	vst v19  }
0xef: {  	[spmem:s2] =	stream.indirect.scatter.add.f32 [tilespmem:s15], [sflag:s19], $0x30, s14, s6, $0xb8;
	[tilespmem:$0x17BB0] =	vst v63  }
0xf0: {  	_ =	swait.ge [sflag:s7], $0x1800  }
0xf1: {  	[sflag:s7] =	ssyncset.done $0x0  }
0xf2: {  	[sflag:s7] =	ssyncadd.s32 $0xFFFFE800  }
0xf3: {  	_ =	swait.ge [sflag:s8], $0x1800  }
0xf4: {  	[sflag:s8] =	ssyncset.done $0x0  }
0xf5: {  	[sflag:s8] =	ssyncadd.s32 $0xFFFFE800  }
0xf6: {  	s9 =	simm.s32 @p0 $0xEE80;
	s10 =	simm.s32 @p0 $0xB;
	[bflag:$0x0] =	sbarrier.arrive $0xFFFF  }
0xf7: {  	[tilespmem:s9], [sflag:$0xB] =	stream.linear.gather @p0 [spmem:s29], $0x1800, $0x38;
	[tilespmem:$0x17BB0] =	vst v63  }
0xf8: {  	_ =	swait.ge @p0 [sflag:s10], $0x1800  }
0xf9: {  	[sflag:s10] =	ssyncset.done @p0 $0x0  }
0xfa: {  	s11 =	simm.s32 @p0 $0x0;
	[sflag:s10] =	ssyncadd.s32 @p0 $0xFFFFE800  }
0xfb: {  	[hbm4b:s21+s11] =	stream.linear.scatter @p0 [tilespmem:s9], [sflag:$0xB], $0x1800, $0x38;
	[tilespmem:$0x17BB0] =	vst v63  }
0xfc: {  	_ =	swait.ge @p0 [sflag:s10], $0x1800  }
0xfd: {  	[sflag:s10] =	ssyncset.done @p0 $0x0  }
0xfe: {  	[sflag:s10] =	ssyncadd.s32 @p0 $0xFFFFE800  }
0xff: {  	[tilespmem:s9], [sflag:$0xB] =	stream.linear.gather @p0 [spmem:s30], $0x1800, $0x38;
	[tilespmem:$0x17BB0] =	vst v63  }
0x100: {  	_ =	swait.ge @p0 [sflag:s10], $0x1800  }
0x101: {  	[sflag:s10] =	ssyncset.done @p0 $0x0  }
0x102: {  	[sflag:s10] =	ssyncadd.s32 @p0 $0xFFFFE800  }
0x103: {  	[hbm4b:s22+s11] =	stream.linear.scatter @p0 [tilespmem:s9], [sflag:$0xB], $0x1800, $0x38;
	[tilespmem:$0x17BB0] =	vst v63  }
0x104: {  	_ =	swait.ge @p0 [sflag:s10], $0x1800  }
0x105: {  	[sflag:s10] =	ssyncset.done @p0 $0x0  }
0x106: {  	[sflag:s10] =	ssyncadd.s32 @p0 $0xFFFFE800  }
0x107: {  	[tilespmem:s9], [sflag:$0xB] =	stream.linear.gather @p0 [spmem:s31], $0x1800, $0x38;
	[tilespmem:$0x17BB0] =	vst v63  }
0x108: {  	_ =	swait.ge @p0 [sflag:s10], $0x1800  }
0x109: {  	[sflag:s10] =	ssyncset.done @p0 $0x0  }
0x10a: {  	[sflag:s10] =	ssyncadd.s32 @p0 $0xFFFFE800  }
0x10b: {  	[hbm4b:s23+s11] =	stream.linear.scatter @p0 [tilespmem:s9], [sflag:$0xB], $0x1800, $0x38;
	[tilespmem:$0x17BB0] =	vst v63  }
0x10c: {  	_ =	swait.ge @p0 [sflag:s10], $0x1800  }
0x10d: {  	[sflag:s10] =	ssyncset.done @p0 $0x0  }
0x10e: {  	[sflag:s10] =	ssyncadd.s32 @p0 $0xFFFFE800  }
0x10f: {  	[tilespmem:s9], [sflag:$0xB] =	stream.linear.gather @p0 [spmem:s1], $0x300, $0x38;
	[tilespmem:$0x17BB0] =	vst v63  }
0x110: {  	_ =	swait.ge @p0 [sflag:s10], $0x300  }
0x111: {  	[sflag:s10] =	ssyncset.done @p0 $0x0  }
0x112: {  	[sflag:s10] =	ssyncadd.s32 @p0 $0xFFFFFD00  }
0x113: {  	[hbm4b:s24+s11] =	stream.linear.scatter @p0 [tilespmem:s9], [sflag:$0xB], $0x300, $0x38;
	[tilespmem:$0x17BB0] =	vst v63  }
0x114: {  	_ =	swait.ge @p0 [sflag:s10], $0x300  }
0x115: {  	[sflag:s10] =	ssyncset.done @p0 $0x0  }
0x116: {  	s9 =	simm.s32 @!p0 $0xEE80;
	[sflag:s10] =	ssyncadd.s32 @p0 $0xFFFFFD00;
	s10 =	rddreg [dreg:$0x8]  }
0x117: {  	[tilespmem:s9], [sflag:$0xB] =	stream.linear.gather @!p0 [spmem:s10], $0x1800, $0x38;
	[tilespmem:$0x17BB0] =	vst v63  }
0x118: {  	s10 =	simm.s32 @!p0 $0xB  }
0x119: {  	_ =	swait.ge @!p0 [sflag:s10], $0x1800  }
0x11a: {  	[sflag:s10] =	ssyncset.done @!p0 $0x0  }
0x11b: {  	s11 =	simm.s32 @!p0 $0x0;
	s12 =	rddreg [dreg:$0x9];
	[sflag:s10] =	ssyncadd.s32 @!p0 $0xFFFFE800  }
0x11c: {  	[hbm4b:s12+s11] =	stream.linear.scatter @!p0 [tilespmem:s9], [sflag:$0xB], $0x1800, $0x38;
	[tilespmem:$0x17BB0] =	vst v63  }
0x11d: {  	_ =	swait.ge @!p0 [sflag:s10], $0x1800  }
0x11e: {  	[sflag:s10] =	ssyncset.done @!p0 $0x0  }
0x11f: {  	s12 =	rddreg [dreg:$0xa];
	[sflag:s10] =	ssyncadd.s32 @!p0 $0xFFFFE800  }
0x120: {  	[tilespmem:s9], [sflag:$0xB] =	stream.linear.gather @!p0 [spmem:s12], $0x1800, $0x38;
	[tilespmem:$0x17BB0] =	vst v63  }
0x121: {  	_ =	swait.ge @!p0 [sflag:s10], $0x1800  }
0x122: {  	[sflag:s10] =	ssyncset.done @!p0 $0x0  }
0x123: {  	s12 =	rddreg [dreg:$0xb];
	[sflag:s10] =	ssyncadd.s32 @!p0 $0xFFFFE800  }
0x124: {  	[hbm4b:s12+s11] =	stream.linear.scatter @!p0 [tilespmem:s9], [sflag:$0xB], $0x1800, $0x38;
	[tilespmem:$0x17BB0] =	vst v63  }
0x125: {  	_ =	swait.ge @!p0 [sflag:s10], $0x1800  }
0x126: {  	[sflag:s10] =	ssyncset.done @!p0 $0x0  }
0x127: {  	s12 =	rddreg [dreg:$0xc];
	[sflag:s10] =	ssyncadd.s32 @!p0 $0xFFFFE800  }
0x128: {  	[tilespmem:s9], [sflag:$0xB] =	stream.linear.gather @!p0 [spmem:s12], $0x1800, $0x38;
	[tilespmem:$0x17BB0] =	vst v63  }
0x129: {  	_ =	swait.ge @!p0 [sflag:s10], $0x1800  }
0x12a: {  	[sflag:s10] =	ssyncset.done @!p0 $0x0  }
0x12b: {  	s12 =	rddreg [dreg:$0xd];
	[sflag:s10] =	ssyncadd.s32 @!p0 $0xFFFFE800  }
0x12c: {  	[hbm4b:s12+s11] =	stream.linear.scatter @!p0 [tilespmem:s9], [sflag:$0xB], $0x1800, $0x38;
	[tilespmem:$0x17BB0] =	vst v63  }
0x12d: {  	_ =	swait.ge @!p0 [sflag:s10], $0x1800  }
0x12e: {  	[sflag:s10] =	ssyncset.done @!p0 $0x0  }
0x12f: {  	s12 =	rddreg [dreg:$0xe];
	[sflag:s10] =	ssyncadd.s32 @!p0 $0xFFFFE800  }
0x130: {  	[tilespmem:s9], [sflag:$0xB] =	stream.linear.gather @!p0 [spmem:s12], $0x1800, $0x38;
	[tilespmem:$0x17BB0] =	vst v63  }
0x131: {  	_ =	swait.ge @!p0 [sflag:s10], $0x1800  }
0x132: {  	[sflag:s10] =	ssyncset.done @!p0 $0x0  }
0x133: {  	s12 =	rddreg [dreg:$0xf];
	[sflag:s10] =	ssyncadd.s32 @!p0 $0xFFFFE800  }
0x134: {  	[hbm4b:s12+s11] =	stream.linear.scatter @!p0 [tilespmem:s9], [sflag:$0xB], $0x1800, $0x38;
	[tilespmem:$0x17BB0] =	vst v63  }
0x135: {  	_ =	swait.ge @!p0 [sflag:s10], $0x1800  }
0x136: {  	[sflag:s10] =	ssyncset.done @!p0 $0x0  }
0x137: {  	s12 =	rddreg [dreg:$0x10];
	[sflag:s10] =	ssyncadd.s32 @!p0 $0xFFFFE800  }
0x138: {  	[tilespmem:s9], [sflag:$0xB] =	stream.linear.gather @!p0 [spmem:s12], $0x1800, $0x38;
	[tilespmem:$0x17BB0] =	vst v63  }
0x139: {  	s3 =	sadd.s32 $0x1, s3;
	_ =	swait.ge @!p0 [sflag:s10], $0x1800  }
0x13a: {  	p1 =	sne.s32 s3, s25;
	[sflag:s10] =	ssyncset.done @!p0 $0x0  }
.Ltmp3:
0x13b: {  	[sflag:s10] =	ssyncadd.s32 @!p0 $0xFFFFE800;
	(pc) =	sbr.rel @p1 .LBB2_1-.Ltmp3, $4  }
0x13c: {  	[hbm4b:s20+s11] =	stream.linear.scatter @!p0 [tilespmem:s9], [sflag:$0xB], $0x1800, $0x38;
	[tilespmem:$0x17BB0] =	vst v63  }
0x13d: {  	_ =	swait.ge @!p0 [sflag:s10], $0x1800  }
0x13e: {  	[sflag:s10] =	ssyncset.done @!p0 $0x0  }
0x13f: {  	[sflag:s10] =	ssyncadd.s32 @!p0 $0xFFFFE800  }
0x140: {  	_ =	sfence.sel $0x180000  }
0x141: {  	[bflag:$0x0] =	sbarrier.arrive $0xFFFF  }
0x142: {  	_ =	strace $0x9000004D  }
0x143: {  	s0 =	stileid.u32;
	[bflag:$0x2] =	sbarrier.arrive $0xFFFF  }
0x144: {  	p0 =	sne.s32 s0, $0x0;
	s0 =	rddreg [dreg:$0x2]  }
0x145: {  	s0 =	sadd.s32 @!p0 $0x100000, s0  }
0x146: {  	[sflag:s0] =	ssyncadd.tile.s32 @!p0 $0x1;
	_ =	shalt  }
.Lfunc_end2:
_tile_overlayer_lowered:
.L_overlay_start_2:
0x147: {  	(tag) =	ssettag $0x2  }
0x148: {  	s0 =	rddreg [dreg:$0x0];
	s2 =	stileid.u32  }
0x149: {  	s1 =	rddreg [dreg:$0x1];
	p0 =	sne.s32 s2, $0x0  }
0x14a: {  	s3 =	rddreg [dreg:$0x2];
	[bflag:$0x3] =	sbarrier.arrive $0xFFFF;
	s2 =	simm.s32 @!p0 $0x1C0B  }
0x14b: {  	[timem:s3], [sflag:s2] =	dma.local @!p0 [hbm:s0], s1  }
0x14c: {  	s0 =	simm.s32 @!p0 $0xB  }
0x14d: {  	_ =	swait.ge @!p0 [sflag:s0], s1  }
0x14e: {  	s1 =	ssub.s32 @!p0 $0x0, s1;
	[sflag:s0] =	ssyncset.done @!p0 $0x0  }
0x14f: {  	[sflag:s0] =	ssyncadd.s32 @!p0 s1  }
0x150: {  	[bflag:$0x3] =	sbarrier.arrive $0xFFFF  }
0x151: {  	_ =	shalt  }

// kernel: kernel.8.cloned.1.call-start
scs
__scs_entry_jumppad:
0x0: {  	(pc) =	sbr.rel $0x88, $3  }
0x1: {  	(tag) =	ssettag $0x0;
	lr =	simm.s32 $0x1  }
0x2: {  	[smem:$0x3F9A] =	sst lr;
	_ =	strace $0xD0000000  }
0x3: {  	_ = 	snop  }
0x4: {  	_ = 	snop  }
0x5: {  	_ = 	snop  }
0x6: {  	_ = 	snop  }
0x7: {  	_ = 	snop  }
__scs_overlays_trampoline_lowered:
0x8: {  	[smem:$0x3FA9] =	sst s0  }
0x9: {  	[smem:$0x3FAA] =	sst s1  }
0xa: {  	[smem:$0x3FAB] =	sst s2  }
0xb: {  	[smem:$0x3FAC] =	sst s3  }
0xc: {  	[smem:$0x3FAD] =	sst s4  }
0xd: {  	[smem:$0x3FAE] =	sst s5  }
0xe: {  	[smem:$0x3FAF] =	sst s6  }
0xf: {  	[smem:$0x3FB0] =	sst s7  }
0x10: {  	[smem:$0x3FB1] =	sst s8  }
0x11: {  	[smem:$0x3FB2] =	sst s9;
	s0 =	simm.s32 @!p0 $0x0  }
0x12: {  	s1 =	sld [smem:$0x3F98];
	s0 =	simm.s32 @p0 $0x1  }
0x13: {  	[smem:$0x3FB3] =	sst s0;
	s0 =	simm.s32 @!p1 $0x0  }
0x14: {  	s2 =	sld [smem:$0x3F97];
	s0 =	simm.s32 @p1 $0x1  }
0x15: {  	[smem:$0x3FB4] =	sst s0;
	s0 =	simm.s32 @!p2 $0x0  }
0x16: {  	s3 =	sld [smem:$0x3FDB];
	s0 =	simm.s32 @p2 $0x1  }
0x17: {  	s4 =	simm.s32 $0x1BF5;
	[smem:$0x3FB6] =	sst s0  }
0x18: {  	s0 =	sld [smem:$0x3F99];
	_ =	swait.ge [sflag:s4], $0x0  }
0x19: {  	s7 =	sld [smem:$0x3F9A]  }
0x1a: {  	s8 =	sadd.s32 $0xFFFFE003, lr  }
0x1b: {  	s9 =	sadd.s32 $0xFFFFFEF7, lr;
	s5 =	simm.s32 $0xFFFFFFFF;
	p2 =	slt.u32 s8, $0xFFFFF086  }
0x1c: {  	p1 =	slt.u32 s9, $0xF7A;
	s5 =	simm.s32 @!p2 $0x0  }
0x1d: {  	s5 =	simm.s32 @p1 $0x1;
	p0 =	seq.s32 s7, s2  }
0x1e: {  	s7 =	smul.u32 @!p0 $0xF7A, s2;
	p2 =	seq.s32 @!p0 s5, $0x0  }
0x1f: {  	s9 =	smul.u32 $0xF7A, s1;
	s8 =	simm.s32 @!p0 $0x1BF5;
	p2 =	por !p2, p0  }
0x20: {  	[sflag:s8] =	ssyncset.s32 @!p0 $0xFFFFF086;
	s6 =	sadd.s32 @!p0 s3, s7;
	s7 =	simm.s32 @!p0 $0x108  }
0x21: {  	s3 =	sadd.s32 s3, s9;
	s6 =	sadd.s32 @!p0 $0x88, s6;
	s7 =	simm.s32 @p2 $0x1082  }
0x22: {  	[simem:s7], [sflag:s8] =	dma.local @!p0 [hbm:s6], $0xF7A  }
0x23: {  	s9 =	sor.u32 $0xD0000000, s2;
	s6 =	simm.s32 $0x108;
	_ =	swait.ge @!p0 [sflag:s8], $0x0  }
0x24: {  	s3 =	sadd.s32 $0x88, s3;
	s6 =	simm.s32 @!p1 $0x1082;
	[sflag:s4] =	ssyncset.s32 $0xFFFFF086  }
0x25: {  	[simem:s6], [sflag:s4] =	dma.local [hbm:s3], $0xF7A  }
0x26: {  	[smem:$0x3F9A] =	sst s1;
	(tag) =	ssettag s2;
	_ =	strace s9  }
0x27: {  	s1 =	sld [smem:$0x3FAA]  }
0x28: {  	s2 =	sld [smem:$0x3FAB]  }
0x29: {  	s4 =	sld [smem:$0x3FAD]  }
0x2a: {  	p0 =	seq.s32 s5, $0x0;
	s5 =	sld [smem:$0x3FAE]  }
0x2b: {  	s6 =	sld [smem:$0x3FAF]  }
0x2c: {  	s7 =	sld [smem:$0x3FB0]  }
0x2d: {  	s3 =	simm.s32 $0x108;
	s8 =	sld [smem:$0x3FB1]  }
0x2e: {  	s3 =	simm.s32 @!p0 $0x1082;
	s9 =	sld [smem:$0x3FB2]  }
0x2f: {  	lr =	sadd.s32 s0, s3;
	s0 =	sld [smem:$0x3FA9]  }
0x30: {  	s3 =	sld [smem:$0x3FAC]  }
0x31: {  	[smem:$0x3FB5] =	sst s10  }
0x32: {  	s10 =	sld [smem:$0x3FB3];
	_ =	sdelay $0x3  }
0x33: {  	p0 =	seq.s32 s10, $0x1;
	s10 =	sld [smem:$0x3FB5];
	_ =	sdelay $0x3  }
0x34: {  	[smem:$0x3FB5] =	sst s10  }
0x35: {  	s10 =	sld [smem:$0x3FB4];
	_ =	sdelay $0x3  }
0x36: {  	p1 =	seq.s32 s10, $0x1;
	s10 =	sld [smem:$0x3FB5];
	_ =	sdelay $0x3  }
0x37: {  	[smem:$0x3FB5] =	sst s10  }
0x38: {  	s10 =	sld [smem:$0x3FB6]  }
0x39: {  	_ = 	snop;
	(pc) =	sbr.ind lr, $3  }
0x3a: {  	_ = 	snop  }
0x3b: {  	_ = 	snop  }
0x3c: {  	p2 =	seq.s32 s10, $0x1;
	s10 =	sld [smem:$0x3FB5]  }
0x3d: {  	_ =	shalt  }
0x3e: {  	_ =	shalt  }
0x3f: {  	_ =	shalt  }
0x40: {  	_ =	shalt  }
0x41: {  	_ =	shalt  }
0x42: {  	_ =	shalt  }
0x43: {  	_ =	shalt  }
0x44: {  	_ =	shalt  }
0x45: {  	_ =	shalt  }
0x46: {  	_ =	shalt  }
0x47: {  	_ =	shalt  }
0x48: {  	_ =	shalt  }
0x49: {  	_ =	shalt  }
0x4a: {  	_ =	shalt  }
0x4b: {  	_ =	shalt  }
0x4c: {  	_ =	shalt  }
0x4d: {  	_ =	shalt  }
0x4e: {  	_ =	shalt  }
0x4f: {  	_ =	shalt  }
0x50: {  	_ =	shalt  }
0x51: {  	_ =	shalt  }
0x52: {  	_ =	shalt  }
0x53: {  	_ =	shalt  }
0x54: {  	_ =	shalt  }
0x55: {  	_ =	shalt  }
0x56: {  	_ =	shalt  }
0x57: {  	_ =	shalt  }
0x58: {  	_ =	shalt  }
0x59: {  	_ =	shalt  }
0x5a: {  	_ =	shalt  }
0x5b: {  	_ =	shalt  }
0x5c: {  	_ =	shalt  }
0x5d: {  	_ =	shalt  }
0x5e: {  	_ =	shalt  }
0x5f: {  	_ =	shalt  }
0x60: {  	_ =	shalt  }
0x61: {  	_ =	shalt  }
0x62: {  	_ =	shalt  }
0x63: {  	_ =	shalt  }
0x64: {  	_ =	shalt  }
0x65: {  	_ =	shalt  }
0x66: {  	_ =	shalt  }
0x67: {  	_ =	shalt  }
0x68: {  	_ =	shalt  }
0x69: {  	_ =	shalt  }
0x6a: {  	_ =	shalt  }
0x6b: {  	_ =	shalt  }
0x6c: {  	_ =	shalt  }
0x6d: {  	_ =	shalt  }
0x6e: {  	_ =	shalt  }
0x6f: {  	_ =	shalt  }
0x70: {  	_ =	shalt  }
0x71: {  	_ =	shalt  }
0x72: {  	_ =	shalt  }
0x73: {  	_ =	shalt  }
0x74: {  	_ =	shalt  }
0x75: {  	_ =	shalt  }
0x76: {  	_ =	shalt  }
0x77: {  	_ =	shalt  }
0x78: {  	_ =	shalt  }
0x79: {  	_ =	shalt  }
0x7a: {  	_ =	shalt  }
0x7b: {  	_ =	shalt  }
0x7c: {  	_ =	shalt  }
0x7d: {  	_ =	shalt  }
0x7e: {  	_ =	shalt  }
0x7f: {  	_ =	shalt  }
0x80: {  	_ =	shalt  }
0x81: {  	_ =	shalt  }
0x82: {  	_ =	shalt  }
0x83: {  	_ =	shalt  }
0x84: {  	_ =	shalt  }
0x85: {  	_ =	shalt  }
0x86: {  	_ =	shalt  }
0x87: {  	_ =	shalt  }
.Lfunc_end0:
.L_simem_size_0:
called_computation_lowered:
.L_overlay_start_0:
0x88: {  	s2 =	sld [smem:$0x3FD9]  }
0x89: {  	s3 =	sld [smem:$0x3FFE];
	_ =	sdelay $0x1  }
0x8a: {  	s1 =	srdreg.scid  }
0x8b: {  	s0 =	sand.u32 $0x1, s1  }
0x8c: {  	s17 =	sshll.u32 s0, $0xA;
	s2 =	sadd.s32 s3, s2  }
0x8d: {  	s2 =	sadd.s32 s2, s17  }
0x8e: {  	[smem:$0x3FC1] =	sst s2  }
0x8f: {  	_ = 	snop  }
0x90: {  	s2 =	sld [smem:$0x3FD0];
	(tm) =	ssettm $0x1  }
0x91: {  	s18 =	sld [smem:$0x3FFB];
	_ =	sdelay $0x3  }
0x92: {  	_ =	strace s18  }
0x93: {  	s3 =	sld [smem:$0x3FFC];
	_ =	sdelay $0x3  }
0x94: {  	_ =	strace s3  }
0x95: {  	s3 =	sld [smem:$0x3FFD];
	_ =	sdelay $0x3  }
0x96: {  	_ =	strace s3  }
0x97: {  	_ =	strace $0x8FFFFFFF  }
0x98: {  	s19 =	sld [smem:$0x3FDB];
	_ =	sdelay $0x1  }
0x99: {  	s4 =	simm.s32 $_scs_section_size  }
0x9a: {  	s5 =	simm.s32 $_size__tile_overlayer_lowered;
	s6 =	simm.s32 $_tile_overlayer_lowered  }
0x9b: {  	s22 =	simm.s32 $0x1BFF;
	s21 =	sshll.u32 s6, $0x1;
	s3 =	sadd.s32 s4, s19  }
0x9c: {  	s7 =	simm.s32 $0x0;
	s20 =	sshll.u32 s5, $0x1;
	s5 =	sadd.s32 s21, s3  }
0x9d: {  	[timem:s7], [sflag:s22] =	dma.local [hbm:s5], s20  }
0x9e: {  	_ =	swait.ge [sflag:s22], s20  }
0x9f: {  	s4 =	ssub.s32 $0x0, s20;
	[sflag:s22] =	ssyncset.done $0x0  }
0xa0: {  	[sflag:s22] =	ssyncadd.s32 s4;
	_ =	sdelay $0x1  }
0xa1: {  	s23 =	simm.s32 $0x1B8B  }
0xa2: {  	_ =	swait.ge [sflag:s23], $0x1  }
0xa3: {  	[sflag:s23] =	ssyncset.done $0x0  }
0xa4: {  	s25 =	simm.s32 $0x1B8E;
	s24 =	sld [smem:$0x3FFE];
	[sflag:s23] =	ssyncadd.s32 $0xFFFFFFFF  }
0xa5: {  	s26 =	simm.s32 $execute0_lowered;
	[smem:$0x3FD2] =	sst s25  }
0xa6: {  	s5 =	sshll.u32 s26, $0x1;
	_ =	strace $0x80000046;
	[dreg:$0x1] =	wrdreg $0xFFFFFFFF  }
0xa7: {  	s28 =	simm.s32 $_size_execute0_lowered;
	s3 =	sadd.s32 s3, s5;
	[dreg:$0x0] =	wrdreg $0x0  }
0xa8: {  	s5 =	sshll.u32 s28, $0x1;
	[dreg:$0x2] =	wrdreg s3  }
0xa9: {  	[dreg:$0x3] =	wrdreg s5  }
0xaa: {  	[dreg:$0x4] =	wrdreg $0xC0  }
0xab: {  	_ =	task [dreg:s7], $0x5FFFF  }
0xac: {  	[dreg:$0x1] =	wrdreg $0xFFFFFFFF  }
0xad: {  	[dreg:$0x0] =	wrdreg $0x60  }
0xae: {  	[dreg:$0x2] =	wrdreg s2  }
0xaf: {  	[dreg:$0x3] =	wrdreg s24  }
0xb0: {  	[dreg:$0x4] =	wrdreg $0x52800  }
0xb1: {  	[dreg:$0x5] =	wrdreg $0x9  }
0xb2: {  	_ =	task.clear_ibuf [dreg:s7], $0x6FFFF;
	_ =	strace $0x90000046  }
0xb3: {  	s29 =	simm.s32 $0x9;
	_ =	strace $0x80000048  }
0xb4: {  	_ =	swait.ge [sflag:s29], $0x1  }
0xb5: {  	[sflag:s29] =	ssyncadd.s32 $0xFFFFFFFF  }
0xb6: {  	_ =	strace $0x90000048  }
0xb7: {  	_ =	sfence  }
0xb8: {  	s30 =	sld [smem:$0x0];
	_ =	sdelay $0x2  }
0xb9: {  	s31 =	sshll.u32 s1, $0xD;
	s1 =	sshrl.u32 s1, $0x2  }
0xba: {  	s3 =	sand.u32 $0x4000, s31;
	s1 =	sadd.s32 s1, s30  }
0xbb: {  	s0 =	sor.u32 s3, s0;
	s1 =	sshll.u32 s1, $0x11  }
0xbc: {  	s0 =	sor.u32 s1, s0  }
0xbd: {  	s0 =	sadd.s32 $0x8F2B, s0  }
0xbe: {  	[sflag:s0] =	ssyncadd.remote.s32 $0x1  }
0xbf: {  	_ =	sfence.sel $0xFFFF  }
0xc0: {  	[dreg:$0x0] =	wrdreg $0xFFFFFFFF;
	(pc) =	sbr.abs _section_cstart, $3  }
0xc1: {  	[dreg:$0x1] =	wrdreg $0xFFFFFFFF  }
0xc2: {  	_ =	task.clear_ibuf [dreg:s7], $0x2FFFF;
	_ =	strace $0x9FFFFFFF  }
0xc3: {  	(tm) =	ssettm $0x7FFFFFFF  }
tec
execute0_lowered:
.L_overlay_start_1:
0x0: {  	(tag) =	ssettag $0x1  }
0x1: {  	s6 =	rddreg [dreg:$0x0]  }
0x2: {  	s0 =	srdreg.scid;
	s5 =	rddreg [dreg:$0x1]  }
0x3: {  	s2 =	rddreg [dreg:$0x2];
	s3 =	simm.s32 $0x0;
	s14 =	simm.s32 $0x80  }
0x4: {  	s15 =	simm.s32 $0x0;
	s4 =	sand.u32 $0x1, s0;
	s0 =	stileid.u32  }
0x5: {  	[smem:$0x7FF] =	sst s3;
	s10 =	sadd.s32 $0x1F800, s5;
	s9 =	smul.u32 $0xA00, s0  }
0x6: {  	s1 =	sshll.u32 s4, $0x4;
	s30 =	ssub.s32 $0x2, s4;
	s11 =	smul.u32 $0x280, s0  }
0x7: {  	s13 =	smul.u32 $0x2710, s4;
	p0 =	seq.s32 s0, $0xF;
	s7 =	sor.u32 s0, s1  }
0x8: {  	s1 =	rddreg [dreg:$0x3];
	_ =	strace $0x80000047;
	s12 =	sshrl.u32 s30, $0x1  }
0x9: {  	s7 =	smul.u32 $0x500, s7;
	s9 =	sshrl.u32 s9, $0x2;
	s12 =	ssub.s32 s30, s12  }
0xa: {  	s31 =	sadd.s32 s11, s13;
	s13 =	sshrl.u32 s13, $0x3;
	s4 =	sadd.s32 s9, s2  }
0xb: {  	s9 =	sshrl.u32 s31, $0x3;
	s13 =	sadd.s32 s10, s13;
	s8 =	sadd.s32 s7, s5  }
0xc: {  	s5 =	sadd.s32 $0x2580, s2;
	s6 =	sadd.s32 s6, s7;
	s9 =	sadd.s32 s10, s9  }
0xd: {  	s10 =	sadd.s32 $0x4B0, s13;
	s13 =	simm.s32 $0x2800;
	s7 =	sadd.s32 $0x15800, s8  }
0xe: {  	v0 =	vimm.f32 $0.0e+00;
	s8 =	sadd.s32 s11, s2;
	s11 =	smax.u32 s12, $0x1;
	s12 =	simm.s32 $0x1  }
.LBB2_1:
0xf: {  	[tilespmem:$0x5000] =	vst v0  }
0x10: {  	[tilespmem:$0x5010] =	vst v0  }
0x11: {  	[tilespmem:$0x5020] =	vst v0  }
0x12: {  	[tilespmem:$0x5030] =	vst v0  }
0x13: {  	[tilespmem:$0x5040] =	vst v0  }
0x14: {  	[tilespmem:$0x5050] =	vst v0  }
0x15: {  	[tilespmem:$0x5060] =	vst v0  }
0x16: {  	[tilespmem:$0x5070] =	vst v0  }
0x17: {  	[tilespmem:$0x5080] =	vst v0  }
0x18: {  	[tilespmem:$0x5090] =	vst v0  }
0x19: {  	[tilespmem:$0x50A0] =	vst v0  }
0x1a: {  	[tilespmem:$0x50B0] =	vst v0  }
0x1b: {  	[tilespmem:$0x50C0] =	vst v0  }
0x1c: {  	[tilespmem:$0x50D0] =	vst v0  }
0x1d: {  	[tilespmem:$0x50E0] =	vst v0  }
0x1e: {  	[tilespmem:$0x50F0] =	vst v0  }
0x1f: {  	[tilespmem:$0x5100] =	vst v0  }
0x20: {  	[tilespmem:$0x5110] =	vst v0  }
0x21: {  	[tilespmem:$0x5120] =	vst v0  }
0x22: {  	[tilespmem:$0x5130] =	vst v0  }
0x23: {  	[tilespmem:$0x5140] =	vst v0  }
0x24: {  	[tilespmem:$0x5150] =	vst v0  }
0x25: {  	[tilespmem:$0x5160] =	vst v0  }
0x26: {  	[tilespmem:$0x5170] =	vst v0  }
0x27: {  	[tilespmem:$0x5180] =	vst v0  }
0x28: {  	[tilespmem:$0x5190] =	vst v0  }
0x29: {  	[tilespmem:$0x51A0] =	vst v0  }
0x2a: {  	[tilespmem:$0x51B0] =	vst v0  }
0x2b: {  	[tilespmem:$0x51C0] =	vst v0  }
0x2c: {  	[tilespmem:$0x51D0] =	vst v0  }
0x2d: {  	[tilespmem:$0x51E0] =	vst v0  }
0x2e: {  	[tilespmem:$0x51F0] =	vst v0  }
0x2f: {  	[tilespmem:$0x5200] =	vst v0  }
0x30: {  	[tilespmem:$0x5210] =	vst v0  }
0x31: {  	[tilespmem:$0x5220] =	vst v0  }
0x32: {  	[tilespmem:$0x5230] =	vst v0  }
0x33: {  	[tilespmem:$0x5240] =	vst v0  }
0x34: {  	[tilespmem:$0x5250] =	vst v0  }
0x35: {  	[tilespmem:$0x5260] =	vst v0  }
0x36: {  	[tilespmem:$0x5270] =	vst v0;
	s16 =	simm.s32 @p0 $0x5000  }
0x37: {  	[spmem:s5] =	stream.linear.scatter @p0 [tilespmem:s16], [sflag:$0x1], $0x190, $0x38;
	[tilespmem:$0x54F8] =	vst v63  }
0x38: {  	s16 =	simm.s32 @p0 $0x1  }
0x39: {  	_ =	swait.ge @p0 [sflag:s16], $0x190  }
0x3a: {  	[sflag:s16] =	ssyncset.done @p0 $0x0  }
0x3b: {  	[sflag:s16] =	ssyncadd.s32 @p0 $0xFFFFFE70;
	s16 =	simm.s32 @!p0 $0x5000  }
0x3c: {  	[spmem:s4] =	stream.linear.scatter @!p0 [tilespmem:s16], [sflag:$0x1], $0x280, $0x38;
	[tilespmem:$0x54F8] =	vst v63  }
0x3d: {  	s16 =	simm.s32 @!p0 $0x1  }
0x3e: {  	_ =	swait.ge @!p0 [sflag:s16], $0x280  }
0x3f: {  	[sflag:s16] =	ssyncset.done @!p0 $0x0  }
0x40: {  	[sflag:s16] =	ssyncadd.s32 @!p0 $0xFFFFFD80  }
0x41: {  	[tilespmem:s3], [sflag:$0x1] =	stream.linear.gather [hbm4b:s6+s3], $0x2780, $0x38;
	[tilespmem:$0x54F8] =	vst v63  }
0x42: {  	_ =	swait.ge [sflag:s12], $0x2780  }
0x43: {  	[sflag:s12] =	ssyncset.done $0x0  }
0x44: {  	[sflag:s12] =	ssyncadd.s32 $0xFFFFD880  }
0x45: {  	[tilespmem:s13], [sflag:$0x1] =	stream.linear.gather [hbm4b:s7+s3], $0x2780, $0x38;
	[tilespmem:$0x54F8] =	vst v63  }
0x46: {  	_ =	swait.ge [sflag:s12], $0x2780  }
0x47: {  	[sflag:s12] =	ssyncset.done $0x0  }
0x48: {  	[sflag:s12] =	ssyncadd.s32 $0xFFFFD880  }
0x49: {  	s31 =	simm.s32 $0x0;
	s17 =	simm.s32 $0x2800;
	[bflag:$0x0] =	sbarrier.arrive $0xFFFF  }
0x4a: {  	[spmem:s2] =	stream.indirect.scatter.add.f32 [tilespmem:s17], [sflag:$0x1], $0x1, s31, s14, $0xb8;
	[tilespmem:$0x54F8] =	vst v63  }
0x4b: {  	s16 =	simm.s32 $0x200;
	_ =	swait.ge [sflag:s12], $0x80  }
.LBB2_2:
0x4c: {  	s17 =	sshra.s32 s16, $0x2;
	[sflag:s12] =	ssyncset.done $0x0;
	p1 =	sne.s32 s16, $0x9C00  }
.Ltmp0:
0x4d: {  	s18 =	sadd.s32 $0x2800, s17;
	[sflag:s12] =	ssyncadd.s32 $0xFFFFFF80;
	(pc) =	sbr.rel @p1 .LBB2_2-.Ltmp0, $3  }
0x4e: {  	[spmem:s2] =	stream.indirect.scatter.add.f32 [tilespmem:s18], [sflag:$0x1], $0x1, s17, s14, $0xb8;
	[tilespmem:$0x54F8] =	vst v63  }
0x4f: {  	s16 =	sadd.s32 $0x200, s16;
	_ =	sdelay $0x1  }
0x50: {  	_ =	swait.ge [sflag:s12], $0x80  }
0x51: {  	[sflag:s12] =	ssyncset.done $0x0  }
0x52: {  	[sflag:s12] =	ssyncadd.s32 $0xFFFFFF80  }
0x53: {  	s16 =	simm.s32 @p0 $0x5000;
	s17 =	simm.s32 @p0 $0x1;
	[bflag:$0x0] =	sbarrier.arrive $0xFFFF  }
0x54: {  	[tilespmem:s16], [sflag:$0x1] =	stream.linear.gather @p0 [spmem:s5], $0x190, $0x38;
	[tilespmem:$0x54F8] =	vst v63  }
0x55: {  	_ =	swait.ge @p0 [sflag:s17], $0x190  }
0x56: {  	[sflag:s17] =	ssyncset.done @p0 $0x0  }
0x57: {  	s18 =	simm.s32 @p0 $0x0;
	[sflag:s17] =	ssyncadd.s32 @p0 $0xFFFFFE70  }
0x58: {  	[hbm4b:s10+s18] =	stream.linear.scatter @p0 [tilespmem:s16], [sflag:$0x1], $0x190, $0x38;
	[tilespmem:$0x54F8] =	vst v63  }
0x59: {  	_ =	swait.ge @p0 [sflag:s17], $0x190  }
0x5a: {  	[sflag:s17] =	ssyncset.done @p0 $0x0  }
0x5b: {  	s16 =	simm.s32 @!p0 $0x5000;
	[sflag:s17] =	ssyncadd.s32 @p0 $0xFFFFFE70;
	s17 =	simm.s32 @!p0 $0x1  }
0x5c: {  	[tilespmem:s16], [sflag:$0x1] =	stream.linear.gather @!p0 [spmem:s8], $0x280, $0x38;
	[tilespmem:$0x54F8] =	vst v63  }
0x5d: {  	s15 =	sadd.s32 $0x1, s15;
	_ =	swait.ge @!p0 [sflag:s17], $0x280  }
0x5e: {  	p1 =	sne.s32 s15, s11;
	[sflag:s17] =	ssyncset.done @!p0 $0x0  }
.Ltmp1:
0x5f: {  	s18 =	simm.s32 @!p0 $0x0;
	[sflag:s17] =	ssyncadd.s32 @!p0 $0xFFFFFD80;
	(pc) =	sbr.rel @p1 .LBB2_1-.Ltmp1, $4  }
0x60: {  	[hbm4b:s9+s18] =	stream.linear.scatter @!p0 [tilespmem:s16], [sflag:$0x1], $0x280, $0x38;
	[tilespmem:$0x54F8] =	vst v63  }
0x61: {  	_ =	swait.ge @!p0 [sflag:s17], $0x280  }
0x62: {  	[sflag:s17] =	ssyncset.done @!p0 $0x0  }
0x63: {  	[sflag:s17] =	ssyncadd.s32 @!p0 $0xFFFFFD80  }
0x64: {  	_ =	sfence.sel $0x180000  }
0x65: {  	[bflag:$0x0] =	sbarrier.arrive $0xFFFF  }
0x66: {  	p0 =	sne.s32 s0, $0x0;
	_ =	strace $0x90000047  }
0x67: {  	s0 =	sadd.s32 @!p0 $0x100000, s1;
	[bflag:$0x2] =	sbarrier.arrive $0xFFFF  }
0x68: {  	[sflag:s0] =	ssyncadd.tile.s32 @!p0 $0x1;
	_ =	shalt  }
.Lfunc_end2:
_tile_overlayer_lowered:
.L_overlay_start_2:
0x69: {  	(tag) =	ssettag $0x2  }
0x6a: {  	s0 =	rddreg [dreg:$0x0];
	s2 =	stileid.u32  }
0x6b: {  	s1 =	rddreg [dreg:$0x1];
	p0 =	sne.s32 s2, $0x0  }
0x6c: {  	s3 =	rddreg [dreg:$0x2];
	[bflag:$0x3] =	sbarrier.arrive $0xFFFF;
	s2 =	simm.s32 @!p0 $0x1C01  }
0x6d: {  	[timem:s3], [sflag:s2] =	dma.local @!p0 [hbm:s0], s1  }
0x6e: {  	s0 =	simm.s32 @!p0 $0x1  }
0x6f: {  	_ =	swait.ge @!p0 [sflag:s0], s1  }
0x70: {  	s1 =	ssub.s32 @!p0 $0x0, s1;
	[sflag:s0] =	ssyncset.done @!p0 $0x0  }
0x71: {  	[sflag:s0] =	ssyncadd.s32 @!p0 s1  }
0x72: {  	[bflag:$0x3] =	sbarrier.arrive $0xFFFF  }
0x73: {  	_ =	shalt  }

</sc_bundles>
